<compile_context>
chip_gen: v7x
topology: tpu7x:2x2x1
jax: 0.10.2.dev20260603
libtpu: 0.0.44.dev20260713+nightly
codegen_flags: <defaults>
</compile_context>

<pallas_src>
import dataclasses
import functools

import jax
import jax.numpy as jnp
from jax import lax
from jax.experimental import pallas as pl
from jax.experimental.pallas import tpu as pltpu
from jax.experimental.pallas import tpu_sc as plsc

_N = 10000
_NP = 10240
_E = 320000
_EP = 327680
_NC = 2
_NS = 16
_NW = _NC * _NS
_K = 128
_EPW = _EP // _NW
_CH = _EPW // _K
_RPS = _NP // _NS
_D1P = 80
_DE = 16
_D2P = 16

_f32 = jnp.float32


def _sc_mesh():
    return plsc.VectorSubcoreMesh(core_axis_name="c", subcore_axis_name="s")


def _sc_params(layout_passes=True):
    cp = pltpu.CompilerParams(use_tc_tiling_on_sc=False)
    if not layout_passes and (
            "needs_layout_passes" in pltpu.CompilerParams.__dataclass_fields__):
        cp = dataclasses.replace(cp, needs_layout_passes=False)
    return cp


def _zero_rows(zb, ncols):
    @pl.loop(0, zb.shape[0])
    def _(r):
        for c in range(ncols // 16):
            zb[r, pl.ds(c * 16, 16)] = jnp.zeros((16,), _f32)


def _sc_scatter(table, src3d, dst3d, d, gather):
    NB = 5 if d > 16 else 8
    scratch = [pltpu.VMEM((_CH, _K), jnp.int32)]
    if gather:
        scratch.append(pltpu.VMEM((_CH, _K), jnp.int32))
    scratch += [pltpu.VMEM((_K, d), _f32) for _ in range(NB)]
    scratch += [pltpu.VMEM_SHARED((_NP, d), _f32)]
    scratch += [pltpu.SemaphoreType.DMA] * (2 * NB)

    @functools.partial(
        pl.kernel,
        mesh=_sc_mesh(),
        compiler_params=_sc_params(),
        out_type=[jax.ShapeDtypeStruct((_NC, _NP, d), _f32)],
        scratch_types=scratch,
    )
    def body(tab_hbm, *rest):
        if gather:
            src_hbm, dst_hbm, out_hbm = rest[0], rest[1], rest[2]
            rest = rest[3:]
        else:
            dst_hbm, out_hbm = rest[0], rest[1]
            rest = rest[2:]
        dstv = rest[0]
        rest = rest[1:]
        if gather:
            srcv = rest[0]
            rest = rest[1:]
        bufs = rest[:NB]
        acc = rest[NB]
        gsem = rest[NB + 1:NB + 1 + NB]
        ssem = rest[NB + 1 + NB:]

        cid = lax.axis_index("c")
        sid = lax.axis_index("s")
        wid = sid * _NC + cid
        rbase = sid * _RPS
        ebase = wid * _EPW

        _zero_rows(bufs[0], d)
        for r in range(_RPS // _K):
            pltpu.sync_copy(bufs[0], acc.at[pl.ds(rbase + r * _K, _K)])
        pltpu.sync_copy(dst_hbm.at[wid], dstv)
        if gather:
            pltpu.sync_copy(src_hbm.at[wid], srcv)
        plsc.subcore_barrier()

        def fetch(j, buf, sem):
            if gather:
                pltpu.async_copy(tab_hbm.at[srcv.at[j]], buf, sem)
            else:
                pltpu.async_copy(
                    tab_hbm.at[pl.ds(ebase + j * _K, _K)], buf, sem)

        def fetch_wait(buf, sem):
            if gather:
                pltpu.make_async_copy(
                    tab_hbm.at[srcv.at[0]], buf, sem).wait()
            else:
                pltpu.make_async_copy(
                    tab_hbm.at[pl.ds(ebase, _K)], buf, sem).wait()

        for p in range(NB):
            fetch(p, bufs[p], gsem[p])

        niter = (_CH - 1) // NB

        @pl.loop(0, niter)
        def _(i):
            j0 = i * NB
            hs = []
            for p in range(NB):
                fetch_wait(bufs[p], gsem[p])
                hs.append(pltpu.async_copy(
                    bufs[p], acc.at[dstv.at[j0 + p]], ssem[p], add=True))
            for p in range(NB):
                hs[p].wait()
                nxt = j0 + p + NB
                @pl.when(nxt < _CH)
                def _():
                    fetch(nxt, bufs[p], gsem[p])

        for p in range(_CH - niter * NB):
            fetch_wait(bufs[p], gsem[p])
            pltpu.async_copy(
                bufs[p], acc.at[dstv.at[niter * NB + p]], ssem[p],
                add=True).wait()

        plsc.subcore_barrier()
        pltpu.sync_copy(acc.at[pl.ds(rbase, _RPS)],
                        out_hbm.at[cid, pl.ds(rbase, _RPS)])

    if gather:
        return body(table, src3d, dst3d)[0]
    return body(table, dst3d)[0]


def _sc_scatter_edges(ea0, ea1, dst3d):
    NB = 2
    scratch = [
        pltpu.VMEM((_CH, _K), jnp.int32),
        pltpu.VMEM((_EPW,), _f32),
        pltpu.VMEM((_EPW,), _f32),
        pltpu.VMEM((_K, _DE), _f32),
        pltpu.VMEM((_K, _DE), _f32),
        pltpu.VMEM_SHARED((_NP, _DE), _f32),
        pltpu.SemaphoreType.DMA,
        pltpu.SemaphoreType.DMA,
    ]

    @functools.partial(
        pl.kernel,
        mesh=_sc_mesh(),
        compiler_params=_sc_params(layout_passes=False),
        out_type=[jax.ShapeDtypeStruct((_NC, _NP, _DE), _f32)],
        scratch_types=scratch,
    )
    def body(ea0_hbm, ea1_hbm, dst_hbm, out_hbm,
             dstv, a0, a1, b0, b1, acc, s0, s1):
        bufs = (b0, b1)
        ssem = (s0, s1)
        cid = lax.axis_index("c")
        sid = lax.axis_index("s")
        wid = sid * _NC + cid
        rbase = sid * _RPS
        ebase = wid * _EPW

        pltpu.sync_copy(dst_hbm.at[wid], dstv)
        pltpu.sync_copy(ea0_hbm.at[pl.ds(ebase, _EPW)], a0)
        pltpu.sync_copy(ea1_hbm.at[pl.ds(ebase, _EPW)], a1)

        lane = lax.iota(jnp.int32, 16)
        zero16 = jnp.zeros((16,), _f32)
        ones16 = zero16 + 1.0

        @pl.loop(0, _K)
        def _(r):
            rv = jnp.zeros((16,), jnp.int32) + r
            plsc.store_scatter(b0, [rv, lane], zero16)
            plsc.store_scatter(b1, [rv, lane], zero16)
        for r in range(_RPS // _K):
            pltpu.sync_copy(b0, acc.at[pl.ds(rbase + r * _K, _K)])
        col2 = jnp.zeros((16,), jnp.int32) + 2
        for r in range(_K // 16):
            ridx = lane + 16 * r
            plsc.store_scatter(b0, [ridx, col2], ones16)
            plsc.store_scatter(b1, [ridx, col2], ones16)
        plsc.subcore_barrier()

        col0 = jnp.zeros((16,), jnp.int32)
        col1 = col0 + 1

        def build(j, buf):
            for r in range(_K // 16):
                ridx = lane + 16 * r
                off = j * _K + 16 * r
                plsc.store_scatter(buf, [ridx, col0], a0[pl.ds(off, 16)])
                plsc.store_scatter(buf, [ridx, col1], a1[pl.ds(off, 16)])

        def swait(p):
            pltpu.make_async_copy(
                bufs[p], acc.at[dstv.at[0]], ssem[p]).wait()

        @pl.loop(0, _CH // NB)
        def _(i):
            for p in range(NB):
                j = i * NB + p
                @pl.when(i > 0)
                def _():
                    swait(p)
                build(j, bufs[p])
                pltpu.async_copy(bufs[p], acc.at[dstv.at[j]], ssem[p],
                                 add=True)

        for p in range(_CH - (_CH // NB) * NB):
            swait(p)
            build((_CH // NB) * NB + p, bufs[p])
            pltpu.async_copy(bufs[p], acc.at[dstv.at[(_CH // NB) * NB + p]],
                             ssem[p], add=True)
        for p in range(NB):
            swait(p)

        plsc.subcore_barrier()
        pltpu.sync_copy(acc.at[pl.ds(rbase, _RPS)],
                        out_hbm.at[cid, pl.ds(rbase, _RPS)])

    return body(ea0, ea1, dst3d)[0]


def _tc_split_ei(edge_index):
    npad = _EP - _E
    ntrash = _NP - _N
    def body(a_ref, s_ref, d_ref, d2_ref):
        a = a_ref[...]
        it = lax.broadcasted_iota(jnp.int32, (npad,), 0)
        trash = _N + lax.rem(it, jnp.array(ntrash, jnp.int32))
        s_ref[...] = jnp.concatenate([a[0], trash])
        d_ref[...] = jnp.concatenate([a[1], it])
        d2_ref[...] = jnp.concatenate([a[1], trash])
    return pl.pallas_call(
        body,
        out_shape=[jax.ShapeDtypeStruct((_EP,), jnp.int32)] * 3,
    )(edge_index)


def _tc_split_ea(arr2e):
    npad = _EP - _E
    def body(a_ref, r0_ref, r1_ref):
        a = a_ref[...]
        z = jnp.zeros((npad,), a.dtype)
        r0_ref[...] = jnp.concatenate([a[0], z])
        r1_ref[...] = jnp.concatenate([a[1], z])
    return pl.pallas_call(
        body,
        out_shape=[jax.ShapeDtypeStruct((_EP,), arr2e.dtype)] * 2,
    )(arr2e)


def _tc_in_matmul(x, w1, ea0):
    def body(x_ref, w_ref, ea_ref, o_ref):
        w = jnp.concatenate(
            [w_ref[...], jnp.zeros((w_ref.shape[0], _D1P - w_ref.shape[1]),
                                   _f32)], axis=1)
        y = jnp.dot(x_ref[...], w, preferred_element_type=_f32)
        o_ref[...] = jnp.concatenate(
            [y, jnp.zeros((_NP - _N, _D1P), _f32)], axis=0)
    return pl.pallas_call(
        body, out_shape=jax.ShapeDtypeStruct((_NP, _D1P), _f32))(x, w1, ea0)


def _tc_epilogue1(s1p, ecp, we1, w1, b1, w2):
    def body(s_ref, ec_ref, we_ref, w1_ref, b_ref, w2_ref, o_ref):
        s = s_ref[0] + s_ref[1]
        ec = ec_ref[0] + ec_ref[1]
        w1p = jnp.concatenate(
            [w1_ref[...], jnp.zeros((128, _D1P - 69), _f32)], axis=1)
        we = jnp.concatenate(
            [we_ref[...], jnp.zeros((_DE - 2, 128), _f32)], axis=0)
        t = jnp.dot(we, w1p, preferred_element_type=_f32)
        lane = lax.broadcasted_iota(jnp.int32, (_NP, _DE), 1)
        ecz = jnp.where(lane == 2, 0.0, ec)
        cterm = jnp.dot(ecz, t, preferred_element_type=_f32)
        deg = jnp.maximum(ec[:, 2:3], 1.0)
        bp = jnp.concatenate(
            [b_ref[...], jnp.zeros((1, _D1P - 69), _f32)], axis=1)
        h = jnp.maximum((s + cterm) / deg + bp, 0.0)
        rows = lax.broadcasted_iota(jnp.int32, (_NP, 1), 0)
        h = jnp.where(rows < _N, h, 0.0)
        w2p = jnp.concatenate(
            [jnp.concatenate([w2_ref[...], jnp.zeros((69, _D2P - 10), _f32)],
                             axis=1),
             jnp.zeros((_D1P - 69, _D2P), _f32)], axis=0)
        o_ref[...] = jnp.dot(h, w2p, preferred_element_type=_f32)

    return pl.pallas_call(
        body, out_shape=jax.ShapeDtypeStruct((_NP, _D2P), _f32))(
            s1p, ecp, we1, w1, b1.reshape(1, 69), w2)


def _tc_epilogue2(s2p, ecp, we2, w2, b2):
    def body(s_ref, ec_ref, we_ref, w2_ref, b_ref, o_ref):
        s = s_ref[0] + s_ref[1]
        ec = ec_ref[0] + ec_ref[1]
        we = jnp.concatenate(
            [we_ref[...], jnp.zeros((_DE - 2, 69), _f32)], axis=0)
        t = jnp.dot(we, w2_ref[...], preferred_element_type=_f32)
        lane = lax.broadcasted_iota(jnp.int32, (_NP, _DE), 1)
        ecz = jnp.where(lane == 2, 0.0, ec)
        cterm = jnp.dot(ecz, t, preferred_element_type=_f32)
        deg = jnp.maximum(ec[:, 2:3], 1.0)
        h = jnp.maximum((s[:, :10] + cterm) / deg + b_ref[...], 0.0)
        o_ref[...] = h[:_N]

    return pl.pallas_call(
        body, out_shape=jax.ShapeDtypeStruct((_N, 10), _f32))(
            s2p, ecp, we2, w2, b2.reshape(1, 10))


def kernel(x, edge_index, edge_attr, We1, W1, b1, We2, W2, b2):
    srcl, dstl, dst2l = _tc_split_ei(edge_index)
    src3d = srcl.reshape(_NW, _CH, _K)
    dst3d = dstl.reshape(_NW, _CH, _K)
    dst23d = dst2l.reshape(_NW, _CH, _K)
    ea0, ea1 = _tc_split_ea(edge_attr.T)
    y1 = _tc_in_matmul(x, W1, ea0)
    ecp = _sc_scatter_edges(ea0, ea1, dst23d)
    s1p = _sc_scatter(y1, src3d, dst3d, _D1P, True)
    y2 = _tc_epilogue1(s1p, ecp, We1, W1, b1, W2)
    s2p = _sc_scatter(y2, src3d, dst3d, _D2P, True)
    return _tc_epilogue2(s2p, ecp, We2, W2, b2)

# --- scband reference (transcript-rebuilt; emitter-appended) ---
"""Pipeline reference for scband-graph-net-29506425323596 (READ-ONLY COPY).

The authoritative reference and input builder live on the scoring server;
editing this copy changes nothing except your own understanding.
"""

import jax, jax.numpy as jnp
import numpy as np

N = 10000
E = 320000
D0 = 128
D1 = 69
D2 = 10
ED = 2


def setup_inputs(seed: int = 0) -> dict:
    key = jax.random.key(seed)
    ks = jax.random.split(key, 10)
    x = jax.random.normal(ks[0], (N, D0), dtype=jnp.float32)
    edge_index = jax.random.randint(ks[1], (2, E), 0, N, dtype=jnp.int32)
    edge_attr = jax.random.uniform(ks[2], (E, ED), dtype=jnp.float32)
    # learned params: per-layer edge-attr projection (Linear(edge_attr_dim, in_ch)),
    # graph conv weight (in_ch -> out_ch) and bias, per graph_planes [128, 69, 10]
    We1 = jax.random.normal(ks[3], (ED, D0), dtype=jnp.float32) * (1.0 / np.sqrt(ED))
    W1 = jax.random.normal(ks[4], (D0, D1), dtype=jnp.float32) * (1.0 / np.sqrt(D0))
    b1 = jnp.zeros((D1,), dtype=jnp.float32)
    We2 = jax.random.normal(ks[5], (ED, D1), dtype=jnp.float32) * (1.0 / np.sqrt(ED))
    W2 = jax.random.normal(ks[6], (D1, D2), dtype=jnp.float32) * (1.0 / np.sqrt(D1))
    b2 = jnp.zeros((D2,), dtype=jnp.float32)
    return {"x": x, "edge_index": edge_index, "edge_attr": edge_attr,
            "We1": We1, "W1": W1, "b1": b1, "We2": We2, "W2": W2, "b2": b2}


def _graph_layer(x, edge_index, edge_attr, We, W, b):
    # GraphLayer.forward: edge_attr projected to match feature dim (edge_attr_dim_match),
    # message passing (gather src features + edge term, mean-aggregate to dst),
    # linear transform, then ReLU.
    src = edge_index[0]
    dst = edge_index[1]
    e = edge_attr @ We                      # Linear(edge_attr_dim, in_ch)
    msg = x[src] + e                        # per-edge message (gather)
    agg = jax.ops.segment_sum(msg, dst, num_segments=N)   # scatter-add
    deg = jax.ops.segment_sum(jnp.ones((msg.shape[0],), dtype=jnp.float32), dst, num_segments=N)
    agg = agg / jnp.clip(deg, 1.0)[:, None]                # mean aggregation
    out = agg @ W + b
    return jax.nn.relu(out)


def reference(x, edge_index, edge_attr, We1, W1, b1, We2, W2, b2):
    h = _graph_layer(x, edge_index, edge_attr, We1, W1, b1)
    h = _graph_layer(h, edge_index, edge_attr, We2, W2, b2)
    return h

if __name__ == "__main__":
    import jax
    _d = setup_inputs()
    print(jax.jit(kernel)(*tuple(_d.values())))

</pallas_src>

<mosaic_0001>
#map = affine_map<(d0, d1) -> (0)>
#map1 = affine_map<(d0, d1) -> (0, 0, 0)>
module attributes {stable_mosaic.version = 14 : i64} {
  func.func @body(%arg0: i32, %arg1: i32, %arg2: memref<327680xf32, #tpu.memory_space<hbm>>, %arg3: memref<327680xf32, #tpu.memory_space<hbm>>, %arg4: memref<32x80x128xi32, #tpu.memory_space<hbm>>, %arg5: memref<2x10240x16xf32, #tpu.memory_space<hbm>>, %arg6: memref<80x128xi32, #tpu.memory_space<vmem>>, %arg7: memref<10240xf32, #tpu.memory_space<vmem>>, %arg8: memref<10240xf32, #tpu.memory_space<vmem>>, %arg9: memref<128x16xf32, #tpu.memory_space<vmem>>, %arg10: memref<128x16xf32, #tpu.memory_space<vmem>>, %arg11: memref<10240x16xf32, #tpu.memory_space<vmem_shared>>, %arg12: memref<!tpu.dma_semaphore, #tpu.memory_space<semaphore_mem>>, %arg13: memref<!tpu.dma_semaphore, #tpu.memory_space<semaphore_mem>>) attributes {dimension_semantics = [#tpu.dimension_semantics<core_parallel>, #tpu.dimension_semantics<subcore_parallel>], iteration_bounds = array<i64: 2, 16>, scalar_prefetch = 0 : i64, scratch_operands = 8 : i64, tpu.core_type = #tpu.core_type<sc_vector_subcore>, window_params = [{transform_indices = #map}, {transform_indices = #map}, {transform_indices = #map1}, {transform_indices = #map1}]} {
    %mul3A = arith.constant 2 : i32
    %mul3A_0 = arith.muli %arg1, %mul3A : i32
    %add3A = arith.addi %mul3A_0, %arg0 : i32
    %mul3A_1 = arith.constant 640 : i32
    %mul3A_2 = arith.muli %arg1, %mul3A_1 : i32
    %mul3A_3 = arith.constant 10240 : i32
    %mul3A_4 = arith.muli %add3A, %mul3A_3 : i32
    "tpu.region"() ({
      %run_scoped3A = tpu.sem_alloc : memref<!tpu.dma_semaphore, #tpu.memory_space<semaphore_mem>>
      %dma_start3A = arith.constant 0 : i32
      %dma_start3A_76 = arith.constant 0 : i32
      %dma_start3A_77 = tpu.memref_slice %arg4[%add3A, %dma_start3A, %dma_start3A_76] : memref<32x80x128xi32, #tpu.memory_space<hbm>> -> memref<1x80x128xi32, #tpu.memory_space<hbm>>
      %dma_start3A_78 = tpu.memref_squeeze %dma_start3A_77 : memref<1x80x128xi32, #tpu.memory_space<hbm>> -> memref<80x128xi32, #tpu.memory_space<hbm>>
      %dma_start3A_79 = arith.constant 0 : i32
      %dma_start3A_80 = arith.constant 0 : i32
      %dma_start3A_81 = tpu.memref_slice %arg4[%add3A, %dma_start3A_79, %dma_start3A_80] : memref<32x80x128xi32, #tpu.memory_space<hbm>> -> memref<1x80x128xi32, #tpu.memory_space<hbm>>
      %dma_start3A_82 = tpu.memref_squeeze %dma_start3A_81 : memref<1x80x128xi32, #tpu.memory_space<hbm>> -> memref<80x128xi32, #tpu.memory_space<hbm>>
      tpu.enqueue_dma source(%dma_start3A_82 : memref<80x128xi32, #tpu.memory_space<hbm>>) target(%arg6 : memref<80x128xi32, #tpu.memory_space<vmem>>) target_semaphore(%run_scoped3A : memref<!tpu.dma_semaphore, #tpu.memory_space<semaphore_mem>>)
      %dma_wait3A_83 = arith.constant 0 : i32
      %dma_wait3A_84 = arith.constant 0 : i32
      %dma_wait3A_85 = tpu.memref_slice %arg4[%add3A, %dma_wait3A_83, %dma_wait3A_84] : memref<32x80x128xi32, #tpu.memory_space<hbm>> -> memref<1x80x128xi32, #tpu.memory_space<hbm>>
      %dma_wait3A_86 = tpu.memref_squeeze %dma_wait3A_85 : memref<1x80x128xi32, #tpu.memory_space<hbm>> -> memref<80x128xi32, #tpu.memory_space<hbm>>
      %dma_wait3A_87 = arith.constant 0 : i32
      %dma_wait3A_88 = arith.constant 0 : i32
      %dma_wait3A_89 = tpu.memref_slice %arg4[%add3A, %dma_wait3A_87, %dma_wait3A_88] : memref<32x80x128xi32, #tpu.memory_space<hbm>> -> memref<1x80x128xi32, #tpu.memory_space<hbm>>
      %dma_wait3A_90 = tpu.memref_squeeze %dma_wait3A_89 : memref<1x80x128xi32, #tpu.memory_space<hbm>> -> memref<80x128xi32, #tpu.memory_space<hbm>>
      tpu.wait_dma2 semaphore(%run_scoped3A : memref<!tpu.dma_semaphore, #tpu.memory_space<semaphore_mem>>) src(%dma_wait3A_90 : memref<80x128xi32, #tpu.memory_space<hbm>>) dst(%arg6 : memref<80x128xi32, #tpu.memory_space<vmem>>)
      tpu.yield
    }) : () -> ()
    "tpu.region"() ({
      %run_scoped3A = tpu.sem_alloc : memref<!tpu.dma_semaphore, #tpu.memory_space<semaphore_mem>>
      %dma_start3A = tpu.memref_slice %arg2[%mul3A_4] : memref<327680xf32, #tpu.memory_space<hbm>> -> memref<10240xf32, #tpu.memory_space<hbm>>
      %dma_start3A_76 = tpu.memref_slice %arg2[%mul3A_4] : memref<327680xf32, #tpu.memory_space<hbm>> -> memref<10240xf32, #tpu.memory_space<hbm>>
      tpu.enqueue_dma source(%dma_start3A_76 : memref<10240xf32, #tpu.memory_space<hbm>>) target(%arg7 : memref<10240xf32, #tpu.memory_space<vmem>>) target_semaphore(%run_scoped3A : memref<!tpu.dma_semaphore, #tpu.memory_space<semaphore_mem>>)
      %dma_wait3A_77 = tpu.memref_slice %arg2[%mul3A_4] : memref<327680xf32, #tpu.memory_space<hbm>> -> memref<10240xf32, #tpu.memory_space<hbm>>
      %dma_wait3A_78 = tpu.memref_slice %arg2[%mul3A_4] : memref<327680xf32, #tpu.memory_space<hbm>> -> memref<10240xf32, #tpu.memory_space<hbm>>
      tpu.wait_dma2 semaphore(%run_scoped3A : memref<!tpu.dma_semaphore, #tpu.memory_space<semaphore_mem>>) src(%dma_wait3A_78 : memref<10240xf32, #tpu.memory_space<hbm>>) dst(%arg7 : memref<10240xf32, #tpu.memory_space<vmem>>)
      tpu.yield
    }) : () -> ()
    "tpu.region"() ({
      %run_scoped3A = tpu.sem_alloc : memref<!tpu.dma_semaphore, #tpu.memory_space<semaphore_mem>>
      %dma_start3A = tpu.memref_slice %arg3[%mul3A_4] : memref<327680xf32, #tpu.memory_space<hbm>> -> memref<10240xf32, #tpu.memory_space<hbm>>
      %dma_start3A_76 = tpu.memref_slice %arg3[%mul3A_4] : memref<327680xf32, #tpu.memory_space<hbm>> -> memref<10240xf32, #tpu.memory_space<hbm>>
      tpu.enqueue_dma source(%dma_start3A_76 : memref<10240xf32, #tpu.memory_space<hbm>>) target(%arg8 : memref<10240xf32, #tpu.memory_space<vmem>>) target_semaphore(%run_scoped3A : memref<!tpu.dma_semaphore, #tpu.memory_space<semaphore_mem>>)
      %dma_wait3A_77 = tpu.memref_slice %arg3[%mul3A_4] : memref<327680xf32, #tpu.memory_space<hbm>> -> memref<10240xf32, #tpu.memory_space<hbm>>
      %dma_wait3A_78 = tpu.memref_slice %arg3[%mul3A_4] : memref<327680xf32, #tpu.memory_space<hbm>> -> memref<10240xf32, #tpu.memory_space<hbm>>
      tpu.wait_dma2 semaphore(%run_scoped3A : memref<!tpu.dma_semaphore, #tpu.memory_space<semaphore_mem>>) src(%dma_wait3A_78 : memref<10240xf32, #tpu.memory_space<hbm>>) dst(%arg8 : memref<10240xf32, #tpu.memory_space<vmem>>)
      tpu.yield
    }) : () -> ()
    %iota3A = tpu.iota {dimensions = array<i32: 0>} : vector<16xi32>
    %broadcast_in_dim3A = arith.constant 0.000000e+00 : f32
    %broadcast_in_dim3A_5 = vector.broadcast %broadcast_in_dim3A : f32 to vector<16xf32>
    %add3A_6 = arith.constant 1.000000e+00 : f32
    %add3A_7 = vector.broadcast %add3A_6 : f32 to vector<16xf32>
    %add3A_8 = arith.addf %broadcast_in_dim3A_5, %add3A_7 : vector<16xf32>
    %scan3A = arith.constant 0 : i32
    %scan3A_9 = arith.constant 128 : i32
    %scan3A_10 = arith.addi %scan3A, %scan3A_9 : i32
    %scan3A_11 = arith.constant 1 : i32
    scf.for %scan3A_76 = %scan3A to %scan3A_10 step %scan3A_11  : i32 {
      %mul3A_77 = arith.constant 1 : i32
      %mul3A_78 = arith.muli %scan3A_76, %mul3A_77 : i32
      %add3A_79 = arith.constant 0 : i32
      %add3A_80 = arith.addi %add3A_79, %mul3A_78 : i32
      %broadcast_in_dim3A_81 = arith.constant 0 : i32
      %broadcast_in_dim3A_82 = vector.broadcast %broadcast_in_dim3A_81 : i32 to vector<16xi32>
      %add3A_83 = vector.broadcast %add3A_80 : i32 to vector<16xi32>
      %add3A_84 = arith.addi %broadcast_in_dim3A_82, %add3A_83 : vector<16xi32>
      tpu.vector_store_idx %arg9[%add3A_84, %iota3A], %broadcast_in_dim3A_5 : memref<128x16xf32, #tpu.memory_space<vmem>>[vector<16xi32>, vector<16xi32>], vector<16xf32>,
      tpu.vector_store_idx %arg10[%add3A_84, %iota3A], %broadcast_in_dim3A_5 : memref<128x16xf32, #tpu.memory_space<vmem>>[vector<16xi32>, vector<16xi32>], vector<16xf32>,
    }
    %scan3A_12 = arith.constant 128 : i32
    %add3A_13 = arith.constant 0 : i32
    %add3A_14 = arith.addi %mul3A_2, %add3A_13 : i32
    "tpu.region"() ({
      %run_scoped3A = tpu.sem_alloc : memref<!tpu.dma_semaphore, #tpu.memory_space<semaphore_mem>>
      %dma_start3A = arith.constant 0 : i32
      %dma_start3A_76 = tpu.memref_slice %arg11[%add3A_14, %dma_start3A] : memref<10240x16xf32, #tpu.memory_space<vmem_shared>> -> memref<128x16xf32, #tpu.memory_space<vmem_shared>>
      %dma_start3A_77 = arith.constant 0 : i32
      %dma_start3A_78 = tpu.memref_slice %arg11[%add3A_14, %dma_start3A_77] : memref<10240x16xf32, #tpu.memory_space<vmem_shared>> -> memref<128x16xf32, #tpu.memory_space<vmem_shared>>
      tpu.enqueue_dma source(%arg9 : memref<128x16xf32, #tpu.memory_space<vmem>>) target(%dma_start3A_78 : memref<128x16xf32, #tpu.memory_space<vmem_shared>>) target_semaphore(%run_scoped3A : memref<!tpu.dma_semaphore, #tpu.memory_space<semaphore_mem>>)
      %dma_wait3A_79 = arith.constant 0 : i32
      %dma_wait3A_80 = tpu.memref_slice %arg11[%add3A_14, %dma_wait3A_79] : memref<10240x16xf32, #tpu.memory_space<vmem_shared>> -> memref<128x16xf32, #tpu.memory_space<vmem_shared>>
      %dma_wait3A_81 = arith.constant 0 : i32
      %dma_wait3A_82 = tpu.memref_slice %arg11[%add3A_14, %dma_wait3A_81] : memref<10240x16xf32, #tpu.memory_space<vmem_shared>> -> memref<128x16xf32, #tpu.memory_space<vmem_shared>>
      tpu.wait_dma2 semaphore(%run_scoped3A : memref<!tpu.dma_semaphore, #tpu.memory_space<semaphore_mem>>) src(%arg9 : memref<128x16xf32, #tpu.memory_space<vmem>>) dst(%dma_wait3A_82 : memref<128x16xf32, #tpu.memory_space<vmem_shared>>)
      tpu.yield
    }) : () -> ()
    %add3A_15 = arith.constant 128 : i32
    %add3A_16 = arith.addi %mul3A_2, %add3A_15 : i32
    "tpu.region"() ({
      %run_scoped3A = tpu.sem_alloc : memref<!tpu.dma_semaphore, #tpu.memory_space<semaphore_mem>>
      %dma_start3A = arith.constant 0 : i32
      %dma_start3A_76 = tpu.memref_slice %arg11[%add3A_16, %dma_start3A] : memref<10240x16xf32, #tpu.memory_space<vmem_shared>> -> memref<128x16xf32, #tpu.memory_space<vmem_shared>>
      %dma_start3A_77 = arith.constant 0 : i32
      %dma_start3A_78 = tpu.memref_slice %arg11[%add3A_16, %dma_start3A_77] : memref<10240x16xf32, #tpu.memory_space<vmem_shared>> -> memref<128x16xf32, #tpu.memory_space<vmem_shared>>
      tpu.enqueue_dma source(%arg9 : memref<128x16xf32, #tpu.memory_space<vmem>>) target(%dma_start3A_78 : memref<128x16xf32, #tpu.memory_space<vmem_shared>>) target_semaphore(%run_scoped3A : memref<!tpu.dma_semaphore, #tpu.memory_space<semaphore_mem>>)
      %dma_wait3A_79 = arith.constant 0 : i32
      %dma_wait3A_80 = tpu.memref_slice %arg11[%add3A_16, %dma_wait3A_79] : memref<10240x16xf32, #tpu.memory_space<vmem_shared>> -> memref<128x16xf32, #tpu.memory_space<vmem_shared>>
      %dma_wait3A_81 = arith.constant 0 : i32
      %dma_wait3A_82 = tpu.memref_slice %arg11[%add3A_16, %dma_wait3A_81] : memref<10240x16xf32, #tpu.memory_space<vmem_shared>> -> memref<128x16xf32, #tpu.memory_space<vmem_shared>>
      tpu.wait_dma2 semaphore(%run_scoped3A : memref<!tpu.dma_semaphore, #tpu.memory_space<semaphore_mem>>) src(%arg9 : memref<128x16xf32, #tpu.memory_space<vmem>>) dst(%dma_wait3A_82 : memref<128x16xf32, #tpu.memory_space<vmem_shared>>)
      tpu.yield
    }) : () -> ()
    %add3A_17 = arith.constant 256 : i32
    %add3A_18 = arith.addi %mul3A_2, %add3A_17 : i32
    "tpu.region"() ({
      %run_scoped3A = tpu.sem_alloc : memref<!tpu.dma_semaphore, #tpu.memory_space<semaphore_mem>>
      %dma_start3A = arith.constant 0 : i32
      %dma_start3A_76 = tpu.memref_slice %arg11[%add3A_18, %dma_start3A] : memref<10240x16xf32, #tpu.memory_space<vmem_shared>> -> memref<128x16xf32, #tpu.memory_space<vmem_shared>>
      %dma_start3A_77 = arith.constant 0 : i32
      %dma_start3A_78 = tpu.memref_slice %arg11[%add3A_18, %dma_start3A_77] : memref<10240x16xf32, #tpu.memory_space<vmem_shared>> -> memref<128x16xf32, #tpu.memory_space<vmem_shared>>
      tpu.enqueue_dma source(%arg9 : memref<128x16xf32, #tpu.memory_space<vmem>>) target(%dma_start3A_78 : memref<128x16xf32, #tpu.memory_space<vmem_shared>>) target_semaphore(%run_scoped3A : memref<!tpu.dma_semaphore, #tpu.memory_space<semaphore_mem>>)
      %dma_wait3A_79 = arith.constant 0 : i32
      %dma_wait3A_80 = tpu.memref_slice %arg11[%add3A_18, %dma_wait3A_79] : memref<10240x16xf32, #tpu.memory_space<vmem_shared>> -> memref<128x16xf32, #tpu.memory_space<vmem_shared>>
      %dma_wait3A_81 = arith.constant 0 : i32
      %dma_wait3A_82 = tpu.memref_slice %arg11[%add3A_18, %dma_wait3A_81] : memref<10240x16xf32, #tpu.memory_space<vmem_shared>> -> memref<128x16xf32, #tpu.memory_space<vmem_shared>>
      tpu.wait_dma2 semaphore(%run_scoped3A : memref<!tpu.dma_semaphore, #tpu.memory_space<semaphore_mem>>) src(%arg9 : memref<128x16xf32, #tpu.memory_space<vmem>>) dst(%dma_wait3A_82 : memref<128x16xf32, #tpu.memory_space<vmem_shared>>)
      tpu.yield
    }) : () -> ()
    %add3A_19 = arith.constant 384 : i32
    %add3A_20 = arith.addi %mul3A_2, %add3A_19 : i32
    "tpu.region"() ({
      %run_scoped3A = tpu.sem_alloc : memref<!tpu.dma_semaphore, #tpu.memory_space<semaphore_mem>>
      %dma_start3A = arith.constant 0 : i32
      %dma_start3A_76 = tpu.memref_slice %arg11[%add3A_20, %dma_start3A] : memref<10240x16xf32, #tpu.memory_space<vmem_shared>> -> memref<128x16xf32, #tpu.memory_space<vmem_shared>>
      %dma_start3A_77 = arith.constant 0 : i32
      %dma_start3A_78 = tpu.memref_slice %arg11[%add3A_20, %dma_start3A_77] : memref<10240x16xf32, #tpu.memory_space<vmem_shared>> -> memref<128x16xf32, #tpu.memory_space<vmem_shared>>
      tpu.enqueue_dma source(%arg9 : memref<128x16xf32, #tpu.memory_space<vmem>>) target(%dma_start3A_78 : memref<128x16xf32, #tpu.memory_space<vmem_shared>>) target_semaphore(%run_scoped3A : memref<!tpu.dma_semaphore, #tpu.memory_space<semaphore_mem>>)
      %dma_wait3A_79 = arith.constant 0 : i32
      %dma_wait3A_80 = tpu.memref_slice %arg11[%add3A_20, %dma_wait3A_79] : memref<10240x16xf32, #tpu.memory_space<vmem_shared>> -> memref<128x16xf32, #tpu.memory_space<vmem_shared>>
      %dma_wait3A_81 = arith.constant 0 : i32
      %dma_wait3A_82 = tpu.memref_slice %arg11[%add3A_20, %dma_wait3A_81] : memref<10240x16xf32, #tpu.memory_space<vmem_shared>> -> memref<128x16xf32, #tpu.memory_space<vmem_shared>>
      tpu.wait_dma2 semaphore(%run_scoped3A : memref<!tpu.dma_semaphore, #tpu.memory_space<semaphore_mem>>) src(%arg9 : memref<128x16xf32, #tpu.memory_space<vmem>>) dst(%dma_wait3A_82 : memref<128x16xf32, #tpu.memory_space<vmem_shared>>)
      tpu.yield
    }) : () -> ()
    %add3A_21 = arith.constant 512 : i32
    %add3A_22 = arith.addi %mul3A_2, %add3A_21 : i32
    "tpu.region"() ({
      %run_scoped3A = tpu.sem_alloc : memref<!tpu.dma_semaphore, #tpu.memory_space<semaphore_mem>>
      %dma_start3A = arith.constant 0 : i32
      %dma_start3A_76 = tpu.memref_slice %arg11[%add3A_22, %dma_start3A] : memref<10240x16xf32, #tpu.memory_space<vmem_shared>> -> memref<128x16xf32, #tpu.memory_space<vmem_shared>>
      %dma_start3A_77 = arith.constant 0 : i32
      %dma_start3A_78 = tpu.memref_slice %arg11[%add3A_22, %dma_start3A_77] : memref<10240x16xf32, #tpu.memory_space<vmem_shared>> -> memref<128x16xf32, #tpu.memory_space<vmem_shared>>
      tpu.enqueue_dma source(%arg9 : memref<128x16xf32, #tpu.memory_space<vmem>>) target(%dma_start3A_78 : memref<128x16xf32, #tpu.memory_space<vmem_shared>>) target_semaphore(%run_scoped3A : memref<!tpu.dma_semaphore, #tpu.memory_space<semaphore_mem>>)
      %dma_wait3A_79 = arith.constant 0 : i32
      %dma_wait3A_80 = tpu.memref_slice %arg11[%add3A_22, %dma_wait3A_79] : memref<10240x16xf32, #tpu.memory_space<vmem_shared>> -> memref<128x16xf32, #tpu.memory_space<vmem_shared>>
      %dma_wait3A_81 = arith.constant 0 : i32
      %dma_wait3A_82 = tpu.memref_slice %arg11[%add3A_22, %dma_wait3A_81] : memref<10240x16xf32, #tpu.memory_space<vmem_shared>> -> memref<128x16xf32, #tpu.memory_space<vmem_shared>>
      tpu.wait_dma2 semaphore(%run_scoped3A : memref<!tpu.dma_semaphore, #tpu.memory_space<semaphore_mem>>) src(%arg9 : memref<128x16xf32, #tpu.memory_space<vmem>>) dst(%dma_wait3A_82 : memref<128x16xf32, #tpu.memory_space<vmem_shared>>)
      tpu.yield
    }) : () -> ()
    %broadcast_in_dim3A_23 = arith.constant 0 : i32
    %broadcast_in_dim3A_24 = vector.broadcast %broadcast_in_dim3A_23 : i32 to vector<16xi32>
    %add3A_25 = arith.constant 2 : i32
    %add3A_26 = vector.broadcast %add3A_25 : i32 to vector<16xi32>
    %add3A_27 = arith.addi %broadcast_in_dim3A_24, %add3A_26 : vector<16xi32>
    %add3A_28 = arith.constant 0 : i32
    %add3A_29 = vector.broadcast %add3A_28 : i32 to vector<16xi32>
    %add3A_30 = arith.addi %iota3A, %add3A_29 : vector<16xi32>
    tpu.vector_store_idx %arg9[%add3A_30, %add3A_27], %add3A_8 : memref<128x16xf32, #tpu.memory_space<vmem>>[vector<16xi32>, vector<16xi32>], vector<16xf32>,
    tpu.vector_store_idx %arg10[%add3A_30, %add3A_27], %add3A_8 : memref<128x16xf32, #tpu.memory_space<vmem>>[vector<16xi32>, vector<16xi32>], vector<16xf32>,
    %add3A_31 = arith.constant 16 : i32
    %add3A_32 = vector.broadcast %add3A_31 : i32 to vector<16xi32>
    %add3A_33 = arith.addi %iota3A, %add3A_32 : vector<16xi32>
    tpu.vector_store_idx %arg9[%add3A_33, %add3A_27], %add3A_8 : memref<128x16xf32, #tpu.memory_space<vmem>>[vector<16xi32>, vector<16xi32>], vector<16xf32>,
    tpu.vector_store_idx %arg10[%add3A_33, %add3A_27], %add3A_8 : memref<128x16xf32, #tpu.memory_space<vmem>>[vector<16xi32>, vector<16xi32>], vector<16xf32>,
    %add3A_34 = arith.constant 32 : i32
    %add3A_35 = vector.broadcast %add3A_34 : i32 to vector<16xi32>
    %add3A_36 = arith.addi %iota3A, %add3A_35 : vector<16xi32>
    tpu.vector_store_idx %arg9[%add3A_36, %add3A_27], %add3A_8 : memref<128x16xf32, #tpu.memory_space<vmem>>[vector<16xi32>, vector<16xi32>], vector<16xf32>,
    tpu.vector_store_idx %arg10[%add3A_36, %add3A_27], %add3A_8 : memref<128x16xf32, #tpu.memory_space<vmem>>[vector<16xi32>, vector<16xi32>], vector<16xf32>,
    %add3A_37 = arith.constant 48 : i32
    %add3A_38 = vector.broadcast %add3A_37 : i32 to vector<16xi32>
    %add3A_39 = arith.addi %iota3A, %add3A_38 : vector<16xi32>
    tpu.vector_store_idx %arg9[%add3A_39, %add3A_27], %add3A_8 : memref<128x16xf32, #tpu.memory_space<vmem>>[vector<16xi32>, vector<16xi32>], vector<16xf32>,
    tpu.vector_store_idx %arg10[%add3A_39, %add3A_27], %add3A_8 : memref<128x16xf32, #tpu.memory_space<vmem>>[vector<16xi32>, vector<16xi32>], vector<16xf32>,
    %add3A_40 = arith.constant 64 : i32
    %add3A_41 = vector.broadcast %add3A_40 : i32 to vector<16xi32>
    %add3A_42 = arith.addi %iota3A, %add3A_41 : vector<16xi32>
    tpu.vector_store_idx %arg9[%add3A_42, %add3A_27], %add3A_8 : memref<128x16xf32, #tpu.memory_space<vmem>>[vector<16xi32>, vector<16xi32>], vector<16xf32>,
    tpu.vector_store_idx %arg10[%add3A_42, %add3A_27], %add3A_8 : memref<128x16xf32, #tpu.memory_space<vmem>>[vector<16xi32>, vector<16xi32>], vector<16xf32>,
    %add3A_43 = arith.constant 80 : i32
    %add3A_44 = vector.broadcast %add3A_43 : i32 to vector<16xi32>
    %add3A_45 = arith.addi %iota3A, %add3A_44 : vector<16xi32>
    tpu.vector_store_idx %arg9[%add3A_45, %add3A_27], %add3A_8 : memref<128x16xf32, #tpu.memory_space<vmem>>[vector<16xi32>, vector<16xi32>], vector<16xf32>,
    tpu.vector_store_idx %arg10[%add3A_45, %add3A_27], %add3A_8 : memref<128x16xf32, #tpu.memory_space<vmem>>[vector<16xi32>, vector<16xi32>], vector<16xf32>,
    %add3A_46 = arith.constant 96 : i32
    %add3A_47 = vector.broadcast %add3A_46 : i32 to vector<16xi32>
    %add3A_48 = arith.addi %iota3A, %add3A_47 : vector<16xi32>
    tpu.vector_store_idx %arg9[%add3A_48, %add3A_27], %add3A_8 : memref<128x16xf32, #tpu.memory_space<vmem>>[vector<16xi32>, vector<16xi32>], vector<16xf32>,
    tpu.vector_store_idx %arg10[%add3A_48, %add3A_27], %add3A_8 : memref<128x16xf32, #tpu.memory_space<vmem>>[vector<16xi32>, vector<16xi32>], vector<16xf32>,
    %add3A_49 = arith.constant 112 : i32
    %add3A_50 = vector.broadcast %add3A_49 : i32 to vector<16xi32>
    %add3A_51 = arith.addi %iota3A, %add3A_50 : vector<16xi32>
    tpu.vector_store_idx %arg9[%add3A_51, %add3A_27], %add3A_8 : memref<128x16xf32, #tpu.memory_space<vmem>>[vector<16xi32>, vector<16xi32>], vector<16xf32>,
    tpu.vector_store_idx %arg10[%add3A_51, %add3A_27], %add3A_8 : memref<128x16xf32, #tpu.memory_space<vmem>>[vector<16xi32>, vector<16xi32>], vector<16xf32>,
    %barrier3A = arith.constant 0 : index
    tpu.barrier barrier_id(%barrier3A)
    %broadcast_in_dim3A_52 = arith.constant 0 : i32
    %broadcast_in_dim3A_53 = vector.broadcast %broadcast_in_dim3A_52 : i32 to vector<16xi32>
    %add3A_54 = arith.constant 1 : i32
    %add3A_55 = vector.broadcast %add3A_54 : i32 to vector<16xi32>
    %add3A_56 = arith.addi %broadcast_in_dim3A_53, %add3A_55 : vector<16xi32>
    %scan3A_57 = arith.constant 0 : i32
    %scan3A_58 = arith.constant 40 : i32
    %scan3A_59 = arith.addi %scan3A_57, %scan3A_58 : i32
    %scan3A_60 = arith.constant 1 : i32
    scf.for %scan3A_76 = %scan3A_57 to %scan3A_59 step %scan3A_60  : i32 {
      %mul3A_77 = arith.constant 1 : i32
      %mul3A_78 = arith.muli %scan3A_76, %mul3A_77 : i32
      %add3A_79 = arith.constant 0 : i32
      %add3A_80 = arith.addi %add3A_79, %mul3A_78 : i32
      %mul3A_81 = arith.constant 2 : i32
      %mul3A_82 = arith.muli %add3A_80, %mul3A_81 : i32
      %add3A_83 = arith.constant 0 : i32
      %add3A_84 = arith.addi %mul3A_82, %add3A_83 : i32
      %gt3A = arith.constant 0 : i32
      %gt3A_85 = arith.cmpi sgt, %add3A_80, %gt3A : i32
      %convert_element_type3A = arith.extui %gt3A_85 : i1 to i32
      %cond3A = arith.constant 0 : i32
      %cond3A_86 = arith.cmpi ne, %convert_element_type3A, %cond3A : i32
      scf.if %cond3A_86 {
        %dma_wait3A_282 = arith.constant 0 : i32
        %dma_wait3A_283 = arith.constant 0 : i32
        %dma_wait3A_284 = tpu.memref_slice %arg6[%dma_wait3A_282, %dma_wait3A_283] : memref<80x128xi32, #tpu.memory_space<vmem>> -> memref<1x128xi32, #tpu.memory_space<vmem>>
        %dma_wait3A_285 = tpu.memref_squeeze %dma_wait3A_284 : memref<1x128xi32, #tpu.memory_space<vmem>> -> memref<128xi32, #tpu.memory_space<vmem>>
        %dma_wait3A_286 = arith.constant 0 : i32
        %dma_wait3A_287 = arith.constant 0 : i32
        %dma_wait3A_288 = tpu.memref_slice %arg11[%dma_wait3A_286, %dma_wait3A_287] : memref<10240x16xf32, #tpu.memory_space<vmem_shared>> -> memref<10240x16xf32, #tpu.memory_space<vmem_shared>>
        tpu.wait_indirect_dma semaphore(%arg12 : memref<!tpu.dma_semaphore, #tpu.memory_space<semaphore_mem>>) src(%arg9 : memref<128x16xf32, #tpu.memory_space<vmem>>) dst(%dma_wait3A_288 : memref<10240x16xf32, #tpu.memory_space<vmem_shared>>)
      } else {
      }
      %add3A_87 = arith.constant 0 : i32
      %add3A_88 = vector.broadcast %add3A_87 : i32 to vector<16xi32>
      %add3A_89 = arith.addi %iota3A, %add3A_88 : vector<16xi32>
      %mul3A_90 = arith.constant 128 : i32
      %mul3A_91 = arith.muli %add3A_84, %mul3A_90 : i32
      %add3A_92 = arith.constant 0 : i32
      %add3A_93 = arith.addi %mul3A_91, %add3A_92 : i32
      %get3A = arith.index_cast %add3A_93 : i32 to index
      %get3A_94 = tpu.vector_load %arg7[%get3A] {strides = array<i32>} : memref<10240xf32, #tpu.memory_space<vmem>>, vector<16xf32>,
      tpu.vector_store_idx %arg9[%add3A_89, %broadcast_in_dim3A_53], %get3A_94 : memref<128x16xf32, #tpu.memory_space<vmem>>[vector<16xi32>, vector<16xi32>], vector<16xf32>,
      %get3A_95 = arith.index_cast %add3A_93 : i32 to index
      %get3A_96 = tpu.vector_load %arg8[%get3A_95] {strides = array<i32>} : memref<10240xf32, #tpu.memory_space<vmem>>, vector<16xf32>,
      tpu.vector_store_idx %arg9[%add3A_89, %add3A_56], %get3A_96 : memref<128x16xf32, #tpu.memory_space<vmem>>[vector<16xi32>, vector<16xi32>], vector<16xf32>,
      %add3A_97 = arith.constant 16 : i32
      %add3A_98 = vector.broadcast %add3A_97 : i32 to vector<16xi32>
      %add3A_99 = arith.addi %iota3A, %add3A_98 : vector<16xi32>
      %mul3A_100 = arith.constant 128 : i32
      %mul3A_101 = arith.muli %add3A_84, %mul3A_100 : i32
      %add3A_102 = arith.constant 16 : i32
      %add3A_103 = arith.addi %mul3A_101, %add3A_102 : i32
      %get3A_104 = arith.index_cast %add3A_103 : i32 to index
      %get3A_105 = tpu.vector_load %arg7[%get3A_104] {strides = array<i32>} : memref<10240xf32, #tpu.memory_space<vmem>>, vector<16xf32>,
      tpu.vector_store_idx %arg9[%add3A_99, %broadcast_in_dim3A_53], %get3A_105 : memref<128x16xf32, #tpu.memory_space<vmem>>[vector<16xi32>, vector<16xi32>], vector<16xf32>,
      %get3A_106 = arith.index_cast %add3A_103 : i32 to index
      %get3A_107 = tpu.vector_load %arg8[%get3A_106] {strides = array<i32>} : memref<10240xf32, #tpu.memory_space<vmem>>, vector<16xf32>,
      tpu.vector_store_idx %arg9[%add3A_99, %add3A_56], %get3A_107 : memref<128x16xf32, #tpu.memory_space<vmem>>[vector<16xi32>, vector<16xi32>], vector<16xf32>,
      %add3A_108 = arith.constant 32 : i32
      %add3A_109 = vector.broadcast %add3A_108 : i32 to vector<16xi32>
      %add3A_110 = arith.addi %iota3A, %add3A_109 : vector<16xi32>
      %mul3A_111 = arith.constant 128 : i32
      %mul3A_112 = arith.muli %add3A_84, %mul3A_111 : i32
      %add3A_113 = arith.constant 32 : i32
      %add3A_114 = arith.addi %mul3A_112, %add3A_113 : i32
      %get3A_115 = arith.index_cast %add3A_114 : i32 to index
      %get3A_116 = tpu.vector_load %arg7[%get3A_115] {strides = array<i32>} : memref<10240xf32, #tpu.memory_space<vmem>>, vector<16xf32>,
      tpu.vector_store_idx %arg9[%add3A_110, %broadcast_in_dim3A_53], %get3A_116 : memref<128x16xf32, #tpu.memory_space<vmem>>[vector<16xi32>, vector<16xi32>], vector<16xf32>,
      %get3A_117 = arith.index_cast %add3A_114 : i32 to index
      %get3A_118 = tpu.vector_load %arg8[%get3A_117] {strides = array<i32>} : memref<10240xf32, #tpu.memory_space<vmem>>, vector<16xf32>,
      tpu.vector_store_idx %arg9[%add3A_110, %add3A_56], %get3A_118 : memref<128x16xf32, #tpu.memory_space<vmem>>[vector<16xi32>, vector<16xi32>], vector<16xf32>,
      %add3A_119 = arith.constant 48 : i32
      %add3A_120 = vector.broadcast %add3A_119 : i32 to vector<16xi32>
      %add3A_121 = arith.addi %iota3A, %add3A_120 : vector<16xi32>
      %mul3A_122 = arith.constant 128 : i32
      %mul3A_123 = arith.muli %add3A_84, %mul3A_122 : i32
      %add3A_124 = arith.constant 48 : i32
      %add3A_125 = arith.addi %mul3A_123, %add3A_124 : i32
      %get3A_126 = arith.index_cast %add3A_125 : i32 to index
      %get3A_127 = tpu.vector_load %arg7[%get3A_126] {strides = array<i32>} : memref<10240xf32, #tpu.memory_space<vmem>>, vector<16xf32>,
      tpu.vector_store_idx %arg9[%add3A_121, %broadcast_in_dim3A_53], %get3A_127 : memref<128x16xf32, #tpu.memory_space<vmem>>[vector<16xi32>, vector<16xi32>], vector<16xf32>,
      %get3A_128 = arith.index_cast %add3A_125 : i32 to index
      %get3A_129 = tpu.vector_load %arg8[%get3A_128] {strides = array<i32>} : memref<10240xf32, #tpu.memory_space<vmem>>, vector<16xf32>,
      tpu.vector_store_idx %arg9[%add3A_121, %add3A_56], %get3A_129 : memref<128x16xf32, #tpu.memory_space<vmem>>[vector<16xi32>, vector<16xi32>], vector<16xf32>,
      %add3A_130 = arith.constant 64 : i32
      %add3A_131 = vector.broadcast %add3A_130 : i32 to vector<16xi32>
      %add3A_132 = arith.addi %iota3A, %add3A_131 : vector<16xi32>
      %mul3A_133 = arith.constant 128 : i32
      %mul3A_134 = arith.muli %add3A_84, %mul3A_133 : i32
      %add3A_135 = arith.constant 64 : i32
      %add3A_136 = arith.addi %mul3A_134, %add3A_135 : i32
      %get3A_137 = arith.index_cast %add3A_136 : i32 to index
      %get3A_138 = tpu.vector_load %arg7[%get3A_137] {strides = array<i32>} : memref<10240xf32, #tpu.memory_space<vmem>>, vector<16xf32>,
      tpu.vector_store_idx %arg9[%add3A_132, %broadcast_in_dim3A_53], %get3A_138 : memref<128x16xf32, #tpu.memory_space<vmem>>[vector<16xi32>, vector<16xi32>], vector<16xf32>,
      %get3A_139 = arith.index_cast %add3A_136 : i32 to index
      %get3A_140 = tpu.vector_load %arg8[%get3A_139] {strides = array<i32>} : memref<10240xf32, #tpu.memory_space<vmem>>, vector<16xf32>,
      tpu.vector_store_idx %arg9[%add3A_132, %add3A_56], %get3A_140 : memref<128x16xf32, #tpu.memory_space<vmem>>[vector<16xi32>, vector<16xi32>], vector<16xf32>,
      %add3A_141 = arith.constant 80 : i32
      %add3A_142 = vector.broadcast %add3A_141 : i32 to vector<16xi32>
      %add3A_143 = arith.addi %iota3A, %add3A_142 : vector<16xi32>
      %mul3A_144 = arith.constant 128 : i32
      %mul3A_145 = arith.muli %add3A_84, %mul3A_144 : i32
      %add3A_146 = arith.constant 80 : i32
      %add3A_147 = arith.addi %mul3A_145, %add3A_146 : i32
      %get3A_148 = arith.index_cast %add3A_147 : i32 to index
      %get3A_149 = tpu.vector_load %arg7[%get3A_148] {strides = array<i32>} : memref<10240xf32, #tpu.memory_space<vmem>>, vector<16xf32>,
      tpu.vector_store_idx %arg9[%add3A_143, %broadcast_in_dim3A_53], %get3A_149 : memref<128x16xf32, #tpu.memory_space<vmem>>[vector<16xi32>, vector<16xi32>], vector<16xf32>,
      %get3A_150 = arith.index_cast %add3A_147 : i32 to index
      %get3A_151 = tpu.vector_load %arg8[%get3A_150] {strides = array<i32>} : memref<10240xf32, #tpu.memory_space<vmem>>, vector<16xf32>,
      tpu.vector_store_idx %arg9[%add3A_143, %add3A_56], %get3A_151 : memref<128x16xf32, #tpu.memory_space<vmem>>[vector<16xi32>, vector<16xi32>], vector<16xf32>,
      %add3A_152 = arith.constant 96 : i32
      %add3A_153 = vector.broadcast %add3A_152 : i32 to vector<16xi32>
      %add3A_154 = arith.addi %iota3A, %add3A_153 : vector<16xi32>
      %mul3A_155 = arith.constant 128 : i32
      %mul3A_156 = arith.muli %add3A_84, %mul3A_155 : i32
      %add3A_157 = arith.constant 96 : i32
      %add3A_158 = arith.addi %mul3A_156, %add3A_157 : i32
      %get3A_159 = arith.index_cast %add3A_158 : i32 to index
      %get3A_160 = tpu.vector_load %arg7[%get3A_159] {strides = array<i32>} : memref<10240xf32, #tpu.memory_space<vmem>>, vector<16xf32>,
      tpu.vector_store_idx %arg9[%add3A_154, %broadcast_in_dim3A_53], %get3A_160 : memref<128x16xf32, #tpu.memory_space<vmem>>[vector<16xi32>, vector<16xi32>], vector<16xf32>,
      %get3A_161 = arith.index_cast %add3A_158 : i32 to index
      %get3A_162 = tpu.vector_load %arg8[%get3A_161] {strides = array<i32>} : memref<10240xf32, #tpu.memory_space<vmem>>, vector<16xf32>,
      tpu.vector_store_idx %arg9[%add3A_154, %add3A_56], %get3A_162 : memref<128x16xf32, #tpu.memory_space<vmem>>[vector<16xi32>, vector<16xi32>], vector<16xf32>,
      %add3A_163 = arith.constant 112 : i32
      %add3A_164 = vector.broadcast %add3A_163 : i32 to vector<16xi32>
      %add3A_165 = arith.addi %iota3A, %add3A_164 : vector<16xi32>
      %mul3A_166 = arith.constant 128 : i32
      %mul3A_167 = arith.muli %add3A_84, %mul3A_166 : i32
      %add3A_168 = arith.constant 112 : i32
      %add3A_169 = arith.addi %mul3A_167, %add3A_168 : i32
      %get3A_170 = arith.index_cast %add3A_169 : i32 to index
      %get3A_171 = tpu.vector_load %arg7[%get3A_170] {strides = array<i32>} : memref<10240xf32, #tpu.memory_space<vmem>>, vector<16xf32>,
      tpu.vector_store_idx %arg9[%add3A_165, %broadcast_in_dim3A_53], %get3A_171 : memref<128x16xf32, #tpu.memory_space<vmem>>[vector<16xi32>, vector<16xi32>], vector<16xf32>,
      %get3A_172 = arith.index_cast %add3A_169 : i32 to index
      %get3A_173 = tpu.vector_load %arg8[%get3A_172] {strides = array<i32>} : memref<10240xf32, #tpu.memory_space<vmem>>, vector<16xf32>,
      tpu.vector_store_idx %arg9[%add3A_165, %add3A_56], %get3A_173 : memref<128x16xf32, #tpu.memory_space<vmem>>[vector<16xi32>, vector<16xi32>], vector<16xf32>,
      %dma_start3A = arith.constant 0 : i32
      %dma_start3A_174 = tpu.memref_slice %arg6[%add3A_84, %dma_start3A] : memref<80x128xi32, #tpu.memory_space<vmem>> -> memref<1x128xi32, #tpu.memory_space<vmem>>
      %dma_start3A_175 = tpu.memref_squeeze %dma_start3A_174 : memref<1x128xi32, #tpu.memory_space<vmem>> -> memref<128xi32, #tpu.memory_space<vmem>>
      %dma_start3A_176 = arith.constant 0 : i32
      %dma_start3A_177 = arith.constant 0 : i32
      %dma_start3A_178 = tpu.memref_slice %arg11[%dma_start3A_176, %dma_start3A_177] : memref<10240x16xf32, #tpu.memory_space<vmem_shared>> -> memref<10240x16xf32, #tpu.memory_space<vmem_shared>>
      tpu.enqueue_indirect_dma source(%arg9 : memref<128x16xf32, #tpu.memory_space<vmem>>) target(%dma_start3A_178 : memref<10240x16xf32, #tpu.memory_space<vmem_shared>>) offsets(%dma_start3A_175 : memref<128xi32, #tpu.memory_space<vmem>>) semaphore(%arg12 : memref<!tpu.dma_semaphore, #tpu.memory_space<semaphore_mem>>) {add = true}
      %mul3A_179 = arith.constant 2 : i32
      %mul3A_180 = arith.muli %add3A_80, %mul3A_179 : i32
      %add3A_181 = arith.constant 1 : i32
      %add3A_182 = arith.addi %mul3A_180, %add3A_181 : i32
      %gt3A_183 = arith.constant 0 : i32
      %gt3A_184 = arith.cmpi sgt, %add3A_80, %gt3A_183 : i32
      %convert_element_type3A_185 = arith.extui %gt3A_184 : i1 to i32
      %cond3A_186 = arith.constant 0 : i32
      %cond3A_187 = arith.cmpi ne, %convert_element_type3A_185, %cond3A_186 : i32
      scf.if %cond3A_187 {
        %dma_wait3A_282 = arith.constant 0 : i32
        %dma_wait3A_283 = arith.constant 0 : i32
        %dma_wait3A_284 = tpu.memref_slice %arg6[%dma_wait3A_282, %dma_wait3A_283] : memref<80x128xi32, #tpu.memory_space<vmem>> -> memref<1x128xi32, #tpu.memory_space<vmem>>
        %dma_wait3A_285 = tpu.memref_squeeze %dma_wait3A_284 : memref<1x128xi32, #tpu.memory_space<vmem>> -> memref<128xi32, #tpu.memory_space<vmem>>
        %dma_wait3A_286 = arith.constant 0 : i32
        %dma_wait3A_287 = arith.constant 0 : i32
        %dma_wait3A_288 = tpu.memref_slice %arg11[%dma_wait3A_286, %dma_wait3A_287] : memref<10240x16xf32, #tpu.memory_space<vmem_shared>> -> memref<10240x16xf32, #tpu.memory_space<vmem_shared>>
        tpu.wait_indirect_dma semaphore(%arg13 : memref<!tpu.dma_semaphore, #tpu.memory_space<semaphore_mem>>) src(%arg10 : memref<128x16xf32, #tpu.memory_space<vmem>>) dst(%dma_wait3A_288 : memref<10240x16xf32, #tpu.memory_space<vmem_shared>>)
      } else {
      }
      %add3A_188 = arith.constant 0 : i32
      %add3A_189 = vector.broadcast %add3A_188 : i32 to vector<16xi32>
      %add3A_190 = arith.addi %iota3A, %add3A_189 : vector<16xi32>
      %mul3A_191 = arith.constant 128 : i32
      %mul3A_192 = arith.muli %add3A_182, %mul3A_191 : i32
      %add3A_193 = arith.constant 0 : i32
      %add3A_194 = arith.addi %mul3A_192, %add3A_193 : i32
      %get3A_195 = arith.index_cast %add3A_194 : i32 to index
      %get3A_196 = tpu.vector_load %arg7[%get3A_195] {strides = array<i32>} : memref<10240xf32, #tpu.memory_space<vmem>>, vector<16xf32>,
      tpu.vector_store_idx %arg10[%add3A_190, %broadcast_in_dim3A_53], %get3A_196 : memref<128x16xf32, #tpu.memory_space<vmem>>[vector<16xi32>, vector<16xi32>], vector<16xf32>,
      %get3A_197 = arith.index_cast %add3A_194 : i32 to index
      %get3A_198 = tpu.vector_load %arg8[%get3A_197] {strides = array<i32>} : memref<10240xf32, #tpu.memory_space<vmem>>, vector<16xf32>,
      tpu.vector_store_idx %arg10[%add3A_190, %add3A_56], %get3A_198 : memref<128x16xf32, #tpu.memory_space<vmem>>[vector<16xi32>, vector<16xi32>], vector<16xf32>,
      %add3A_199 = arith.constant 16 : i32
      %add3A_200 = vector.broadcast %add3A_199 : i32 to vector<16xi32>
      %add3A_201 = arith.addi %iota3A, %add3A_200 : vector<16xi32>
      %mul3A_202 = arith.constant 128 : i32
      %mul3A_203 = arith.muli %add3A_182, %mul3A_202 : i32
      %add3A_204 = arith.constant 16 : i32
      %add3A_205 = arith.addi %mul3A_203, %add3A_204 : i32
      %get3A_206 = arith.index_cast %add3A_205 : i32 to index
      %get3A_207 = tpu.vector_load %arg7[%get3A_206] {strides = array<i32>} : memref<10240xf32, #tpu.memory_space<vmem>>, vector<16xf32>,
      tpu.vector_store_idx %arg10[%add3A_201, %broadcast_in_dim3A_53], %get3A_207 : memref<128x16xf32, #tpu.memory_space<vmem>>[vector<16xi32>, vector<16xi32>], vector<16xf32>,
      %get3A_208 = arith.index_cast %add3A_205 : i32 to index
      %get3A_209 = tpu.vector_load %arg8[%get3A_208] {strides = array<i32>} : memref<10240xf32, #tpu.memory_space<vmem>>, vector<16xf32>,
      tpu.vector_store_idx %arg10[%add3A_201, %add3A_56], %get3A_209 : memref<128x16xf32, #tpu.memory_space<vmem>>[vector<16xi32>, vector<16xi32>], vector<16xf32>,
      %add3A_210 = arith.constant 32 : i32
      %add3A_211 = vector.broadcast %add3A_210 : i32 to vector<16xi32>
      %add3A_212 = arith.addi %iota3A, %add3A_211 : vector<16xi32>
      %mul3A_213 = arith.constant 128 : i32
      %mul3A_214 = arith.muli %add3A_182, %mul3A_213 : i32
      %add3A_215 = arith.constant 32 : i32
      %add3A_216 = arith.addi %mul3A_214, %add3A_215 : i32
      %get3A_217 = arith.index_cast %add3A_216 : i32 to index
      %get3A_218 = tpu.vector_load %arg7[%get3A_217] {strides = array<i32>} : memref<10240xf32, #tpu.memory_space<vmem>>, vector<16xf32>,
      tpu.vector_store_idx %arg10[%add3A_212, %broadcast_in_dim3A_53], %get3A_218 : memref<128x16xf32, #tpu.memory_space<vmem>>[vector<16xi32>, vector<16xi32>], vector<16xf32>,
      %get3A_219 = arith.index_cast %add3A_216 : i32 to index
      %get3A_220 = tpu.vector_load %arg8[%get3A_219] {strides = array<i32>} : memref<10240xf32, #tpu.memory_space<vmem>>, vector<16xf32>,
      tpu.vector_store_idx %arg10[%add3A_212, %add3A_56], %get3A_220 : memref<128x16xf32, #tpu.memory_space<vmem>>[vector<16xi32>, vector<16xi32>], vector<16xf32>,
      %add3A_221 = arith.constant 48 : i32
      %add3A_222 = vector.broadcast %add3A_221 : i32 to vector<16xi32>
      %add3A_223 = arith.addi %iota3A, %add3A_222 : vector<16xi32>
      %mul3A_224 = arith.constant 128 : i32
      %mul3A_225 = arith.muli %add3A_182, %mul3A_224 : i32
      %add3A_226 = arith.constant 48 : i32
      %add3A_227 = arith.addi %mul3A_225, %add3A_226 : i32
      %get3A_228 = arith.index_cast %add3A_227 : i32 to index
      %get3A_229 = tpu.vector_load %arg7[%get3A_228] {strides = array<i32>} : memref<10240xf32, #tpu.memory_space<vmem>>, vector<16xf32>,
      tpu.vector_store_idx %arg10[%add3A_223, %broadcast_in_dim3A_53], %get3A_229 : memref<128x16xf32, #tpu.memory_space<vmem>>[vector<16xi32>, vector<16xi32>], vector<16xf32>,
      %get3A_230 = arith.index_cast %add3A_227 : i32 to index
      %get3A_231 = tpu.vector_load %arg8[%get3A_230] {strides = array<i32>} : memref<10240xf32, #tpu.memory_space<vmem>>, vector<16xf32>,
      tpu.vector_store_idx %arg10[%add3A_223, %add3A_56], %get3A_231 : memref<128x16xf32, #tpu.memory_space<vmem>>[vector<16xi32>, vector<16xi32>], vector<16xf32>,
      %add3A_232 = arith.constant 64 : i32
      %add3A_233 = vector.broadcast %add3A_232 : i32 to vector<16xi32>
      %add3A_234 = arith.addi %iota3A, %add3A_233 : vector<16xi32>
      %mul3A_235 = arith.constant 128 : i32
      %mul3A_236 = arith.muli %add3A_182, %mul3A_235 : i32
      %add3A_237 = arith.constant 64 : i32
      %add3A_238 = arith.addi %mul3A_236, %add3A_237 : i32
      %get3A_239 = arith.index_cast %add3A_238 : i32 to index
      %get3A_240 = tpu.vector_load %arg7[%get3A_239] {strides = array<i32>} : memref<10240xf32, #tpu.memory_space<vmem>>, vector<16xf32>,
      tpu.vector_store_idx %arg10[%add3A_234, %broadcast_in_dim3A_53], %get3A_240 : memref<128x16xf32, #tpu.memory_space<vmem>>[vector<16xi32>, vector<16xi32>], vector<16xf32>,
      %get3A_241 = arith.index_cast %add3A_238 : i32 to index
      %get3A_242 = tpu.vector_load %arg8[%get3A_241] {strides = array<i32>} : memref<10240xf32, #tpu.memory_space<vmem>>, vector<16xf32>,
      tpu.vector_store_idx %arg10[%add3A_234, %add3A_56], %get3A_242 : memref<128x16xf32, #tpu.memory_space<vmem>>[vector<16xi32>, vector<16xi32>], vector<16xf32>,
      %add3A_243 = arith.constant 80 : i32
      %add3A_244 = vector.broadcast %add3A_243 : i32 to vector<16xi32>
      %add3A_245 = arith.addi %iota3A, %add3A_244 : vector<16xi32>
      %mul3A_246 = arith.constant 128 : i32
      %mul3A_247 = arith.muli %add3A_182, %mul3A_246 : i32
      %add3A_248 = arith.constant 80 : i32
      %add3A_249 = arith.addi %mul3A_247, %add3A_248 : i32
      %get3A_250 = arith.index_cast %add3A_249 : i32 to index
      %get3A_251 = tpu.vector_load %arg7[%get3A_250] {strides = array<i32>} : memref<10240xf32, #tpu.memory_space<vmem>>, vector<16xf32>,
      tpu.vector_store_idx %arg10[%add3A_245, %broadcast_in_dim3A_53], %get3A_251 : memref<128x16xf32, #tpu.memory_space<vmem>>[vector<16xi32>, vector<16xi32>], vector<16xf32>,
      %get3A_252 = arith.index_cast %add3A_249 : i32 to index
      %get3A_253 = tpu.vector_load %arg8[%get3A_252] {strides = array<i32>} : memref<10240xf32, #tpu.memory_space<vmem>>, vector<16xf32>,
      tpu.vector_store_idx %arg10[%add3A_245, %add3A_56], %get3A_253 : memref<128x16xf32, #tpu.memory_space<vmem>>[vector<16xi32>, vector<16xi32>], vector<16xf32>,
      %add3A_254 = arith.constant 96 : i32
      %add3A_255 = vector.broadcast %add3A_254 : i32 to vector<16xi32>
      %add3A_256 = arith.addi %iota3A, %add3A_255 : vector<16xi32>
      %mul3A_257 = arith.constant 128 : i32
      %mul3A_258 = arith.muli %add3A_182, %mul3A_257 : i32
      %add3A_259 = arith.constant 96 : i32
      %add3A_260 = arith.addi %mul3A_258, %add3A_259 : i32
      %get3A_261 = arith.index_cast %add3A_260 : i32 to index
      %get3A_262 = tpu.vector_load %arg7[%get3A_261] {strides = array<i32>} : memref<10240xf32, #tpu.memory_space<vmem>>, vector<16xf32>,
      tpu.vector_store_idx %arg10[%add3A_256, %broadcast_in_dim3A_53], %get3A_262 : memref<128x16xf32, #tpu.memory_space<vmem>>[vector<16xi32>, vector<16xi32>], vector<16xf32>,
      %get3A_263 = arith.index_cast %add3A_260 : i32 to index
      %get3A_264 = tpu.vector_load %arg8[%get3A_263] {strides = array<i32>} : memref<10240xf32, #tpu.memory_space<vmem>>, vector<16xf32>,
      tpu.vector_store_idx %arg10[%add3A_256, %add3A_56], %get3A_264 : memref<128x16xf32, #tpu.memory_space<vmem>>[vector<16xi32>, vector<16xi32>], vector<16xf32>,
      %add3A_265 = arith.constant 112 : i32
      %add3A_266 = vector.broadcast %add3A_265 : i32 to vector<16xi32>
      %add3A_267 = arith.addi %iota3A, %add3A_266 : vector<16xi32>
      %mul3A_268 = arith.constant 128 : i32
      %mul3A_269 = arith.muli %add3A_182, %mul3A_268 : i32
      %add3A_270 = arith.constant 112 : i32
      %add3A_271 = arith.addi %mul3A_269, %add3A_270 : i32
      %get3A_272 = arith.index_cast %add3A_271 : i32 to index
      %get3A_273 = tpu.vector_load %arg7[%get3A_272] {strides = array<i32>} : memref<10240xf32, #tpu.memory_space<vmem>>, vector<16xf32>,
      tpu.vector_store_idx %arg10[%add3A_267, %broadcast_in_dim3A_53], %get3A_273 : memref<128x16xf32, #tpu.memory_space<vmem>>[vector<16xi32>, vector<16xi32>], vector<16xf32>,
      %get3A_274 = arith.index_cast %add3A_271 : i32 to index
      %get3A_275 = tpu.vector_load %arg8[%get3A_274] {strides = array<i32>} : memref<10240xf32, #tpu.memory_space<vmem>>, vector<16xf32>,
      tpu.vector_store_idx %arg10[%add3A_267, %add3A_56], %get3A_275 : memref<128x16xf32, #tpu.memory_space<vmem>>[vector<16xi32>, vector<16xi32>], vector<16xf32>,
      %dma_start3A_276 = arith.constant 0 : i32
      %dma_start3A_277 = tpu.memref_slice %arg6[%add3A_182, %dma_start3A_276] : memref<80x128xi32, #tpu.memory_space<vmem>> -> memref<1x128xi32, #tpu.memory_space<vmem>>
      %dma_start3A_278 = tpu.memref_squeeze %dma_start3A_277 : memref<1x128xi32, #tpu.memory_space<vmem>> -> memref<128xi32, #tpu.memory_space<vmem>>
      %dma_start3A_279 = arith.constant 0 : i32
      %dma_start3A_280 = arith.constant 0 : i32
      %dma_start3A_281 = tpu.memref_slice %arg11[%dma_start3A_279, %dma_start3A_280] : memref<10240x16xf32, #tpu.memory_space<vmem_shared>> -> memref<10240x16xf32, #tpu.memory_space<vmem_shared>>
      tpu.enqueue_indirect_dma source(%arg10 : memref<128x16xf32, #tpu.memory_space<vmem>>) target(%dma_start3A_281 : memref<10240x16xf32, #tpu.memory_space<vmem_shared>>) offsets(%dma_start3A_278 : memref<128xi32, #tpu.memory_space<vmem>>) semaphore(%arg13 : memref<!tpu.dma_semaphore, #tpu.memory_space<semaphore_mem>>) {add = true}
    }
    %scan3A_61 = arith.constant 40 : i32
    %dma_wait3A = arith.constant 0 : i32
    %dma_wait3A_62 = arith.constant 0 : i32
    %dma_wait3A_63 = tpu.memref_slice %arg6[%dma_wait3A, %dma_wait3A_62] : memref<80x128xi32, #tpu.memory_space<vmem>> -> memref<1x128xi32, #tpu.memory_space<vmem>>
    %dma_wait3A_64 = tpu.memref_squeeze %dma_wait3A_63 : memref<1x128xi32, #tpu.memory_space<vmem>> -> memref<128xi32, #tpu.memory_space<vmem>>
    %dma_wait3A_65 = arith.constant 0 : i32
    %dma_wait3A_66 = arith.constant 0 : i32
    %dma_wait3A_67 = tpu.memref_slice %arg11[%dma_wait3A_65, %dma_wait3A_66] : memref<10240x16xf32, #tpu.memory_space<vmem_shared>> -> memref<10240x16xf32, #tpu.memory_space<vmem_shared>>
    tpu.wait_indirect_dma semaphore(%arg12 : memref<!tpu.dma_semaphore, #tpu.memory_space<semaphore_mem>>) src(%arg9 : memref<128x16xf32, #tpu.memory_space<vmem>>) dst(%dma_wait3A_67 : memref<10240x16xf32, #tpu.memory_space<vmem_shared>>)
    %dma_wait3A_68 = arith.constant 0 : i32
    %dma_wait3A_69 = arith.constant 0 : i32
    %dma_wait3A_70 = tpu.memref_slice %arg6[%dma_wait3A_68, %dma_wait3A_69] : memref<80x128xi32, #tpu.memory_space<vmem>> -> memref<1x128xi32, #tpu.memory_space<vmem>>
    %dma_wait3A_71 = tpu.memref_squeeze %dma_wait3A_70 : memref<1x128xi32, #tpu.memory_space<vmem>> -> memref<128xi32, #tpu.memory_space<vmem>>
    %dma_wait3A_72 = arith.constant 0 : i32
    %dma_wait3A_73 = arith.constant 0 : i32
    %dma_wait3A_74 = tpu.memref_slice %arg11[%dma_wait3A_72, %dma_wait3A_73] : memref<10240x16xf32, #tpu.memory_space<vmem_shared>> -> memref<10240x16xf32, #tpu.memory_space<vmem_shared>>
    tpu.wait_indirect_dma semaphore(%arg13 : memref<!tpu.dma_semaphore, #tpu.memory_space<semaphore_mem>>) src(%arg10 : memref<128x16xf32, #tpu.memory_space<vmem>>) dst(%dma_wait3A_74 : memref<10240x16xf32, #tpu.memory_space<vmem_shared>>)
    %barrier3A_75 = arith.constant 0 : index
    tpu.barrier barrier_id(%barrier3A_75)
    "tpu.region"() ({
      %run_scoped3A = tpu.sem_alloc : memref<!tpu.dma_semaphore, #tpu.memory_space<semaphore_mem>>
      %dma_start3A = arith.constant 0 : i32
      %dma_start3A_76 = tpu.memref_slice %arg5[%arg0, %mul3A_2, %dma_start3A] : memref<2x10240x16xf32, #tpu.memory_space<hbm>> -> memref<1x640x16xf32, #tpu.memory_space<hbm>>
      %dma_start3A_77 = tpu.memref_squeeze %dma_start3A_76 : memref<1x640x16xf32, #tpu.memory_space<hbm>> -> memref<640x16xf32, #tpu.memory_space<hbm>>
      %dma_start3A_78 = arith.constant 0 : i32
      %dma_start3A_79 = tpu.memref_slice %arg11[%mul3A_2, %dma_start3A_78] : memref<10240x16xf32, #tpu.memory_space<vmem_shared>> -> memref<640x16xf32, #tpu.memory_space<vmem_shared>>
      tpu.enqueue_dma source(%dma_start3A_79 : memref<640x16xf32, #tpu.memory_space<vmem_shared>>) target(%dma_start3A_77 : memref<640x16xf32, #tpu.memory_space<hbm>>) target_semaphore(%run_scoped3A : memref<!tpu.dma_semaphore, #tpu.memory_space<semaphore_mem>>)
      %dma_wait3A_80 = arith.constant 0 : i32
      %dma_wait3A_81 = tpu.memref_slice %arg5[%arg0, %mul3A_2, %dma_wait3A_80] : memref<2x10240x16xf32, #tpu.memory_space<hbm>> -> memref<1x640x16xf32, #tpu.memory_space<hbm>>
      %dma_wait3A_82 = tpu.memref_squeeze %dma_wait3A_81 : memref<1x640x16xf32, #tpu.memory_space<hbm>> -> memref<640x16xf32, #tpu.memory_space<hbm>>
      %dma_wait3A_83 = arith.constant 0 : i32
      %dma_wait3A_84 = tpu.memref_slice %arg11[%mul3A_2, %dma_wait3A_83] : memref<10240x16xf32, #tpu.memory_space<vmem_shared>> -> memref<640x16xf32, #tpu.memory_space<vmem_shared>>
      tpu.wait_dma2 semaphore(%run_scoped3A : memref<!tpu.dma_semaphore, #tpu.memory_space<semaphore_mem>>) src(%dma_wait3A_84 : memref<640x16xf32, #tpu.memory_space<vmem_shared>>) dst(%dma_wait3A_82 : memref<640x16xf32, #tpu.memory_space<hbm>>)
      tpu.yield
    }) : () -> ()
    return
  }
}

#map = affine_map<(d0, d1) -> (0, 0)>
#map1 = affine_map<(d0, d1) -> (0, 0, 0)>
module attributes {stable_mosaic.version = 14 : i64} {
  func.func @body(%arg0: i32, %arg1: i32, %arg2: memref<10240x16xf32, #tpu.memory_space<hbm>>, %arg3: memref<32x80x128xi32, #tpu.memory_space<hbm>>, %arg4: memref<32x80x128xi32, #tpu.memory_space<hbm>>, %arg5: memref<2x10240x16xf32, #tpu.memory_space<hbm>>, %arg6: memref<80x128xi32, #tpu.memory_space<vmem>>, %arg7: memref<80x128xi32, #tpu.memory_space<vmem>>, %arg8: memref<128x16xf32, #tpu.memory_space<vmem>>, %arg9: memref<128x16xf32, #tpu.memory_space<vmem>>, %arg10: memref<128x16xf32, #tpu.memory_space<vmem>>, %arg11: memref<128x16xf32, #tpu.memory_space<vmem>>, %arg12: memref<128x16xf32, #tpu.memory_space<vmem>>, %arg13: memref<128x16xf32, #tpu.memory_space<vmem>>, %arg14: memref<128x16xf32, #tpu.memory_space<vmem>>, %arg15: memref<128x16xf32, #tpu.memory_space<vmem>>, %arg16: memref<10240x16xf32, #tpu.memory_space<vmem_shared>>, %arg17: memref<!tpu.dma_semaphore, #tpu.memory_space<semaphore_mem>>, %arg18: memref<!tpu.dma_semaphore, #tpu.memory_space<semaphore_mem>>, %arg19: memref<!tpu.dma_semaphore, #tpu.memory_space<semaphore_mem>>, %arg20: memref<!tpu.dma_semaphore, #tpu.memory_space<semaphore_mem>>, %arg21: memref<!tpu.dma_semaphore, #tpu.memory_space<semaphore_mem>>, %arg22: memref<!tpu.dma_semaphore, #tpu.memory_space<semaphore_mem>>, %arg23: memref<!tpu.dma_semaphore, #tpu.memory_space<semaphore_mem>>, %arg24: memref<!tpu.dma_semaphore, #tpu.memory_space<semaphore_mem>>, %arg25: memref<!tpu.dma_semaphore, #tpu.memory_space<semaphore_mem>>, %arg26: memref<!tpu.dma_semaphore, #tpu.memory_space<semaphore_mem>>, %arg27: memref<!tpu.dma_semaphore, #tpu.memory_space<semaphore_mem>>, %arg28: memref<!tpu.dma_semaphore, #tpu.memory_space<semaphore_mem>>, %arg29: memref<!tpu.dma_semaphore, #tpu.memory_space<semaphore_mem>>, %arg30: memref<!tpu.dma_semaphore, #tpu.memory_space<semaphore_mem>>, %arg31: memref<!tpu.dma_semaphore, #tpu.memory_space<semaphore_mem>>, %arg32: memref<!tpu.dma_semaphore, #tpu.memory_space<semaphore_mem>>) attributes {dimension_semantics = [#tpu.dimension_semantics<core_parallel>, #tpu.dimension_semantics<subcore_parallel>], iteration_bounds = array<i64: 2, 16>, scalar_prefetch = 0 : i64, scratch_operands = 27 : i64, tpu.core_type = #tpu.core_type<sc_vector_subcore>, window_params = [{transform_indices = #map}, {transform_indices = #map1}, {transform_indices = #map1}, {transform_indices = #map1}]} {
    %mul3A = arith.constant 2 : i32
    %mul3A_0 = arith.muli %arg1, %mul3A : i32
    %add3A = arith.addi %mul3A_0, %arg0 : i32
    %mul3A_1 = arith.constant 640 : i32
    %mul3A_2 = arith.muli %arg1, %mul3A_1 : i32
    %mul3A_3 = arith.constant 10240 : i32
    %mul3A_4 = arith.muli %add3A, %mul3A_3 : i32
    %scan3A = arith.constant 0 : i32
    %scan3A_5 = arith.constant 128 : i32
    %scan3A_6 = arith.addi %scan3A, %scan3A_5 : i32
    %scan3A_7 = arith.constant 1 : i32
    scf.for %scan3A_247 = %scan3A to %scan3A_6 step %scan3A_7  : i32 {
      %mul3A_248 = arith.constant 1 : i32
      %mul3A_249 = arith.muli %scan3A_247, %mul3A_248 : i32
      %add3A_250 = arith.constant 0 : i32
      %add3A_251 = arith.addi %add3A_250, %mul3A_249 : i32
      %broadcast_in_dim3A = arith.constant 0.000000e+00 : f32
      %broadcast_in_dim3A_252 = vector.broadcast %broadcast_in_dim3A : f32 to vector<16xf32>
      %swap3A = arith.index_cast %add3A_251 : i32 to index
      %swap3A_253 = arith.constant 0 : index
      %swap3A_254 = tpu.vector_load %arg8[%swap3A, %swap3A_253] {strides = array<i32>} : memref<128x16xf32, #tpu.memory_space<vmem>>, vector<1x16xf32>,
      %swap3A_255 = vector.shape_cast %swap3A_254 : vector<1x16xf32> to vector<16xf32>
      %swap3A_256 = vector.shape_cast %broadcast_in_dim3A_252 : vector<16xf32> to vector<1x16xf32>
      tpu.vector_store %arg8[%swap3A, %swap3A_253], %swap3A_256 {strides = array<i32>} : memref<128x16xf32, #tpu.memory_space<vmem>>, vector<1x16xf32>,
    }
    %scan3A_8 = arith.constant 128 : i32
    %add3A_9 = arith.constant 0 : i32
    %add3A_10 = arith.addi %mul3A_2, %add3A_9 : i32
    "tpu.region"() ({
      %run_scoped3A = tpu.sem_alloc : memref<!tpu.dma_semaphore, #tpu.memory_space<semaphore_mem>>
      %dma_start3A_247 = arith.constant 0 : i32
      %dma_start3A_248 = tpu.memref_slice %arg16[%add3A_10, %dma_start3A_247] : memref<10240x16xf32, #tpu.memory_space<vmem_shared>> -> memref<128x16xf32, #tpu.memory_space<vmem_shared>>
      %dma_start3A_249 = arith.constant 0 : i32
      %dma_start3A_250 = tpu.memref_slice %arg16[%add3A_10, %dma_start3A_249] : memref<10240x16xf32, #tpu.memory_space<vmem_shared>> -> memref<128x16xf32, #tpu.memory_space<vmem_shared>>
      tpu.enqueue_dma source(%arg8 : memref<128x16xf32, #tpu.memory_space<vmem>>) target(%dma_start3A_250 : memref<128x16xf32, #tpu.memory_space<vmem_shared>>) target_semaphore(%run_scoped3A : memref<!tpu.dma_semaphore, #tpu.memory_space<semaphore_mem>>)
      %dma_wait3A_251 = arith.constant 0 : i32
      %dma_wait3A_252 = tpu.memref_slice %arg16[%add3A_10, %dma_wait3A_251] : memref<10240x16xf32, #tpu.memory_space<vmem_shared>> -> memref<128x16xf32, #tpu.memory_space<vmem_shared>>
      %dma_wait3A_253 = arith.constant 0 : i32
      %dma_wait3A_254 = tpu.memref_slice %arg16[%add3A_10, %dma_wait3A_253] : memref<10240x16xf32, #tpu.memory_space<vmem_shared>> -> memref<128x16xf32, #tpu.memory_space<vmem_shared>>
      tpu.wait_dma2 semaphore(%run_scoped3A : memref<!tpu.dma_semaphore, #tpu.memory_space<semaphore_mem>>) src(%arg8 : memref<128x16xf32, #tpu.memory_space<vmem>>) dst(%dma_wait3A_254 : memref<128x16xf32, #tpu.memory_space<vmem_shared>>)
      tpu.yield
    }) : () -> ()
    %add3A_11 = arith.constant 128 : i32
    %add3A_12 = arith.addi %mul3A_2, %add3A_11 : i32
    "tpu.region"() ({
      %run_scoped3A = tpu.sem_alloc : memref<!tpu.dma_semaphore, #tpu.memory_space<semaphore_mem>>
      %dma_start3A_247 = arith.constant 0 : i32
      %dma_start3A_248 = tpu.memref_slice %arg16[%add3A_12, %dma_start3A_247] : memref<10240x16xf32, #tpu.memory_space<vmem_shared>> -> memref<128x16xf32, #tpu.memory_space<vmem_shared>>
      %dma_start3A_249 = arith.constant 0 : i32
      %dma_start3A_250 = tpu.memref_slice %arg16[%add3A_12, %dma_start3A_249] : memref<10240x16xf32, #tpu.memory_space<vmem_shared>> -> memref<128x16xf32, #tpu.memory_space<vmem_shared>>
      tpu.enqueue_dma source(%arg8 : memref<128x16xf32, #tpu.memory_space<vmem>>) target(%dma_start3A_250 : memref<128x16xf32, #tpu.memory_space<vmem_shared>>) target_semaphore(%run_scoped3A : memref<!tpu.dma_semaphore, #tpu.memory_space<semaphore_mem>>)
      %dma_wait3A_251 = arith.constant 0 : i32
      %dma_wait3A_252 = tpu.memref_slice %arg16[%add3A_12, %dma_wait3A_251] : memref<10240x16xf32, #tpu.memory_space<vmem_shared>> -> memref<128x16xf32, #tpu.memory_space<vmem_shared>>
      %dma_wait3A_253 = arith.constant 0 : i32
      %dma_wait3A_254 = tpu.memref_slice %arg16[%add3A_12, %dma_wait3A_253] : memref<10240x16xf32, #tpu.memory_space<vmem_shared>> -> memref<128x16xf32, #tpu.memory_space<vmem_shared>>
      tpu.wait_dma2 semaphore(%run_scoped3A : memref<!tpu.dma_semaphore, #tpu.memory_space<semaphore_mem>>) src(%arg8 : memref<128x16xf32, #tpu.memory_space<vmem>>) dst(%dma_wait3A_254 : memref<128x16xf32, #tpu.memory_space<vmem_shared>>)
      tpu.yield
    }) : () -> ()
    %add3A_13 = arith.constant 256 : i32
    %add3A_14 = arith.addi %mul3A_2, %add3A_13 : i32
    "tpu.region"() ({
      %run_scoped3A = tpu.sem_alloc : memref<!tpu.dma_semaphore, #tpu.memory_space<semaphore_mem>>
      %dma_start3A_247 = arith.constant 0 : i32
      %dma_start3A_248 = tpu.memref_slice %arg16[%add3A_14, %dma_start3A_247] : memref<10240x16xf32, #tpu.memory_space<vmem_shared>> -> memref<128x16xf32, #tpu.memory_space<vmem_shared>>
      %dma_start3A_249 = arith.constant 0 : i32
      %dma_start3A_250 = tpu.memref_slice %arg16[%add3A_14, %dma_start3A_249] : memref<10240x16xf32, #tpu.memory_space<vmem_shared>> -> memref<128x16xf32, #tpu.memory_space<vmem_shared>>
      tpu.enqueue_dma source(%arg8 : memref<128x16xf32, #tpu.memory_space<vmem>>) target(%dma_start3A_250 : memref<128x16xf32, #tpu.memory_space<vmem_shared>>) target_semaphore(%run_scoped3A : memref<!tpu.dma_semaphore, #tpu.memory_space<semaphore_mem>>)
      %dma_wait3A_251 = arith.constant 0 : i32
      %dma_wait3A_252 = tpu.memref_slice %arg16[%add3A_14, %dma_wait3A_251] : memref<10240x16xf32, #tpu.memory_space<vmem_shared>> -> memref<128x16xf32, #tpu.memory_space<vmem_shared>>
      %dma_wait3A_253 = arith.constant 0 : i32
      %dma_wait3A_254 = tpu.memref_slice %arg16[%add3A_14, %dma_wait3A_253] : memref<10240x16xf32, #tpu.memory_space<vmem_shared>> -> memref<128x16xf32, #tpu.memory_space<vmem_shared>>
      tpu.wait_dma2 semaphore(%run_scoped3A : memref<!tpu.dma_semaphore, #tpu.memory_space<semaphore_mem>>) src(%arg8 : memref<128x16xf32, #tpu.memory_space<vmem>>) dst(%dma_wait3A_254 : memref<128x16xf32, #tpu.memory_space<vmem_shared>>)
      tpu.yield
    }) : () -> ()
    %add3A_15 = arith.constant 384 : i32
    %add3A_16 = arith.addi %mul3A_2, %add3A_15 : i32
    "tpu.region"() ({
      %run_scoped3A = tpu.sem_alloc : memref<!tpu.dma_semaphore, #tpu.memory_space<semaphore_mem>>
      %dma_start3A_247 = arith.constant 0 : i32
      %dma_start3A_248 = tpu.memref_slice %arg16[%add3A_16, %dma_start3A_247] : memref<10240x16xf32, #tpu.memory_space<vmem_shared>> -> memref<128x16xf32, #tpu.memory_space<vmem_shared>>
      %dma_start3A_249 = arith.constant 0 : i32
      %dma_start3A_250 = tpu.memref_slice %arg16[%add3A_16, %dma_start3A_249] : memref<10240x16xf32, #tpu.memory_space<vmem_shared>> -> memref<128x16xf32, #tpu.memory_space<vmem_shared>>
      tpu.enqueue_dma source(%arg8 : memref<128x16xf32, #tpu.memory_space<vmem>>) target(%dma_start3A_250 : memref<128x16xf32, #tpu.memory_space<vmem_shared>>) target_semaphore(%run_scoped3A : memref<!tpu.dma_semaphore, #tpu.memory_space<semaphore_mem>>)
      %dma_wait3A_251 = arith.constant 0 : i32
      %dma_wait3A_252 = tpu.memref_slice %arg16[%add3A_16, %dma_wait3A_251] : memref<10240x16xf32, #tpu.memory_space<vmem_shared>> -> memref<128x16xf32, #tpu.memory_space<vmem_shared>>
      %dma_wait3A_253 = arith.constant 0 : i32
      %dma_wait3A_254 = tpu.memref_slice %arg16[%add3A_16, %dma_wait3A_253] : memref<10240x16xf32, #tpu.memory_space<vmem_shared>> -> memref<128x16xf32, #tpu.memory_space<vmem_shared>>
      tpu.wait_dma2 semaphore(%run_scoped3A : memref<!tpu.dma_semaphore, #tpu.memory_space<semaphore_mem>>) src(%arg8 : memref<128x16xf32, #tpu.memory_space<vmem>>) dst(%dma_wait3A_254 : memref<128x16xf32, #tpu.memory_space<vmem_shared>>)
      tpu.yield
    }) : () -> ()
    %add3A_17 = arith.constant 512 : i32
    %add3A_18 = arith.addi %mul3A_2, %add3A_17 : i32
    "tpu.region"() ({
      %run_scoped3A = tpu.sem_alloc : memref<!tpu.dma_semaphore, #tpu.memory_space<semaphore_mem>>
      %dma_start3A_247 = arith.constant 0 : i32
      %dma_start3A_248 = tpu.memref_slice %arg16[%add3A_18, %dma_start3A_247] : memref<10240x16xf32, #tpu.memory_space<vmem_shared>> -> memref<128x16xf32, #tpu.memory_space<vmem_shared>>
      %dma_start3A_249 = arith.constant 0 : i32
      %dma_start3A_250 = tpu.memref_slice %arg16[%add3A_18, %dma_start3A_249] : memref<10240x16xf32, #tpu.memory_space<vmem_shared>> -> memref<128x16xf32, #tpu.memory_space<vmem_shared>>
      tpu.enqueue_dma source(%arg8 : memref<128x16xf32, #tpu.memory_space<vmem>>) target(%dma_start3A_250 : memref<128x16xf32, #tpu.memory_space<vmem_shared>>) target_semaphore(%run_scoped3A : memref<!tpu.dma_semaphore, #tpu.memory_space<semaphore_mem>>)
      %dma_wait3A_251 = arith.constant 0 : i32
      %dma_wait3A_252 = tpu.memref_slice %arg16[%add3A_18, %dma_wait3A_251] : memref<10240x16xf32, #tpu.memory_space<vmem_shared>> -> memref<128x16xf32, #tpu.memory_space<vmem_shared>>
      %dma_wait3A_253 = arith.constant 0 : i32
      %dma_wait3A_254 = tpu.memref_slice %arg16[%add3A_18, %dma_wait3A_253] : memref<10240x16xf32, #tpu.memory_space<vmem_shared>> -> memref<128x16xf32, #tpu.memory_space<vmem_shared>>
      tpu.wait_dma2 semaphore(%run_scoped3A : memref<!tpu.dma_semaphore, #tpu.memory_space<semaphore_mem>>) src(%arg8 : memref<128x16xf32, #tpu.memory_space<vmem>>) dst(%dma_wait3A_254 : memref<128x16xf32, #tpu.memory_space<vmem_shared>>)
      tpu.yield
    }) : () -> ()
    "tpu.region"() ({
      %run_scoped3A = tpu.sem_alloc : memref<!tpu.dma_semaphore, #tpu.memory_space<semaphore_mem>>
      %dma_start3A_247 = arith.constant 0 : i32
      %dma_start3A_248 = arith.constant 0 : i32
      %dma_start3A_249 = tpu.memref_slice %arg4[%add3A, %dma_start3A_247, %dma_start3A_248] : memref<32x80x128xi32, #tpu.memory_space<hbm>> -> memref<1x80x128xi32, #tpu.memory_space<hbm>>
      %dma_start3A_250 = tpu.memref_squeeze %dma_start3A_249 : memref<1x80x128xi32, #tpu.memory_space<hbm>> -> memref<80x128xi32, #tpu.memory_space<hbm>>
      %dma_start3A_251 = arith.constant 0 : i32
      %dma_start3A_252 = arith.constant 0 : i32
      %dma_start3A_253 = tpu.memref_slice %arg4[%add3A, %dma_start3A_251, %dma_start3A_252] : memref<32x80x128xi32, #tpu.memory_space<hbm>> -> memref<1x80x128xi32, #tpu.memory_space<hbm>>
      %dma_start3A_254 = tpu.memref_squeeze %dma_start3A_253 : memref<1x80x128xi32, #tpu.memory_space<hbm>> -> memref<80x128xi32, #tpu.memory_space<hbm>>
      tpu.enqueue_dma source(%dma_start3A_254 : memref<80x128xi32, #tpu.memory_space<hbm>>) target(%arg6 : memref<80x128xi32, #tpu.memory_space<vmem>>) target_semaphore(%run_scoped3A : memref<!tpu.dma_semaphore, #tpu.memory_space<semaphore_mem>>)
      %dma_wait3A_255 = arith.constant 0 : i32
      %dma_wait3A_256 = arith.constant 0 : i32
      %dma_wait3A_257 = tpu.memref_slice %arg4[%add3A, %dma_wait3A_255, %dma_wait3A_256] : memref<32x80x128xi32, #tpu.memory_space<hbm>> -> memref<1x80x128xi32, #tpu.memory_space<hbm>>
      %dma_wait3A_258 = tpu.memref_squeeze %dma_wait3A_257 : memref<1x80x128xi32, #tpu.memory_space<hbm>> -> memref<80x128xi32, #tpu.memory_space<hbm>>
      %dma_wait3A_259 = arith.constant 0 : i32
      %dma_wait3A_260 = arith.constant 0 : i32
      %dma_wait3A_261 = tpu.memref_slice %arg4[%add3A, %dma_wait3A_259, %dma_wait3A_260] : memref<32x80x128xi32, #tpu.memory_space<hbm>> -> memref<1x80x128xi32, #tpu.memory_space<hbm>>
      %dma_wait3A_262 = tpu.memref_squeeze %dma_wait3A_261 : memref<1x80x128xi32, #tpu.memory_space<hbm>> -> memref<80x128xi32, #tpu.memory_space<hbm>>
      tpu.wait_dma2 semaphore(%run_scoped3A : memref<!tpu.dma_semaphore, #tpu.memory_space<semaphore_mem>>) src(%dma_wait3A_262 : memref<80x128xi32, #tpu.memory_space<hbm>>) dst(%arg6 : memref<80x128xi32, #tpu.memory_space<vmem>>)
      tpu.yield
    }) : () -> ()
    "tpu.region"() ({
      %run_scoped3A = tpu.sem_alloc : memref<!tpu.dma_semaphore, #tpu.memory_space<semaphore_mem>>
      %dma_start3A_247 = arith.constant 0 : i32
      %dma_start3A_248 = arith.constant 0 : i32
      %dma_start3A_249 = tpu.memref_slice %arg3[%add3A, %dma_start3A_247, %dma_start3A_248] : memref<32x80x128xi32, #tpu.memory_space<hbm>> -> memref<1x80x128xi32, #tpu.memory_space<hbm>>
      %dma_start3A_250 = tpu.memref_squeeze %dma_start3A_249 : memref<1x80x128xi32, #tpu.memory_space<hbm>> -> memref<80x128xi32, #tpu.memory_space<hbm>>
      %dma_start3A_251 = arith.constant 0 : i32
      %dma_start3A_252 = arith.constant 0 : i32
      %dma_start3A_253 = tpu.memref_slice %arg3[%add3A, %dma_start3A_251, %dma_start3A_252] : memref<32x80x128xi32, #tpu.memory_space<hbm>> -> memref<1x80x128xi32, #tpu.memory_space<hbm>>
      %dma_start3A_254 = tpu.memref_squeeze %dma_start3A_253 : memref<1x80x128xi32, #tpu.memory_space<hbm>> -> memref<80x128xi32, #tpu.memory_space<hbm>>
      tpu.enqueue_dma source(%dma_start3A_254 : memref<80x128xi32, #tpu.memory_space<hbm>>) target(%arg7 : memref<80x128xi32, #tpu.memory_space<vmem>>) target_semaphore(%run_scoped3A : memref<!tpu.dma_semaphore, #tpu.memory_space<semaphore_mem>>)
      %dma_wait3A_255 = arith.constant 0 : i32
      %dma_wait3A_256 = arith.constant 0 : i32
      %dma_wait3A_257 = tpu.memref_slice %arg3[%add3A, %dma_wait3A_255, %dma_wait3A_256] : memref<32x80x128xi32, #tpu.memory_space<hbm>> -> memref<1x80x128xi32, #tpu.memory_space<hbm>>
      %dma_wait3A_258 = tpu.memref_squeeze %dma_wait3A_257 : memref<1x80x128xi32, #tpu.memory_space<hbm>> -> memref<80x128xi32, #tpu.memory_space<hbm>>
      %dma_wait3A_259 = arith.constant 0 : i32
      %dma_wait3A_260 = arith.constant 0 : i32
      %dma_wait3A_261 = tpu.memref_slice %arg3[%add3A, %dma_wait3A_259, %dma_wait3A_260] : memref<32x80x128xi32, #tpu.memory_space<hbm>> -> memref<1x80x128xi32, #tpu.memory_space<hbm>>
      %dma_wait3A_262 = tpu.memref_squeeze %dma_wait3A_261 : memref<1x80x128xi32, #tpu.memory_space<hbm>> -> memref<80x128xi32, #tpu.memory_space<hbm>>
      tpu.wait_dma2 semaphore(%run_scoped3A : memref<!tpu.dma_semaphore, #tpu.memory_space<semaphore_mem>>) src(%dma_wait3A_262 : memref<80x128xi32, #tpu.memory_space<hbm>>) dst(%arg7 : memref<80x128xi32, #tpu.memory_space<vmem>>)
      tpu.yield
    }) : () -> ()
    %barrier3A = arith.constant 0 : index
    tpu.barrier barrier_id(%barrier3A)
    %dma_start3A = arith.constant 0 : i32
    %dma_start3A_19 = arith.constant 0 : i32
    %dma_start3A_20 = tpu.memref_slice %arg7[%dma_start3A, %dma_start3A_19] : memref<80x128xi32, #tpu.memory_space<vmem>> -> memref<1x128xi32, #tpu.memory_space<vmem>>
    %dma_start3A_21 = tpu.memref_squeeze %dma_start3A_20 : memref<1x128xi32, #tpu.memory_space<vmem>> -> memref<128xi32, #tpu.memory_space<vmem>>
    %dma_start3A_22 = arith.constant 0 : i32
    %dma_start3A_23 = arith.constant 0 : i32
    %dma_start3A_24 = tpu.memref_slice %arg2[%dma_start3A_22, %dma_start3A_23] : memref<10240x16xf32, #tpu.memory_space<hbm>> -> memref<10240x16xf32, #tpu.memory_space<hbm>>
    tpu.enqueue_indirect_dma source(%dma_start3A_24 : memref<10240x16xf32, #tpu.memory_space<hbm>>) target(%arg8 : memref<128x16xf32, #tpu.memory_space<vmem>>) offsets(%dma_start3A_21 : memref<128xi32, #tpu.memory_space<vmem>>) semaphore(%arg17 : memref<!tpu.dma_semaphore, #tpu.memory_space<semaphore_mem>>)
    %dma_start3A_25 = arith.constant 1 : i32
    %dma_start3A_26 = arith.constant 0 : i32
    %dma_start3A_27 = tpu.memref_slice %arg7[%dma_start3A_25, %dma_start3A_26] : memref<80x128xi32, #tpu.memory_space<vmem>> -> memref<1x128xi32, #tpu.memory_space<vmem>>
    %dma_start3A_28 = tpu.memref_squeeze %dma_start3A_27 : memref<1x128xi32, #tpu.memory_space<vmem>> -> memref<128xi32, #tpu.memory_space<vmem>>
    %dma_start3A_29 = arith.constant 0 : i32
    %dma_start3A_30 = arith.constant 0 : i32
    %dma_start3A_31 = tpu.memref_slice %arg2[%dma_start3A_29, %dma_start3A_30] : memref<10240x16xf32, #tpu.memory_space<hbm>> -> memref<10240x16xf32, #tpu.memory_space<hbm>>
    tpu.enqueue_indirect_dma source(%dma_start3A_31 : memref<10240x16xf32, #tpu.memory_space<hbm>>) target(%arg9 : memref<128x16xf32, #tpu.memory_space<vmem>>) offsets(%dma_start3A_28 : memref<128xi32, #tpu.memory_space<vmem>>) semaphore(%arg18 : memref<!tpu.dma_semaphore, #tpu.memory_space<semaphore_mem>>)
    %dma_start3A_32 = arith.constant 2 : i32
    %dma_start3A_33 = arith.constant 0 : i32
    %dma_start3A_34 = tpu.memref_slice %arg7[%dma_start3A_32, %dma_start3A_33] : memref<80x128xi32, #tpu.memory_space<vmem>> -> memref<1x128xi32, #tpu.memory_space<vmem>>
    %dma_start3A_35 = tpu.memref_squeeze %dma_start3A_34 : memref<1x128xi32, #tpu.memory_space<vmem>> -> memref<128xi32, #tpu.memory_space<vmem>>
    %dma_start3A_36 = arith.constant 0 : i32
    %dma_start3A_37 = arith.constant 0 : i32
    %dma_start3A_38 = tpu.memref_slice %arg2[%dma_start3A_36, %dma_start3A_37] : memref<10240x16xf32, #tpu.memory_space<hbm>> -> memref<10240x16xf32, #tpu.memory_space<hbm>>
    tpu.enqueue_indirect_dma source(%dma_start3A_38 : memref<10240x16xf32, #tpu.memory_space<hbm>>) target(%arg10 : memref<128x16xf32, #tpu.memory_space<vmem>>) offsets(%dma_start3A_35 : memref<128xi32, #tpu.memory_space<vmem>>) semaphore(%arg19 : memref<!tpu.dma_semaphore, #tpu.memory_space<semaphore_mem>>)
    %dma_start3A_39 = arith.constant 3 : i32
    %dma_start3A_40 = arith.constant 0 : i32
    %dma_start3A_41 = tpu.memref_slice %arg7[%dma_start3A_39, %dma_start3A_40] : memref<80x128xi32, #tpu.memory_space<vmem>> -> memref<1x128xi32, #tpu.memory_space<vmem>>
    %dma_start3A_42 = tpu.memref_squeeze %dma_start3A_41 : memref<1x128xi32, #tpu.memory_space<vmem>> -> memref<128xi32, #tpu.memory_space<vmem>>
    %dma_start3A_43 = arith.constant 0 : i32
    %dma_start3A_44 = arith.constant 0 : i32
    %dma_start3A_45 = tpu.memref_slice %arg2[%dma_start3A_43, %dma_start3A_44] : memref<10240x16xf32, #tpu.memory_space<hbm>> -> memref<10240x16xf32, #tpu.memory_space<hbm>>
    tpu.enqueue_indirect_dma source(%dma_start3A_45 : memref<10240x16xf32, #tpu.memory_space<hbm>>) target(%arg11 : memref<128x16xf32, #tpu.memory_space<vmem>>) offsets(%dma_start3A_42 : memref<128xi32, #tpu.memory_space<vmem>>) semaphore(%arg20 : memref<!tpu.dma_semaphore, #tpu.memory_space<semaphore_mem>>)
    %dma_start3A_46 = arith.constant 4 : i32
    %dma_start3A_47 = arith.constant 0 : i32
    %dma_start3A_48 = tpu.memref_slice %arg7[%dma_start3A_46, %dma_start3A_47] : memref<80x128xi32, #tpu.memory_space<vmem>> -> memref<1x128xi32, #tpu.memory_space<vmem>>
    %dma_start3A_49 = tpu.memref_squeeze %dma_start3A_48 : memref<1x128xi32, #tpu.memory_space<vmem>> -> memref<128xi32, #tpu.memory_space<vmem>>
    %dma_start3A_50 = arith.constant 0 : i32
    %dma_start3A_51 = arith.constant 0 : i32
    %dma_start3A_52 = tpu.memref_slice %arg2[%dma_start3A_50, %dma_start3A_51] : memref<10240x16xf32, #tpu.memory_space<hbm>> -> memref<10240x16xf32, #tpu.memory_space<hbm>>
    tpu.enqueue_indirect_dma source(%dma_start3A_52 : memref<10240x16xf32, #tpu.memory_space<hbm>>) target(%arg12 : memref<128x16xf32, #tpu.memory_space<vmem>>) offsets(%dma_start3A_49 : memref<128xi32, #tpu.memory_space<vmem>>) semaphore(%arg21 : memref<!tpu.dma_semaphore, #tpu.memory_space<semaphore_mem>>)
    %dma_start3A_53 = arith.constant 5 : i32
    %dma_start3A_54 = arith.constant 0 : i32
    %dma_start3A_55 = tpu.memref_slice %arg7[%dma_start3A_53, %dma_start3A_54] : memref<80x128xi32, #tpu.memory_space<vmem>> -> memref<1x128xi32, #tpu.memory_space<vmem>>
    %dma_start3A_56 = tpu.memref_squeeze %dma_start3A_55 : memref<1x128xi32, #tpu.memory_space<vmem>> -> memref<128xi32, #tpu.memory_space<vmem>>
    %dma_start3A_57 = arith.constant 0 : i32
    %dma_start3A_58 = arith.constant 0 : i32
    %dma_start3A_59 = tpu.memref_slice %arg2[%dma_start3A_57, %dma_start3A_58] : memref<10240x16xf32, #tpu.memory_space<hbm>> -> memref<10240x16xf32, #tpu.memory_space<hbm>>
    tpu.enqueue_indirect_dma source(%dma_start3A_59 : memref<10240x16xf32, #tpu.memory_space<hbm>>) target(%arg13 : memref<128x16xf32, #tpu.memory_space<vmem>>) offsets(%dma_start3A_56 : memref<128xi32, #tpu.memory_space<vmem>>) semaphore(%arg22 : memref<!tpu.dma_semaphore, #tpu.memory_space<semaphore_mem>>)
    %dma_start3A_60 = arith.constant 6 : i32
    %dma_start3A_61 = arith.constant 0 : i32
    %dma_start3A_62 = tpu.memref_slice %arg7[%dma_start3A_60, %dma_start3A_61] : memref<80x128xi32, #tpu.memory_space<vmem>> -> memref<1x128xi32, #tpu.memory_space<vmem>>
    %dma_start3A_63 = tpu.memref_squeeze %dma_start3A_62 : memref<1x128xi32, #tpu.memory_space<vmem>> -> memref<128xi32, #tpu.memory_space<vmem>>
    %dma_start3A_64 = arith.constant 0 : i32
    %dma_start3A_65 = arith.constant 0 : i32
    %dma_start3A_66 = tpu.memref_slice %arg2[%dma_start3A_64, %dma_start3A_65] : memref<10240x16xf32, #tpu.memory_space<hbm>> -> memref<10240x16xf32, #tpu.memory_space<hbm>>
    tpu.enqueue_indirect_dma source(%dma_start3A_66 : memref<10240x16xf32, #tpu.memory_space<hbm>>) target(%arg14 : memref<128x16xf32, #tpu.memory_space<vmem>>) offsets(%dma_start3A_63 : memref<128xi32, #tpu.memory_space<vmem>>) semaphore(%arg23 : memref<!tpu.dma_semaphore, #tpu.memory_space<semaphore_mem>>)
    %dma_start3A_67 = arith.constant 7 : i32
    %dma_start3A_68 = arith.constant 0 : i32
    %dma_start3A_69 = tpu.memref_slice %arg7[%dma_start3A_67, %dma_start3A_68] : memref<80x128xi32, #tpu.memory_space<vmem>> -> memref<1x128xi32, #tpu.memory_space<vmem>>
    %dma_start3A_70 = tpu.memref_squeeze %dma_start3A_69 : memref<1x128xi32, #tpu.memory_space<vmem>> -> memref<128xi32, #tpu.memory_space<vmem>>
    %dma_start3A_71 = arith.constant 0 : i32
    %dma_start3A_72 = arith.constant 0 : i32
    %dma_start3A_73 = tpu.memref_slice %arg2[%dma_start3A_71, %dma_start3A_72] : memref<10240x16xf32, #tpu.memory_space<hbm>> -> memref<10240x16xf32, #tpu.memory_space<hbm>>
    tpu.enqueue_indirect_dma source(%dma_start3A_73 : memref<10240x16xf32, #tpu.memory_space<hbm>>) target(%arg15 : memref<128x16xf32, #tpu.memory_space<vmem>>) offsets(%dma_start3A_70 : memref<128xi32, #tpu.memory_space<vmem>>) semaphore(%arg24 : memref<!tpu.dma_semaphore, #tpu.memory_space<semaphore_mem>>)
    %scan3A_74 = arith.constant 0 : i32
    %scan3A_75 = arith.constant 9 : i32
    %scan3A_76 = arith.addi %scan3A_74, %scan3A_75 : i32
    %scan3A_77 = arith.constant 1 : i32
    scf.for %scan3A_247 = %scan3A_74 to %scan3A_76 step %scan3A_77  : i32 {
      %mul3A_248 = arith.constant 1 : i32
      %mul3A_249 = arith.muli %scan3A_247, %mul3A_248 : i32
      %add3A_250 = arith.constant 0 : i32
      %add3A_251 = arith.addi %add3A_250, %mul3A_249 : i32
      %mul3A_252 = arith.constant 8 : i32
      %mul3A_253 = arith.muli %add3A_251, %mul3A_252 : i32
      %dma_wait3A_254 = arith.constant 0 : i32
      %dma_wait3A_255 = arith.constant 0 : i32
      %dma_wait3A_256 = tpu.memref_slice %arg7[%dma_wait3A_254, %dma_wait3A_255] : memref<80x128xi32, #tpu.memory_space<vmem>> -> memref<1x128xi32, #tpu.memory_space<vmem>>
      %dma_wait3A_257 = tpu.memref_squeeze %dma_wait3A_256 : memref<1x128xi32, #tpu.memory_space<vmem>> -> memref<128xi32, #tpu.memory_space<vmem>>
      %dma_wait3A_258 = arith.constant 0 : i32
      %dma_wait3A_259 = arith.constant 0 : i32
      %dma_wait3A_260 = tpu.memref_slice %arg2[%dma_wait3A_258, %dma_wait3A_259] : memref<10240x16xf32, #tpu.memory_space<hbm>> -> memref<10240x16xf32, #tpu.memory_space<hbm>>
      tpu.wait_indirect_dma semaphore(%arg17 : memref<!tpu.dma_semaphore, #tpu.memory_space<semaphore_mem>>) src(%dma_wait3A_260 : memref<10240x16xf32, #tpu.memory_space<hbm>>) dst(%arg8 : memref<128x16xf32, #tpu.memory_space<vmem>>)
      %add3A_261 = arith.constant 0 : i32
      %add3A_262 = arith.addi %mul3A_253, %add3A_261 : i32
      %dma_start3A_263 = arith.constant 0 : i32
      %dma_start3A_264 = tpu.memref_slice %arg6[%add3A_262, %dma_start3A_263] : memref<80x128xi32, #tpu.memory_space<vmem>> -> memref<1x128xi32, #tpu.memory_space<vmem>>
      %dma_start3A_265 = tpu.memref_squeeze %dma_start3A_264 : memref<1x128xi32, #tpu.memory_space<vmem>> -> memref<128xi32, #tpu.memory_space<vmem>>
      %dma_start3A_266 = arith.constant 0 : i32
      %dma_start3A_267 = arith.constant 0 : i32
      %dma_start3A_268 = tpu.memref_slice %arg16[%dma_start3A_266, %dma_start3A_267] : memref<10240x16xf32, #tpu.memory_space<vmem_shared>> -> memref<10240x16xf32, #tpu.memory_space<vmem_shared>>
      tpu.enqueue_indirect_dma source(%arg8 : memref<128x16xf32, #tpu.memory_space<vmem>>) target(%dma_start3A_268 : memref<10240x16xf32, #tpu.memory_space<vmem_shared>>) offsets(%dma_start3A_265 : memref<128xi32, #tpu.memory_space<vmem>>) semaphore(%arg25 : memref<!tpu.dma_semaphore, #tpu.memory_space<semaphore_mem>>) {add = true}
      %dma_wait3A_269 = arith.constant 0 : i32
      %dma_wait3A_270 = arith.constant 0 : i32
      %dma_wait3A_271 = tpu.memref_slice %arg7[%dma_wait3A_269, %dma_wait3A_270] : memref<80x128xi32, #tpu.memory_space<vmem>> -> memref<1x128xi32, #tpu.memory_space<vmem>>
      %dma_wait3A_272 = tpu.memref_squeeze %dma_wait3A_271 : memref<1x128xi32, #tpu.memory_space<vmem>> -> memref<128xi32, #tpu.memory_space<vmem>>
      %dma_wait3A_273 = arith.constant 0 : i32
      %dma_wait3A_274 = arith.constant 0 : i32
      %dma_wait3A_275 = tpu.memref_slice %arg2[%dma_wait3A_273, %dma_wait3A_274] : memref<10240x16xf32, #tpu.memory_space<hbm>> -> memref<10240x16xf32, #tpu.memory_space<hbm>>
      tpu.wait_indirect_dma semaphore(%arg18 : memref<!tpu.dma_semaphore, #tpu.memory_space<semaphore_mem>>) src(%dma_wait3A_275 : memref<10240x16xf32, #tpu.memory_space<hbm>>) dst(%arg9 : memref<128x16xf32, #tpu.memory_space<vmem>>)
      %add3A_276 = arith.constant 1 : i32
      %add3A_277 = arith.addi %mul3A_253, %add3A_276 : i32
      %dma_start3A_278 = arith.constant 0 : i32
      %dma_start3A_279 = tpu.memref_slice %arg6[%add3A_277, %dma_start3A_278] : memref<80x128xi32, #tpu.memory_space<vmem>> -> memref<1x128xi32, #tpu.memory_space<vmem>>
      %dma_start3A_280 = tpu.memref_squeeze %dma_start3A_279 : memref<1x128xi32, #tpu.memory_space<vmem>> -> memref<128xi32, #tpu.memory_space<vmem>>
      %dma_start3A_281 = arith.constant 0 : i32
      %dma_start3A_282 = arith.constant 0 : i32
      %dma_start3A_283 = tpu.memref_slice %arg16[%dma_start3A_281, %dma_start3A_282] : memref<10240x16xf32, #tpu.memory_space<vmem_shared>> -> memref<10240x16xf32, #tpu.memory_space<vmem_shared>>
      tpu.enqueue_indirect_dma source(%arg9 : memref<128x16xf32, #tpu.memory_space<vmem>>) target(%dma_start3A_283 : memref<10240x16xf32, #tpu.memory_space<vmem_shared>>) offsets(%dma_start3A_280 : memref<128xi32, #tpu.memory_space<vmem>>) semaphore(%arg26 : memref<!tpu.dma_semaphore, #tpu.memory_space<semaphore_mem>>) {add = true}
      %dma_wait3A_284 = arith.constant 0 : i32
      %dma_wait3A_285 = arith.constant 0 : i32
      %dma_wait3A_286 = tpu.memref_slice %arg7[%dma_wait3A_284, %dma_wait3A_285] : memref<80x128xi32, #tpu.memory_space<vmem>> -> memref<1x128xi32, #tpu.memory_space<vmem>>
      %dma_wait3A_287 = tpu.memref_squeeze %dma_wait3A_286 : memref<1x128xi32, #tpu.memory_space<vmem>> -> memref<128xi32, #tpu.memory_space<vmem>>
      %dma_wait3A_288 = arith.constant 0 : i32
      %dma_wait3A_289 = arith.constant 0 : i32
      %dma_wait3A_290 = tpu.memref_slice %arg2[%dma_wait3A_288, %dma_wait3A_289] : memref<10240x16xf32, #tpu.memory_space<hbm>> -> memref<10240x16xf32, #tpu.memory_space<hbm>>
      tpu.wait_indirect_dma semaphore(%arg19 : memref<!tpu.dma_semaphore, #tpu.memory_space<semaphore_mem>>) src(%dma_wait3A_290 : memref<10240x16xf32, #tpu.memory_space<hbm>>) dst(%arg10 : memref<128x16xf32, #tpu.memory_space<vmem>>)
      %add3A_291 = arith.constant 2 : i32
      %add3A_292 = arith.addi %mul3A_253, %add3A_291 : i32
      %dma_start3A_293 = arith.constant 0 : i32
      %dma_start3A_294 = tpu.memref_slice %arg6[%add3A_292, %dma_start3A_293] : memref<80x128xi32, #tpu.memory_space<vmem>> -> memref<1x128xi32, #tpu.memory_space<vmem>>
      %dma_start3A_295 = tpu.memref_squeeze %dma_start3A_294 : memref<1x128xi32, #tpu.memory_space<vmem>> -> memref<128xi32, #tpu.memory_space<vmem>>
      %dma_start3A_296 = arith.constant 0 : i32
      %dma_start3A_297 = arith.constant 0 : i32
      %dma_start3A_298 = tpu.memref_slice %arg16[%dma_start3A_296, %dma_start3A_297] : memref<10240x16xf32, #tpu.memory_space<vmem_shared>> -> memref<10240x16xf32, #tpu.memory_space<vmem_shared>>
      tpu.enqueue_indirect_dma source(%arg10 : memref<128x16xf32, #tpu.memory_space<vmem>>) target(%dma_start3A_298 : memref<10240x16xf32, #tpu.memory_space<vmem_shared>>) offsets(%dma_start3A_295 : memref<128xi32, #tpu.memory_space<vmem>>) semaphore(%arg27 : memref<!tpu.dma_semaphore, #tpu.memory_space<semaphore_mem>>) {add = true}
      %dma_wait3A_299 = arith.constant 0 : i32
      %dma_wait3A_300 = arith.constant 0 : i32
      %dma_wait3A_301 = tpu.memref_slice %arg7[%dma_wait3A_299, %dma_wait3A_300] : memref<80x128xi32, #tpu.memory_space<vmem>> -> memref<1x128xi32, #tpu.memory_space<vmem>>
      %dma_wait3A_302 = tpu.memref_squeeze %dma_wait3A_301 : memref<1x128xi32, #tpu.memory_space<vmem>> -> memref<128xi32, #tpu.memory_space<vmem>>
      %dma_wait3A_303 = arith.constant 0 : i32
      %dma_wait3A_304 = arith.constant 0 : i32
      %dma_wait3A_305 = tpu.memref_slice %arg2[%dma_wait3A_303, %dma_wait3A_304] : memref<10240x16xf32, #tpu.memory_space<hbm>> -> memref<10240x16xf32, #tpu.memory_space<hbm>>
      tpu.wait_indirect_dma semaphore(%arg20 : memref<!tpu.dma_semaphore, #tpu.memory_space<semaphore_mem>>) src(%dma_wait3A_305 : memref<10240x16xf32, #tpu.memory_space<hbm>>) dst(%arg11 : memref<128x16xf32, #tpu.memory_space<vmem>>)
      %add3A_306 = arith.constant 3 : i32
      %add3A_307 = arith.addi %mul3A_253, %add3A_306 : i32
      %dma_start3A_308 = arith.constant 0 : i32
      %dma_start3A_309 = tpu.memref_slice %arg6[%add3A_307, %dma_start3A_308] : memref<80x128xi32, #tpu.memory_space<vmem>> -> memref<1x128xi32, #tpu.memory_space<vmem>>
      %dma_start3A_310 = tpu.memref_squeeze %dma_start3A_309 : memref<1x128xi32, #tpu.memory_space<vmem>> -> memref<128xi32, #tpu.memory_space<vmem>>
      %dma_start3A_311 = arith.constant 0 : i32
      %dma_start3A_312 = arith.constant 0 : i32
      %dma_start3A_313 = tpu.memref_slice %arg16[%dma_start3A_311, %dma_start3A_312] : memref<10240x16xf32, #tpu.memory_space<vmem_shared>> -> memref<10240x16xf32, #tpu.memory_space<vmem_shared>>
      tpu.enqueue_indirect_dma source(%arg11 : memref<128x16xf32, #tpu.memory_space<vmem>>) target(%dma_start3A_313 : memref<10240x16xf32, #tpu.memory_space<vmem_shared>>) offsets(%dma_start3A_310 : memref<128xi32, #tpu.memory_space<vmem>>) semaphore(%arg28 : memref<!tpu.dma_semaphore, #tpu.memory_space<semaphore_mem>>) {add = true}
      %dma_wait3A_314 = arith.constant 0 : i32
      %dma_wait3A_315 = arith.constant 0 : i32
      %dma_wait3A_316 = tpu.memref_slice %arg7[%dma_wait3A_314, %dma_wait3A_315] : memref<80x128xi32, #tpu.memory_space<vmem>> -> memref<1x128xi32, #tpu.memory_space<vmem>>
      %dma_wait3A_317 = tpu.memref_squeeze %dma_wait3A_316 : memref<1x128xi32, #tpu.memory_space<vmem>> -> memref<128xi32, #tpu.memory_space<vmem>>
      %dma_wait3A_318 = arith.constant 0 : i32
      %dma_wait3A_319 = arith.constant 0 : i32
      %dma_wait3A_320 = tpu.memref_slice %arg2[%dma_wait3A_318, %dma_wait3A_319] : memref<10240x16xf32, #tpu.memory_space<hbm>> -> memref<10240x16xf32, #tpu.memory_space<hbm>>
      tpu.wait_indirect_dma semaphore(%arg21 : memref<!tpu.dma_semaphore, #tpu.memory_space<semaphore_mem>>) src(%dma_wait3A_320 : memref<10240x16xf32, #tpu.memory_space<hbm>>) dst(%arg12 : memref<128x16xf32, #tpu.memory_space<vmem>>)
      %add3A_321 = arith.constant 4 : i32
      %add3A_322 = arith.addi %mul3A_253, %add3A_321 : i32
      %dma_start3A_323 = arith.constant 0 : i32
      %dma_start3A_324 = tpu.memref_slice %arg6[%add3A_322, %dma_start3A_323] : memref<80x128xi32, #tpu.memory_space<vmem>> -> memref<1x128xi32, #tpu.memory_space<vmem>>
      %dma_start3A_325 = tpu.memref_squeeze %dma_start3A_324 : memref<1x128xi32, #tpu.memory_space<vmem>> -> memref<128xi32, #tpu.memory_space<vmem>>
      %dma_start3A_326 = arith.constant 0 : i32
      %dma_start3A_327 = arith.constant 0 : i32
      %dma_start3A_328 = tpu.memref_slice %arg16[%dma_start3A_326, %dma_start3A_327] : memref<10240x16xf32, #tpu.memory_space<vmem_shared>> -> memref<10240x16xf32, #tpu.memory_space<vmem_shared>>
      tpu.enqueue_indirect_dma source(%arg12 : memref<128x16xf32, #tpu.memory_space<vmem>>) target(%dma_start3A_328 : memref<10240x16xf32, #tpu.memory_space<vmem_shared>>) offsets(%dma_start3A_325 : memref<128xi32, #tpu.memory_space<vmem>>) semaphore(%arg29 : memref<!tpu.dma_semaphore, #tpu.memory_space<semaphore_mem>>) {add = true}
      %dma_wait3A_329 = arith.constant 0 : i32
      %dma_wait3A_330 = arith.constant 0 : i32
      %dma_wait3A_331 = tpu.memref_slice %arg7[%dma_wait3A_329, %dma_wait3A_330] : memref<80x128xi32, #tpu.memory_space<vmem>> -> memref<1x128xi32, #tpu.memory_space<vmem>>
      %dma_wait3A_332 = tpu.memref_squeeze %dma_wait3A_331 : memref<1x128xi32, #tpu.memory_space<vmem>> -> memref<128xi32, #tpu.memory_space<vmem>>
      %dma_wait3A_333 = arith.constant 0 : i32
      %dma_wait3A_334 = arith.constant 0 : i32
      %dma_wait3A_335 = tpu.memref_slice %arg2[%dma_wait3A_333, %dma_wait3A_334] : memref<10240x16xf32, #tpu.memory_space<hbm>> -> memref<10240x16xf32, #tpu.memory_space<hbm>>
      tpu.wait_indirect_dma semaphore(%arg22 : memref<!tpu.dma_semaphore, #tpu.memory_space<semaphore_mem>>) src(%dma_wait3A_335 : memref<10240x16xf32, #tpu.memory_space<hbm>>) dst(%arg13 : memref<128x16xf32, #tpu.memory_space<vmem>>)
      %add3A_336 = arith.constant 5 : i32
      %add3A_337 = arith.addi %mul3A_253, %add3A_336 : i32
      %dma_start3A_338 = arith.constant 0 : i32
      %dma_start3A_339 = tpu.memref_slice %arg6[%add3A_337, %dma_start3A_338] : memref<80x128xi32, #tpu.memory_space<vmem>> -> memref<1x128xi32, #tpu.memory_space<vmem>>
      %dma_start3A_340 = tpu.memref_squeeze %dma_start3A_339 : memref<1x128xi32, #tpu.memory_space<vmem>> -> memref<128xi32, #tpu.memory_space<vmem>>
      %dma_start3A_341 = arith.constant 0 : i32
      %dma_start3A_342 = arith.constant 0 : i32
      %dma_start3A_343 = tpu.memref_slice %arg16[%dma_start3A_341, %dma_start3A_342] : memref<10240x16xf32, #tpu.memory_space<vmem_shared>> -> memref<10240x16xf32, #tpu.memory_space<vmem_shared>>
      tpu.enqueue_indirect_dma source(%arg13 : memref<128x16xf32, #tpu.memory_space<vmem>>) target(%dma_start3A_343 : memref<10240x16xf32, #tpu.memory_space<vmem_shared>>) offsets(%dma_start3A_340 : memref<128xi32, #tpu.memory_space<vmem>>) semaphore(%arg30 : memref<!tpu.dma_semaphore, #tpu.memory_space<semaphore_mem>>) {add = true}
      %dma_wait3A_344 = arith.constant 0 : i32
      %dma_wait3A_345 = arith.constant 0 : i32
      %dma_wait3A_346 = tpu.memref_slice %arg7[%dma_wait3A_344, %dma_wait3A_345] : memref<80x128xi32, #tpu.memory_space<vmem>> -> memref<1x128xi32, #tpu.memory_space<vmem>>
      %dma_wait3A_347 = tpu.memref_squeeze %dma_wait3A_346 : memref<1x128xi32, #tpu.memory_space<vmem>> -> memref<128xi32, #tpu.memory_space<vmem>>
      %dma_wait3A_348 = arith.constant 0 : i32
      %dma_wait3A_349 = arith.constant 0 : i32
      %dma_wait3A_350 = tpu.memref_slice %arg2[%dma_wait3A_348, %dma_wait3A_349] : memref<10240x16xf32, #tpu.memory_space<hbm>> -> memref<10240x16xf32, #tpu.memory_space<hbm>>
      tpu.wait_indirect_dma semaphore(%arg23 : memref<!tpu.dma_semaphore, #tpu.memory_space<semaphore_mem>>) src(%dma_wait3A_350 : memref<10240x16xf32, #tpu.memory_space<hbm>>) dst(%arg14 : memref<128x16xf32, #tpu.memory_space<vmem>>)
      %add3A_351 = arith.constant 6 : i32
      %add3A_352 = arith.addi %mul3A_253, %add3A_351 : i32
      %dma_start3A_353 = arith.constant 0 : i32
      %dma_start3A_354 = tpu.memref_slice %arg6[%add3A_352, %dma_start3A_353] : memref<80x128xi32, #tpu.memory_space<vmem>> -> memref<1x128xi32, #tpu.memory_space<vmem>>
      %dma_start3A_355 = tpu.memref_squeeze %dma_start3A_354 : memref<1x128xi32, #tpu.memory_space<vmem>> -> memref<128xi32, #tpu.memory_space<vmem>>
      %dma_start3A_356 = arith.constant 0 : i32
      %dma_start3A_357 = arith.constant 0 : i32
      %dma_start3A_358 = tpu.memref_slice %arg16[%dma_start3A_356, %dma_start3A_357] : memref<10240x16xf32, #tpu.memory_space<vmem_shared>> -> memref<10240x16xf32, #tpu.memory_space<vmem_shared>>
      tpu.enqueue_indirect_dma source(%arg14 : memref<128x16xf32, #tpu.memory_space<vmem>>) target(%dma_start3A_358 : memref<10240x16xf32, #tpu.memory_space<vmem_shared>>) offsets(%dma_start3A_355 : memref<128xi32, #tpu.memory_space<vmem>>) semaphore(%arg31 : memref<!tpu.dma_semaphore, #tpu.memory_space<semaphore_mem>>) {add = true}
      %dma_wait3A_359 = arith.constant 0 : i32
      %dma_wait3A_360 = arith.constant 0 : i32
      %dma_wait3A_361 = tpu.memref_slice %arg7[%dma_wait3A_359, %dma_wait3A_360] : memref<80x128xi32, #tpu.memory_space<vmem>> -> memref<1x128xi32, #tpu.memory_space<vmem>>
      %dma_wait3A_362 = tpu.memref_squeeze %dma_wait3A_361 : memref<1x128xi32, #tpu.memory_space<vmem>> -> memref<128xi32, #tpu.memory_space<vmem>>
      %dma_wait3A_363 = arith.constant 0 : i32
      %dma_wait3A_364 = arith.constant 0 : i32
      %dma_wait3A_365 = tpu.memref_slice %arg2[%dma_wait3A_363, %dma_wait3A_364] : memref<10240x16xf32, #tpu.memory_space<hbm>> -> memref<10240x16xf32, #tpu.memory_space<hbm>>
      tpu.wait_indirect_dma semaphore(%arg24 : memref<!tpu.dma_semaphore, #tpu.memory_space<semaphore_mem>>) src(%dma_wait3A_365 : memref<10240x16xf32, #tpu.memory_space<hbm>>) dst(%arg15 : memref<128x16xf32, #tpu.memory_space<vmem>>)
      %add3A_366 = arith.constant 7 : i32
      %add3A_367 = arith.addi %mul3A_253, %add3A_366 : i32
      %dma_start3A_368 = arith.constant 0 : i32
      %dma_start3A_369 = tpu.memref_slice %arg6[%add3A_367, %dma_start3A_368] : memref<80x128xi32, #tpu.memory_space<vmem>> -> memref<1x128xi32, #tpu.memory_space<vmem>>
      %dma_start3A_370 = tpu.memref_squeeze %dma_start3A_369 : memref<1x128xi32, #tpu.memory_space<vmem>> -> memref<128xi32, #tpu.memory_space<vmem>>
      %dma_start3A_371 = arith.constant 0 : i32
      %dma_start3A_372 = arith.constant 0 : i32
      %dma_start3A_373 = tpu.memref_slice %arg16[%dma_start3A_371, %dma_start3A_372] : memref<10240x16xf32, #tpu.memory_space<vmem_shared>> -> memref<10240x16xf32, #tpu.memory_space<vmem_shared>>
      tpu.enqueue_indirect_dma source(%arg15 : memref<128x16xf32, #tpu.memory_space<vmem>>) target(%dma_start3A_373 : memref<10240x16xf32, #tpu.memory_space<vmem_shared>>) offsets(%dma_start3A_370 : memref<128xi32, #tpu.memory_space<vmem>>) semaphore(%arg32 : memref<!tpu.dma_semaphore, #tpu.memory_space<semaphore_mem>>) {add = true}
      %dma_wait3A_374 = arith.constant 0 : i32
      %dma_wait3A_375 = tpu.memref_slice %arg6[%add3A_262, %dma_wait3A_374] : memref<80x128xi32, #tpu.memory_space<vmem>> -> memref<1x128xi32, #tpu.memory_space<vmem>>
      %dma_wait3A_376 = tpu.memref_squeeze %dma_wait3A_375 : memref<1x128xi32, #tpu.memory_space<vmem>> -> memref<128xi32, #tpu.memory_space<vmem>>
      %dma_wait3A_377 = arith.constant 0 : i32
      %dma_wait3A_378 = arith.constant 0 : i32
      %dma_wait3A_379 = tpu.memref_slice %arg16[%dma_wait3A_377, %dma_wait3A_378] : memref<10240x16xf32, #tpu.memory_space<vmem_shared>> -> memref<10240x16xf32, #tpu.memory_space<vmem_shared>>
      tpu.wait_indirect_dma semaphore(%arg25 : memref<!tpu.dma_semaphore, #tpu.memory_space<semaphore_mem>>) src(%arg8 : memref<128x16xf32, #tpu.memory_space<vmem>>) dst(%dma_wait3A_379 : memref<10240x16xf32, #tpu.memory_space<vmem_shared>>)
      %add3A_380 = arith.constant 0 : i32
      %add3A_381 = arith.addi %mul3A_253, %add3A_380 : i32
      %add3A_382 = arith.constant 8 : i32
      %add3A_383 = arith.addi %add3A_381, %add3A_382 : i32
      %lt3A = arith.constant 80 : i32
      %lt3A_384 = arith.cmpi slt, %add3A_383, %lt3A : i32
      %convert_element_type3A = arith.extui %lt3A_384 : i1 to i32
      %cond3A = arith.constant 0 : i32
      %cond3A_385 = arith.cmpi ne, %convert_element_type3A, %cond3A : i32
      scf.if %cond3A_385 {
        %dma_start3A_491 = arith.constant 0 : i32
        %dma_start3A_492 = tpu.memref_slice %arg7[%add3A_383, %dma_start3A_491] : memref<80x128xi32, #tpu.memory_space<vmem>> -> memref<1x128xi32, #tpu.memory_space<vmem>>
        %dma_start3A_493 = tpu.memref_squeeze %dma_start3A_492 : memref<1x128xi32, #tpu.memory_space<vmem>> -> memref<128xi32, #tpu.memory_space<vmem>>
        %dma_start3A_494 = arith.constant 0 : i32
        %dma_start3A_495 = arith.constant 0 : i32
        %dma_start3A_496 = tpu.memref_slice %arg2[%dma_start3A_494, %dma_start3A_495] : memref<10240x16xf32, #tpu.memory_space<hbm>> -> memref<10240x16xf32, #tpu.memory_space<hbm>>
        tpu.enqueue_indirect_dma source(%dma_start3A_496 : memref<10240x16xf32, #tpu.memory_space<hbm>>) target(%arg8 : memref<128x16xf32, #tpu.memory_space<vmem>>) offsets(%dma_start3A_493 : memref<128xi32, #tpu.memory_space<vmem>>) semaphore(%arg17 : memref<!tpu.dma_semaphore, #tpu.memory_space<semaphore_mem>>)
      } else {
      }
      %dma_wait3A_386 = arith.constant 0 : i32
      %dma_wait3A_387 = tpu.memref_slice %arg6[%add3A_277, %dma_wait3A_386] : memref<80x128xi32, #tpu.memory_space<vmem>> -> memref<1x128xi32, #tpu.memory_space<vmem>>
      %dma_wait3A_388 = tpu.memref_squeeze %dma_wait3A_387 : memref<1x128xi32, #tpu.memory_space<vmem>> -> memref<128xi32, #tpu.memory_space<vmem>>
      %dma_wait3A_389 = arith.constant 0 : i32
      %dma_wait3A_390 = arith.constant 0 : i32
      %dma_wait3A_391 = tpu.memref_slice %arg16[%dma_wait3A_389, %dma_wait3A_390] : memref<10240x16xf32, #tpu.memory_space<vmem_shared>> -> memref<10240x16xf32, #tpu.memory_space<vmem_shared>>
      tpu.wait_indirect_dma semaphore(%arg26 : memref<!tpu.dma_semaphore, #tpu.memory_space<semaphore_mem>>) src(%arg9 : memref<128x16xf32, #tpu.memory_space<vmem>>) dst(%dma_wait3A_391 : memref<10240x16xf32, #tpu.memory_space<vmem_shared>>)
      %add3A_392 = arith.constant 1 : i32
      %add3A_393 = arith.addi %mul3A_253, %add3A_392 : i32
      %add3A_394 = arith.constant 8 : i32
      %add3A_395 = arith.addi %add3A_393, %add3A_394 : i32
      %lt3A_396 = arith.constant 80 : i32
      %lt3A_397 = arith.cmpi slt, %add3A_395, %lt3A_396 : i32
      %convert_element_type3A_398 = arith.extui %lt3A_397 : i1 to i32
      %cond3A_399 = arith.constant 0 : i32
      %cond3A_400 = arith.cmpi ne, %convert_element_type3A_398, %cond3A_399 : i32
      scf.if %cond3A_400 {
        %dma_start3A_491 = arith.constant 0 : i32
        %dma_start3A_492 = tpu.memref_slice %arg7[%add3A_395, %dma_start3A_491] : memref<80x128xi32, #tpu.memory_space<vmem>> -> memref<1x128xi32, #tpu.memory_space<vmem>>
        %dma_start3A_493 = tpu.memref_squeeze %dma_start3A_492 : memref<1x128xi32, #tpu.memory_space<vmem>> -> memref<128xi32, #tpu.memory_space<vmem>>
        %dma_start3A_494 = arith.constant 0 : i32
        %dma_start3A_495 = arith.constant 0 : i32
        %dma_start3A_496 = tpu.memref_slice %arg2[%dma_start3A_494, %dma_start3A_495] : memref<10240x16xf32, #tpu.memory_space<hbm>> -> memref<10240x16xf32, #tpu.memory_space<hbm>>
        tpu.enqueue_indirect_dma source(%dma_start3A_496 : memref<10240x16xf32, #tpu.memory_space<hbm>>) target(%arg9 : memref<128x16xf32, #tpu.memory_space<vmem>>) offsets(%dma_start3A_493 : memref<128xi32, #tpu.memory_space<vmem>>) semaphore(%arg18 : memref<!tpu.dma_semaphore, #tpu.memory_space<semaphore_mem>>)
      } else {
      }
      %dma_wait3A_401 = arith.constant 0 : i32
      %dma_wait3A_402 = tpu.memref_slice %arg6[%add3A_292, %dma_wait3A_401] : memref<80x128xi32, #tpu.memory_space<vmem>> -> memref<1x128xi32, #tpu.memory_space<vmem>>
      %dma_wait3A_403 = tpu.memref_squeeze %dma_wait3A_402 : memref<1x128xi32, #tpu.memory_space<vmem>> -> memref<128xi32, #tpu.memory_space<vmem>>
      %dma_wait3A_404 = arith.constant 0 : i32
      %dma_wait3A_405 = arith.constant 0 : i32
      %dma_wait3A_406 = tpu.memref_slice %arg16[%dma_wait3A_404, %dma_wait3A_405] : memref<10240x16xf32, #tpu.memory_space<vmem_shared>> -> memref<10240x16xf32, #tpu.memory_space<vmem_shared>>
      tpu.wait_indirect_dma semaphore(%arg27 : memref<!tpu.dma_semaphore, #tpu.memory_space<semaphore_mem>>) src(%arg10 : memref<128x16xf32, #tpu.memory_space<vmem>>) dst(%dma_wait3A_406 : memref<10240x16xf32, #tpu.memory_space<vmem_shared>>)
      %add3A_407 = arith.constant 2 : i32
      %add3A_408 = arith.addi %mul3A_253, %add3A_407 : i32
      %add3A_409 = arith.constant 8 : i32
      %add3A_410 = arith.addi %add3A_408, %add3A_409 : i32
      %lt3A_411 = arith.constant 80 : i32
      %lt3A_412 = arith.cmpi slt, %add3A_410, %lt3A_411 : i32
      %convert_element_type3A_413 = arith.extui %lt3A_412 : i1 to i32
      %cond3A_414 = arith.constant 0 : i32
      %cond3A_415 = arith.cmpi ne, %convert_element_type3A_413, %cond3A_414 : i32
      scf.if %cond3A_415 {
        %dma_start3A_491 = arith.constant 0 : i32
        %dma_start3A_492 = tpu.memref_slice %arg7[%add3A_410, %dma_start3A_491] : memref<80x128xi32, #tpu.memory_space<vmem>> -> memref<1x128xi32, #tpu.memory_space<vmem>>
        %dma_start3A_493 = tpu.memref_squeeze %dma_start3A_492 : memref<1x128xi32, #tpu.memory_space<vmem>> -> memref<128xi32, #tpu.memory_space<vmem>>
        %dma_start3A_494 = arith.constant 0 : i32
        %dma_start3A_495 = arith.constant 0 : i32
        %dma_start3A_496 = tpu.memref_slice %arg2[%dma_start3A_494, %dma_start3A_495] : memref<10240x16xf32, #tpu.memory_space<hbm>> -> memref<10240x16xf32, #tpu.memory_space<hbm>>
        tpu.enqueue_indirect_dma source(%dma_start3A_496 : memref<10240x16xf32, #tpu.memory_space<hbm>>) target(%arg10 : memref<128x16xf32, #tpu.memory_space<vmem>>) offsets(%dma_start3A_493 : memref<128xi32, #tpu.memory_space<vmem>>) semaphore(%arg19 : memref<!tpu.dma_semaphore, #tpu.memory_space<semaphore_mem>>)
      } else {
      }
      %dma_wait3A_416 = arith.constant 0 : i32
      %dma_wait3A_417 = tpu.memref_slice %arg6[%add3A_307, %dma_wait3A_416] : memref<80x128xi32, #tpu.memory_space<vmem>> -> memref<1x128xi32, #tpu.memory_space<vmem>>
      %dma_wait3A_418 = tpu.memref_squeeze %dma_wait3A_417 : memref<1x128xi32, #tpu.memory_space<vmem>> -> memref<128xi32, #tpu.memory_space<vmem>>
      %dma_wait3A_419 = arith.constant 0 : i32
      %dma_wait3A_420 = arith.constant 0 : i32
      %dma_wait3A_421 = tpu.memref_slice %arg16[%dma_wait3A_419, %dma_wait3A_420] : memref<10240x16xf32, #tpu.memory_space<vmem_shared>> -> memref<10240x16xf32, #tpu.memory_space<vmem_shared>>
      tpu.wait_indirect_dma semaphore(%arg28 : memref<!tpu.dma_semaphore, #tpu.memory_space<semaphore_mem>>) src(%arg11 : memref<128x16xf32, #tpu.memory_space<vmem>>) dst(%dma_wait3A_421 : memref<10240x16xf32, #tpu.memory_space<vmem_shared>>)
      %add3A_422 = arith.constant 3 : i32
      %add3A_423 = arith.addi %mul3A_253, %add3A_422 : i32
      %add3A_424 = arith.constant 8 : i32
      %add3A_425 = arith.addi %add3A_423, %add3A_424 : i32
      %lt3A_426 = arith.constant 80 : i32
      %lt3A_427 = arith.cmpi slt, %add3A_425, %lt3A_426 : i32
      %convert_element_type3A_428 = arith.extui %lt3A_427 : i1 to i32
      %cond3A_429 = arith.constant 0 : i32
      %cond3A_430 = arith.cmpi ne, %convert_element_type3A_428, %cond3A_429 : i32
      scf.if %cond3A_430 {
        %dma_start3A_491 = arith.constant 0 : i32
        %dma_start3A_492 = tpu.memref_slice %arg7[%add3A_425, %dma_start3A_491] : memref<80x128xi32, #tpu.memory_space<vmem>> -> memref<1x128xi32, #tpu.memory_space<vmem>>
        %dma_start3A_493 = tpu.memref_squeeze %dma_start3A_492 : memref<1x128xi32, #tpu.memory_space<vmem>> -> memref<128xi32, #tpu.memory_space<vmem>>
        %dma_start3A_494 = arith.constant 0 : i32
        %dma_start3A_495 = arith.constant 0 : i32
        %dma_start3A_496 = tpu.memref_slice %arg2[%dma_start3A_494, %dma_start3A_495] : memref<10240x16xf32, #tpu.memory_space<hbm>> -> memref<10240x16xf32, #tpu.memory_space<hbm>>
        tpu.enqueue_indirect_dma source(%dma_start3A_496 : memref<10240x16xf32, #tpu.memory_space<hbm>>) target(%arg11 : memref<128x16xf32, #tpu.memory_space<vmem>>) offsets(%dma_start3A_493 : memref<128xi32, #tpu.memory_space<vmem>>) semaphore(%arg20 : memref<!tpu.dma_semaphore, #tpu.memory_space<semaphore_mem>>)
      } else {
      }
      %dma_wait3A_431 = arith.constant 0 : i32
      %dma_wait3A_432 = tpu.memref_slice %arg6[%add3A_322, %dma_wait3A_431] : memref<80x128xi32, #tpu.memory_space<vmem>> -> memref<1x128xi32, #tpu.memory_space<vmem>>
      %dma_wait3A_433 = tpu.memref_squeeze %dma_wait3A_432 : memref<1x128xi32, #tpu.memory_space<vmem>> -> memref<128xi32, #tpu.memory_space<vmem>>
      %dma_wait3A_434 = arith.constant 0 : i32
      %dma_wait3A_435 = arith.constant 0 : i32
      %dma_wait3A_436 = tpu.memref_slice %arg16[%dma_wait3A_434, %dma_wait3A_435] : memref<10240x16xf32, #tpu.memory_space<vmem_shared>> -> memref<10240x16xf32, #tpu.memory_space<vmem_shared>>
      tpu.wait_indirect_dma semaphore(%arg29 : memref<!tpu.dma_semaphore, #tpu.memory_space<semaphore_mem>>) src(%arg12 : memref<128x16xf32, #tpu.memory_space<vmem>>) dst(%dma_wait3A_436 : memref<10240x16xf32, #tpu.memory_space<vmem_shared>>)
      %add3A_437 = arith.constant 4 : i32
      %add3A_438 = arith.addi %mul3A_253, %add3A_437 : i32
      %add3A_439 = arith.constant 8 : i32
      %add3A_440 = arith.addi %add3A_438, %add3A_439 : i32
      %lt3A_441 = arith.constant 80 : i32
      %lt3A_442 = arith.cmpi slt, %add3A_440, %lt3A_441 : i32
      %convert_element_type3A_443 = arith.extui %lt3A_442 : i1 to i32
      %cond3A_444 = arith.constant 0 : i32
      %cond3A_445 = arith.cmpi ne, %convert_element_type3A_443, %cond3A_444 : i32
      scf.if %cond3A_445 {
        %dma_start3A_491 = arith.constant 0 : i32
        %dma_start3A_492 = tpu.memref_slice %arg7[%add3A_440, %dma_start3A_491] : memref<80x128xi32, #tpu.memory_space<vmem>> -> memref<1x128xi32, #tpu.memory_space<vmem>>
        %dma_start3A_493 = tpu.memref_squeeze %dma_start3A_492 : memref<1x128xi32, #tpu.memory_space<vmem>> -> memref<128xi32, #tpu.memory_space<vmem>>
        %dma_start3A_494 = arith.constant 0 : i32
        %dma_start3A_495 = arith.constant 0 : i32
        %dma_start3A_496 = tpu.memref_slice %arg2[%dma_start3A_494, %dma_start3A_495] : memref<10240x16xf32, #tpu.memory_space<hbm>> -> memref<10240x16xf32, #tpu.memory_space<hbm>>
        tpu.enqueue_indirect_dma source(%dma_start3A_496 : memref<10240x16xf32, #tpu.memory_space<hbm>>) target(%arg12 : memref<128x16xf32, #tpu.memory_space<vmem>>) offsets(%dma_start3A_493 : memref<128xi32, #tpu.memory_space<vmem>>) semaphore(%arg21 : memref<!tpu.dma_semaphore, #tpu.memory_space<semaphore_mem>>)
      } else {
      }
      %dma_wait3A_446 = arith.constant 0 : i32
      %dma_wait3A_447 = tpu.memref_slice %arg6[%add3A_337, %dma_wait3A_446] : memref<80x128xi32, #tpu.memory_space<vmem>> -> memref<1x128xi32, #tpu.memory_space<vmem>>
      %dma_wait3A_448 = tpu.memref_squeeze %dma_wait3A_447 : memref<1x128xi32, #tpu.memory_space<vmem>> -> memref<128xi32, #tpu.memory_space<vmem>>
      %dma_wait3A_449 = arith.constant 0 : i32
      %dma_wait3A_450 = arith.constant 0 : i32
      %dma_wait3A_451 = tpu.memref_slice %arg16[%dma_wait3A_449, %dma_wait3A_450] : memref<10240x16xf32, #tpu.memory_space<vmem_shared>> -> memref<10240x16xf32, #tpu.memory_space<vmem_shared>>
      tpu.wait_indirect_dma semaphore(%arg30 : memref<!tpu.dma_semaphore, #tpu.memory_space<semaphore_mem>>) src(%arg13 : memref<128x16xf32, #tpu.memory_space<vmem>>) dst(%dma_wait3A_451 : memref<10240x16xf32, #tpu.memory_space<vmem_shared>>)
      %add3A_452 = arith.constant 5 : i32
      %add3A_453 = arith.addi %mul3A_253, %add3A_452 : i32
      %add3A_454 = arith.constant 8 : i32
      %add3A_455 = arith.addi %add3A_453, %add3A_454 : i32
      %lt3A_456 = arith.constant 80 : i32
      %lt3A_457 = arith.cmpi slt, %add3A_455, %lt3A_456 : i32
      %convert_element_type3A_458 = arith.extui %lt3A_457 : i1 to i32
      %cond3A_459 = arith.constant 0 : i32
      %cond3A_460 = arith.cmpi ne, %convert_element_type3A_458, %cond3A_459 : i32
      scf.if %cond3A_460 {
        %dma_start3A_491 = arith.constant 0 : i32
        %dma_start3A_492 = tpu.memref_slice %arg7[%add3A_455, %dma_start3A_491] : memref<80x128xi32, #tpu.memory_space<vmem>> -> memref<1x128xi32, #tpu.memory_space<vmem>>
        %dma_start3A_493 = tpu.memref_squeeze %dma_start3A_492 : memref<1x128xi32, #tpu.memory_space<vmem>> -> memref<128xi32, #tpu.memory_space<vmem>>
        %dma_start3A_494 = arith.constant 0 : i32
        %dma_start3A_495 = arith.constant 0 : i32
        %dma_start3A_496 = tpu.memref_slice %arg2[%dma_start3A_494, %dma_start3A_495] : memref<10240x16xf32, #tpu.memory_space<hbm>> -> memref<10240x16xf32, #tpu.memory_space<hbm>>
        tpu.enqueue_indirect_dma source(%dma_start3A_496 : memref<10240x16xf32, #tpu.memory_space<hbm>>) target(%arg13 : memref<128x16xf32, #tpu.memory_space<vmem>>) offsets(%dma_start3A_493 : memref<128xi32, #tpu.memory_space<vmem>>) semaphore(%arg22 : memref<!tpu.dma_semaphore, #tpu.memory_space<semaphore_mem>>)
      } else {
      }
      %dma_wait3A_461 = arith.constant 0 : i32
      %dma_wait3A_462 = tpu.memref_slice %arg6[%add3A_352, %dma_wait3A_461] : memref<80x128xi32, #tpu.memory_space<vmem>> -> memref<1x128xi32, #tpu.memory_space<vmem>>
      %dma_wait3A_463 = tpu.memref_squeeze %dma_wait3A_462 : memref<1x128xi32, #tpu.memory_space<vmem>> -> memref<128xi32, #tpu.memory_space<vmem>>
      %dma_wait3A_464 = arith.constant 0 : i32
      %dma_wait3A_465 = arith.constant 0 : i32
      %dma_wait3A_466 = tpu.memref_slice %arg16[%dma_wait3A_464, %dma_wait3A_465] : memref<10240x16xf32, #tpu.memory_space<vmem_shared>> -> memref<10240x16xf32, #tpu.memory_space<vmem_shared>>
      tpu.wait_indirect_dma semaphore(%arg31 : memref<!tpu.dma_semaphore, #tpu.memory_space<semaphore_mem>>) src(%arg14 : memref<128x16xf32, #tpu.memory_space<vmem>>) dst(%dma_wait3A_466 : memref<10240x16xf32, #tpu.memory_space<vmem_shared>>)
      %add3A_467 = arith.constant 6 : i32
      %add3A_468 = arith.addi %mul3A_253, %add3A_467 : i32
      %add3A_469 = arith.constant 8 : i32
      %add3A_470 = arith.addi %add3A_468, %add3A_469 : i32
      %lt3A_471 = arith.constant 80 : i32
      %lt3A_472 = arith.cmpi slt, %add3A_470, %lt3A_471 : i32
      %convert_element_type3A_473 = arith.extui %lt3A_472 : i1 to i32
      %cond3A_474 = arith.constant 0 : i32
      %cond3A_475 = arith.cmpi ne, %convert_element_type3A_473, %cond3A_474 : i32
      scf.if %cond3A_475 {
        %dma_start3A_491 = arith.constant 0 : i32
        %dma_start3A_492 = tpu.memref_slice %arg7[%add3A_470, %dma_start3A_491] : memref<80x128xi32, #tpu.memory_space<vmem>> -> memref<1x128xi32, #tpu.memory_space<vmem>>
        %dma_start3A_493 = tpu.memref_squeeze %dma_start3A_492 : memref<1x128xi32, #tpu.memory_space<vmem>> -> memref<128xi32, #tpu.memory_space<vmem>>
        %dma_start3A_494 = arith.constant 0 : i32
        %dma_start3A_495 = arith.constant 0 : i32
        %dma_start3A_496 = tpu.memref_slice %arg2[%dma_start3A_494, %dma_start3A_495] : memref<10240x16xf32, #tpu.memory_space<hbm>> -> memref<10240x16xf32, #tpu.memory_space<hbm>>
        tpu.enqueue_indirect_dma source(%dma_start3A_496 : memref<10240x16xf32, #tpu.memory_space<hbm>>) target(%arg14 : memref<128x16xf32, #tpu.memory_space<vmem>>) offsets(%dma_start3A_493 : memref<128xi32, #tpu.memory_space<vmem>>) semaphore(%arg23 : memref<!tpu.dma_semaphore, #tpu.memory_space<semaphore_mem>>)
      } else {
      }
      %dma_wait3A_476 = arith.constant 0 : i32
      %dma_wait3A_477 = tpu.memref_slice %arg6[%add3A_367, %dma_wait3A_476] : memref<80x128xi32, #tpu.memory_space<vmem>> -> memref<1x128xi32, #tpu.memory_space<vmem>>
      %dma_wait3A_478 = tpu.memref_squeeze %dma_wait3A_477 : memref<1x128xi32, #tpu.memory_space<vmem>> -> memref<128xi32, #tpu.memory_space<vmem>>
      %dma_wait3A_479 = arith.constant 0 : i32
      %dma_wait3A_480 = arith.constant 0 : i32
      %dma_wait3A_481 = tpu.memref_slice %arg16[%dma_wait3A_479, %dma_wait3A_480] : memref<10240x16xf32, #tpu.memory_space<vmem_shared>> -> memref<10240x16xf32, #tpu.memory_space<vmem_shared>>
      tpu.wait_indirect_dma semaphore(%arg32 : memref<!tpu.dma_semaphore, #tpu.memory_space<semaphore_mem>>) src(%arg15 : memref<128x16xf32, #tpu.memory_space<vmem>>) dst(%dma_wait3A_481 : memref<10240x16xf32, #tpu.memory_space<vmem_shared>>)
      %add3A_482 = arith.constant 7 : i32
      %add3A_483 = arith.addi %mul3A_253, %add3A_482 : i32
      %add3A_484 = arith.constant 8 : i32
      %add3A_485 = arith.addi %add3A_483, %add3A_484 : i32
      %lt3A_486 = arith.constant 80 : i32
      %lt3A_487 = arith.cmpi slt, %add3A_485, %lt3A_486 : i32
      %convert_element_type3A_488 = arith.extui %lt3A_487 : i1 to i32
      %cond3A_489 = arith.constant 0 : i32
      %cond3A_490 = arith.cmpi ne, %convert_element_type3A_488, %cond3A_489 : i32
      scf.if %cond3A_490 {
        %dma_start3A_491 = arith.constant 0 : i32
        %dma_start3A_492 = tpu.memref_slice %arg7[%add3A_485, %dma_start3A_491] : memref<80x128xi32, #tpu.memory_space<vmem>> -> memref<1x128xi32, #tpu.memory_space<vmem>>
        %dma_start3A_493 = tpu.memref_squeeze %dma_start3A_492 : memref<1x128xi32, #tpu.memory_space<vmem>> -> memref<128xi32, #tpu.memory_space<vmem>>
        %dma_start3A_494 = arith.constant 0 : i32
        %dma_start3A_495 = arith.constant 0 : i32
        %dma_start3A_496 = tpu.memref_slice %arg2[%dma_start3A_494, %dma_start3A_495] : memref<10240x16xf32, #tpu.memory_space<hbm>> -> memref<10240x16xf32, #tpu.memory_space<hbm>>
        tpu.enqueue_indirect_dma source(%dma_start3A_496 : memref<10240x16xf32, #tpu.memory_space<hbm>>) target(%arg15 : memref<128x16xf32, #tpu.memory_space<vmem>>) offsets(%dma_start3A_493 : memref<128xi32, #tpu.memory_space<vmem>>) semaphore(%arg24 : memref<!tpu.dma_semaphore, #tpu.memory_space<semaphore_mem>>)
      } else {
      }
    }
    %scan3A_78 = arith.constant 9 : i32
    %dma_wait3A = arith.constant 0 : i32
    %dma_wait3A_79 = arith.constant 0 : i32
    %dma_wait3A_80 = tpu.memref_slice %arg7[%dma_wait3A, %dma_wait3A_79] : memref<80x128xi32, #tpu.memory_space<vmem>> -> memref<1x128xi32, #tpu.memory_space<vmem>>
    %dma_wait3A_81 = tpu.memref_squeeze %dma_wait3A_80 : memref<1x128xi32, #tpu.memory_space<vmem>> -> memref<128xi32, #tpu.memory_space<vmem>>
    %dma_wait3A_82 = arith.constant 0 : i32
    %dma_wait3A_83 = arith.constant 0 : i32
    %dma_wait3A_84 = tpu.memref_slice %arg2[%dma_wait3A_82, %dma_wait3A_83] : memref<10240x16xf32, #tpu.memory_space<hbm>> -> memref<10240x16xf32, #tpu.memory_space<hbm>>
    tpu.wait_indirect_dma semaphore(%arg17 : memref<!tpu.dma_semaphore, #tpu.memory_space<semaphore_mem>>) src(%dma_wait3A_84 : memref<10240x16xf32, #tpu.memory_space<hbm>>) dst(%arg8 : memref<128x16xf32, #tpu.memory_space<vmem>>)
    %dma_start3A_85 = arith.constant 72 : i32
    %dma_start3A_86 = arith.constant 0 : i32
    %dma_start3A_87 = tpu.memref_slice %arg6[%dma_start3A_85, %dma_start3A_86] : memref<80x128xi32, #tpu.memory_space<vmem>> -> memref<1x128xi32, #tpu.memory_space<vmem>>
    %dma_start3A_88 = tpu.memref_squeeze %dma_start3A_87 : memref<1x128xi32, #tpu.memory_space<vmem>> -> memref<128xi32, #tpu.memory_space<vmem>>
    %dma_start3A_89 = arith.constant 0 : i32
    %dma_start3A_90 = arith.constant 0 : i32
    %dma_start3A_91 = tpu.memref_slice %arg16[%dma_start3A_89, %dma_start3A_90] : memref<10240x16xf32, #tpu.memory_space<vmem_shared>> -> memref<10240x16xf32, #tpu.memory_space<vmem_shared>>
    tpu.enqueue_indirect_dma source(%arg8 : memref<128x16xf32, #tpu.memory_space<vmem>>) target(%dma_start3A_91 : memref<10240x16xf32, #tpu.memory_space<vmem_shared>>) offsets(%dma_start3A_88 : memref<128xi32, #tpu.memory_space<vmem>>) semaphore(%arg25 : memref<!tpu.dma_semaphore, #tpu.memory_space<semaphore_mem>>) {add = true}
    %dma_wait3A_92 = arith.constant 72 : i32
    %dma_wait3A_93 = arith.constant 0 : i32
    %dma_wait3A_94 = tpu.memref_slice %arg6[%dma_wait3A_92, %dma_wait3A_93] : memref<80x128xi32, #tpu.memory_space<vmem>> -> memref<1x128xi32, #tpu.memory_space<vmem>>
    %dma_wait3A_95 = tpu.memref_squeeze %dma_wait3A_94 : memref<1x128xi32, #tpu.memory_space<vmem>> -> memref<128xi32, #tpu.memory_space<vmem>>
    %dma_wait3A_96 = arith.constant 0 : i32
    %dma_wait3A_97 = arith.constant 0 : i32
    %dma_wait3A_98 = tpu.memref_slice %arg16[%dma_wait3A_96, %dma_wait3A_97] : memref<10240x16xf32, #tpu.memory_space<vmem_shared>> -> memref<10240x16xf32, #tpu.memory_space<vmem_shared>>
    tpu.wait_indirect_dma semaphore(%arg25 : memref<!tpu.dma_semaphore, #tpu.memory_space<semaphore_mem>>) src(%arg8 : memref<128x16xf32, #tpu.memory_space<vmem>>) dst(%dma_wait3A_98 : memref<10240x16xf32, #tpu.memory_space<vmem_shared>>)
    %dma_wait3A_99 = arith.constant 0 : i32
    %dma_wait3A_100 = arith.constant 0 : i32
    %dma_wait3A_101 = tpu.memref_slice %arg7[%dma_wait3A_99, %dma_wait3A_100] : memref<80x128xi32, #tpu.memory_space<vmem>> -> memref<1x128xi32, #tpu.memory_space<vmem>>
    %dma_wait3A_102 = tpu.memref_squeeze %dma_wait3A_101 : memref<1x128xi32, #tpu.memory_space<vmem>> -> memref<128xi32, #tpu.memory_space<vmem>>
    %dma_wait3A_103 = arith.constant 0 : i32
    %dma_wait3A_104 = arith.constant 0 : i32
    %dma_wait3A_105 = tpu.memref_slice %arg2[%dma_wait3A_103, %dma_wait3A_104] : memref<10240x16xf32, #tpu.memory_space<hbm>> -> memref<10240x16xf32, #tpu.memory_space<hbm>>
    tpu.wait_indirect_dma semaphore(%arg18 : memref<!tpu.dma_semaphore, #tpu.memory_space<semaphore_mem>>) src(%dma_wait3A_105 : memref<10240x16xf32, #tpu.memory_space<hbm>>) dst(%arg9 : memref<128x16xf32, #tpu.memory_space<vmem>>)
    %dma_start3A_106 = arith.constant 73 : i32
    %dma_start3A_107 = arith.constant 0 : i32
    %dma_start3A_108 = tpu.memref_slice %arg6[%dma_start3A_106, %dma_start3A_107] : memref<80x128xi32, #tpu.memory_space<vmem>> -> memref<1x128xi32, #tpu.memory_space<vmem>>
    %dma_start3A_109 = tpu.memref_squeeze %dma_start3A_108 : memref<1x128xi32, #tpu.memory_space<vmem>> -> memref<128xi32, #tpu.memory_space<vmem>>
    %dma_start3A_110 = arith.constant 0 : i32
    %dma_start3A_111 = arith.constant 0 : i32
    %dma_start3A_112 = tpu.memref_slice %arg16[%dma_start3A_110, %dma_start3A_111] : memref<10240x16xf32, #tpu.memory_space<vmem_shared>> -> memref<10240x16xf32, #tpu.memory_space<vmem_shared>>
    tpu.enqueue_indirect_dma source(%arg9 : memref<128x16xf32, #tpu.memory_space<vmem>>) target(%dma_start3A_112 : memref<10240x16xf32, #tpu.memory_space<vmem_shared>>) offsets(%dma_start3A_109 : memref<128xi32, #tpu.memory_space<vmem>>) semaphore(%arg26 : memref<!tpu.dma_semaphore, #tpu.memory_space<semaphore_mem>>) {add = true}
    %dma_wait3A_113 = arith.constant 73 : i32
    %dma_wait3A_114 = arith.constant 0 : i32
    %dma_wait3A_115 = tpu.memref_slice %arg6[%dma_wait3A_113, %dma_wait3A_114] : memref<80x128xi32, #tpu.memory_space<vmem>> -> memref<1x128xi32, #tpu.memory_space<vmem>>
    %dma_wait3A_116 = tpu.memref_squeeze %dma_wait3A_115 : memref<1x128xi32, #tpu.memory_space<vmem>> -> memref<128xi32, #tpu.memory_space<vmem>>
    %dma_wait3A_117 = arith.constant 0 : i32
    %dma_wait3A_118 = arith.constant 0 : i32
    %dma_wait3A_119 = tpu.memref_slice %arg16[%dma_wait3A_117, %dma_wait3A_118] : memref<10240x16xf32, #tpu.memory_space<vmem_shared>> -> memref<10240x16xf32, #tpu.memory_space<vmem_shared>>
    tpu.wait_indirect_dma semaphore(%arg26 : memref<!tpu.dma_semaphore, #tpu.memory_space<semaphore_mem>>) src(%arg9 : memref<128x16xf32, #tpu.memory_space<vmem>>) dst(%dma_wait3A_119 : memref<10240x16xf32, #tpu.memory_space<vmem_shared>>)
    %dma_wait3A_120 = arith.constant 0 : i32
    %dma_wait3A_121 = arith.constant 0 : i32
    %dma_wait3A_122 = tpu.memref_slice %arg7[%dma_wait3A_120, %dma_wait3A_121] : memref<80x128xi32, #tpu.memory_space<vmem>> -> memref<1x128xi32, #tpu.memory_space<vmem>>
    %dma_wait3A_123 = tpu.memref_squeeze %dma_wait3A_122 : memref<1x128xi32, #tpu.memory_space<vmem>> -> memref<128xi32, #tpu.memory_space<vmem>>
    %dma_wait3A_124 = arith.constant 0 : i32
    %dma_wait3A_125 = arith.constant 0 : i32
    %dma_wait3A_126 = tpu.memref_slice %arg2[%dma_wait3A_124, %dma_wait3A_125] : memref<10240x16xf32, #tpu.memory_space<hbm>> -> memref<10240x16xf32, #tpu.memory_space<hbm>>
    tpu.wait_indirect_dma semaphore(%arg19 : memref<!tpu.dma_semaphore, #tpu.memory_space<semaphore_mem>>) src(%dma_wait3A_126 : memref<10240x16xf32, #tpu.memory_space<hbm>>) dst(%arg10 : memref<128x16xf32, #tpu.memory_space<vmem>>)
    %dma_start3A_127 = arith.constant 74 : i32
    %dma_start3A_128 = arith.constant 0 : i32
    %dma_start3A_129 = tpu.memref_slice %arg6[%dma_start3A_127, %dma_start3A_128] : memref<80x128xi32, #tpu.memory_space<vmem>> -> memref<1x128xi32, #tpu.memory_space<vmem>>
    %dma_start3A_130 = tpu.memref_squeeze %dma_start3A_129 : memref<1x128xi32, #tpu.memory_space<vmem>> -> memref<128xi32, #tpu.memory_space<vmem>>
    %dma_start3A_131 = arith.constant 0 : i32
    %dma_start3A_132 = arith.constant 0 : i32
    %dma_start3A_133 = tpu.memref_slice %arg16[%dma_start3A_131, %dma_start3A_132] : memref<10240x16xf32, #tpu.memory_space<vmem_shared>> -> memref<10240x16xf32, #tpu.memory_space<vmem_shared>>
    tpu.enqueue_indirect_dma source(%arg10 : memref<128x16xf32, #tpu.memory_space<vmem>>) target(%dma_start3A_133 : memref<10240x16xf32, #tpu.memory_space<vmem_shared>>) offsets(%dma_start3A_130 : memref<128xi32, #tpu.memory_space<vmem>>) semaphore(%arg27 : memref<!tpu.dma_semaphore, #tpu.memory_space<semaphore_mem>>) {add = true}
    %dma_wait3A_134 = arith.constant 74 : i32
    %dma_wait3A_135 = arith.constant 0 : i32
    %dma_wait3A_136 = tpu.memref_slice %arg6[%dma_wait3A_134, %dma_wait3A_135] : memref<80x128xi32, #tpu.memory_space<vmem>> -> memref<1x128xi32, #tpu.memory_space<vmem>>
    %dma_wait3A_137 = tpu.memref_squeeze %dma_wait3A_136 : memref<1x128xi32, #tpu.memory_space<vmem>> -> memref<128xi32, #tpu.memory_space<vmem>>
    %dma_wait3A_138 = arith.constant 0 : i32
    %dma_wait3A_139 = arith.constant 0 : i32
    %dma_wait3A_140 = tpu.memref_slice %arg16[%dma_wait3A_138, %dma_wait3A_139] : memref<10240x16xf32, #tpu.memory_space<vmem_shared>> -> memref<10240x16xf32, #tpu.memory_space<vmem_shared>>
    tpu.wait_indirect_dma semaphore(%arg27 : memref<!tpu.dma_semaphore, #tpu.memory_space<semaphore_mem>>) src(%arg10 : memref<128x16xf32, #tpu.memory_space<vmem>>) dst(%dma_wait3A_140 : memref<10240x16xf32, #tpu.memory_space<vmem_shared>>)
    %dma_wait3A_141 = arith.constant 0 : i32
    %dma_wait3A_142 = arith.constant 0 : i32
    %dma_wait3A_143 = tpu.memref_slice %arg7[%dma_wait3A_141, %dma_wait3A_142] : memref<80x128xi32, #tpu.memory_space<vmem>> -> memref<1x128xi32, #tpu.memory_space<vmem>>
    %dma_wait3A_144 = tpu.memref_squeeze %dma_wait3A_143 : memref<1x128xi32, #tpu.memory_space<vmem>> -> memref<128xi32, #tpu.memory_space<vmem>>
    %dma_wait3A_145 = arith.constant 0 : i32
    %dma_wait3A_146 = arith.constant 0 : i32
    %dma_wait3A_147 = tpu.memref_slice %arg2[%dma_wait3A_145, %dma_wait3A_146] : memref<10240x16xf32, #tpu.memory_space<hbm>> -> memref<10240x16xf32, #tpu.memory_space<hbm>>
    tpu.wait_indirect_dma semaphore(%arg20 : memref<!tpu.dma_semaphore, #tpu.memory_space<semaphore_mem>>) src(%dma_wait3A_147 : memref<10240x16xf32, #tpu.memory_space<hbm>>) dst(%arg11 : memref<128x16xf32, #tpu.memory_space<vmem>>)
    %dma_start3A_148 = arith.constant 75 : i32
    %dma_start3A_149 = arith.constant 0 : i32
    %dma_start3A_150 = tpu.memref_slice %arg6[%dma_start3A_148, %dma_start3A_149] : memref<80x128xi32, #tpu.memory_space<vmem>> -> memref<1x128xi32, #tpu.memory_space<vmem>>
    %dma_start3A_151 = tpu.memref_squeeze %dma_start3A_150 : memref<1x128xi32, #tpu.memory_space<vmem>> -> memref<128xi32, #tpu.memory_space<vmem>>
    %dma_start3A_152 = arith.constant 0 : i32
    %dma_start3A_153 = arith.constant 0 : i32
    %dma_start3A_154 = tpu.memref_slice %arg16[%dma_start3A_152, %dma_start3A_153] : memref<10240x16xf32, #tpu.memory_space<vmem_shared>> -> memref<10240x16xf32, #tpu.memory_space<vmem_shared>>
    tpu.enqueue_indirect_dma source(%arg11 : memref<128x16xf32, #tpu.memory_space<vmem>>) target(%dma_start3A_154 : memref<10240x16xf32, #tpu.memory_space<vmem_shared>>) offsets(%dma_start3A_151 : memref<128xi32, #tpu.memory_space<vmem>>) semaphore(%arg28 : memref<!tpu.dma_semaphore, #tpu.memory_space<semaphore_mem>>) {add = true}
    %dma_wait3A_155 = arith.constant 75 : i32
    %dma_wait3A_156 = arith.constant 0 : i32
    %dma_wait3A_157 = tpu.memref_slice %arg6[%dma_wait3A_155, %dma_wait3A_156] : memref<80x128xi32, #tpu.memory_space<vmem>> -> memref<1x128xi32, #tpu.memory_space<vmem>>
    %dma_wait3A_158 = tpu.memref_squeeze %dma_wait3A_157 : memref<1x128xi32, #tpu.memory_space<vmem>> -> memref<128xi32, #tpu.memory_space<vmem>>
    %dma_wait3A_159 = arith.constant 0 : i32
    %dma_wait3A_160 = arith.constant 0 : i32
    %dma_wait3A_161 = tpu.memref_slice %arg16[%dma_wait3A_159, %dma_wait3A_160] : memref<10240x16xf32, #tpu.memory_space<vmem_shared>> -> memref<10240x16xf32, #tpu.memory_space<vmem_shared>>
    tpu.wait_indirect_dma semaphore(%arg28 : memref<!tpu.dma_semaphore, #tpu.memory_space<semaphore_mem>>) src(%arg11 : memref<128x16xf32, #tpu.memory_space<vmem>>) dst(%dma_wait3A_161 : memref<10240x16xf32, #tpu.memory_space<vmem_shared>>)
    %dma_wait3A_162 = arith.constant 0 : i32
    %dma_wait3A_163 = arith.constant 0 : i32
    %dma_wait3A_164 = tpu.memref_slice %arg7[%dma_wait3A_162, %dma_wait3A_163] : memref<80x128xi32, #tpu.memory_space<vmem>> -> memref<1x128xi32, #tpu.memory_space<vmem>>
    %dma_wait3A_165 = tpu.memref_squeeze %dma_wait3A_164 : memref<1x128xi32, #tpu.memory_space<vmem>> -> memref<128xi32, #tpu.memory_space<vmem>>
    %dma_wait3A_166 = arith.constant 0 : i32
    %dma_wait3A_167 = arith.constant 0 : i32
    %dma_wait3A_168 = tpu.memref_slice %arg2[%dma_wait3A_166, %dma_wait3A_167] : memref<10240x16xf32, #tpu.memory_space<hbm>> -> memref<10240x16xf32, #tpu.memory_space<hbm>>
    tpu.wait_indirect_dma semaphore(%arg21 : memref<!tpu.dma_semaphore, #tpu.memory_space<semaphore_mem>>) src(%dma_wait3A_168 : memref<10240x16xf32, #tpu.memory_space<hbm>>) dst(%arg12 : memref<128x16xf32, #tpu.memory_space<vmem>>)
    %dma_start3A_169 = arith.constant 76 : i32
    %dma_start3A_170 = arith.constant 0 : i32
    %dma_start3A_171 = tpu.memref_slice %arg6[%dma_start3A_169, %dma_start3A_170] : memref<80x128xi32, #tpu.memory_space<vmem>> -> memref<1x128xi32, #tpu.memory_space<vmem>>
    %dma_start3A_172 = tpu.memref_squeeze %dma_start3A_171 : memref<1x128xi32, #tpu.memory_space<vmem>> -> memref<128xi32, #tpu.memory_space<vmem>>
    %dma_start3A_173 = arith.constant 0 : i32
    %dma_start3A_174 = arith.constant 0 : i32
    %dma_start3A_175 = tpu.memref_slice %arg16[%dma_start3A_173, %dma_start3A_174] : memref<10240x16xf32, #tpu.memory_space<vmem_shared>> -> memref<10240x16xf32, #tpu.memory_space<vmem_shared>>
    tpu.enqueue_indirect_dma source(%arg12 : memref<128x16xf32, #tpu.memory_space<vmem>>) target(%dma_start3A_175 : memref<10240x16xf32, #tpu.memory_space<vmem_shared>>) offsets(%dma_start3A_172 : memref<128xi32, #tpu.memory_space<vmem>>) semaphore(%arg29 : memref<!tpu.dma_semaphore, #tpu.memory_space<semaphore_mem>>) {add = true}
    %dma_wait3A_176 = arith.constant 76 : i32
    %dma_wait3A_177 = arith.constant 0 : i32
    %dma_wait3A_178 = tpu.memref_slice %arg6[%dma_wait3A_176, %dma_wait3A_177] : memref<80x128xi32, #tpu.memory_space<vmem>> -> memref<1x128xi32, #tpu.memory_space<vmem>>
    %dma_wait3A_179 = tpu.memref_squeeze %dma_wait3A_178 : memref<1x128xi32, #tpu.memory_space<vmem>> -> memref<128xi32, #tpu.memory_space<vmem>>
    %dma_wait3A_180 = arith.constant 0 : i32
    %dma_wait3A_181 = arith.constant 0 : i32
    %dma_wait3A_182 = tpu.memref_slice %arg16[%dma_wait3A_180, %dma_wait3A_181] : memref<10240x16xf32, #tpu.memory_space<vmem_shared>> -> memref<10240x16xf32, #tpu.memory_space<vmem_shared>>
    tpu.wait_indirect_dma semaphore(%arg29 : memref<!tpu.dma_semaphore, #tpu.memory_space<semaphore_mem>>) src(%arg12 : memref<128x16xf32, #tpu.memory_space<vmem>>) dst(%dma_wait3A_182 : memref<10240x16xf32, #tpu.memory_space<vmem_shared>>)
    %dma_wait3A_183 = arith.constant 0 : i32
    %dma_wait3A_184 = arith.constant 0 : i32
    %dma_wait3A_185 = tpu.memref_slice %arg7[%dma_wait3A_183, %dma_wait3A_184] : memref<80x128xi32, #tpu.memory_space<vmem>> -> memref<1x128xi32, #tpu.memory_space<vmem>>
    %dma_wait3A_186 = tpu.memref_squeeze %dma_wait3A_185 : memref<1x128xi32, #tpu.memory_space<vmem>> -> memref<128xi32, #tpu.memory_space<vmem>>
    %dma_wait3A_187 = arith.constant 0 : i32
    %dma_wait3A_188 = arith.constant 0 : i32
    %dma_wait3A_189 = tpu.memref_slice %arg2[%dma_wait3A_187, %dma_wait3A_188] : memref<10240x16xf32, #tpu.memory_space<hbm>> -> memref<10240x16xf32, #tpu.memory_space<hbm>>
    tpu.wait_indirect_dma semaphore(%arg22 : memref<!tpu.dma_semaphore, #tpu.memory_space<semaphore_mem>>) src(%dma_wait3A_189 : memref<10240x16xf32, #tpu.memory_space<hbm>>) dst(%arg13 : memref<128x16xf32, #tpu.memory_space<vmem>>)
    %dma_start3A_190 = arith.constant 77 : i32
    %dma_start3A_191 = arith.constant 0 : i32
    %dma_start3A_192 = tpu.memref_slice %arg6[%dma_start3A_190, %dma_start3A_191] : memref<80x128xi32, #tpu.memory_space<vmem>> -> memref<1x128xi32, #tpu.memory_space<vmem>>
    %dma_start3A_193 = tpu.memref_squeeze %dma_start3A_192 : memref<1x128xi32, #tpu.memory_space<vmem>> -> memref<128xi32, #tpu.memory_space<vmem>>
    %dma_start3A_194 = arith.constant 0 : i32
    %dma_start3A_195 = arith.constant 0 : i32
    %dma_start3A_196 = tpu.memref_slice %arg16[%dma_start3A_194, %dma_start3A_195] : memref<10240x16xf32, #tpu.memory_space<vmem_shared>> -> memref<10240x16xf32, #tpu.memory_space<vmem_shared>>
    tpu.enqueue_indirect_dma source(%arg13 : memref<128x16xf32, #tpu.memory_space<vmem>>) target(%dma_start3A_196 : memref<10240x16xf32, #tpu.memory_space<vmem_shared>>) offsets(%dma_start3A_193 : memref<128xi32, #tpu.memory_space<vmem>>) semaphore(%arg30 : memref<!tpu.dma_semaphore, #tpu.memory_space<semaphore_mem>>) {add = true}
    %dma_wait3A_197 = arith.constant 77 : i32
    %dma_wait3A_198 = arith.constant 0 : i32
    %dma_wait3A_199 = tpu.memref_slice %arg6[%dma_wait3A_197, %dma_wait3A_198] : memref<80x128xi32, #tpu.memory_space<vmem>> -> memref<1x128xi32, #tpu.memory_space<vmem>>
    %dma_wait3A_200 = tpu.memref_squeeze %dma_wait3A_199 : memref<1x128xi32, #tpu.memory_space<vmem>> -> memref<128xi32, #tpu.memory_space<vmem>>
    %dma_wait3A_201 = arith.constant 0 : i32
    %dma_wait3A_202 = arith.constant 0 : i32
    %dma_wait3A_203 = tpu.memref_slice %arg16[%dma_wait3A_201, %dma_wait3A_202] : memref<10240x16xf32, #tpu.memory_space<vmem_shared>> -> memref<10240x16xf32, #tpu.memory_space<vmem_shared>>
    tpu.wait_indirect_dma semaphore(%arg30 : memref<!tpu.dma_semaphore, #tpu.memory_space<semaphore_mem>>) src(%arg13 : memref<128x16xf32, #tpu.memory_space<vmem>>) dst(%dma_wait3A_203 : memref<10240x16xf32, #tpu.memory_space<vmem_shared>>)
    %dma_wait3A_204 = arith.constant 0 : i32
    %dma_wait3A_205 = arith.constant 0 : i32
    %dma_wait3A_206 = tpu.memref_slice %arg7[%dma_wait3A_204, %dma_wait3A_205] : memref<80x128xi32, #tpu.memory_space<vmem>> -> memref<1x128xi32, #tpu.memory_space<vmem>>
    %dma_wait3A_207 = tpu.memref_squeeze %dma_wait3A_206 : memref<1x128xi32, #tpu.memory_space<vmem>> -> memref<128xi32, #tpu.memory_space<vmem>>
    %dma_wait3A_208 = arith.constant 0 : i32
    %dma_wait3A_209 = arith.constant 0 : i32
    %dma_wait3A_210 = tpu.memref_slice %arg2[%dma_wait3A_208, %dma_wait3A_209] : memref<10240x16xf32, #tpu.memory_space<hbm>> -> memref<10240x16xf32, #tpu.memory_space<hbm>>
    tpu.wait_indirect_dma semaphore(%arg23 : memref<!tpu.dma_semaphore, #tpu.memory_space<semaphore_mem>>) src(%dma_wait3A_210 : memref<10240x16xf32, #tpu.memory_space<hbm>>) dst(%arg14 : memref<128x16xf32, #tpu.memory_space<vmem>>)
    %dma_start3A_211 = arith.constant 78 : i32
    %dma_start3A_212 = arith.constant 0 : i32
    %dma_start3A_213 = tpu.memref_slice %arg6[%dma_start3A_211, %dma_start3A_212] : memref<80x128xi32, #tpu.memory_space<vmem>> -> memref<1x128xi32, #tpu.memory_space<vmem>>
    %dma_start3A_214 = tpu.memref_squeeze %dma_start3A_213 : memref<1x128xi32, #tpu.memory_space<vmem>> -> memref<128xi32, #tpu.memory_space<vmem>>
    %dma_start3A_215 = arith.constant 0 : i32
    %dma_start3A_216 = arith.constant 0 : i32
    %dma_start3A_217 = tpu.memref_slice %arg16[%dma_start3A_215, %dma_start3A_216] : memref<10240x16xf32, #tpu.memory_space<vmem_shared>> -> memref<10240x16xf32, #tpu.memory_space<vmem_shared>>
    tpu.enqueue_indirect_dma source(%arg14 : memref<128x16xf32, #tpu.memory_space<vmem>>) target(%dma_start3A_217 : memref<10240x16xf32, #tpu.memory_space<vmem_shared>>) offsets(%dma_start3A_214 : memref<128xi32, #tpu.memory_space<vmem>>) semaphore(%arg31 : memref<!tpu.dma_semaphore, #tpu.memory_space<semaphore_mem>>) {add = true}
    %dma_wait3A_218 = arith.constant 78 : i32
    %dma_wait3A_219 = arith.constant 0 : i32
    %dma_wait3A_220 = tpu.memref_slice %arg6[%dma_wait3A_218, %dma_wait3A_219] : memref<80x128xi32, #tpu.memory_space<vmem>> -> memref<1x128xi32, #tpu.memory_space<vmem>>
    %dma_wait3A_221 = tpu.memref_squeeze %dma_wait3A_220 : memref<1x128xi32, #tpu.memory_space<vmem>> -> memref<128xi32, #tpu.memory_space<vmem>>
    %dma_wait3A_222 = arith.constant 0 : i32
    %dma_wait3A_223 = arith.constant 0 : i32
    %dma_wait3A_224 = tpu.memref_slice %arg16[%dma_wait3A_222, %dma_wait3A_223] : memref<10240x16xf32, #tpu.memory_space<vmem_shared>> -> memref<10240x16xf32, #tpu.memory_space<vmem_shared>>
    tpu.wait_indirect_dma semaphore(%arg31 : memref<!tpu.dma_semaphore, #tpu.memory_space<semaphore_mem>>) src(%arg14 : memref<128x16xf32, #tpu.memory_space<vmem>>) dst(%dma_wait3A_224 : memref<10240x16xf32, #tpu.memory_space<vmem_shared>>)
    %dma_wait3A_225 = arith.constant 0 : i32
    %dma_wait3A_226 = arith.constant 0 : i32
    %dma_wait3A_227 = tpu.memref_slice %arg7[%dma_wait3A_225, %dma_wait3A_226] : memref<80x128xi32, #tpu.memory_space<vmem>> -> memref<1x128xi32, #tpu.memory_space<vmem>>
    %dma_wait3A_228 = tpu.memref_squeeze %dma_wait3A_227 : memref<1x128xi32, #tpu.memory_space<vmem>> -> memref<128xi32, #tpu.memory_space<vmem>>
    %dma_wait3A_229 = arith.constant 0 : i32
    %dma_wait3A_230 = arith.constant 0 : i32
    %dma_wait3A_231 = tpu.memref_slice %arg2[%dma_wait3A_229, %dma_wait3A_230] : memref<10240x16xf32, #tpu.memory_space<hbm>> -> memref<10240x16xf32, #tpu.memory_space<hbm>>
    tpu.wait_indirect_dma semaphore(%arg24 : memref<!tpu.dma_semaphore, #tpu.memory_space<semaphore_mem>>) src(%dma_wait3A_231 : memref<10240x16xf32, #tpu.memory_space<hbm>>) dst(%arg15 : memref<128x16xf32, #tpu.memory_space<vmem>>)
    %dma_start3A_232 = arith.constant 79 : i32
    %dma_start3A_233 = arith.constant 0 : i32
    %dma_start3A_234 = tpu.memref_slice %arg6[%dma_start3A_232, %dma_start3A_233] : memref<80x128xi32, #tpu.memory_space<vmem>> -> memref<1x128xi32, #tpu.memory_space<vmem>>
    %dma_start3A_235 = tpu.memref_squeeze %dma_start3A_234 : memref<1x128xi32, #tpu.memory_space<vmem>> -> memref<128xi32, #tpu.memory_space<vmem>>
    %dma_start3A_236 = arith.constant 0 : i32
    %dma_start3A_237 = arith.constant 0 : i32
    %dma_start3A_238 = tpu.memref_slice %arg16[%dma_start3A_236, %dma_start3A_237] : memref<10240x16xf32, #tpu.memory_space<vmem_shared>> -> memref<10240x16xf32, #tpu.memory_space<vmem_shared>>
    tpu.enqueue_indirect_dma source(%arg15 : memref<128x16xf32, #tpu.memory_space<vmem>>) target(%dma_start3A_238 : memref<10240x16xf32, #tpu.memory_space<vmem_shared>>) offsets(%dma_start3A_235 : memref<128xi32, #tpu.memory_space<vmem>>) semaphore(%arg32 : memref<!tpu.dma_semaphore, #tpu.memory_space<semaphore_mem>>) {add = true}
    %dma_wait3A_239 = arith.constant 79 : i32
    %dma_wait3A_240 = arith.constant 0 : i32
    %dma_wait3A_241 = tpu.memref_slice %arg6[%dma_wait3A_239, %dma_wait3A_240] : memref<80x128xi32, #tpu.memory_space<vmem>> -> memref<1x128xi32, #tpu.memory_space<vmem>>
    %dma_wait3A_242 = tpu.memref_squeeze %dma_wait3A_241 : memref<1x128xi32, #tpu.memory_space<vmem>> -> memref<128xi32, #tpu.memory_space<vmem>>
    %dma_wait3A_243 = arith.constant 0 : i32
    %dma_wait3A_244 = arith.constant 0 : i32
    %dma_wait3A_245 = tpu.memref_slice %arg16[%dma_wait3A_243, %dma_wait3A_244] : memref<10240x16xf32, #tpu.memory_space<vmem_shared>> -> memref<10240x16xf32, #tpu.memory_space<vmem_shared>>
    tpu.wait_indirect_dma semaphore(%arg32 : memref<!tpu.dma_semaphore, #tpu.memory_space<semaphore_mem>>) src(%arg15 : memref<128x16xf32, #tpu.memory_space<vmem>>) dst(%dma_wait3A_245 : memref<10240x16xf32, #tpu.memory_space<vmem_shared>>)
    %barrier3A_246 = arith.constant 0 : index
    tpu.barrier barrier_id(%barrier3A_246)
    "tpu.region"() ({
      %run_scoped3A = tpu.sem_alloc : memref<!tpu.dma_semaphore, #tpu.memory_space<semaphore_mem>>
      %dma_start3A_247 = arith.constant 0 : i32
      %dma_start3A_248 = tpu.memref_slice %arg5[%arg0, %mul3A_2, %dma_start3A_247] : memref<2x10240x16xf32, #tpu.memory_space<hbm>> -> memref<1x640x16xf32, #tpu.memory_space<hbm>>
      %dma_start3A_249 = tpu.memref_squeeze %dma_start3A_248 : memref<1x640x16xf32, #tpu.memory_space<hbm>> -> memref<640x16xf32, #tpu.memory_space<hbm>>
      %dma_start3A_250 = arith.constant 0 : i32
      %dma_start3A_251 = tpu.memref_slice %arg16[%mul3A_2, %dma_start3A_250] : memref<10240x16xf32, #tpu.memory_space<vmem_shared>> -> memref<640x16xf32, #tpu.memory_space<vmem_shared>>
      tpu.enqueue_dma source(%dma_start3A_251 : memref<640x16xf32, #tpu.memory_space<vmem_shared>>) target(%dma_start3A_249 : memref<640x16xf32, #tpu.memory_space<hbm>>) target_semaphore(%run_scoped3A : memref<!tpu.dma_semaphore, #tpu.memory_space<semaphore_mem>>)
      %dma_wait3A_252 = arith.constant 0 : i32
      %dma_wait3A_253 = tpu.memref_slice %arg5[%arg0, %mul3A_2, %dma_wait3A_252] : memref<2x10240x16xf32, #tpu.memory_space<hbm>> -> memref<1x640x16xf32, #tpu.memory_space<hbm>>
      %dma_wait3A_254 = tpu.memref_squeeze %dma_wait3A_253 : memref<1x640x16xf32, #tpu.memory_space<hbm>> -> memref<640x16xf32, #tpu.memory_space<hbm>>
      %dma_wait3A_255 = arith.constant 0 : i32
      %dma_wait3A_256 = tpu.memref_slice %arg16[%mul3A_2, %dma_wait3A_255] : memref<10240x16xf32, #tpu.memory_space<vmem_shared>> -> memref<640x16xf32, #tpu.memory_space<vmem_shared>>
      tpu.wait_dma2 semaphore(%run_scoped3A : memref<!tpu.dma_semaphore, #tpu.memory_space<semaphore_mem>>) src(%dma_wait3A_256 : memref<640x16xf32, #tpu.memory_space<vmem_shared>>) dst(%dma_wait3A_254 : memref<640x16xf32, #tpu.memory_space<hbm>>)
      tpu.yield
    }) : () -> ()
    return
  }
}

#map = affine_map<(d0, d1) -> (0, 0)>
#map1 = affine_map<(d0, d1) -> (0, 0, 0)>
module attributes {stable_mosaic.version = 14 : i64} {
  func.func @body(%arg0: i32, %arg1: i32, %arg2: memref<10240x80xf32, #tpu.memory_space<hbm>>, %arg3: memref<32x80x128xi32, #tpu.memory_space<hbm>>, %arg4: memref<32x80x128xi32, #tpu.memory_space<hbm>>, %arg5: memref<2x10240x80xf32, #tpu.memory_space<hbm>>, %arg6: memref<80x128xi32, #tpu.memory_space<vmem>>, %arg7: memref<80x128xi32, #tpu.memory_space<vmem>>, %arg8: memref<128x80xf32, #tpu.memory_space<vmem>>, %arg9: memref<128x80xf32, #tpu.memory_space<vmem>>, %arg10: memref<128x80xf32, #tpu.memory_space<vmem>>, %arg11: memref<128x80xf32, #tpu.memory_space<vmem>>, %arg12: memref<128x80xf32, #tpu.memory_space<vmem>>, %arg13: memref<10240x80xf32, #tpu.memory_space<vmem_shared>>, %arg14: memref<!tpu.dma_semaphore, #tpu.memory_space<semaphore_mem>>, %arg15: memref<!tpu.dma_semaphore, #tpu.memory_space<semaphore_mem>>, %arg16: memref<!tpu.dma_semaphore, #tpu.memory_space<semaphore_mem>>, %arg17: memref<!tpu.dma_semaphore, #tpu.memory_space<semaphore_mem>>, %arg18: memref<!tpu.dma_semaphore, #tpu.memory_space<semaphore_mem>>, %arg19: memref<!tpu.dma_semaphore, #tpu.memory_space<semaphore_mem>>, %arg20: memref<!tpu.dma_semaphore, #tpu.memory_space<semaphore_mem>>, %arg21: memref<!tpu.dma_semaphore, #tpu.memory_space<semaphore_mem>>, %arg22: memref<!tpu.dma_semaphore, #tpu.memory_space<semaphore_mem>>, %arg23: memref<!tpu.dma_semaphore, #tpu.memory_space<semaphore_mem>>) attributes {dimension_semantics = [#tpu.dimension_semantics<core_parallel>, #tpu.dimension_semantics<subcore_parallel>], iteration_bounds = array<i64: 2, 16>, scalar_prefetch = 0 : i64, scratch_operands = 18 : i64, tpu.core_type = #tpu.core_type<sc_vector_subcore>, window_params = [{transform_indices = #map}, {transform_indices = #map1}, {transform_indices = #map1}, {transform_indices = #map1}]} {
    %mul3A = arith.constant 2 : i32
    %mul3A_0 = arith.muli %arg1, %mul3A : i32
    %add3A = arith.addi %mul3A_0, %arg0 : i32
    %mul3A_1 = arith.constant 640 : i32
    %mul3A_2 = arith.muli %arg1, %mul3A_1 : i32
    %mul3A_3 = arith.constant 10240 : i32
    %mul3A_4 = arith.muli %add3A, %mul3A_3 : i32
    %scan3A = arith.constant 0 : i32
    %scan3A_5 = arith.constant 128 : i32
    %scan3A_6 = arith.addi %scan3A, %scan3A_5 : i32
    %scan3A_7 = arith.constant 1 : i32
    scf.for %scan3A_163 = %scan3A to %scan3A_6 step %scan3A_7  : i32 {
      %mul3A_164 = arith.constant 1 : i32
      %mul3A_165 = arith.muli %scan3A_163, %mul3A_164 : i32
      %add3A_166 = arith.constant 0 : i32
      %add3A_167 = arith.addi %add3A_166, %mul3A_165 : i32
      %broadcast_in_dim3A = arith.constant 0.000000e+00 : f32
      %broadcast_in_dim3A_168 = vector.broadcast %broadcast_in_dim3A : f32 to vector<16xf32>
      %swap3A = arith.index_cast %add3A_167 : i32 to index
      %swap3A_169 = arith.constant 0 : index
      %swap3A_170 = tpu.vector_load %arg8[%swap3A, %swap3A_169] {strides = array<i32>} : memref<128x80xf32, #tpu.memory_space<vmem>>, vector<1x16xf32>,
      %swap3A_171 = vector.shape_cast %swap3A_170 : vector<1x16xf32> to vector<16xf32>
      %swap3A_172 = vector.shape_cast %broadcast_in_dim3A_168 : vector<16xf32> to vector<1x16xf32>
      tpu.vector_store %arg8[%swap3A, %swap3A_169], %swap3A_172 {strides = array<i32>} : memref<128x80xf32, #tpu.memory_space<vmem>>, vector<1x16xf32>,
      %broadcast_in_dim3A_173 = arith.constant 0.000000e+00 : f32
      %broadcast_in_dim3A_174 = vector.broadcast %broadcast_in_dim3A_173 : f32 to vector<16xf32>
      %swap3A_175 = arith.index_cast %add3A_167 : i32 to index
      %swap3A_176 = arith.constant 16 : index
      %swap3A_177 = tpu.vector_load %arg8[%swap3A_175, %swap3A_176] {strides = array<i32>} : memref<128x80xf32, #tpu.memory_space<vmem>>, vector<1x16xf32>,
      %swap3A_178 = vector.shape_cast %swap3A_177 : vector<1x16xf32> to vector<16xf32>
      %swap3A_179 = vector.shape_cast %broadcast_in_dim3A_174 : vector<16xf32> to vector<1x16xf32>
      tpu.vector_store %arg8[%swap3A_175, %swap3A_176], %swap3A_179 {strides = array<i32>} : memref<128x80xf32, #tpu.memory_space<vmem>>, vector<1x16xf32>,
      %broadcast_in_dim3A_180 = arith.constant 0.000000e+00 : f32
      %broadcast_in_dim3A_181 = vector.broadcast %broadcast_in_dim3A_180 : f32 to vector<16xf32>
      %swap3A_182 = arith.index_cast %add3A_167 : i32 to index
      %swap3A_183 = arith.constant 32 : index
      %swap3A_184 = tpu.vector_load %arg8[%swap3A_182, %swap3A_183] {strides = array<i32>} : memref<128x80xf32, #tpu.memory_space<vmem>>, vector<1x16xf32>,
      %swap3A_185 = vector.shape_cast %swap3A_184 : vector<1x16xf32> to vector<16xf32>
      %swap3A_186 = vector.shape_cast %broadcast_in_dim3A_181 : vector<16xf32> to vector<1x16xf32>
      tpu.vector_store %arg8[%swap3A_182, %swap3A_183], %swap3A_186 {strides = array<i32>} : memref<128x80xf32, #tpu.memory_space<vmem>>, vector<1x16xf32>,
      %broadcast_in_dim3A_187 = arith.constant 0.000000e+00 : f32
      %broadcast_in_dim3A_188 = vector.broadcast %broadcast_in_dim3A_187 : f32 to vector<16xf32>
      %swap3A_189 = arith.index_cast %add3A_167 : i32 to index
      %swap3A_190 = arith.constant 48 : index
      %swap3A_191 = tpu.vector_load %arg8[%swap3A_189, %swap3A_190] {strides = array<i32>} : memref<128x80xf32, #tpu.memory_space<vmem>>, vector<1x16xf32>,
      %swap3A_192 = vector.shape_cast %swap3A_191 : vector<1x16xf32> to vector<16xf32>
      %swap3A_193 = vector.shape_cast %broadcast_in_dim3A_188 : vector<16xf32> to vector<1x16xf32>
      tpu.vector_store %arg8[%swap3A_189, %swap3A_190], %swap3A_193 {strides = array<i32>} : memref<128x80xf32, #tpu.memory_space<vmem>>, vector<1x16xf32>,
      %broadcast_in_dim3A_194 = arith.constant 0.000000e+00 : f32
      %broadcast_in_dim3A_195 = vector.broadcast %broadcast_in_dim3A_194 : f32 to vector<16xf32>
      %swap3A_196 = arith.index_cast %add3A_167 : i32 to index
      %swap3A_197 = arith.constant 64 : index
      %swap3A_198 = tpu.vector_load %arg8[%swap3A_196, %swap3A_197] {strides = array<i32>} : memref<128x80xf32, #tpu.memory_space<vmem>>, vector<1x16xf32>,
      %swap3A_199 = vector.shape_cast %swap3A_198 : vector<1x16xf32> to vector<16xf32>
      %swap3A_200 = vector.shape_cast %broadcast_in_dim3A_195 : vector<16xf32> to vector<1x16xf32>
      tpu.vector_store %arg8[%swap3A_196, %swap3A_197], %swap3A_200 {strides = array<i32>} : memref<128x80xf32, #tpu.memory_space<vmem>>, vector<1x16xf32>,
    }
    %scan3A_8 = arith.constant 128 : i32
    %add3A_9 = arith.constant 0 : i32
    %add3A_10 = arith.addi %mul3A_2, %add3A_9 : i32
    "tpu.region"() ({
      %run_scoped3A = tpu.sem_alloc : memref<!tpu.dma_semaphore, #tpu.memory_space<semaphore_mem>>
      %dma_start3A_163 = arith.constant 0 : i32
      %dma_start3A_164 = tpu.memref_slice %arg13[%add3A_10, %dma_start3A_163] : memref<10240x80xf32, #tpu.memory_space<vmem_shared>> -> memref<128x80xf32, #tpu.memory_space<vmem_shared>>
      %dma_start3A_165 = arith.constant 0 : i32
      %dma_start3A_166 = tpu.memref_slice %arg13[%add3A_10, %dma_start3A_165] : memref<10240x80xf32, #tpu.memory_space<vmem_shared>> -> memref<128x80xf32, #tpu.memory_space<vmem_shared>>
      tpu.enqueue_dma source(%arg8 : memref<128x80xf32, #tpu.memory_space<vmem>>) target(%dma_start3A_166 : memref<128x80xf32, #tpu.memory_space<vmem_shared>>) target_semaphore(%run_scoped3A : memref<!tpu.dma_semaphore, #tpu.memory_space<semaphore_mem>>)
      %dma_wait3A_167 = arith.constant 0 : i32
      %dma_wait3A_168 = tpu.memref_slice %arg13[%add3A_10, %dma_wait3A_167] : memref<10240x80xf32, #tpu.memory_space<vmem_shared>> -> memref<128x80xf32, #tpu.memory_space<vmem_shared>>
      %dma_wait3A_169 = arith.constant 0 : i32
      %dma_wait3A_170 = tpu.memref_slice %arg13[%add3A_10, %dma_wait3A_169] : memref<10240x80xf32, #tpu.memory_space<vmem_shared>> -> memref<128x80xf32, #tpu.memory_space<vmem_shared>>
      tpu.wait_dma2 semaphore(%run_scoped3A : memref<!tpu.dma_semaphore, #tpu.memory_space<semaphore_mem>>) src(%arg8 : memref<128x80xf32, #tpu.memory_space<vmem>>) dst(%dma_wait3A_170 : memref<128x80xf32, #tpu.memory_space<vmem_shared>>)
      tpu.yield
    }) : () -> ()
    %add3A_11 = arith.constant 128 : i32
    %add3A_12 = arith.addi %mul3A_2, %add3A_11 : i32
    "tpu.region"() ({
      %run_scoped3A = tpu.sem_alloc : memref<!tpu.dma_semaphore, #tpu.memory_space<semaphore_mem>>
      %dma_start3A_163 = arith.constant 0 : i32
      %dma_start3A_164 = tpu.memref_slice %arg13[%add3A_12, %dma_start3A_163] : memref<10240x80xf32, #tpu.memory_space<vmem_shared>> -> memref<128x80xf32, #tpu.memory_space<vmem_shared>>
      %dma_start3A_165 = arith.constant 0 : i32
      %dma_start3A_166 = tpu.memref_slice %arg13[%add3A_12, %dma_start3A_165] : memref<10240x80xf32, #tpu.memory_space<vmem_shared>> -> memref<128x80xf32, #tpu.memory_space<vmem_shared>>
      tpu.enqueue_dma source(%arg8 : memref<128x80xf32, #tpu.memory_space<vmem>>) target(%dma_start3A_166 : memref<128x80xf32, #tpu.memory_space<vmem_shared>>) target_semaphore(%run_scoped3A : memref<!tpu.dma_semaphore, #tpu.memory_space<semaphore_mem>>)
      %dma_wait3A_167 = arith.constant 0 : i32
      %dma_wait3A_168 = tpu.memref_slice %arg13[%add3A_12, %dma_wait3A_167] : memref<10240x80xf32, #tpu.memory_space<vmem_shared>> -> memref<128x80xf32, #tpu.memory_space<vmem_shared>>
      %dma_wait3A_169 = arith.constant 0 : i32
      %dma_wait3A_170 = tpu.memref_slice %arg13[%add3A_12, %dma_wait3A_169] : memref<10240x80xf32, #tpu.memory_space<vmem_shared>> -> memref<128x80xf32, #tpu.memory_space<vmem_shared>>
      tpu.wait_dma2 semaphore(%run_scoped3A : memref<!tpu.dma_semaphore, #tpu.memory_space<semaphore_mem>>) src(%arg8 : memref<128x80xf32, #tpu.memory_space<vmem>>) dst(%dma_wait3A_170 : memref<128x80xf32, #tpu.memory_space<vmem_shared>>)
      tpu.yield
    }) : () -> ()
    %add3A_13 = arith.constant 256 : i32
    %add3A_14 = arith.addi %mul3A_2, %add3A_13 : i32
    "tpu.region"() ({
      %run_scoped3A = tpu.sem_alloc : memref<!tpu.dma_semaphore, #tpu.memory_space<semaphore_mem>>
      %dma_start3A_163 = arith.constant 0 : i32
      %dma_start3A_164 = tpu.memref_slice %arg13[%add3A_14, %dma_start3A_163] : memref<10240x80xf32, #tpu.memory_space<vmem_shared>> -> memref<128x80xf32, #tpu.memory_space<vmem_shared>>
      %dma_start3A_165 = arith.constant 0 : i32
      %dma_start3A_166 = tpu.memref_slice %arg13[%add3A_14, %dma_start3A_165] : memref<10240x80xf32, #tpu.memory_space<vmem_shared>> -> memref<128x80xf32, #tpu.memory_space<vmem_shared>>
      tpu.enqueue_dma source(%arg8 : memref<128x80xf32, #tpu.memory_space<vmem>>) target(%dma_start3A_166 : memref<128x80xf32, #tpu.memory_space<vmem_shared>>) target_semaphore(%run_scoped3A : memref<!tpu.dma_semaphore, #tpu.memory_space<semaphore_mem>>)
      %dma_wait3A_167 = arith.constant 0 : i32
      %dma_wait3A_168 = tpu.memref_slice %arg13[%add3A_14, %dma_wait3A_167] : memref<10240x80xf32, #tpu.memory_space<vmem_shared>> -> memref<128x80xf32, #tpu.memory_space<vmem_shared>>
      %dma_wait3A_169 = arith.constant 0 : i32
      %dma_wait3A_170 = tpu.memref_slice %arg13[%add3A_14, %dma_wait3A_169] : memref<10240x80xf32, #tpu.memory_space<vmem_shared>> -> memref<128x80xf32, #tpu.memory_space<vmem_shared>>
      tpu.wait_dma2 semaphore(%run_scoped3A : memref<!tpu.dma_semaphore, #tpu.memory_space<semaphore_mem>>) src(%arg8 : memref<128x80xf32, #tpu.memory_space<vmem>>) dst(%dma_wait3A_170 : memref<128x80xf32, #tpu.memory_space<vmem_shared>>)
      tpu.yield
    }) : () -> ()
    %add3A_15 = arith.constant 384 : i32
    %add3A_16 = arith.addi %mul3A_2, %add3A_15 : i32
    "tpu.region"() ({
      %run_scoped3A = tpu.sem_alloc : memref<!tpu.dma_semaphore, #tpu.memory_space<semaphore_mem>>
      %dma_start3A_163 = arith.constant 0 : i32
      %dma_start3A_164 = tpu.memref_slice %arg13[%add3A_16, %dma_start3A_163] : memref<10240x80xf32, #tpu.memory_space<vmem_shared>> -> memref<128x80xf32, #tpu.memory_space<vmem_shared>>
      %dma_start3A_165 = arith.constant 0 : i32
      %dma_start3A_166 = tpu.memref_slice %arg13[%add3A_16, %dma_start3A_165] : memref<10240x80xf32, #tpu.memory_space<vmem_shared>> -> memref<128x80xf32, #tpu.memory_space<vmem_shared>>
      tpu.enqueue_dma source(%arg8 : memref<128x80xf32, #tpu.memory_space<vmem>>) target(%dma_start3A_166 : memref<128x80xf32, #tpu.memory_space<vmem_shared>>) target_semaphore(%run_scoped3A : memref<!tpu.dma_semaphore, #tpu.memory_space<semaphore_mem>>)
      %dma_wait3A_167 = arith.constant 0 : i32
      %dma_wait3A_168 = tpu.memref_slice %arg13[%add3A_16, %dma_wait3A_167] : memref<10240x80xf32, #tpu.memory_space<vmem_shared>> -> memref<128x80xf32, #tpu.memory_space<vmem_shared>>
      %dma_wait3A_169 = arith.constant 0 : i32
      %dma_wait3A_170 = tpu.memref_slice %arg13[%add3A_16, %dma_wait3A_169] : memref<10240x80xf32, #tpu.memory_space<vmem_shared>> -> memref<128x80xf32, #tpu.memory_space<vmem_shared>>
      tpu.wait_dma2 semaphore(%run_scoped3A : memref<!tpu.dma_semaphore, #tpu.memory_space<semaphore_mem>>) src(%arg8 : memref<128x80xf32, #tpu.memory_space<vmem>>) dst(%dma_wait3A_170 : memref<128x80xf32, #tpu.memory_space<vmem_shared>>)
      tpu.yield
    }) : () -> ()
    %add3A_17 = arith.constant 512 : i32
    %add3A_18 = arith.addi %mul3A_2, %add3A_17 : i32
    "tpu.region"() ({
      %run_scoped3A = tpu.sem_alloc : memref<!tpu.dma_semaphore, #tpu.memory_space<semaphore_mem>>
      %dma_start3A_163 = arith.constant 0 : i32
      %dma_start3A_164 = tpu.memref_slice %arg13[%add3A_18, %dma_start3A_163] : memref<10240x80xf32, #tpu.memory_space<vmem_shared>> -> memref<128x80xf32, #tpu.memory_space<vmem_shared>>
      %dma_start3A_165 = arith.constant 0 : i32
      %dma_start3A_166 = tpu.memref_slice %arg13[%add3A_18, %dma_start3A_165] : memref<10240x80xf32, #tpu.memory_space<vmem_shared>> -> memref<128x80xf32, #tpu.memory_space<vmem_shared>>
      tpu.enqueue_dma source(%arg8 : memref<128x80xf32, #tpu.memory_space<vmem>>) target(%dma_start3A_166 : memref<128x80xf32, #tpu.memory_space<vmem_shared>>) target_semaphore(%run_scoped3A : memref<!tpu.dma_semaphore, #tpu.memory_space<semaphore_mem>>)
      %dma_wait3A_167 = arith.constant 0 : i32
      %dma_wait3A_168 = tpu.memref_slice %arg13[%add3A_18, %dma_wait3A_167] : memref<10240x80xf32, #tpu.memory_space<vmem_shared>> -> memref<128x80xf32, #tpu.memory_space<vmem_shared>>
      %dma_wait3A_169 = arith.constant 0 : i32
      %dma_wait3A_170 = tpu.memref_slice %arg13[%add3A_18, %dma_wait3A_169] : memref<10240x80xf32, #tpu.memory_space<vmem_shared>> -> memref<128x80xf32, #tpu.memory_space<vmem_shared>>
      tpu.wait_dma2 semaphore(%run_scoped3A : memref<!tpu.dma_semaphore, #tpu.memory_space<semaphore_mem>>) src(%arg8 : memref<128x80xf32, #tpu.memory_space<vmem>>) dst(%dma_wait3A_170 : memref<128x80xf32, #tpu.memory_space<vmem_shared>>)
      tpu.yield
    }) : () -> ()
    "tpu.region"() ({
      %run_scoped3A = tpu.sem_alloc : memref<!tpu.dma_semaphore, #tpu.memory_space<semaphore_mem>>
      %dma_start3A_163 = arith.constant 0 : i32
      %dma_start3A_164 = arith.constant 0 : i32
      %dma_start3A_165 = tpu.memref_slice %arg4[%add3A, %dma_start3A_163, %dma_start3A_164] : memref<32x80x128xi32, #tpu.memory_space<hbm>> -> memref<1x80x128xi32, #tpu.memory_space<hbm>>
      %dma_start3A_166 = tpu.memref_squeeze %dma_start3A_165 : memref<1x80x128xi32, #tpu.memory_space<hbm>> -> memref<80x128xi32, #tpu.memory_space<hbm>>
      %dma_start3A_167 = arith.constant 0 : i32
      %dma_start3A_168 = arith.constant 0 : i32
      %dma_start3A_169 = tpu.memref_slice %arg4[%add3A, %dma_start3A_167, %dma_start3A_168] : memref<32x80x128xi32, #tpu.memory_space<hbm>> -> memref<1x80x128xi32, #tpu.memory_space<hbm>>
      %dma_start3A_170 = tpu.memref_squeeze %dma_start3A_169 : memref<1x80x128xi32, #tpu.memory_space<hbm>> -> memref<80x128xi32, #tpu.memory_space<hbm>>
      tpu.enqueue_dma source(%dma_start3A_170 : memref<80x128xi32, #tpu.memory_space<hbm>>) target(%arg6 : memref<80x128xi32, #tpu.memory_space<vmem>>) target_semaphore(%run_scoped3A : memref<!tpu.dma_semaphore, #tpu.memory_space<semaphore_mem>>)
      %dma_wait3A_171 = arith.constant 0 : i32
      %dma_wait3A_172 = arith.constant 0 : i32
      %dma_wait3A_173 = tpu.memref_slice %arg4[%add3A, %dma_wait3A_171, %dma_wait3A_172] : memref<32x80x128xi32, #tpu.memory_space<hbm>> -> memref<1x80x128xi32, #tpu.memory_space<hbm>>
      %dma_wait3A_174 = tpu.memref_squeeze %dma_wait3A_173 : memref<1x80x128xi32, #tpu.memory_space<hbm>> -> memref<80x128xi32, #tpu.memory_space<hbm>>
      %dma_wait3A_175 = arith.constant 0 : i32
      %dma_wait3A_176 = arith.constant 0 : i32
      %dma_wait3A_177 = tpu.memref_slice %arg4[%add3A, %dma_wait3A_175, %dma_wait3A_176] : memref<32x80x128xi32, #tpu.memory_space<hbm>> -> memref<1x80x128xi32, #tpu.memory_space<hbm>>
      %dma_wait3A_178 = tpu.memref_squeeze %dma_wait3A_177 : memref<1x80x128xi32, #tpu.memory_space<hbm>> -> memref<80x128xi32, #tpu.memory_space<hbm>>
      tpu.wait_dma2 semaphore(%run_scoped3A : memref<!tpu.dma_semaphore, #tpu.memory_space<semaphore_mem>>) src(%dma_wait3A_178 : memref<80x128xi32, #tpu.memory_space<hbm>>) dst(%arg6 : memref<80x128xi32, #tpu.memory_space<vmem>>)
      tpu.yield
    }) : () -> ()
    "tpu.region"() ({
      %run_scoped3A = tpu.sem_alloc : memref<!tpu.dma_semaphore, #tpu.memory_space<semaphore_mem>>
      %dma_start3A_163 = arith.constant 0 : i32
      %dma_start3A_164 = arith.constant 0 : i32
      %dma_start3A_165 = tpu.memref_slice %arg3[%add3A, %dma_start3A_163, %dma_start3A_164] : memref<32x80x128xi32, #tpu.memory_space<hbm>> -> memref<1x80x128xi32, #tpu.memory_space<hbm>>
      %dma_start3A_166 = tpu.memref_squeeze %dma_start3A_165 : memref<1x80x128xi32, #tpu.memory_space<hbm>> -> memref<80x128xi32, #tpu.memory_space<hbm>>
      %dma_start3A_167 = arith.constant 0 : i32
      %dma_start3A_168 = arith.constant 0 : i32
      %dma_start3A_169 = tpu.memref_slice %arg3[%add3A, %dma_start3A_167, %dma_start3A_168] : memref<32x80x128xi32, #tpu.memory_space<hbm>> -> memref<1x80x128xi32, #tpu.memory_space<hbm>>
      %dma_start3A_170 = tpu.memref_squeeze %dma_start3A_169 : memref<1x80x128xi32, #tpu.memory_space<hbm>> -> memref<80x128xi32, #tpu.memory_space<hbm>>
      tpu.enqueue_dma source(%dma_start3A_170 : memref<80x128xi32, #tpu.memory_space<hbm>>) target(%arg7 : memref<80x128xi32, #tpu.memory_space<vmem>>) target_semaphore(%run_scoped3A : memref<!tpu.dma_semaphore, #tpu.memory_space<semaphore_mem>>)
      %dma_wait3A_171 = arith.constant 0 : i32
      %dma_wait3A_172 = arith.constant 0 : i32
      %dma_wait3A_173 = tpu.memref_slice %arg3[%add3A, %dma_wait3A_171, %dma_wait3A_172] : memref<32x80x128xi32, #tpu.memory_space<hbm>> -> memref<1x80x128xi32, #tpu.memory_space<hbm>>
      %dma_wait3A_174 = tpu.memref_squeeze %dma_wait3A_173 : memref<1x80x128xi32, #tpu.memory_space<hbm>> -> memref<80x128xi32, #tpu.memory_space<hbm>>
      %dma_wait3A_175 = arith.constant 0 : i32
      %dma_wait3A_176 = arith.constant 0 : i32
      %dma_wait3A_177 = tpu.memref_slice %arg3[%add3A, %dma_wait3A_175, %dma_wait3A_176] : memref<32x80x128xi32, #tpu.memory_space<hbm>> -> memref<1x80x128xi32, #tpu.memory_space<hbm>>
      %dma_wait3A_178 = tpu.memref_squeeze %dma_wait3A_177 : memref<1x80x128xi32, #tpu.memory_space<hbm>> -> memref<80x128xi32, #tpu.memory_space<hbm>>
      tpu.wait_dma2 semaphore(%run_scoped3A : memref<!tpu.dma_semaphore, #tpu.memory_space<semaphore_mem>>) src(%dma_wait3A_178 : memref<80x128xi32, #tpu.memory_space<hbm>>) dst(%arg7 : memref<80x128xi32, #tpu.memory_space<vmem>>)
      tpu.yield
    }) : () -> ()
    %barrier3A = arith.constant 0 : index
    tpu.barrier barrier_id(%barrier3A)
    %dma_start3A = arith.constant 0 : i32
    %dma_start3A_19 = arith.constant 0 : i32
    %dma_start3A_20 = tpu.memref_slice %arg7[%dma_start3A, %dma_start3A_19] : memref<80x128xi32, #tpu.memory_space<vmem>> -> memref<1x128xi32, #tpu.memory_space<vmem>>
    %dma_start3A_21 = tpu.memref_squeeze %dma_start3A_20 : memref<1x128xi32, #tpu.memory_space<vmem>> -> memref<128xi32, #tpu.memory_space<vmem>>
    %dma_start3A_22 = arith.constant 0 : i32
    %dma_start3A_23 = arith.constant 0 : i32
    %dma_start3A_24 = tpu.memref_slice %arg2[%dma_start3A_22, %dma_start3A_23] : memref<10240x80xf32, #tpu.memory_space<hbm>> -> memref<10240x80xf32, #tpu.memory_space<hbm>>
    tpu.enqueue_indirect_dma source(%dma_start3A_24 : memref<10240x80xf32, #tpu.memory_space<hbm>>) target(%arg8 : memref<128x80xf32, #tpu.memory_space<vmem>>) offsets(%dma_start3A_21 : memref<128xi32, #tpu.memory_space<vmem>>) semaphore(%arg14 : memref<!tpu.dma_semaphore, #tpu.memory_space<semaphore_mem>>)
    %dma_start3A_25 = arith.constant 1 : i32
    %dma_start3A_26 = arith.constant 0 : i32
    %dma_start3A_27 = tpu.memref_slice %arg7[%dma_start3A_25, %dma_start3A_26] : memref<80x128xi32, #tpu.memory_space<vmem>> -> memref<1x128xi32, #tpu.memory_space<vmem>>
    %dma_start3A_28 = tpu.memref_squeeze %dma_start3A_27 : memref<1x128xi32, #tpu.memory_space<vmem>> -> memref<128xi32, #tpu.memory_space<vmem>>
    %dma_start3A_29 = arith.constant 0 : i32
    %dma_start3A_30 = arith.constant 0 : i32
    %dma_start3A_31 = tpu.memref_slice %arg2[%dma_start3A_29, %dma_start3A_30] : memref<10240x80xf32, #tpu.memory_space<hbm>> -> memref<10240x80xf32, #tpu.memory_space<hbm>>
    tpu.enqueue_indirect_dma source(%dma_start3A_31 : memref<10240x80xf32, #tpu.memory_space<hbm>>) target(%arg9 : memref<128x80xf32, #tpu.memory_space<vmem>>) offsets(%dma_start3A_28 : memref<128xi32, #tpu.memory_space<vmem>>) semaphore(%arg15 : memref<!tpu.dma_semaphore, #tpu.memory_space<semaphore_mem>>)
    %dma_start3A_32 = arith.constant 2 : i32
    %dma_start3A_33 = arith.constant 0 : i32
    %dma_start3A_34 = tpu.memref_slice %arg7[%dma_start3A_32, %dma_start3A_33] : memref<80x128xi32, #tpu.memory_space<vmem>> -> memref<1x128xi32, #tpu.memory_space<vmem>>
    %dma_start3A_35 = tpu.memref_squeeze %dma_start3A_34 : memref<1x128xi32, #tpu.memory_space<vmem>> -> memref<128xi32, #tpu.memory_space<vmem>>
    %dma_start3A_36 = arith.constant 0 : i32
    %dma_start3A_37 = arith.constant 0 : i32
    %dma_start3A_38 = tpu.memref_slice %arg2[%dma_start3A_36, %dma_start3A_37] : memref<10240x80xf32, #tpu.memory_space<hbm>> -> memref<10240x80xf32, #tpu.memory_space<hbm>>
    tpu.enqueue_indirect_dma source(%dma_start3A_38 : memref<10240x80xf32, #tpu.memory_space<hbm>>) target(%arg10 : memref<128x80xf32, #tpu.memory_space<vmem>>) offsets(%dma_start3A_35 : memref<128xi32, #tpu.memory_space<vmem>>) semaphore(%arg16 : memref<!tpu.dma_semaphore, #tpu.memory_space<semaphore_mem>>)
    %dma_start3A_39 = arith.constant 3 : i32
    %dma_start3A_40 = arith.constant 0 : i32
    %dma_start3A_41 = tpu.memref_slice %arg7[%dma_start3A_39, %dma_start3A_40] : memref<80x128xi32, #tpu.memory_space<vmem>> -> memref<1x128xi32, #tpu.memory_space<vmem>>
    %dma_start3A_42 = tpu.memref_squeeze %dma_start3A_41 : memref<1x128xi32, #tpu.memory_space<vmem>> -> memref<128xi32, #tpu.memory_space<vmem>>
    %dma_start3A_43 = arith.constant 0 : i32
    %dma_start3A_44 = arith.constant 0 : i32
    %dma_start3A_45 = tpu.memref_slice %arg2[%dma_start3A_43, %dma_start3A_44] : memref<10240x80xf32, #tpu.memory_space<hbm>> -> memref<10240x80xf32, #tpu.memory_space<hbm>>
    tpu.enqueue_indirect_dma source(%dma_start3A_45 : memref<10240x80xf32, #tpu.memory_space<hbm>>) target(%arg11 : memref<128x80xf32, #tpu.memory_space<vmem>>) offsets(%dma_start3A_42 : memref<128xi32, #tpu.memory_space<vmem>>) semaphore(%arg17 : memref<!tpu.dma_semaphore, #tpu.memory_space<semaphore_mem>>)
    %dma_start3A_46 = arith.constant 4 : i32
    %dma_start3A_47 = arith.constant 0 : i32
    %dma_start3A_48 = tpu.memref_slice %arg7[%dma_start3A_46, %dma_start3A_47] : memref<80x128xi32, #tpu.memory_space<vmem>> -> memref<1x128xi32, #tpu.memory_space<vmem>>
    %dma_start3A_49 = tpu.memref_squeeze %dma_start3A_48 : memref<1x128xi32, #tpu.memory_space<vmem>> -> memref<128xi32, #tpu.memory_space<vmem>>
    %dma_start3A_50 = arith.constant 0 : i32
    %dma_start3A_51 = arith.constant 0 : i32
    %dma_start3A_52 = tpu.memref_slice %arg2[%dma_start3A_50, %dma_start3A_51] : memref<10240x80xf32, #tpu.memory_space<hbm>> -> memref<10240x80xf32, #tpu.memory_space<hbm>>
    tpu.enqueue_indirect_dma source(%dma_start3A_52 : memref<10240x80xf32, #tpu.memory_space<hbm>>) target(%arg12 : memref<128x80xf32, #tpu.memory_space<vmem>>) offsets(%dma_start3A_49 : memref<128xi32, #tpu.memory_space<vmem>>) semaphore(%arg18 : memref<!tpu.dma_semaphore, #tpu.memory_space<semaphore_mem>>)
    %scan3A_53 = arith.constant 0 : i32
    %scan3A_54 = arith.constant 15 : i32
    %scan3A_55 = arith.addi %scan3A_53, %scan3A_54 : i32
    %scan3A_56 = arith.constant 1 : i32
    scf.for %scan3A_163 = %scan3A_53 to %scan3A_55 step %scan3A_56  : i32 {
      %mul3A_164 = arith.constant 1 : i32
      %mul3A_165 = arith.muli %scan3A_163, %mul3A_164 : i32
      %add3A_166 = arith.constant 0 : i32
      %add3A_167 = arith.addi %add3A_166, %mul3A_165 : i32
      %mul3A_168 = arith.constant 5 : i32
      %mul3A_169 = arith.muli %add3A_167, %mul3A_168 : i32
      %dma_wait3A_170 = arith.constant 0 : i32
      %dma_wait3A_171 = arith.constant 0 : i32
      %dma_wait3A_172 = tpu.memref_slice %arg7[%dma_wait3A_170, %dma_wait3A_171] : memref<80x128xi32, #tpu.memory_space<vmem>> -> memref<1x128xi32, #tpu.memory_space<vmem>>
      %dma_wait3A_173 = tpu.memref_squeeze %dma_wait3A_172 : memref<1x128xi32, #tpu.memory_space<vmem>> -> memref<128xi32, #tpu.memory_space<vmem>>
      %dma_wait3A_174 = arith.constant 0 : i32
      %dma_wait3A_175 = arith.constant 0 : i32
      %dma_wait3A_176 = tpu.memref_slice %arg2[%dma_wait3A_174, %dma_wait3A_175] : memref<10240x80xf32, #tpu.memory_space<hbm>> -> memref<10240x80xf32, #tpu.memory_space<hbm>>
      tpu.wait_indirect_dma semaphore(%arg14 : memref<!tpu.dma_semaphore, #tpu.memory_space<semaphore_mem>>) src(%dma_wait3A_176 : memref<10240x80xf32, #tpu.memory_space<hbm>>) dst(%arg8 : memref<128x80xf32, #tpu.memory_space<vmem>>)
      %add3A_177 = arith.constant 0 : i32
      %add3A_178 = arith.addi %mul3A_169, %add3A_177 : i32
      %dma_start3A_179 = arith.constant 0 : i32
      %dma_start3A_180 = tpu.memref_slice %arg6[%add3A_178, %dma_start3A_179] : memref<80x128xi32, #tpu.memory_space<vmem>> -> memref<1x128xi32, #tpu.memory_space<vmem>>
      %dma_start3A_181 = tpu.memref_squeeze %dma_start3A_180 : memref<1x128xi32, #tpu.memory_space<vmem>> -> memref<128xi32, #tpu.memory_space<vmem>>
      %dma_start3A_182 = arith.constant 0 : i32
      %dma_start3A_183 = arith.constant 0 : i32
      %dma_start3A_184 = tpu.memref_slice %arg13[%dma_start3A_182, %dma_start3A_183] : memref<10240x80xf32, #tpu.memory_space<vmem_shared>> -> memref<10240x80xf32, #tpu.memory_space<vmem_shared>>
      tpu.enqueue_indirect_dma source(%arg8 : memref<128x80xf32, #tpu.memory_space<vmem>>) target(%dma_start3A_184 : memref<10240x80xf32, #tpu.memory_space<vmem_shared>>) offsets(%dma_start3A_181 : memref<128xi32, #tpu.memory_space<vmem>>) semaphore(%arg19 : memref<!tpu.dma_semaphore, #tpu.memory_space<semaphore_mem>>) {add = true}
      %dma_wait3A_185 = arith.constant 0 : i32
      %dma_wait3A_186 = arith.constant 0 : i32
      %dma_wait3A_187 = tpu.memref_slice %arg7[%dma_wait3A_185, %dma_wait3A_186] : memref<80x128xi32, #tpu.memory_space<vmem>> -> memref<1x128xi32, #tpu.memory_space<vmem>>
      %dma_wait3A_188 = tpu.memref_squeeze %dma_wait3A_187 : memref<1x128xi32, #tpu.memory_space<vmem>> -> memref<128xi32, #tpu.memory_space<vmem>>
      %dma_wait3A_189 = arith.constant 0 : i32
      %dma_wait3A_190 = arith.constant 0 : i32
      %dma_wait3A_191 = tpu.memref_slice %arg2[%dma_wait3A_189, %dma_wait3A_190] : memref<10240x80xf32, #tpu.memory_space<hbm>> -> memref<10240x80xf32, #tpu.memory_space<hbm>>
      tpu.wait_indirect_dma semaphore(%arg15 : memref<!tpu.dma_semaphore, #tpu.memory_space<semaphore_mem>>) src(%dma_wait3A_191 : memref<10240x80xf32, #tpu.memory_space<hbm>>) dst(%arg9 : memref<128x80xf32, #tpu.memory_space<vmem>>)
      %add3A_192 = arith.constant 1 : i32
      %add3A_193 = arith.addi %mul3A_169, %add3A_192 : i32
      %dma_start3A_194 = arith.constant 0 : i32
      %dma_start3A_195 = tpu.memref_slice %arg6[%add3A_193, %dma_start3A_194] : memref<80x128xi32, #tpu.memory_space<vmem>> -> memref<1x128xi32, #tpu.memory_space<vmem>>
      %dma_start3A_196 = tpu.memref_squeeze %dma_start3A_195 : memref<1x128xi32, #tpu.memory_space<vmem>> -> memref<128xi32, #tpu.memory_space<vmem>>
      %dma_start3A_197 = arith.constant 0 : i32
      %dma_start3A_198 = arith.constant 0 : i32
      %dma_start3A_199 = tpu.memref_slice %arg13[%dma_start3A_197, %dma_start3A_198] : memref<10240x80xf32, #tpu.memory_space<vmem_shared>> -> memref<10240x80xf32, #tpu.memory_space<vmem_shared>>
      tpu.enqueue_indirect_dma source(%arg9 : memref<128x80xf32, #tpu.memory_space<vmem>>) target(%dma_start3A_199 : memref<10240x80xf32, #tpu.memory_space<vmem_shared>>) offsets(%dma_start3A_196 : memref<128xi32, #tpu.memory_space<vmem>>) semaphore(%arg20 : memref<!tpu.dma_semaphore, #tpu.memory_space<semaphore_mem>>) {add = true}
      %dma_wait3A_200 = arith.constant 0 : i32
      %dma_wait3A_201 = arith.constant 0 : i32
      %dma_wait3A_202 = tpu.memref_slice %arg7[%dma_wait3A_200, %dma_wait3A_201] : memref<80x128xi32, #tpu.memory_space<vmem>> -> memref<1x128xi32, #tpu.memory_space<vmem>>
      %dma_wait3A_203 = tpu.memref_squeeze %dma_wait3A_202 : memref<1x128xi32, #tpu.memory_space<vmem>> -> memref<128xi32, #tpu.memory_space<vmem>>
      %dma_wait3A_204 = arith.constant 0 : i32
      %dma_wait3A_205 = arith.constant 0 : i32
      %dma_wait3A_206 = tpu.memref_slice %arg2[%dma_wait3A_204, %dma_wait3A_205] : memref<10240x80xf32, #tpu.memory_space<hbm>> -> memref<10240x80xf32, #tpu.memory_space<hbm>>
      tpu.wait_indirect_dma semaphore(%arg16 : memref<!tpu.dma_semaphore, #tpu.memory_space<semaphore_mem>>) src(%dma_wait3A_206 : memref<10240x80xf32, #tpu.memory_space<hbm>>) dst(%arg10 : memref<128x80xf32, #tpu.memory_space<vmem>>)
      %add3A_207 = arith.constant 2 : i32
      %add3A_208 = arith.addi %mul3A_169, %add3A_207 : i32
      %dma_start3A_209 = arith.constant 0 : i32
      %dma_start3A_210 = tpu.memref_slice %arg6[%add3A_208, %dma_start3A_209] : memref<80x128xi32, #tpu.memory_space<vmem>> -> memref<1x128xi32, #tpu.memory_space<vmem>>
      %dma_start3A_211 = tpu.memref_squeeze %dma_start3A_210 : memref<1x128xi32, #tpu.memory_space<vmem>> -> memref<128xi32, #tpu.memory_space<vmem>>
      %dma_start3A_212 = arith.constant 0 : i32
      %dma_start3A_213 = arith.constant 0 : i32
      %dma_start3A_214 = tpu.memref_slice %arg13[%dma_start3A_212, %dma_start3A_213] : memref<10240x80xf32, #tpu.memory_space<vmem_shared>> -> memref<10240x80xf32, #tpu.memory_space<vmem_shared>>
      tpu.enqueue_indirect_dma source(%arg10 : memref<128x80xf32, #tpu.memory_space<vmem>>) target(%dma_start3A_214 : memref<10240x80xf32, #tpu.memory_space<vmem_shared>>) offsets(%dma_start3A_211 : memref<128xi32, #tpu.memory_space<vmem>>) semaphore(%arg21 : memref<!tpu.dma_semaphore, #tpu.memory_space<semaphore_mem>>) {add = true}
      %dma_wait3A_215 = arith.constant 0 : i32
      %dma_wait3A_216 = arith.constant 0 : i32
      %dma_wait3A_217 = tpu.memref_slice %arg7[%dma_wait3A_215, %dma_wait3A_216] : memref<80x128xi32, #tpu.memory_space<vmem>> -> memref<1x128xi32, #tpu.memory_space<vmem>>
      %dma_wait3A_218 = tpu.memref_squeeze %dma_wait3A_217 : memref<1x128xi32, #tpu.memory_space<vmem>> -> memref<128xi32, #tpu.memory_space<vmem>>
      %dma_wait3A_219 = arith.constant 0 : i32
      %dma_wait3A_220 = arith.constant 0 : i32
      %dma_wait3A_221 = tpu.memref_slice %arg2[%dma_wait3A_219, %dma_wait3A_220] : memref<10240x80xf32, #tpu.memory_space<hbm>> -> memref<10240x80xf32, #tpu.memory_space<hbm>>
      tpu.wait_indirect_dma semaphore(%arg17 : memref<!tpu.dma_semaphore, #tpu.memory_space<semaphore_mem>>) src(%dma_wait3A_221 : memref<10240x80xf32, #tpu.memory_space<hbm>>) dst(%arg11 : memref<128x80xf32, #tpu.memory_space<vmem>>)
      %add3A_222 = arith.constant 3 : i32
      %add3A_223 = arith.addi %mul3A_169, %add3A_222 : i32
      %dma_start3A_224 = arith.constant 0 : i32
      %dma_start3A_225 = tpu.memref_slice %arg6[%add3A_223, %dma_start3A_224] : memref<80x128xi32, #tpu.memory_space<vmem>> -> memref<1x128xi32, #tpu.memory_space<vmem>>
      %dma_start3A_226 = tpu.memref_squeeze %dma_start3A_225 : memref<1x128xi32, #tpu.memory_space<vmem>> -> memref<128xi32, #tpu.memory_space<vmem>>
      %dma_start3A_227 = arith.constant 0 : i32
      %dma_start3A_228 = arith.constant 0 : i32
      %dma_start3A_229 = tpu.memref_slice %arg13[%dma_start3A_227, %dma_start3A_228] : memref<10240x80xf32, #tpu.memory_space<vmem_shared>> -> memref<10240x80xf32, #tpu.memory_space<vmem_shared>>
      tpu.enqueue_indirect_dma source(%arg11 : memref<128x80xf32, #tpu.memory_space<vmem>>) target(%dma_start3A_229 : memref<10240x80xf32, #tpu.memory_space<vmem_shared>>) offsets(%dma_start3A_226 : memref<128xi32, #tpu.memory_space<vmem>>) semaphore(%arg22 : memref<!tpu.dma_semaphore, #tpu.memory_space<semaphore_mem>>) {add = true}
      %dma_wait3A_230 = arith.constant 0 : i32
      %dma_wait3A_231 = arith.constant 0 : i32
      %dma_wait3A_232 = tpu.memref_slice %arg7[%dma_wait3A_230, %dma_wait3A_231] : memref<80x128xi32, #tpu.memory_space<vmem>> -> memref<1x128xi32, #tpu.memory_space<vmem>>
      %dma_wait3A_233 = tpu.memref_squeeze %dma_wait3A_232 : memref<1x128xi32, #tpu.memory_space<vmem>> -> memref<128xi32, #tpu.memory_space<vmem>>
      %dma_wait3A_234 = arith.constant 0 : i32
      %dma_wait3A_235 = arith.constant 0 : i32
      %dma_wait3A_236 = tpu.memref_slice %arg2[%dma_wait3A_234, %dma_wait3A_235] : memref<10240x80xf32, #tpu.memory_space<hbm>> -> memref<10240x80xf32, #tpu.memory_space<hbm>>
      tpu.wait_indirect_dma semaphore(%arg18 : memref<!tpu.dma_semaphore, #tpu.memory_space<semaphore_mem>>) src(%dma_wait3A_236 : memref<10240x80xf32, #tpu.memory_space<hbm>>) dst(%arg12 : memref<128x80xf32, #tpu.memory_space<vmem>>)
      %add3A_237 = arith.constant 4 : i32
      %add3A_238 = arith.addi %mul3A_169, %add3A_237 : i32
      %dma_start3A_239 = arith.constant 0 : i32
      %dma_start3A_240 = tpu.memref_slice %arg6[%add3A_238, %dma_start3A_239] : memref<80x128xi32, #tpu.memory_space<vmem>> -> memref<1x128xi32, #tpu.memory_space<vmem>>
      %dma_start3A_241 = tpu.memref_squeeze %dma_start3A_240 : memref<1x128xi32, #tpu.memory_space<vmem>> -> memref<128xi32, #tpu.memory_space<vmem>>
      %dma_start3A_242 = arith.constant 0 : i32
      %dma_start3A_243 = arith.constant 0 : i32
      %dma_start3A_244 = tpu.memref_slice %arg13[%dma_start3A_242, %dma_start3A_243] : memref<10240x80xf32, #tpu.memory_space<vmem_shared>> -> memref<10240x80xf32, #tpu.memory_space<vmem_shared>>
      tpu.enqueue_indirect_dma source(%arg12 : memref<128x80xf32, #tpu.memory_space<vmem>>) target(%dma_start3A_244 : memref<10240x80xf32, #tpu.memory_space<vmem_shared>>) offsets(%dma_start3A_241 : memref<128xi32, #tpu.memory_space<vmem>>) semaphore(%arg23 : memref<!tpu.dma_semaphore, #tpu.memory_space<semaphore_mem>>) {add = true}
      %dma_wait3A_245 = arith.constant 0 : i32
      %dma_wait3A_246 = tpu.memref_slice %arg6[%add3A_178, %dma_wait3A_245] : memref<80x128xi32, #tpu.memory_space<vmem>> -> memref<1x128xi32, #tpu.memory_space<vmem>>
      %dma_wait3A_247 = tpu.memref_squeeze %dma_wait3A_246 : memref<1x128xi32, #tpu.memory_space<vmem>> -> memref<128xi32, #tpu.memory_space<vmem>>
      %dma_wait3A_248 = arith.constant 0 : i32
      %dma_wait3A_249 = arith.constant 0 : i32
      %dma_wait3A_250 = tpu.memref_slice %arg13[%dma_wait3A_248, %dma_wait3A_249] : memref<10240x80xf32, #tpu.memory_space<vmem_shared>> -> memref<10240x80xf32, #tpu.memory_space<vmem_shared>>
      tpu.wait_indirect_dma semaphore(%arg19 : memref<!tpu.dma_semaphore, #tpu.memory_space<semaphore_mem>>) src(%arg8 : memref<128x80xf32, #tpu.memory_space<vmem>>) dst(%dma_wait3A_250 : memref<10240x80xf32, #tpu.memory_space<vmem_shared>>)
      %add3A_251 = arith.constant 0 : i32
      %add3A_252 = arith.addi %mul3A_169, %add3A_251 : i32
      %add3A_253 = arith.constant 5 : i32
      %add3A_254 = arith.addi %add3A_252, %add3A_253 : i32
      %lt3A = arith.constant 80 : i32
      %lt3A_255 = arith.cmpi slt, %add3A_254, %lt3A : i32
      %convert_element_type3A = arith.extui %lt3A_255 : i1 to i32
      %cond3A = arith.constant 0 : i32
      %cond3A_256 = arith.cmpi ne, %convert_element_type3A, %cond3A : i32
      scf.if %cond3A_256 {
        %dma_start3A_317 = arith.constant 0 : i32
        %dma_start3A_318 = tpu.memref_slice %arg7[%add3A_254, %dma_start3A_317] : memref<80x128xi32, #tpu.memory_space<vmem>> -> memref<1x128xi32, #tpu.memory_space<vmem>>
        %dma_start3A_319 = tpu.memref_squeeze %dma_start3A_318 : memref<1x128xi32, #tpu.memory_space<vmem>> -> memref<128xi32, #tpu.memory_space<vmem>>
        %dma_start3A_320 = arith.constant 0 : i32
        %dma_start3A_321 = arith.constant 0 : i32
        %dma_start3A_322 = tpu.memref_slice %arg2[%dma_start3A_320, %dma_start3A_321] : memref<10240x80xf32, #tpu.memory_space<hbm>> -> memref<10240x80xf32, #tpu.memory_space<hbm>>
        tpu.enqueue_indirect_dma source(%dma_start3A_322 : memref<10240x80xf32, #tpu.memory_space<hbm>>) target(%arg8 : memref<128x80xf32, #tpu.memory_space<vmem>>) offsets(%dma_start3A_319 : memref<128xi32, #tpu.memory_space<vmem>>) semaphore(%arg14 : memref<!tpu.dma_semaphore, #tpu.memory_space<semaphore_mem>>)
      } else {
      }
      %dma_wait3A_257 = arith.constant 0 : i32
      %dma_wait3A_258 = tpu.memref_slice %arg6[%add3A_193, %dma_wait3A_257] : memref<80x128xi32, #tpu.memory_space<vmem>> -> memref<1x128xi32, #tpu.memory_space<vmem>>
      %dma_wait3A_259 = tpu.memref_squeeze %dma_wait3A_258 : memref<1x128xi32, #tpu.memory_space<vmem>> -> memref<128xi32, #tpu.memory_space<vmem>>
      %dma_wait3A_260 = arith.constant 0 : i32
      %dma_wait3A_261 = arith.constant 0 : i32
      %dma_wait3A_262 = tpu.memref_slice %arg13[%dma_wait3A_260, %dma_wait3A_261] : memref<10240x80xf32, #tpu.memory_space<vmem_shared>> -> memref<10240x80xf32, #tpu.memory_space<vmem_shared>>
      tpu.wait_indirect_dma semaphore(%arg20 : memref<!tpu.dma_semaphore, #tpu.memory_space<semaphore_mem>>) src(%arg9 : memref<128x80xf32, #tpu.memory_space<vmem>>) dst(%dma_wait3A_262 : memref<10240x80xf32, #tpu.memory_space<vmem_shared>>)
      %add3A_263 = arith.constant 1 : i32
      %add3A_264 = arith.addi %mul3A_169, %add3A_263 : i32
      %add3A_265 = arith.constant 5 : i32
      %add3A_266 = arith.addi %add3A_264, %add3A_265 : i32
      %lt3A_267 = arith.constant 80 : i32
      %lt3A_268 = arith.cmpi slt, %add3A_266, %lt3A_267 : i32
      %convert_element_type3A_269 = arith.extui %lt3A_268 : i1 to i32
      %cond3A_270 = arith.constant 0 : i32
      %cond3A_271 = arith.cmpi ne, %convert_element_type3A_269, %cond3A_270 : i32
      scf.if %cond3A_271 {
        %dma_start3A_317 = arith.constant 0 : i32
        %dma_start3A_318 = tpu.memref_slice %arg7[%add3A_266, %dma_start3A_317] : memref<80x128xi32, #tpu.memory_space<vmem>> -> memref<1x128xi32, #tpu.memory_space<vmem>>
        %dma_start3A_319 = tpu.memref_squeeze %dma_start3A_318 : memref<1x128xi32, #tpu.memory_space<vmem>> -> memref<128xi32, #tpu.memory_space<vmem>>
        %dma_start3A_320 = arith.constant 0 : i32
        %dma_start3A_321 = arith.constant 0 : i32
        %dma_start3A_322 = tpu.memref_slice %arg2[%dma_start3A_320, %dma_start3A_321] : memref<10240x80xf32, #tpu.memory_space<hbm>> -> memref<10240x80xf32, #tpu.memory_space<hbm>>
        tpu.enqueue_indirect_dma source(%dma_start3A_322 : memref<10240x80xf32, #tpu.memory_space<hbm>>) target(%arg9 : memref<128x80xf32, #tpu.memory_space<vmem>>) offsets(%dma_start3A_319 : memref<128xi32, #tpu.memory_space<vmem>>) semaphore(%arg15 : memref<!tpu.dma_semaphore, #tpu.memory_space<semaphore_mem>>)
      } else {
      }
      %dma_wait3A_272 = arith.constant 0 : i32
      %dma_wait3A_273 = tpu.memref_slice %arg6[%add3A_208, %dma_wait3A_272] : memref<80x128xi32, #tpu.memory_space<vmem>> -> memref<1x128xi32, #tpu.memory_space<vmem>>
      %dma_wait3A_274 = tpu.memref_squeeze %dma_wait3A_273 : memref<1x128xi32, #tpu.memory_space<vmem>> -> memref<128xi32, #tpu.memory_space<vmem>>
      %dma_wait3A_275 = arith.constant 0 : i32
      %dma_wait3A_276 = arith.constant 0 : i32
      %dma_wait3A_277 = tpu.memref_slice %arg13[%dma_wait3A_275, %dma_wait3A_276] : memref<10240x80xf32, #tpu.memory_space<vmem_shared>> -> memref<10240x80xf32, #tpu.memory_space<vmem_shared>>
      tpu.wait_indirect_dma semaphore(%arg21 : memref<!tpu.dma_semaphore, #tpu.memory_space<semaphore_mem>>) src(%arg10 : memref<128x80xf32, #tpu.memory_space<vmem>>) dst(%dma_wait3A_277 : memref<10240x80xf32, #tpu.memory_space<vmem_shared>>)
      %add3A_278 = arith.constant 2 : i32
      %add3A_279 = arith.addi %mul3A_169, %add3A_278 : i32
      %add3A_280 = arith.constant 5 : i32
      %add3A_281 = arith.addi %add3A_279, %add3A_280 : i32
      %lt3A_282 = arith.constant 80 : i32
      %lt3A_283 = arith.cmpi slt, %add3A_281, %lt3A_282 : i32
      %convert_element_type3A_284 = arith.extui %lt3A_283 : i1 to i32
      %cond3A_285 = arith.constant 0 : i32
      %cond3A_286 = arith.cmpi ne, %convert_element_type3A_284, %cond3A_285 : i32
      scf.if %cond3A_286 {
        %dma_start3A_317 = arith.constant 0 : i32
        %dma_start3A_318 = tpu.memref_slice %arg7[%add3A_281, %dma_start3A_317] : memref<80x128xi32, #tpu.memory_space<vmem>> -> memref<1x128xi32, #tpu.memory_space<vmem>>
        %dma_start3A_319 = tpu.memref_squeeze %dma_start3A_318 : memref<1x128xi32, #tpu.memory_space<vmem>> -> memref<128xi32, #tpu.memory_space<vmem>>
        %dma_start3A_320 = arith.constant 0 : i32
        %dma_start3A_321 = arith.constant 0 : i32
        %dma_start3A_322 = tpu.memref_slice %arg2[%dma_start3A_320, %dma_start3A_321] : memref<10240x80xf32, #tpu.memory_space<hbm>> -> memref<10240x80xf32, #tpu.memory_space<hbm>>
        tpu.enqueue_indirect_dma source(%dma_start3A_322 : memref<10240x80xf32, #tpu.memory_space<hbm>>) target(%arg10 : memref<128x80xf32, #tpu.memory_space<vmem>>) offsets(%dma_start3A_319 : memref<128xi32, #tpu.memory_space<vmem>>) semaphore(%arg16 : memref<!tpu.dma_semaphore, #tpu.memory_space<semaphore_mem>>)
      } else {
      }
      %dma_wait3A_287 = arith.constant 0 : i32
      %dma_wait3A_288 = tpu.memref_slice %arg6[%add3A_223, %dma_wait3A_287] : memref<80x128xi32, #tpu.memory_space<vmem>> -> memref<1x128xi32, #tpu.memory_space<vmem>>
      %dma_wait3A_289 = tpu.memref_squeeze %dma_wait3A_288 : memref<1x128xi32, #tpu.memory_space<vmem>> -> memref<128xi32, #tpu.memory_space<vmem>>
      %dma_wait3A_290 = arith.constant 0 : i32
      %dma_wait3A_291 = arith.constant 0 : i32
      %dma_wait3A_292 = tpu.memref_slice %arg13[%dma_wait3A_290, %dma_wait3A_291] : memref<10240x80xf32, #tpu.memory_space<vmem_shared>> -> memref<10240x80xf32, #tpu.memory_space<vmem_shared>>
      tpu.wait_indirect_dma semaphore(%arg22 : memref<!tpu.dma_semaphore, #tpu.memory_space<semaphore_mem>>) src(%arg11 : memref<128x80xf32, #tpu.memory_space<vmem>>) dst(%dma_wait3A_292 : memref<10240x80xf32, #tpu.memory_space<vmem_shared>>)
      %add3A_293 = arith.constant 3 : i32
      %add3A_294 = arith.addi %mul3A_169, %add3A_293 : i32
      %add3A_295 = arith.constant 5 : i32
      %add3A_296 = arith.addi %add3A_294, %add3A_295 : i32
      %lt3A_297 = arith.constant 80 : i32
      %lt3A_298 = arith.cmpi slt, %add3A_296, %lt3A_297 : i32
      %convert_element_type3A_299 = arith.extui %lt3A_298 : i1 to i32
      %cond3A_300 = arith.constant 0 : i32
      %cond3A_301 = arith.cmpi ne, %convert_element_type3A_299, %cond3A_300 : i32
      scf.if %cond3A_301 {
        %dma_start3A_317 = arith.constant 0 : i32
        %dma_start3A_318 = tpu.memref_slice %arg7[%add3A_296, %dma_start3A_317] : memref<80x128xi32, #tpu.memory_space<vmem>> -> memref<1x128xi32, #tpu.memory_space<vmem>>
        %dma_start3A_319 = tpu.memref_squeeze %dma_start3A_318 : memref<1x128xi32, #tpu.memory_space<vmem>> -> memref<128xi32, #tpu.memory_space<vmem>>
        %dma_start3A_320 = arith.constant 0 : i32
        %dma_start3A_321 = arith.constant 0 : i32
        %dma_start3A_322 = tpu.memref_slice %arg2[%dma_start3A_320, %dma_start3A_321] : memref<10240x80xf32, #tpu.memory_space<hbm>> -> memref<10240x80xf32, #tpu.memory_space<hbm>>
        tpu.enqueue_indirect_dma source(%dma_start3A_322 : memref<10240x80xf32, #tpu.memory_space<hbm>>) target(%arg11 : memref<128x80xf32, #tpu.memory_space<vmem>>) offsets(%dma_start3A_319 : memref<128xi32, #tpu.memory_space<vmem>>) semaphore(%arg17 : memref<!tpu.dma_semaphore, #tpu.memory_space<semaphore_mem>>)
      } else {
      }
      %dma_wait3A_302 = arith.constant 0 : i32
      %dma_wait3A_303 = tpu.memref_slice %arg6[%add3A_238, %dma_wait3A_302] : memref<80x128xi32, #tpu.memory_space<vmem>> -> memref<1x128xi32, #tpu.memory_space<vmem>>
      %dma_wait3A_304 = tpu.memref_squeeze %dma_wait3A_303 : memref<1x128xi32, #tpu.memory_space<vmem>> -> memref<128xi32, #tpu.memory_space<vmem>>
      %dma_wait3A_305 = arith.constant 0 : i32
      %dma_wait3A_306 = arith.constant 0 : i32
      %dma_wait3A_307 = tpu.memref_slice %arg13[%dma_wait3A_305, %dma_wait3A_306] : memref<10240x80xf32, #tpu.memory_space<vmem_shared>> -> memref<10240x80xf32, #tpu.memory_space<vmem_shared>>
      tpu.wait_indirect_dma semaphore(%arg23 : memref<!tpu.dma_semaphore, #tpu.memory_space<semaphore_mem>>) src(%arg12 : memref<128x80xf32, #tpu.memory_space<vmem>>) dst(%dma_wait3A_307 : memref<10240x80xf32, #tpu.memory_space<vmem_shared>>)
      %add3A_308 = arith.constant 4 : i32
      %add3A_309 = arith.addi %mul3A_169, %add3A_308 : i32
      %add3A_310 = arith.constant 5 : i32
      %add3A_311 = arith.addi %add3A_309, %add3A_310 : i32
      %lt3A_312 = arith.constant 80 : i32
      %lt3A_313 = arith.cmpi slt, %add3A_311, %lt3A_312 : i32
      %convert_element_type3A_314 = arith.extui %lt3A_313 : i1 to i32
      %cond3A_315 = arith.constant 0 : i32
      %cond3A_316 = arith.cmpi ne, %convert_element_type3A_314, %cond3A_315 : i32
      scf.if %cond3A_316 {
        %dma_start3A_317 = arith.constant 0 : i32
        %dma_start3A_318 = tpu.memref_slice %arg7[%add3A_311, %dma_start3A_317] : memref<80x128xi32, #tpu.memory_space<vmem>> -> memref<1x128xi32, #tpu.memory_space<vmem>>
        %dma_start3A_319 = tpu.memref_squeeze %dma_start3A_318 : memref<1x128xi32, #tpu.memory_space<vmem>> -> memref<128xi32, #tpu.memory_space<vmem>>
        %dma_start3A_320 = arith.constant 0 : i32
        %dma_start3A_321 = arith.constant 0 : i32
        %dma_start3A_322 = tpu.memref_slice %arg2[%dma_start3A_320, %dma_start3A_321] : memref<10240x80xf32, #tpu.memory_space<hbm>> -> memref<10240x80xf32, #tpu.memory_space<hbm>>
        tpu.enqueue_indirect_dma source(%dma_start3A_322 : memref<10240x80xf32, #tpu.memory_space<hbm>>) target(%arg12 : memref<128x80xf32, #tpu.memory_space<vmem>>) offsets(%dma_start3A_319 : memref<128xi32, #tpu.memory_space<vmem>>) semaphore(%arg18 : memref<!tpu.dma_semaphore, #tpu.memory_space<semaphore_mem>>)
      } else {
      }
    }
    %scan3A_57 = arith.constant 15 : i32
    %dma_wait3A = arith.constant 0 : i32
    %dma_wait3A_58 = arith.constant 0 : i32
    %dma_wait3A_59 = tpu.memref_slice %arg7[%dma_wait3A, %dma_wait3A_58] : memref<80x128xi32, #tpu.memory_space<vmem>> -> memref<1x128xi32, #tpu.memory_space<vmem>>
    %dma_wait3A_60 = tpu.memref_squeeze %dma_wait3A_59 : memref<1x128xi32, #tpu.memory_space<vmem>> -> memref<128xi32, #tpu.memory_space<vmem>>
    %dma_wait3A_61 = arith.constant 0 : i32
    %dma_wait3A_62 = arith.constant 0 : i32
    %dma_wait3A_63 = tpu.memref_slice %arg2[%dma_wait3A_61, %dma_wait3A_62] : memref<10240x80xf32, #tpu.memory_space<hbm>> -> memref<10240x80xf32, #tpu.memory_space<hbm>>
    tpu.wait_indirect_dma semaphore(%arg14 : memref<!tpu.dma_semaphore, #tpu.memory_space<semaphore_mem>>) src(%dma_wait3A_63 : memref<10240x80xf32, #tpu.memory_space<hbm>>) dst(%arg8 : memref<128x80xf32, #tpu.memory_space<vmem>>)
    %dma_start3A_64 = arith.constant 75 : i32
    %dma_start3A_65 = arith.constant 0 : i32
    %dma_start3A_66 = tpu.memref_slice %arg6[%dma_start3A_64, %dma_start3A_65] : memref<80x128xi32, #tpu.memory_space<vmem>> -> memref<1x128xi32, #tpu.memory_space<vmem>>
    %dma_start3A_67 = tpu.memref_squeeze %dma_start3A_66 : memref<1x128xi32, #tpu.memory_space<vmem>> -> memref<128xi32, #tpu.memory_space<vmem>>
    %dma_start3A_68 = arith.constant 0 : i32
    %dma_start3A_69 = arith.constant 0 : i32
    %dma_start3A_70 = tpu.memref_slice %arg13[%dma_start3A_68, %dma_start3A_69] : memref<10240x80xf32, #tpu.memory_space<vmem_shared>> -> memref<10240x80xf32, #tpu.memory_space<vmem_shared>>
    tpu.enqueue_indirect_dma source(%arg8 : memref<128x80xf32, #tpu.memory_space<vmem>>) target(%dma_start3A_70 : memref<10240x80xf32, #tpu.memory_space<vmem_shared>>) offsets(%dma_start3A_67 : memref<128xi32, #tpu.memory_space<vmem>>) semaphore(%arg19 : memref<!tpu.dma_semaphore, #tpu.memory_space<semaphore_mem>>) {add = true}
    %dma_wait3A_71 = arith.constant 75 : i32
    %dma_wait3A_72 = arith.constant 0 : i32
    %dma_wait3A_73 = tpu.memref_slice %arg6[%dma_wait3A_71, %dma_wait3A_72] : memref<80x128xi32, #tpu.memory_space<vmem>> -> memref<1x128xi32, #tpu.memory_space<vmem>>
    %dma_wait3A_74 = tpu.memref_squeeze %dma_wait3A_73 : memref<1x128xi32, #tpu.memory_space<vmem>> -> memref<128xi32, #tpu.memory_space<vmem>>
    %dma_wait3A_75 = arith.constant 0 : i32
    %dma_wait3A_76 = arith.constant 0 : i32
    %dma_wait3A_77 = tpu.memref_slice %arg13[%dma_wait3A_75, %dma_wait3A_76] : memref<10240x80xf32, #tpu.memory_space<vmem_shared>> -> memref<10240x80xf32, #tpu.memory_space<vmem_shared>>
    tpu.wait_indirect_dma semaphore(%arg19 : memref<!tpu.dma_semaphore, #tpu.memory_space<semaphore_mem>>) src(%arg8 : memref<128x80xf32, #tpu.memory_space<vmem>>) dst(%dma_wait3A_77 : memref<10240x80xf32, #tpu.memory_space<vmem_shared>>)
    %dma_wait3A_78 = arith.constant 0 : i32
    %dma_wait3A_79 = arith.constant 0 : i32
    %dma_wait3A_80 = tpu.memref_slice %arg7[%dma_wait3A_78, %dma_wait3A_79] : memref<80x128xi32, #tpu.memory_space<vmem>> -> memref<1x128xi32, #tpu.memory_space<vmem>>
    %dma_wait3A_81 = tpu.memref_squeeze %dma_wait3A_80 : memref<1x128xi32, #tpu.memory_space<vmem>> -> memref<128xi32, #tpu.memory_space<vmem>>
    %dma_wait3A_82 = arith.constant 0 : i32
    %dma_wait3A_83 = arith.constant 0 : i32
    %dma_wait3A_84 = tpu.memref_slice %arg2[%dma_wait3A_82, %dma_wait3A_83] : memref<10240x80xf32, #tpu.memory_space<hbm>> -> memref<10240x80xf32, #tpu.memory_space<hbm>>
    tpu.wait_indirect_dma semaphore(%arg15 : memref<!tpu.dma_semaphore, #tpu.memory_space<semaphore_mem>>) src(%dma_wait3A_84 : memref<10240x80xf32, #tpu.memory_space<hbm>>) dst(%arg9 : memref<128x80xf32, #tpu.memory_space<vmem>>)
    %dma_start3A_85 = arith.constant 76 : i32
    %dma_start3A_86 = arith.constant 0 : i32
    %dma_start3A_87 = tpu.memref_slice %arg6[%dma_start3A_85, %dma_start3A_86] : memref<80x128xi32, #tpu.memory_space<vmem>> -> memref<1x128xi32, #tpu.memory_space<vmem>>
    %dma_start3A_88 = tpu.memref_squeeze %dma_start3A_87 : memref<1x128xi32, #tpu.memory_space<vmem>> -> memref<128xi32, #tpu.memory_space<vmem>>
    %dma_start3A_89 = arith.constant 0 : i32
    %dma_start3A_90 = arith.constant 0 : i32
    %dma_start3A_91 = tpu.memref_slice %arg13[%dma_start3A_89, %dma_start3A_90] : memref<10240x80xf32, #tpu.memory_space<vmem_shared>> -> memref<10240x80xf32, #tpu.memory_space<vmem_shared>>
    tpu.enqueue_indirect_dma source(%arg9 : memref<128x80xf32, #tpu.memory_space<vmem>>) target(%dma_start3A_91 : memref<10240x80xf32, #tpu.memory_space<vmem_shared>>) offsets(%dma_start3A_88 : memref<128xi32, #tpu.memory_space<vmem>>) semaphore(%arg20 : memref<!tpu.dma_semaphore, #tpu.memory_space<semaphore_mem>>) {add = true}
    %dma_wait3A_92 = arith.constant 76 : i32
    %dma_wait3A_93 = arith.constant 0 : i32
    %dma_wait3A_94 = tpu.memref_slice %arg6[%dma_wait3A_92, %dma_wait3A_93] : memref<80x128xi32, #tpu.memory_space<vmem>> -> memref<1x128xi32, #tpu.memory_space<vmem>>
    %dma_wait3A_95 = tpu.memref_squeeze %dma_wait3A_94 : memref<1x128xi32, #tpu.memory_space<vmem>> -> memref<128xi32, #tpu.memory_space<vmem>>
    %dma_wait3A_96 = arith.constant 0 : i32
    %dma_wait3A_97 = arith.constant 0 : i32
    %dma_wait3A_98 = tpu.memref_slice %arg13[%dma_wait3A_96, %dma_wait3A_97] : memref<10240x80xf32, #tpu.memory_space<vmem_shared>> -> memref<10240x80xf32, #tpu.memory_space<vmem_shared>>
    tpu.wait_indirect_dma semaphore(%arg20 : memref<!tpu.dma_semaphore, #tpu.memory_space<semaphore_mem>>) src(%arg9 : memref<128x80xf32, #tpu.memory_space<vmem>>) dst(%dma_wait3A_98 : memref<10240x80xf32, #tpu.memory_space<vmem_shared>>)
    %dma_wait3A_99 = arith.constant 0 : i32
    %dma_wait3A_100 = arith.constant 0 : i32
    %dma_wait3A_101 = tpu.memref_slice %arg7[%dma_wait3A_99, %dma_wait3A_100] : memref<80x128xi32, #tpu.memory_space<vmem>> -> memref<1x128xi32, #tpu.memory_space<vmem>>
    %dma_wait3A_102 = tpu.memref_squeeze %dma_wait3A_101 : memref<1x128xi32, #tpu.memory_space<vmem>> -> memref<128xi32, #tpu.memory_space<vmem>>
    %dma_wait3A_103 = arith.constant 0 : i32
    %dma_wait3A_104 = arith.constant 0 : i32
    %dma_wait3A_105 = tpu.memref_slice %arg2[%dma_wait3A_103, %dma_wait3A_104] : memref<10240x80xf32, #tpu.memory_space<hbm>> -> memref<10240x80xf32, #tpu.memory_space<hbm>>
    tpu.wait_indirect_dma semaphore(%arg16 : memref<!tpu.dma_semaphore, #tpu.memory_space<semaphore_mem>>) src(%dma_wait3A_105 : memref<10240x80xf32, #tpu.memory_space<hbm>>) dst(%arg10 : memref<128x80xf32, #tpu.memory_space<vmem>>)
    %dma_start3A_106 = arith.constant 77 : i32
    %dma_start3A_107 = arith.constant 0 : i32
    %dma_start3A_108 = tpu.memref_slice %arg6[%dma_start3A_106, %dma_start3A_107] : memref<80x128xi32, #tpu.memory_space<vmem>> -> memref<1x128xi32, #tpu.memory_space<vmem>>
    %dma_start3A_109 = tpu.memref_squeeze %dma_start3A_108 : memref<1x128xi32, #tpu.memory_space<vmem>> -> memref<128xi32, #tpu.memory_space<vmem>>
    %dma_start3A_110 = arith.constant 0 : i32
    %dma_start3A_111 = arith.constant 0 : i32
    %dma_start3A_112 = tpu.memref_slice %arg13[%dma_start3A_110, %dma_start3A_111] : memref<10240x80xf32, #tpu.memory_space<vmem_shared>> -> memref<10240x80xf32, #tpu.memory_space<vmem_shared>>
    tpu.enqueue_indirect_dma source(%arg10 : memref<128x80xf32, #tpu.memory_space<vmem>>) target(%dma_start3A_112 : memref<10240x80xf32, #tpu.memory_space<vmem_shared>>) offsets(%dma_start3A_109 : memref<128xi32, #tpu.memory_space<vmem>>) semaphore(%arg21 : memref<!tpu.dma_semaphore, #tpu.memory_space<semaphore_mem>>) {add = true}
    %dma_wait3A_113 = arith.constant 77 : i32
    %dma_wait3A_114 = arith.constant 0 : i32
    %dma_wait3A_115 = tpu.memref_slice %arg6[%dma_wait3A_113, %dma_wait3A_114] : memref<80x128xi32, #tpu.memory_space<vmem>> -> memref<1x128xi32, #tpu.memory_space<vmem>>
    %dma_wait3A_116 = tpu.memref_squeeze %dma_wait3A_115 : memref<1x128xi32, #tpu.memory_space<vmem>> -> memref<128xi32, #tpu.memory_space<vmem>>
    %dma_wait3A_117 = arith.constant 0 : i32
    %dma_wait3A_118 = arith.constant 0 : i32
    %dma_wait3A_119 = tpu.memref_slice %arg13[%dma_wait3A_117, %dma_wait3A_118] : memref<10240x80xf32, #tpu.memory_space<vmem_shared>> -> memref<10240x80xf32, #tpu.memory_space<vmem_shared>>
    tpu.wait_indirect_dma semaphore(%arg21 : memref<!tpu.dma_semaphore, #tpu.memory_space<semaphore_mem>>) src(%arg10 : memref<128x80xf32, #tpu.memory_space<vmem>>) dst(%dma_wait3A_119 : memref<10240x80xf32, #tpu.memory_space<vmem_shared>>)
    %dma_wait3A_120 = arith.constant 0 : i32
    %dma_wait3A_121 = arith.constant 0 : i32
    %dma_wait3A_122 = tpu.memref_slice %arg7[%dma_wait3A_120, %dma_wait3A_121] : memref<80x128xi32, #tpu.memory_space<vmem>> -> memref<1x128xi32, #tpu.memory_space<vmem>>
    %dma_wait3A_123 = tpu.memref_squeeze %dma_wait3A_122 : memref<1x128xi32, #tpu.memory_space<vmem>> -> memref<128xi32, #tpu.memory_space<vmem>>
    %dma_wait3A_124 = arith.constant 0 : i32
    %dma_wait3A_125 = arith.constant 0 : i32
    %dma_wait3A_126 = tpu.memref_slice %arg2[%dma_wait3A_124, %dma_wait3A_125] : memref<10240x80xf32, #tpu.memory_space<hbm>> -> memref<10240x80xf32, #tpu.memory_space<hbm>>
    tpu.wait_indirect_dma semaphore(%arg17 : memref<!tpu.dma_semaphore, #tpu.memory_space<semaphore_mem>>) src(%dma_wait3A_126 : memref<10240x80xf32, #tpu.memory_space<hbm>>) dst(%arg11 : memref<128x80xf32, #tpu.memory_space<vmem>>)
    %dma_start3A_127 = arith.constant 78 : i32
    %dma_start3A_128 = arith.constant 0 : i32
    %dma_start3A_129 = tpu.memref_slice %arg6[%dma_start3A_127, %dma_start3A_128] : memref<80x128xi32, #tpu.memory_space<vmem>> -> memref<1x128xi32, #tpu.memory_space<vmem>>
    %dma_start3A_130 = tpu.memref_squeeze %dma_start3A_129 : memref<1x128xi32, #tpu.memory_space<vmem>> -> memref<128xi32, #tpu.memory_space<vmem>>
    %dma_start3A_131 = arith.constant 0 : i32
    %dma_start3A_132 = arith.constant 0 : i32
    %dma_start3A_133 = tpu.memref_slice %arg13[%dma_start3A_131, %dma_start3A_132] : memref<10240x80xf32, #tpu.memory_space<vmem_shared>> -> memref<10240x80xf32, #tpu.memory_space<vmem_shared>>
    tpu.enqueue_indirect_dma source(%arg11 : memref<128x80xf32, #tpu.memory_space<vmem>>) target(%dma_start3A_133 : memref<10240x80xf32, #tpu.memory_space<vmem_shared>>) offsets(%dma_start3A_130 : memref<128xi32, #tpu.memory_space<vmem>>) semaphore(%arg22 : memref<!tpu.dma_semaphore, #tpu.memory_space<semaphore_mem>>) {add = true}
    %dma_wait3A_134 = arith.constant 78 : i32
    %dma_wait3A_135 = arith.constant 0 : i32
    %dma_wait3A_136 = tpu.memref_slice %arg6[%dma_wait3A_134, %dma_wait3A_135] : memref<80x128xi32, #tpu.memory_space<vmem>> -> memref<1x128xi32, #tpu.memory_space<vmem>>
    %dma_wait3A_137 = tpu.memref_squeeze %dma_wait3A_136 : memref<1x128xi32, #tpu.memory_space<vmem>> -> memref<128xi32, #tpu.memory_space<vmem>>
    %dma_wait3A_138 = arith.constant 0 : i32
    %dma_wait3A_139 = arith.constant 0 : i32
    %dma_wait3A_140 = tpu.memref_slice %arg13[%dma_wait3A_138, %dma_wait3A_139] : memref<10240x80xf32, #tpu.memory_space<vmem_shared>> -> memref<10240x80xf32, #tpu.memory_space<vmem_shared>>
    tpu.wait_indirect_dma semaphore(%arg22 : memref<!tpu.dma_semaphore, #tpu.memory_space<semaphore_mem>>) src(%arg11 : memref<128x80xf32, #tpu.memory_space<vmem>>) dst(%dma_wait3A_140 : memref<10240x80xf32, #tpu.memory_space<vmem_shared>>)
    %dma_wait3A_141 = arith.constant 0 : i32
    %dma_wait3A_142 = arith.constant 0 : i32
    %dma_wait3A_143 = tpu.memref_slice %arg7[%dma_wait3A_141, %dma_wait3A_142] : memref<80x128xi32, #tpu.memory_space<vmem>> -> memref<1x128xi32, #tpu.memory_space<vmem>>
    %dma_wait3A_144 = tpu.memref_squeeze %dma_wait3A_143 : memref<1x128xi32, #tpu.memory_space<vmem>> -> memref<128xi32, #tpu.memory_space<vmem>>
    %dma_wait3A_145 = arith.constant 0 : i32
    %dma_wait3A_146 = arith.constant 0 : i32
    %dma_wait3A_147 = tpu.memref_slice %arg2[%dma_wait3A_145, %dma_wait3A_146] : memref<10240x80xf32, #tpu.memory_space<hbm>> -> memref<10240x80xf32, #tpu.memory_space<hbm>>
    tpu.wait_indirect_dma semaphore(%arg18 : memref<!tpu.dma_semaphore, #tpu.memory_space<semaphore_mem>>) src(%dma_wait3A_147 : memref<10240x80xf32, #tpu.memory_space<hbm>>) dst(%arg12 : memref<128x80xf32, #tpu.memory_space<vmem>>)
    %dma_start3A_148 = arith.constant 79 : i32
    %dma_start3A_149 = arith.constant 0 : i32
    %dma_start3A_150 = tpu.memref_slice %arg6[%dma_start3A_148, %dma_start3A_149] : memref<80x128xi32, #tpu.memory_space<vmem>> -> memref<1x128xi32, #tpu.memory_space<vmem>>
    %dma_start3A_151 = tpu.memref_squeeze %dma_start3A_150 : memref<1x128xi32, #tpu.memory_space<vmem>> -> memref<128xi32, #tpu.memory_space<vmem>>
    %dma_start3A_152 = arith.constant 0 : i32
    %dma_start3A_153 = arith.constant 0 : i32
    %dma_start3A_154 = tpu.memref_slice %arg13[%dma_start3A_152, %dma_start3A_153] : memref<10240x80xf32, #tpu.memory_space<vmem_shared>> -> memref<10240x80xf32, #tpu.memory_space<vmem_shared>>
    tpu.enqueue_indirect_dma source(%arg12 : memref<128x80xf32, #tpu.memory_space<vmem>>) target(%dma_start3A_154 : memref<10240x80xf32, #tpu.memory_space<vmem_shared>>) offsets(%dma_start3A_151 : memref<128xi32, #tpu.memory_space<vmem>>) semaphore(%arg23 : memref<!tpu.dma_semaphore, #tpu.memory_space<semaphore_mem>>) {add = true}
    %dma_wait3A_155 = arith.constant 79 : i32
    %dma_wait3A_156 = arith.constant 0 : i32
    %dma_wait3A_157 = tpu.memref_slice %arg6[%dma_wait3A_155, %dma_wait3A_156] : memref<80x128xi32, #tpu.memory_space<vmem>> -> memref<1x128xi32, #tpu.memory_space<vmem>>
    %dma_wait3A_158 = tpu.memref_squeeze %dma_wait3A_157 : memref<1x128xi32, #tpu.memory_space<vmem>> -> memref<128xi32, #tpu.memory_space<vmem>>
    %dma_wait3A_159 = arith.constant 0 : i32
    %dma_wait3A_160 = arith.constant 0 : i32
    %dma_wait3A_161 = tpu.memref_slice %arg13[%dma_wait3A_159, %dma_wait3A_160] : memref<10240x80xf32, #tpu.memory_space<vmem_shared>> -> memref<10240x80xf32, #tpu.memory_space<vmem_shared>>
    tpu.wait_indirect_dma semaphore(%arg23 : memref<!tpu.dma_semaphore, #tpu.memory_space<semaphore_mem>>) src(%arg12 : memref<128x80xf32, #tpu.memory_space<vmem>>) dst(%dma_wait3A_161 : memref<10240x80xf32, #tpu.memory_space<vmem_shared>>)
    %barrier3A_162 = arith.constant 0 : index
    tpu.barrier barrier_id(%barrier3A_162)
    "tpu.region"() ({
      %run_scoped3A = tpu.sem_alloc : memref<!tpu.dma_semaphore, #tpu.memory_space<semaphore_mem>>
      %dma_start3A_163 = arith.constant 0 : i32
      %dma_start3A_164 = tpu.memref_slice %arg5[%arg0, %mul3A_2, %dma_start3A_163] : memref<2x10240x80xf32, #tpu.memory_space<hbm>> -> memref<1x640x80xf32, #tpu.memory_space<hbm>>
      %dma_start3A_165 = tpu.memref_squeeze %dma_start3A_164 : memref<1x640x80xf32, #tpu.memory_space<hbm>> -> memref<640x80xf32, #tpu.memory_space<hbm>>
      %dma_start3A_166 = arith.constant 0 : i32
      %dma_start3A_167 = tpu.memref_slice %arg13[%mul3A_2, %dma_start3A_166] : memref<10240x80xf32, #tpu.memory_space<vmem_shared>> -> memref<640x80xf32, #tpu.memory_space<vmem_shared>>
      tpu.enqueue_dma source(%dma_start3A_167 : memref<640x80xf32, #tpu.memory_space<vmem_shared>>) target(%dma_start3A_165 : memref<640x80xf32, #tpu.memory_space<hbm>>) target_semaphore(%run_scoped3A : memref<!tpu.dma_semaphore, #tpu.memory_space<semaphore_mem>>)
      %dma_wait3A_168 = arith.constant 0 : i32
      %dma_wait3A_169 = tpu.memref_slice %arg5[%arg0, %mul3A_2, %dma_wait3A_168] : memref<2x10240x80xf32, #tpu.memory_space<hbm>> -> memref<1x640x80xf32, #tpu.memory_space<hbm>>
      %dma_wait3A_170 = tpu.memref_squeeze %dma_wait3A_169 : memref<1x640x80xf32, #tpu.memory_space<hbm>> -> memref<640x80xf32, #tpu.memory_space<hbm>>
      %dma_wait3A_171 = arith.constant 0 : i32
      %dma_wait3A_172 = tpu.memref_slice %arg13[%mul3A_2, %dma_wait3A_171] : memref<10240x80xf32, #tpu.memory_space<vmem_shared>> -> memref<640x80xf32, #tpu.memory_space<vmem_shared>>
      tpu.wait_dma2 semaphore(%run_scoped3A : memref<!tpu.dma_semaphore, #tpu.memory_space<semaphore_mem>>) src(%dma_wait3A_172 : memref<640x80xf32, #tpu.memory_space<vmem_shared>>) dst(%dma_wait3A_170 : memref<640x80xf32, #tpu.memory_space<hbm>>)
      tpu.yield
    }) : () -> ()
    return
  }
}

module attributes {stable_mosaic.version = 14 : i64} {
  func.func @body(%arg0: memref<10000x128xf32, #tpu.memory_space<vmem>>, %arg1: memref<128x69xf32, #tpu.memory_space<vmem>>, %arg2: memref<327680xf32, #tpu.memory_space<vmem>>, %arg3: memref<10240x80xf32, #tpu.memory_space<vmem>>) attributes {dimension_semantics = [], scalar_prefetch = 0 : i64, scratch_operands = 0 : i64, tpu.core_type = #tpu.core_type<tc>} {
    %get3A = arith.constant 0 : index
    %get3A_0 = arith.constant 0 : index
    %get3A_1 = vector.load %arg1[%get3A, %get3A_0] : memref<128x69xf32, #tpu.memory_space<vmem>>, vector<128x69xf32>
    %broadcast_in_dim3A = arith.constant 0.000000e+00 : f32
    %broadcast_in_dim3A_2 = vector.broadcast %broadcast_in_dim3A : f32 to vector<128x11xf32>
    %concatenate3A = tpu.concatenate %get3A_1, %broadcast_in_dim3A_2 in 1 : vector<128x69xf32>, vector<128x11xf32> -> vector<128x80xf32>
    %get3A_3 = arith.constant 0 : index
    %get3A_4 = arith.constant 0 : index
    %get3A_5 = vector.load %arg0[%get3A_3, %get3A_4] : memref<10000x128xf32, #tpu.memory_space<vmem>>, vector<10000x128xf32>
    %dot_general3A = arith.constant dense<0.000000e+00> : vector<10000x80xf32>
    %dot_general3A_6 = tpu.matmul %get3A_5, %concatenate3A, %dot_general3A {dimension_numbers = #tpu.dot_dimension_numbers<[1], [0], [0], [1], [0, 0, 1, 1], [], []>, transpose_lhs_hint = false} : vector<10000x128xf32>, vector<128x80xf32>, vector<10000x80xf32> -> vector<10000x80xf32>
    %broadcast_in_dim3A_7 = arith.constant 0.000000e+00 : f32
    %broadcast_in_dim3A_8 = vector.broadcast %broadcast_in_dim3A_7 : f32 to vector<240x80xf32>
    %concatenate3A_9 = tpu.concatenate %dot_general3A_6, %broadcast_in_dim3A_8 in 0 : vector<10000x80xf32>, vector<240x80xf32> -> vector<10240x80xf32>
    %swap3A = arith.constant 0 : index
    %swap3A_10 = arith.constant 0 : index
    %swap3A_11 = vector.load %arg3[%swap3A, %swap3A_10] : memref<10240x80xf32, #tpu.memory_space<vmem>>, vector<10240x80xf32>
    tpu.vector_store %arg3[%swap3A, %swap3A_10], %concatenate3A_9 {strides = array<i32>} : memref<10240x80xf32, #tpu.memory_space<vmem>>, vector<10240x80xf32>,
    return
  }
}

module attributes {stable_mosaic.version = 14 : i64} {
  func.func @body(%arg0: memref<2x320000xi32, #tpu.memory_space<vmem>>, %arg1: memref<327680xi32, #tpu.memory_space<vmem>>, %arg2: memref<327680xi32, #tpu.memory_space<vmem>>, %arg3: memref<327680xi32, #tpu.memory_space<vmem>>) attributes {dimension_semantics = [], scalar_prefetch = 0 : i64, scratch_operands = 0 : i64, tpu.core_type = #tpu.core_type<tc>} {
    %get3A = arith.constant 0 : index
    %get3A_0 = arith.constant 0 : index
    %get3A_1 = vector.load %arg0[%get3A, %get3A_0] : memref<2x320000xi32, #tpu.memory_space<vmem>>, vector<2x320000xi32>
    %iota3A = tpu.iota {dimensions = array<i32: 1>} : vector<1x7680xi32>
    %iota3A_2 = vector.shape_cast %iota3A : vector<1x7680xi32> to vector<7680xi32>
    %rem3A = arith.constant 240 : i32
    %rem3A_3 = vector.broadcast %rem3A : i32 to vector<7680xi32>
    %rem3A_4 = arith.remsi %iota3A_2, %rem3A_3 : vector<7680xi32>
    %add3A = arith.constant 10000 : i32
    %add3A_5 = vector.broadcast %add3A : i32 to vector<7680xi32>
    %add3A_6 = arith.addi %add3A_5, %rem3A_4 : vector<7680xi32>
    %slice3A = vector.extract_strided_slice %get3A_1 {offsets = [0, 0], sizes = [1, 320000], strides = [1, 1]} : vector<2x320000xi32> to vector<1x320000xi32>
    %squeeze3A = vector.shape_cast %slice3A : vector<1x320000xi32> to vector<320000xi32>
    %concatenate3A = tpu.concatenate %squeeze3A, %add3A_6 in 0 : vector<320000xi32>, vector<7680xi32> -> vector<327680xi32>
    %swap3A = arith.constant 0 : index
    %swap3A_7 = vector.load %arg1[%swap3A] : memref<327680xi32, #tpu.memory_space<vmem>>, vector<327680xi32>
    tpu.vector_store %arg1[%swap3A], %concatenate3A {strides = array<i32>} : memref<327680xi32, #tpu.memory_space<vmem>>, vector<327680xi32>,
    %slice3A_8 = vector.extract_strided_slice %get3A_1 {offsets = [1, 0], sizes = [1, 320000], strides = [1, 1]} : vector<2x320000xi32> to vector<1x320000xi32>
    %squeeze3A_9 = vector.shape_cast %slice3A_8 : vector<1x320000xi32> to vector<320000xi32>
    %concatenate3A_10 = tpu.concatenate %squeeze3A_9, %iota3A_2 in 0 : vector<320000xi32>, vector<7680xi32> -> vector<327680xi32>
    %swap3A_11 = arith.constant 0 : index
    %swap3A_12 = vector.load %arg2[%swap3A_11] : memref<327680xi32, #tpu.memory_space<vmem>>, vector<327680xi32>
    tpu.vector_store %arg2[%swap3A_11], %concatenate3A_10 {strides = array<i32>} : memref<327680xi32, #tpu.memory_space<vmem>>, vector<327680xi32>,
    %slice3A_13 = vector.extract_strided_slice %get3A_1 {offsets = [1, 0], sizes = [1, 320000], strides = [1, 1]} : vector<2x320000xi32> to vector<1x320000xi32>
    %squeeze3A_14 = vector.shape_cast %slice3A_13 : vector<1x320000xi32> to vector<320000xi32>
    %concatenate3A_15 = tpu.concatenate %squeeze3A_14, %add3A_6 in 0 : vector<320000xi32>, vector<7680xi32> -> vector<327680xi32>
    %swap3A_16 = arith.constant 0 : index
    %swap3A_17 = vector.load %arg3[%swap3A_16] : memref<327680xi32, #tpu.memory_space<vmem>>, vector<327680xi32>
    tpu.vector_store %arg3[%swap3A_16], %concatenate3A_15 {strides = array<i32>} : memref<327680xi32, #tpu.memory_space<vmem>>, vector<327680xi32>,
    return
  }
}

module attributes {stable_mosaic.version = 14 : i64} {
  func.func @body(%arg0: memref<2x320000xf32, #tpu.memory_space<vmem>>, %arg1: memref<327680xf32, #tpu.memory_space<vmem>>, %arg2: memref<327680xf32, #tpu.memory_space<vmem>>) attributes {dimension_semantics = [], scalar_prefetch = 0 : i64, scratch_operands = 0 : i64, tpu.core_type = #tpu.core_type<tc>} {
    %get3A = arith.constant 0 : index
    %get3A_0 = arith.constant 0 : index
    %get3A_1 = vector.load %arg0[%get3A, %get3A_0] : memref<2x320000xf32, #tpu.memory_space<vmem>>, vector<2x320000xf32>
    %broadcast_in_dim3A = arith.constant 0.000000e+00 : f32
    %broadcast_in_dim3A_2 = vector.broadcast %broadcast_in_dim3A : f32 to vector<7680xf32>
    %slice3A = vector.extract_strided_slice %get3A_1 {offsets = [0, 0], sizes = [1, 320000], strides = [1, 1]} : vector<2x320000xf32> to vector<1x320000xf32>
    %squeeze3A = vector.shape_cast %slice3A : vector<1x320000xf32> to vector<320000xf32>
    %concatenate3A = tpu.concatenate %squeeze3A, %broadcast_in_dim3A_2 in 0 : vector<320000xf32>, vector<7680xf32> -> vector<327680xf32>
    %swap3A = arith.constant 0 : index
    %swap3A_3 = vector.load %arg1[%swap3A] : memref<327680xf32, #tpu.memory_space<vmem>>, vector<327680xf32>
    tpu.vector_store %arg1[%swap3A], %concatenate3A {strides = array<i32>} : memref<327680xf32, #tpu.memory_space<vmem>>, vector<327680xf32>,
    %slice3A_4 = vector.extract_strided_slice %get3A_1 {offsets = [1, 0], sizes = [1, 320000], strides = [1, 1]} : vector<2x320000xf32> to vector<1x320000xf32>
    %squeeze3A_5 = vector.shape_cast %slice3A_4 : vector<1x320000xf32> to vector<320000xf32>
    %concatenate3A_6 = tpu.concatenate %squeeze3A_5, %broadcast_in_dim3A_2 in 0 : vector<320000xf32>, vector<7680xf32> -> vector<327680xf32>
    %swap3A_7 = arith.constant 0 : index
    %swap3A_8 = vector.load %arg2[%swap3A_7] : memref<327680xf32, #tpu.memory_space<vmem>>, vector<327680xf32>
    tpu.vector_store %arg2[%swap3A_7], %concatenate3A_6 {strides = array<i32>} : memref<327680xf32, #tpu.memory_space<vmem>>, vector<327680xf32>,
    return
  }
}

module attributes {stable_mosaic.version = 14 : i64} {
  func.func @body(%arg0: memref<2x10240x80xf32, #tpu.memory_space<vmem>>, %arg1: memref<2x10240x16xf32, #tpu.memory_space<vmem>>, %arg2: memref<2x128xf32, #tpu.memory_space<vmem>>, %arg3: memref<128x69xf32, #tpu.memory_space<vmem>>, %arg4: memref<1x69xf32, #tpu.memory_space<vmem>>, %arg5: memref<69x10xf32, #tpu.memory_space<vmem>>, %arg6: memref<10240x16xf32, #tpu.memory_space<vmem>>) attributes {dimension_semantics = [], scalar_prefetch = 0 : i64, scratch_operands = 0 : i64, tpu.core_type = #tpu.core_type<tc>} {
    %get3A = arith.constant 0 : index
    %get3A_0 = arith.constant 0 : index
    %get3A_1 = arith.constant 0 : index
    %get3A_2 = vector.load %arg0[%get3A, %get3A_0, %get3A_1] : memref<2x10240x80xf32, #tpu.memory_space<vmem>>, vector<1x10240x80xf32>
    %get3A_3 = vector.shape_cast %get3A_2 : vector<1x10240x80xf32> to vector<10240x80xf32>
    %get3A_4 = arith.constant 1 : index
    %get3A_5 = arith.constant 0 : index
    %get3A_6 = arith.constant 0 : index
    %get3A_7 = vector.load %arg0[%get3A_4, %get3A_5, %get3A_6] : memref<2x10240x80xf32, #tpu.memory_space<vmem>>, vector<1x10240x80xf32>
    %get3A_8 = vector.shape_cast %get3A_7 : vector<1x10240x80xf32> to vector<10240x80xf32>
    %add3A = arith.addf %get3A_3, %get3A_8 : vector<10240x80xf32>
    %get3A_9 = arith.constant 0 : index
    %get3A_10 = arith.constant 0 : index
    %get3A_11 = arith.constant 0 : index
    %get3A_12 = vector.load %arg1[%get3A_9, %get3A_10, %get3A_11] : memref<2x10240x16xf32, #tpu.memory_space<vmem>>, vector<1x10240x16xf32>
    %get3A_13 = vector.shape_cast %get3A_12 : vector<1x10240x16xf32> to vector<10240x16xf32>
    %get3A_14 = arith.constant 1 : index
    %get3A_15 = arith.constant 0 : index
    %get3A_16 = arith.constant 0 : index
    %get3A_17 = vector.load %arg1[%get3A_14, %get3A_15, %get3A_16] : memref<2x10240x16xf32, #tpu.memory_space<vmem>>, vector<1x10240x16xf32>
    %get3A_18 = vector.shape_cast %get3A_17 : vector<1x10240x16xf32> to vector<10240x16xf32>
    %add3A_19 = arith.addf %get3A_13, %get3A_18 : vector<10240x16xf32>
    %get3A_20 = arith.constant 0 : index
    %get3A_21 = arith.constant 0 : index
    %get3A_22 = vector.load %arg3[%get3A_20, %get3A_21] : memref<128x69xf32, #tpu.memory_space<vmem>>, vector<128x69xf32>
    %broadcast_in_dim3A = arith.constant 0.000000e+00 : f32
    %broadcast_in_dim3A_23 = vector.broadcast %broadcast_in_dim3A : f32 to vector<128x11xf32>
    %concatenate3A = tpu.concatenate %get3A_22, %broadcast_in_dim3A_23 in 1 : vector<128x69xf32>, vector<128x11xf32> -> vector<128x80xf32>
    %get3A_24 = arith.constant 0 : index
    %get3A_25 = arith.constant 0 : index
    %get3A_26 = vector.load %arg2[%get3A_24, %get3A_25] : memref<2x128xf32, #tpu.memory_space<vmem>>, vector<2x128xf32>
    %broadcast_in_dim3A_27 = arith.constant 0.000000e+00 : f32
    %broadcast_in_dim3A_28 = vector.broadcast %broadcast_in_dim3A_27 : f32 to vector<14x128xf32>
    %concatenate3A_29 = tpu.concatenate %get3A_26, %broadcast_in_dim3A_28 in 0 : vector<2x128xf32>, vector<14x128xf32> -> vector<16x128xf32>
    %dot_general3A = arith.constant dense<0.000000e+00> : vector<16x80xf32>
    %dot_general3A_30 = tpu.matmul %concatenate3A_29, %concatenate3A, %dot_general3A {dimension_numbers = #tpu.dot_dimension_numbers<[1], [0], [0], [1], [0, 0, 1, 1], [], []>, transpose_lhs_hint = false} : vector<16x128xf32>, vector<128x80xf32>, vector<16x80xf32> -> vector<16x80xf32>
    %iota3A = tpu.iota {dimensions = array<i32: 1>} : vector<10240x16xi32>
    %eq3A = arith.constant 2 : i32
    %eq3A_31 = vector.broadcast %eq3A : i32 to vector<10240x16xi32>
    %eq3A_32 = arith.cmpi eq, %iota3A, %eq3A_31 : vector<10240x16xi32>
    %jit3A = arith.constant 0.000000e+00 : f32
    %broadcast_in_dim3A_33 = vector.broadcast %jit3A : f32 to vector<10240x16xf32>
    %select_n3A = arith.select %eq3A_32, %broadcast_in_dim3A_33, %add3A_19 : vector<10240x16xi1>, vector<10240x16xf32>
    %dot_general3A_34 = arith.constant dense<0.000000e+00> : vector<10240x80xf32>
    %dot_general3A_35 = tpu.matmul %select_n3A, %dot_general3A_30, %dot_general3A_34 {dimension_numbers = #tpu.dot_dimension_numbers<[1], [0], [0], [1], [0, 0, 1, 1], [], []>, transpose_lhs_hint = false} : vector<10240x16xf32>, vector<16x80xf32>, vector<10240x80xf32> -> vector<10240x80xf32>
    %slice3A = vector.extract_strided_slice %add3A_19 {offsets = [0, 2], sizes = [10240, 1], strides = [1, 1]} : vector<10240x16xf32> to vector<10240x1xf32>
    %max3A = arith.constant 1.000000e+00 : f32
    %max3A_36 = vector.broadcast %max3A : f32 to vector<10240x1xf32>
    %max3A_37 = arith.maximumf %slice3A, %max3A_36 : vector<10240x1xf32>
    %get3A_38 = arith.constant 0 : index
    %get3A_39 = arith.constant 0 : index
    %get3A_40 = vector.load %arg4[%get3A_38, %get3A_39] : memref<1x69xf32, #tpu.memory_space<vmem>>, vector<1x69xf32>
    %broadcast_in_dim3A_41 = arith.constant 0.000000e+00 : f32
    %broadcast_in_dim3A_42 = vector.broadcast %broadcast_in_dim3A_41 : f32 to vector<1x11xf32>
    %concatenate3A_43 = tpu.concatenate %get3A_40, %broadcast_in_dim3A_42 in 1 : vector<1x69xf32>, vector<1x11xf32> -> vector<1x80xf32>
    %add3A_44 = arith.addf %add3A, %dot_general3A_35 : vector<10240x80xf32>
    %div3A = vector.broadcast %max3A_37 : vector<10240x1xf32> to vector<10240x80xf32>
    %div3A_45 = arith.divf %add3A_44, %div3A : vector<10240x80xf32>
    %add3A_46 = vector.broadcast %concatenate3A_43 : vector<1x80xf32> to vector<10240x80xf32>
    %add3A_47 = arith.addf %div3A_45, %add3A_46 : vector<10240x80xf32>
    %max3A_48 = arith.constant 0.000000e+00 : f32
    %max3A_49 = vector.broadcast %max3A_48 : f32 to vector<10240x80xf32>
    %max3A_50 = arith.maximumf %add3A_47, %max3A_49 : vector<10240x80xf32>
    %iota3A_51 = tpu.iota {dimensions = array<i32: 0>} : vector<10240x1xi32>
    %lt3A = arith.constant 10000 : i32
    %lt3A_52 = vector.broadcast %lt3A : i32 to vector<10240x1xi32>
    %lt3A_53 = arith.cmpi slt, %iota3A_51, %lt3A_52 : vector<10240x1xi32>
    %jit3A_54 = arith.constant 0.000000e+00 : f32
    %broadcast_in_dim3A_55 = vector.shape_cast %lt3A_53 : vector<10240x1xi1> to vector<10240x1xi1>
    %broadcast_in_dim3A_56 = vector.broadcast %broadcast_in_dim3A_55 : vector<10240x1xi1> to vector<10240x80xi1>
    %broadcast_in_dim3A_57 = vector.broadcast %jit3A_54 : f32 to vector<10240x80xf32>
    %select_n3A_58 = arith.select %broadcast_in_dim3A_56, %max3A_50, %broadcast_in_dim3A_57 : vector<10240x80xi1>, vector<10240x80xf32>
    %get3A_59 = arith.constant 0 : index
    %get3A_60 = arith.constant 0 : index
    %get3A_61 = vector.load %arg5[%get3A_59, %get3A_60] : memref<69x10xf32, #tpu.memory_space<vmem>>, vector<69x10xf32>
    %broadcast_in_dim3A_62 = arith.constant 0.000000e+00 : f32
    %broadcast_in_dim3A_63 = vector.broadcast %broadcast_in_dim3A_62 : f32 to vector<69x6xf32>
    %concatenate3A_64 = tpu.concatenate %get3A_61, %broadcast_in_dim3A_63 in 1 : vector<69x10xf32>, vector<69x6xf32> -> vector<69x16xf32>
    %broadcast_in_dim3A_65 = arith.constant 0.000000e+00 : f32
    %broadcast_in_dim3A_66 = vector.broadcast %broadcast_in_dim3A_65 : f32 to vector<11x16xf32>
    %concatenate3A_67 = tpu.concatenate %concatenate3A_64, %broadcast_in_dim3A_66 in 0 : vector<69x16xf32>, vector<11x16xf32> -> vector<80x16xf32>
    %dot_general3A_68 = arith.constant dense<0.000000e+00> : vector<10240x16xf32>
    %dot_general3A_69 = tpu.matmul %select_n3A_58, %concatenate3A_67, %dot_general3A_68 {dimension_numbers = #tpu.dot_dimension_numbers<[1], [0], [0], [1], [0, 0, 1, 1], [], []>, transpose_lhs_hint = false} : vector<10240x80xf32>, vector<80x16xf32>, vector<10240x16xf32> -> vector<10240x16xf32>
    %swap3A = arith.constant 0 : index
    %swap3A_70 = arith.constant 0 : index
    %swap3A_71 = vector.load %arg6[%swap3A, %swap3A_70] : memref<10240x16xf32, #tpu.memory_space<vmem>>, vector<10240x16xf32>
    tpu.vector_store %arg6[%swap3A, %swap3A_70], %dot_general3A_69 {strides = array<i32>} : memref<10240x16xf32, #tpu.memory_space<vmem>>, vector<10240x16xf32>,
    return
  }
}

module attributes {stable_mosaic.version = 14 : i64} {
  func.func @body(%arg0: memref<2x10240x16xf32, #tpu.memory_space<vmem>>, %arg1: memref<2x10240x16xf32, #tpu.memory_space<vmem>>, %arg2: memref<2x69xf32, #tpu.memory_space<vmem>>, %arg3: memref<69x10xf32, #tpu.memory_space<vmem>>, %arg4: memref<1x10xf32, #tpu.memory_space<vmem>>, %arg5: memref<10000x10xf32, #tpu.memory_space<vmem>>) attributes {dimension_semantics = [], scalar_prefetch = 0 : i64, scratch_operands = 0 : i64, tpu.core_type = #tpu.core_type<tc>} {
    %get3A = arith.constant 0 : index
    %get3A_0 = arith.constant 0 : index
    %get3A_1 = arith.constant 0 : index
    %get3A_2 = vector.load %arg0[%get3A, %get3A_0, %get3A_1] : memref<2x10240x16xf32, #tpu.memory_space<vmem>>, vector<1x10240x16xf32>
    %get3A_3 = vector.shape_cast %get3A_2 : vector<1x10240x16xf32> to vector<10240x16xf32>
    %get3A_4 = arith.constant 1 : index
    %get3A_5 = arith.constant 0 : index
    %get3A_6 = arith.constant 0 : index
    %get3A_7 = vector.load %arg0[%get3A_4, %get3A_5, %get3A_6] : memref<2x10240x16xf32, #tpu.memory_space<vmem>>, vector<1x10240x16xf32>
    %get3A_8 = vector.shape_cast %get3A_7 : vector<1x10240x16xf32> to vector<10240x16xf32>
    %add3A = arith.addf %get3A_3, %get3A_8 : vector<10240x16xf32>
    %get3A_9 = arith.constant 0 : index
    %get3A_10 = arith.constant 0 : index
    %get3A_11 = arith.constant 0 : index
    %get3A_12 = vector.load %arg1[%get3A_9, %get3A_10, %get3A_11] : memref<2x10240x16xf32, #tpu.memory_space<vmem>>, vector<1x10240x16xf32>
    %get3A_13 = vector.shape_cast %get3A_12 : vector<1x10240x16xf32> to vector<10240x16xf32>
    %get3A_14 = arith.constant 1 : index
    %get3A_15 = arith.constant 0 : index
    %get3A_16 = arith.constant 0 : index
    %get3A_17 = vector.load %arg1[%get3A_14, %get3A_15, %get3A_16] : memref<2x10240x16xf32, #tpu.memory_space<vmem>>, vector<1x10240x16xf32>
    %get3A_18 = vector.shape_cast %get3A_17 : vector<1x10240x16xf32> to vector<10240x16xf32>
    %add3A_19 = arith.addf %get3A_13, %get3A_18 : vector<10240x16xf32>
    %get3A_20 = arith.constant 0 : index
    %get3A_21 = arith.constant 0 : index
    %get3A_22 = vector.load %arg2[%get3A_20, %get3A_21] : memref<2x69xf32, #tpu.memory_space<vmem>>, vector<2x69xf32>
    %broadcast_in_dim3A = arith.constant 0.000000e+00 : f32
    %broadcast_in_dim3A_23 = vector.broadcast %broadcast_in_dim3A : f32 to vector<14x69xf32>
    %concatenate3A = tpu.concatenate %get3A_22, %broadcast_in_dim3A_23 in 0 : vector<2x69xf32>, vector<14x69xf32> -> vector<16x69xf32>
    %get3A_24 = arith.constant 0 : index
    %get3A_25 = arith.constant 0 : index
    %get3A_26 = vector.load %arg3[%get3A_24, %get3A_25] : memref<69x10xf32, #tpu.memory_space<vmem>>, vector<69x10xf32>
    %dot_general3A = arith.constant dense<0.000000e+00> : vector<16x10xf32>
    %dot_general3A_27 = tpu.matmul %concatenate3A, %get3A_26, %dot_general3A {dimension_numbers = #tpu.dot_dimension_numbers<[1], [0], [0], [1], [0, 0, 1, 1], [], []>, transpose_lhs_hint = false} : vector<16x69xf32>, vector<69x10xf32>, vector<16x10xf32> -> vector<16x10xf32>
    %iota3A = tpu.iota {dimensions = array<i32: 1>} : vector<10240x16xi32>
    %eq3A = arith.constant 2 : i32
    %eq3A_28 = vector.broadcast %eq3A : i32 to vector<10240x16xi32>
    %eq3A_29 = arith.cmpi eq, %iota3A, %eq3A_28 : vector<10240x16xi32>
    %jit3A = arith.constant 0.000000e+00 : f32
    %broadcast_in_dim3A_30 = vector.broadcast %jit3A : f32 to vector<10240x16xf32>
    %select_n3A = arith.select %eq3A_29, %broadcast_in_dim3A_30, %add3A_19 : vector<10240x16xi1>, vector<10240x16xf32>
    %dot_general3A_31 = arith.constant dense<0.000000e+00> : vector<10240x10xf32>
    %dot_general3A_32 = tpu.matmul %select_n3A, %dot_general3A_27, %dot_general3A_31 {dimension_numbers = #tpu.dot_dimension_numbers<[1], [0], [0], [1], [0, 0, 1, 1], [], []>, transpose_lhs_hint = false} : vector<10240x16xf32>, vector<16x10xf32>, vector<10240x10xf32> -> vector<10240x10xf32>
    %slice3A = vector.extract_strided_slice %add3A_19 {offsets = [0, 2], sizes = [10240, 1], strides = [1, 1]} : vector<10240x16xf32> to vector<10240x1xf32>
    %max3A = arith.constant 1.000000e+00 : f32
    %max3A_33 = vector.broadcast %max3A : f32 to vector<10240x1xf32>
    %max3A_34 = arith.maximumf %slice3A, %max3A_33 : vector<10240x1xf32>
    %slice3A_35 = vector.extract_strided_slice %add3A {offsets = [0, 0], sizes = [10240, 10], strides = [1, 1]} : vector<10240x16xf32> to vector<10240x10xf32>
    %add3A_36 = arith.addf %slice3A_35, %dot_general3A_32 : vector<10240x10xf32>
    %div3A = vector.broadcast %max3A_34 : vector<10240x1xf32> to vector<10240x10xf32>
    %div3A_37 = arith.divf %add3A_36, %div3A : vector<10240x10xf32>
    %get3A_38 = arith.constant 0 : index
    %get3A_39 = arith.constant 0 : index
    %get3A_40 = vector.load %arg4[%get3A_38, %get3A_39] : memref<1x10xf32, #tpu.memory_space<vmem>>, vector<1x10xf32>
    %add3A_41 = vector.broadcast %get3A_40 : vector<1x10xf32> to vector<10240x10xf32>
    %add3A_42 = arith.addf %div3A_37, %add3A_41 : vector<10240x10xf32>
    %max3A_43 = arith.constant 0.000000e+00 : f32
    %max3A_44 = vector.broadcast %max3A_43 : f32 to vector<10240x10xf32>
    %max3A_45 = arith.maximumf %add3A_42, %max3A_44 : vector<10240x10xf32>
    %slice3A_46 = vector.extract_strided_slice %max3A_45 {offsets = [0, 0], sizes = [10000, 10], strides = [1, 1]} : vector<10240x10xf32> to vector<10000x10xf32>
    %swap3A = arith.constant 0 : index
    %swap3A_47 = arith.constant 0 : index
    %swap3A_48 = vector.load %arg5[%swap3A, %swap3A_47] : memref<10000x10xf32, #tpu.memory_space<vmem>>, vector<10000x10xf32>
    tpu.vector_store %arg5[%swap3A, %swap3A_47], %slice3A_46 {strides = array<i32>} : memref<10000x10xf32, #tpu.memory_space<vmem>>, vector<10000x10xf32>,
    return
  }
}

</mosaic_0001>

<sc_bundles>
// kernel: kernel.10.cloned.1.call-start
scs
__scs_entry_jumppad:
0x0: {  	(pc) =	sbr.rel $0x88, $3  }
0x1: {  	(tag) =	ssettag $0x0;
	lr =	simm.s32 $0x1  }
0x2: {  	[smem:$0x3F98] =	sst lr;
	_ =	strace $0xD0000000  }
0x3: {  	_ = 	snop  }
0x4: {  	_ = 	snop  }
0x5: {  	_ = 	snop  }
0x6: {  	_ = 	snop  }
0x7: {  	_ = 	snop  }
__scs_overlays_trampoline_lowered:
0x8: {  	[smem:$0x3FA7] =	sst s0  }
0x9: {  	[smem:$0x3FA8] =	sst s1  }
0xa: {  	[smem:$0x3FA9] =	sst s2  }
0xb: {  	[smem:$0x3FAA] =	sst s3  }
0xc: {  	[smem:$0x3FAB] =	sst s4  }
0xd: {  	[smem:$0x3FAC] =	sst s5  }
0xe: {  	[smem:$0x3FAD] =	sst s6  }
0xf: {  	[smem:$0x3FAE] =	sst s7  }
0x10: {  	[smem:$0x3FAF] =	sst s8  }
0x11: {  	[smem:$0x3FB0] =	sst s9;
	s0 =	simm.s32 @!p0 $0x0  }
0x12: {  	s1 =	sld [smem:$0x3F96];
	s0 =	simm.s32 @p0 $0x1  }
0x13: {  	[smem:$0x3FB1] =	sst s0;
	s0 =	simm.s32 @!p1 $0x0  }
0x14: {  	s2 =	sld [smem:$0x3F95];
	s0 =	simm.s32 @p1 $0x1  }
0x15: {  	[smem:$0x3FB2] =	sst s0;
	s0 =	simm.s32 @!p2 $0x0  }
0x16: {  	s3 =	sld [smem:$0x3FDB];
	s0 =	simm.s32 @p2 $0x1  }
0x17: {  	s4 =	simm.s32 $0x1BF5;
	[smem:$0x3FB4] =	sst s0  }
0x18: {  	s0 =	sld [smem:$0x3F97];
	_ =	swait.ge [sflag:s4], $0x0  }
0x19: {  	s7 =	sld [smem:$0x3F98]  }
0x1a: {  	s8 =	sadd.s32 $0xFFFFE003, lr  }
0x1b: {  	s9 =	sadd.s32 $0xFFFFFEF7, lr;
	s5 =	simm.s32 $0xFFFFFFFF;
	p2 =	slt.u32 s8, $0xFFFFF086  }
0x1c: {  	p1 =	slt.u32 s9, $0xF7A;
	s5 =	simm.s32 @!p2 $0x0  }
0x1d: {  	s5 =	simm.s32 @p1 $0x1;
	p0 =	seq.s32 s7, s2  }
0x1e: {  	s7 =	smul.u32 @!p0 $0xF7A, s2;
	p2 =	seq.s32 @!p0 s5, $0x0  }
0x1f: {  	s9 =	smul.u32 $0xF7A, s1;
	s8 =	simm.s32 @!p0 $0x1BF5;
	p2 =	por !p2, p0  }
0x20: {  	[sflag:s8] =	ssyncset.s32 @!p0 $0xFFFFF086;
	s6 =	sadd.s32 @!p0 s3, s7;
	s7 =	simm.s32 @!p0 $0x108  }
0x21: {  	s3 =	sadd.s32 s3, s9;
	s6 =	sadd.s32 @!p0 $0x88, s6;
	s7 =	simm.s32 @p2 $0x1082  }
0x22: {  	[simem:s7], [sflag:s8] =	dma.local @!p0 [hbm:s6], $0xF7A  }
0x23: {  	s9 =	sor.u32 $0xD0000000, s2;
	s6 =	simm.s32 $0x108;
	_ =	swait.ge @!p0 [sflag:s8], $0x0  }
0x24: {  	s3 =	sadd.s32 $0x88, s3;
	s6 =	simm.s32 @!p1 $0x1082;
	[sflag:s4] =	ssyncset.s32 $0xFFFFF086  }
0x25: {  	[simem:s6], [sflag:s4] =	dma.local [hbm:s3], $0xF7A  }
0x26: {  	[smem:$0x3F98] =	sst s1;
	(tag) =	ssettag s2;
	_ =	strace s9  }
0x27: {  	s1 =	sld [smem:$0x3FA8]  }
0x28: {  	s2 =	sld [smem:$0x3FA9]  }
0x29: {  	s4 =	sld [smem:$0x3FAB]  }
0x2a: {  	p0 =	seq.s32 s5, $0x0;
	s5 =	sld [smem:$0x3FAC]  }
0x2b: {  	s6 =	sld [smem:$0x3FAD]  }
0x2c: {  	s7 =	sld [smem:$0x3FAE]  }
0x2d: {  	s3 =	simm.s32 $0x108;
	s8 =	sld [smem:$0x3FAF]  }
0x2e: {  	s3 =	simm.s32 @!p0 $0x1082;
	s9 =	sld [smem:$0x3FB0]  }
0x2f: {  	lr =	sadd.s32 s0, s3;
	s0 =	sld [smem:$0x3FA7]  }
0x30: {  	s3 =	sld [smem:$0x3FAA]  }
0x31: {  	[smem:$0x3FB3] =	sst s10  }
0x32: {  	s10 =	sld [smem:$0x3FB1];
	_ =	sdelay $0x3  }
0x33: {  	p0 =	seq.s32 s10, $0x1;
	s10 =	sld [smem:$0x3FB3];
	_ =	sdelay $0x3  }
0x34: {  	[smem:$0x3FB3] =	sst s10  }
0x35: {  	s10 =	sld [smem:$0x3FB2];
	_ =	sdelay $0x3  }
0x36: {  	p1 =	seq.s32 s10, $0x1;
	s10 =	sld [smem:$0x3FB3];
	_ =	sdelay $0x3  }
0x37: {  	[smem:$0x3FB3] =	sst s10  }
0x38: {  	s10 =	sld [smem:$0x3FB4]  }
0x39: {  	_ = 	snop;
	(pc) =	sbr.ind lr, $3  }
0x3a: {  	_ = 	snop  }
0x3b: {  	_ = 	snop  }
0x3c: {  	p2 =	seq.s32 s10, $0x1;
	s10 =	sld [smem:$0x3FB3]  }
0x3d: {  	_ =	shalt  }
0x3e: {  	_ =	shalt  }
0x3f: {  	_ =	shalt  }
0x40: {  	_ =	shalt  }
0x41: {  	_ =	shalt  }
0x42: {  	_ =	shalt  }
0x43: {  	_ =	shalt  }
0x44: {  	_ =	shalt  }
0x45: {  	_ =	shalt  }
0x46: {  	_ =	shalt  }
0x47: {  	_ =	shalt  }
0x48: {  	_ =	shalt  }
0x49: {  	_ =	shalt  }
0x4a: {  	_ =	shalt  }
0x4b: {  	_ =	shalt  }
0x4c: {  	_ =	shalt  }
0x4d: {  	_ =	shalt  }
0x4e: {  	_ =	shalt  }
0x4f: {  	_ =	shalt  }
0x50: {  	_ =	shalt  }
0x51: {  	_ =	shalt  }
0x52: {  	_ =	shalt  }
0x53: {  	_ =	shalt  }
0x54: {  	_ =	shalt  }
0x55: {  	_ =	shalt  }
0x56: {  	_ =	shalt  }
0x57: {  	_ =	shalt  }
0x58: {  	_ =	shalt  }
0x59: {  	_ =	shalt  }
0x5a: {  	_ =	shalt  }
0x5b: {  	_ =	shalt  }
0x5c: {  	_ =	shalt  }
0x5d: {  	_ =	shalt  }
0x5e: {  	_ =	shalt  }
0x5f: {  	_ =	shalt  }
0x60: {  	_ =	shalt  }
0x61: {  	_ =	shalt  }
0x62: {  	_ =	shalt  }
0x63: {  	_ =	shalt  }
0x64: {  	_ =	shalt  }
0x65: {  	_ =	shalt  }
0x66: {  	_ =	shalt  }
0x67: {  	_ =	shalt  }
0x68: {  	_ =	shalt  }
0x69: {  	_ =	shalt  }
0x6a: {  	_ =	shalt  }
0x6b: {  	_ =	shalt  }
0x6c: {  	_ =	shalt  }
0x6d: {  	_ =	shalt  }
0x6e: {  	_ =	shalt  }
0x6f: {  	_ =	shalt  }
0x70: {  	_ =	shalt  }
0x71: {  	_ =	shalt  }
0x72: {  	_ =	shalt  }
0x73: {  	_ =	shalt  }
0x74: {  	_ =	shalt  }
0x75: {  	_ =	shalt  }
0x76: {  	_ =	shalt  }
0x77: {  	_ =	shalt  }
0x78: {  	_ =	shalt  }
0x79: {  	_ =	shalt  }
0x7a: {  	_ =	shalt  }
0x7b: {  	_ =	shalt  }
0x7c: {  	_ =	shalt  }
0x7d: {  	_ =	shalt  }
0x7e: {  	_ =	shalt  }
0x7f: {  	_ =	shalt  }
0x80: {  	_ =	shalt  }
0x81: {  	_ =	shalt  }
0x82: {  	_ =	shalt  }
0x83: {  	_ =	shalt  }
0x84: {  	_ =	shalt  }
0x85: {  	_ =	shalt  }
0x86: {  	_ =	shalt  }
0x87: {  	_ =	shalt  }
.Lfunc_end0:
.L_simem_size_0:
called_computation_lowered:
.L_overlay_start_0:
0x88: {  	s2 =	sld [smem:$0x3FD9]  }
0x89: {  	s3 =	sld [smem:$0x3FFE];
	_ =	sdelay $0x1  }
0x8a: {  	s1 =	srdreg.scid  }
0x8b: {  	s0 =	sand.u32 $0x1, s1  }
0x8c: {  	s17 =	sshll.u32 s0, $0xA;
	s2 =	sadd.s32 s3, s2  }
0x8d: {  	s2 =	sadd.s32 s2, s17  }
0x8e: {  	[smem:$0x3FBF] =	sst s2  }
0x8f: {  	_ = 	snop  }
0x90: {  	(tm) =	ssettm $0x1  }
0x91: {  	s18 =	sld [smem:$0x3FFB];
	_ =	sdelay $0x3  }
0x92: {  	_ =	strace s18  }
0x93: {  	s2 =	sld [smem:$0x3FFC];
	_ =	sdelay $0x3  }
0x94: {  	_ =	strace s2  }
0x95: {  	s2 =	sld [smem:$0x3FFD];
	_ =	sdelay $0x3  }
0x96: {  	_ =	strace s2  }
0x97: {  	_ =	strace $0x8FFFFFFF  }
0x98: {  	s19 =	sld [smem:$0x3FDB];
	_ =	sdelay $0x1  }
0x99: {  	s20 =	simm.s32 $_scs_section_size  }
0x9a: {  	s4 =	simm.s32 $_size__tile_overlayer_lowered;
	s5 =	simm.s32 $_tile_overlayer_lowered  }
0x9b: {  	s6 =	simm.s32 $0x1BFF;
	s21 =	sshll.u32 s5, $0x1;
	s3 =	sadd.s32 s20, s19  }
0x9c: {  	s22 =	simm.s32 $0x0;
	s4 =	sshll.u32 s4, $0x1;
	s5 =	sadd.s32 s21, s3  }
0x9d: {  	[timem:s22], [sflag:s6] =	dma.local [hbm:s5], s4  }
0x9e: {  	_ =	swait.ge [sflag:s6], s4  }
0x9f: {  	s4 =	ssub.s32 $0x0, s4;
	[sflag:s6] =	ssyncset.done $0x0  }
0xa0: {  	[sflag:s6] =	ssyncadd.s32 s4;
	_ =	sdelay $0x1  }
0xa1: {  	s23 =	simm.s32 $0x1B8B  }
0xa2: {  	_ =	swait.ge [sflag:s23], $0x1  }
0xa3: {  	[sflag:s23] =	ssyncset.done $0x0  }
0xa4: {  	[sflag:s23] =	ssyncadd.s32 $0xFFFFFFFF  }
0xa5: {  	s4 =	sld [smem:$0x0]  }
0xa6: {  	s5 =	sand.u32 $0xFFFFFFFE, s1  }
0xa7: {  	p0 =	sne.s32 s1, s5  }
0xa8: {  	s5 =	sshll.u32 @p0 s5, $0xE  }
0xa9: {  	s5 =	sadd.s32 @p0 $0x11B8D, s5;
	s6 =	sshll.u32 @p0 s4, $0x11  }
0xaa: {  	s5 =	sor.u32 @p0 s6, s5  }
0xab: {  	[sflag:s5] =	ssyncadd.remote.s32 @p0 $0x1;
	_ =	sdelay $0x1  }
0xac: {  	s5 =	simm.s32 @p0 $0x1B8D  }
0xad: {  	_ =	swait.eq @p0 [sflag:s5], $0x1  }
0xae: {  	[sflag:s5] =	ssyncadd.s32 @p0 $0xFFFFFFFF  }
0xaf: {  	s6 =	sshll.u32 @!p0 s1, $0xE  }
0xb0: {  	s6 =	sor.u32 @!p0 $0x4000, s6;
	s5 =	simm.s32 @!p0 $0x1B8D  }
0xb1: {  	s4 =	sshll.u32 @!p0 s4, $0x11;
	s6 =	sadd.s32 @!p0 $0x11B8D, s6;
	_ =	swait.eq @!p0 [sflag:s5], $0x1  }
0xb2: {  	s4 =	sor.u32 @!p0 s4, s6;
	[sflag:s5] =	ssyncadd.s32 @!p0 $0xFFFFFFFF  }
0xb3: {  	s25 =	simm.s32 $0x1B8E;
	s24 =	sld [smem:$0x3FFE];
	[sflag:s4] =	ssyncadd.remote.s32 @!p0 $0x1  }
0xb4: {  	s26 =	simm.s32 $execute0_lowered;
	[smem:$0x3FD2] =	sst s25  }
0xb5: {  	s5 =	sshll.u32 s26, $0x1;
	_ =	strace $0x80000049;
	[dreg:$0x1] =	wrdreg $0xFFFFFFFF  }
0xb6: {  	s28 =	simm.s32 $_size_execute0_lowered;
	s3 =	sadd.s32 s3, s5;
	[dreg:$0x0] =	wrdreg $0x0  }
0xb7: {  	s5 =	sshll.u32 s28, $0x1;
	[dreg:$0x2] =	wrdreg s3  }
0xb8: {  	[dreg:$0x3] =	wrdreg s5  }
0xb9: {  	[dreg:$0x4] =	wrdreg $0xC0  }
0xba: {  	_ =	task [dreg:s22], $0x5FFFF  }
0xbb: {  	[dreg:$0x1] =	wrdreg $0xFFFFFFFF  }
0xbc: {  	[dreg:$0x0] =	wrdreg $0x60  }
0xbd: {  	[dreg:$0x2] =	wrdreg s24  }
0xbe: {  	[dreg:$0x3] =	wrdreg $0x88000  }
0xbf: {  	[dreg:$0x4] =	wrdreg $0x9  }
0xc0: {  	_ =	task.clear_ibuf [dreg:s22], $0x5FFFF;
	_ =	strace $0x90000049  }
0xc1: {  	s29 =	simm.s32 $0x9;
	_ =	strace $0x8000004B  }
0xc2: {  	_ =	swait.ge [sflag:s29], $0x1  }
0xc3: {  	[sflag:s29] =	ssyncadd.s32 $0xFFFFFFFF  }
0xc4: {  	_ =	strace $0x9000004B  }
0xc5: {  	_ =	sfence  }
0xc6: {  	s30 =	sld [smem:$0x0];
	_ =	sdelay $0x2  }
0xc7: {  	s31 =	sshll.u32 s1, $0xD;
	s1 =	sshrl.u32 s1, $0x2  }
0xc8: {  	s4 =	sand.u32 $0x4000, s31;
	s1 =	sadd.s32 s1, s30  }
0xc9: {  	s0 =	sor.u32 s4, s0;
	s1 =	sshll.u32 s1, $0x11  }
0xca: {  	s0 =	sor.u32 s1, s0  }
0xcb: {  	s0 =	sadd.s32 $0x8F2B, s0  }
0xcc: {  	[sflag:s0] =	ssyncadd.remote.s32 $0x1  }
0xcd: {  	_ =	sfence.sel $0xFFFF  }
0xce: {  	[dreg:$0x0] =	wrdreg $0xFFFFFFFF;
	(pc) =	sbr.abs _section_cstart, $3  }
0xcf: {  	[dreg:$0x1] =	wrdreg $0xFFFFFFFF  }
0xd0: {  	_ =	task.clear_ibuf [dreg:s22], $0x2FFFF;
	_ =	strace $0x9FFFFFFF  }
0xd1: {  	(tm) =	ssettm $0x7FFFFFFF  }
tec
execute0_lowered:
.L_overlay_start_1:
0x0: {  	(tag) =	ssettag $0x1  }
0x1: {  	s4 =	rddreg [dreg:$0x0]  }
0x2: {  	s2 =	rddreg [dreg:$0x1]  }
0x3: {  	s0 =	rddreg [dreg:$0x2];
	s5 =	srdreg.scid  }
0x4: {  	s1 =	stileid.u32;
	s3 =	simm.s32 $0x0;
	s14 =	simm.s32 $0x3  }
0x5: {  	s15 =	simm.s32 $0x2800;
	s16 =	simm.s32 $0x5000;
	s17 =	simm.s32 $0x7800  }
0x6: {  	s18 =	simm.s32 $0x8000;
	s19 =	simm.s32 $0x80;
	s20 =	simm.s32 $0x1  }
0x7: {  	v0 =	vlaneseq.u32;
	s21 =	simm.s32 $0x2;
	s24 =	simm.s32 $0x0;
	s7 =	smul.u32 $0x2800, s1  }
0x8: {  	s5 =	sand.u32 $0x1, s5;
	[smem:$0x7FF] =	sst s3;
	s10 =	smul.u32 $0xA000, s1;
	v1 =	vmul.u32 $0x10, v0  }
0x9: {  	v2 =	vimm.f32 $0.0e+00;
	s6 =	sshll.u32 s1, $0x1;
	s22 =	sshll.u32 s1, $0x6;
	s8 =	smul.u32 $0x28000, s5  }
0xa: {  	v4 =	vimm.f32 $1.000000000e+00;
	_ =	strace $0x8000004A;
	s6 =	sor.u32 s5, s6;
	s5 =	ssub.s32 $0x2, s5;
	v3 =	vor.u32 $0x2, v1;
	v5 =	vor.u32 $0x102, v1  }
0xb: {  	s22 =	sor.u32 $0x1C03, s22;
	s6 =	smul.u32 $0x500, s6;
	s9 =	sshrl.u32 s5, $0x1;
	v6 =	vor.u32 $0x202, v1;
	v7 =	vor.u32 $0x302, v1;
	v8 =	vor.u32 $0x402, v1  }
0xc: {  	s31 =	sshrl.u32 s10, $0x2;
	v9 =	vor.u32 $0x502, v1;
	v10 =	vor.u32 $0x602, v1;
	v11 =	vor.u32 $0x702, v1;
	s8 =	sadd.s32 s7, s8;
	s13 =	ssub.s32 s5, s9  }
0xd: {  	v12 =	vor.u32 $0x1, v1;
	v13 =	vor.u32 $0x100, v1;
	v26 =	vor.u32 $0x701, v1;
	s7 =	sadd.s32 s7, s2;
	s11 =	sadd.s32 s31, s2;
	s8 =	sshrl.u32 s8, $0x3  }
0xe: {  	v14 =	vor.u32 $0x101, v1;
	v15 =	vor.u32 $0x200, v1;
	v16 =	vor.u32 $0x201, v1;
	s6 =	sadd.s32 s6, s4;
	s9 =	sadd.s32 $0x1000, s11;
	s10 =	sadd.s32 $0x1800, s11  }
0xf: {  	v17 =	vor.u32 $0x300, v1;
	v18 =	vor.u32 $0x301, v1;
	v19 =	vor.u32 $0x400, v1;
	s13 =	smax.u32 s13, $0x1;
	s23 =	sshrl.u32 s7, $0x3;
	s12 =	sadd.s32 s8, s4  }
0x10: {  	v20 =	vor.u32 $0x401, v1;
	v21 =	vor.u32 $0x500, v1;
	v22 =	vor.u32 $0x501, v1;
	s4 =	sadd.s32 $0x2AA00, s6;
	s5 =	sadd.s32 $0xCA00, s6;
	s6 =	sadd.s32 $0x2A00, s6  }
0x11: {  	v23 =	vor.u32 $0x600, v1;
	v24 =	vor.u32 $0x601, v1;
	v25 =	vor.u32 $0x700, v1;
	s8 =	sadd.s32 $0x800, s11;
	s11 =	sadd.s32 $0x2000, s11;
	s12 =	sadd.s32 $0x7FA00, s12  }
.LBB2_1:
0x12: {  	[tilespmem:s3], [sflag:$0x3] =	stream.linear.gather [hbm4b:s4+s3], $0x2800, $0x38;
	[tilespmem:$0xB000] =	vst v63  }
0x13: {  	_ =	swait.ge [sflag:s14], $0x2800  }
0x14: {  	[sflag:s14] =	ssyncset.done $0x0  }
0x15: {  	[sflag:s14] =	ssyncadd.s32 $0xFFFFD800  }
0x16: {  	[tilespmem:s15], [sflag:$0x3] =	stream.linear.gather [hbm4b:s5+s3], $0x2800, $0x38;
	[tilespmem:$0xB000] =	vst v63  }
0x17: {  	_ =	swait.ge [sflag:s14], $0x2800  }
0x18: {  	[sflag:s14] =	ssyncset.done $0x0  }
0x19: {  	[sflag:s14] =	ssyncadd.s32 $0xFFFFD800  }
0x1a: {  	[tilespmem:s16], [sflag:$0x3] =	stream.linear.gather [hbm4b:s6+s3], $0x2800, $0x38;
	[tilespmem:$0xB000] =	vst v63  }
0x1b: {  	_ =	swait.ge [sflag:s14], $0x2800  }
0x1c: {  	s25 =	simm.s32 $0x0;
	[sflag:s14] =	ssyncset.done $0x0  }
0x1d: {  	v27 =	vor.u32 s25, v0;
	s25 =	simm.s32 $0x1;
	[sflag:s14] =	ssyncadd.s32 $0xFFFFD800  }
.LBB2_2:
0x1e: {  	p0 =	sne.s32 s25, $0x7F  }
.Ltmp0:
0x1f: {  	_ = 	snop;
	(pc) =	sbr.rel @p0 .LBB2_2-.Ltmp0, $3  }
0x20: {  	_ =	sdelay $0x1  }
0x21: {  	s26 =	sshll.u32 s25, $0x4;
	[tilespmem:v27+s17+$0x0] =	vst.idx.msk $0xffff, v2  }
0x22: {  	s25 =	sadd.s32 $0x1, s25;
	[tilespmem:v27+s18+$0x0] =	vst.idx.msk $0xffff, v2;
	v27 =	vor.u32 s26, v0  }
0x23: {  	_ =	sdelay $0x3  }
0x24: {  	[tilespmem:v27+s17+$0x0] =	vst.idx.msk $0xffff, v2  }
0x25: {  	[tilespmem:v27+s18+$0x0] =	vst.idx.msk $0xffff, v2  }
0x26: {  	[spmem:s7] =	stream.linear.scatter [tilespmem:s17], [sflag:$0x3], $0x800, $0x38;
	[tilespmem:$0xB000] =	vst v63  }
0x27: {  	_ =	swait.ge [sflag:s14], $0x800  }
0x28: {  	[sflag:s14] =	ssyncset.done $0x0  }
0x29: {  	[sflag:s14] =	ssyncadd.s32 $0xFFFFF800  }
0x2a: {  	[spmem:s8] =	stream.linear.scatter [tilespmem:s17], [sflag:$0x3], $0x800, $0x38;
	[tilespmem:$0xB000] =	vst v63  }
0x2b: {  	_ =	swait.ge [sflag:s14], $0x800  }
0x2c: {  	[sflag:s14] =	ssyncset.done $0x0  }
0x2d: {  	[sflag:s14] =	ssyncadd.s32 $0xFFFFF800  }
0x2e: {  	[spmem:s9] =	stream.linear.scatter [tilespmem:s17], [sflag:$0x3], $0x800, $0x38;
	[tilespmem:$0xB000] =	vst v63  }
0x2f: {  	_ =	swait.ge [sflag:s14], $0x800  }
0x30: {  	[sflag:s14] =	ssyncset.done $0x0  }
0x31: {  	[sflag:s14] =	ssyncadd.s32 $0xFFFFF800  }
0x32: {  	[spmem:s10] =	stream.linear.scatter [tilespmem:s17], [sflag:$0x3], $0x800, $0x38;
	[tilespmem:$0xB000] =	vst v63  }
0x33: {  	_ =	swait.ge [sflag:s14], $0x800  }
0x34: {  	[sflag:s14] =	ssyncset.done $0x0  }
0x35: {  	[sflag:s14] =	ssyncadd.s32 $0xFFFFF800  }
0x36: {  	[spmem:s11] =	stream.linear.scatter [tilespmem:s17], [sflag:$0x3], $0x800, $0x38;
	[tilespmem:$0xB000] =	vst v63  }
0x37: {  	_ =	swait.ge [sflag:s14], $0x800  }
0x38: {  	[sflag:s14] =	ssyncset.done $0x0  }
0x39: {  	[sflag:s14] =	ssyncadd.s32 $0xFFFFF800  }
0x3a: {  	[tilespmem:v3+s17+$0x0] =	vst.idx.msk $0xffff, v4  }
0x3b: {  	[tilespmem:v3+s18+$0x0] =	vst.idx.msk $0xffff, v4  }
0x3c: {  	[tilespmem:v5+s17+$0x0] =	vst.idx.msk $0xffff, v4  }
0x3d: {  	[tilespmem:v5+s18+$0x0] =	vst.idx.msk $0xffff, v4  }
0x3e: {  	[tilespmem:v6+s17+$0x0] =	vst.idx.msk $0xffff, v4  }
0x3f: {  	[tilespmem:v6+s18+$0x0] =	vst.idx.msk $0xffff, v4  }
0x40: {  	[tilespmem:v7+s17+$0x0] =	vst.idx.msk $0xffff, v4  }
0x41: {  	[tilespmem:v7+s18+$0x0] =	vst.idx.msk $0xffff, v4  }
0x42: {  	[tilespmem:v8+s17+$0x0] =	vst.idx.msk $0xffff, v4  }
0x43: {  	[tilespmem:v8+s18+$0x0] =	vst.idx.msk $0xffff, v4  }
0x44: {  	[tilespmem:v9+s17+$0x0] =	vst.idx.msk $0xffff, v4  }
0x45: {  	[tilespmem:v9+s18+$0x0] =	vst.idx.msk $0xffff, v4  }
0x46: {  	[tilespmem:v10+s17+$0x0] =	vst.idx.msk $0xffff, v4  }
0x47: {  	[tilespmem:v10+s18+$0x0] =	vst.idx.msk $0xffff, v4  }
0x48: {  	[tilespmem:v11+s17+$0x0] =	vst.idx.msk $0xffff, v4  }
0x49: {  	p0 =	por $0x1, $0x1;
	[tilespmem:v11+s18+$0x0] =	vst.idx.msk $0xffff, v4  }
0x4a: {  	s25 =	simm.s32 @!p0 $0x1;
	[bflag:$0x0] =	sbarrier.arrive $0xFFFF  }
0x4b: {  	_ =	swait.ge @!p0 [sflag:s25], $0x800  }
0x4c: {  	[sflag:s25] =	ssyncset.done @!p0 $0x0  }
0x4d: {  	s28 =	simm.s32 $0x0;
	[sflag:s25] =	ssyncadd.s32 @!p0 $0xFFFFF800  }
0x4e: {  	v27 =	vld [tilespmem:s28+$0x2800];
	_ =	sdelay $0x4  }
0x4f: {  	[tilespmem:v1+s17+$0x0] =	vst.idx.msk $0xffff, v27  }
0x50: {  	v27 =	vld [tilespmem:s28+$0x5000];
	_ =	sdelay $0x4  }
0x51: {  	[tilespmem:v12+s17+$0x0] =	vst.idx.msk $0xffff, v27  }
0x52: {  	v27 =	vld [tilespmem:s28+$0x2810];
	_ =	sdelay $0x4  }
0x53: {  	[tilespmem:v13+s17+$0x0] =	vst.idx.msk $0xffff, v27  }
0x54: {  	v27 =	vld [tilespmem:s28+$0x5010];
	_ =	sdelay $0x4  }
0x55: {  	[tilespmem:v14+s17+$0x0] =	vst.idx.msk $0xffff, v27  }
0x56: {  	v27 =	vld [tilespmem:s28+$0x2820];
	_ =	sdelay $0x4  }
0x57: {  	[tilespmem:v15+s17+$0x0] =	vst.idx.msk $0xffff, v27  }
0x58: {  	v27 =	vld [tilespmem:s28+$0x5020];
	_ =	sdelay $0x4  }
0x59: {  	[tilespmem:v16+s17+$0x0] =	vst.idx.msk $0xffff, v27  }
0x5a: {  	v27 =	vld [tilespmem:s28+$0x2830];
	_ =	sdelay $0x4  }
0x5b: {  	[tilespmem:v17+s17+$0x0] =	vst.idx.msk $0xffff, v27  }
0x5c: {  	v27 =	vld [tilespmem:s28+$0x5030];
	_ =	sdelay $0x4  }
0x5d: {  	[tilespmem:v18+s17+$0x0] =	vst.idx.msk $0xffff, v27  }
0x5e: {  	v27 =	vld [tilespmem:s28+$0x2840];
	_ =	sdelay $0x4  }
0x5f: {  	[tilespmem:v19+s17+$0x0] =	vst.idx.msk $0xffff, v27  }
0x60: {  	v27 =	vld [tilespmem:s28+$0x5040];
	_ =	sdelay $0x4  }
0x61: {  	[tilespmem:v20+s17+$0x0] =	vst.idx.msk $0xffff, v27  }
0x62: {  	v27 =	vld [tilespmem:s28+$0x2850];
	_ =	sdelay $0x4  }
0x63: {  	[tilespmem:v21+s17+$0x0] =	vst.idx.msk $0xffff, v27  }
0x64: {  	v27 =	vld [tilespmem:s28+$0x5050];
	_ =	sdelay $0x4  }
0x65: {  	[tilespmem:v22+s17+$0x0] =	vst.idx.msk $0xffff, v27  }
0x66: {  	v27 =	vld [tilespmem:s28+$0x2860];
	_ =	sdelay $0x4  }
0x67: {  	[tilespmem:v23+s17+$0x0] =	vst.idx.msk $0xffff, v27  }
0x68: {  	v27 =	vld [tilespmem:s28+$0x5060];
	_ =	sdelay $0x4  }
0x69: {  	[tilespmem:v24+s17+$0x0] =	vst.idx.msk $0xffff, v27  }
0x6a: {  	v27 =	vld [tilespmem:s28+$0x2870];
	_ =	sdelay $0x4  }
0x6b: {  	[tilespmem:v25+s17+$0x0] =	vst.idx.msk $0xffff, v27  }
0x6c: {  	v27 =	vld [tilespmem:s28+$0x5070];
	_ =	sdelay $0x4  }
0x6d: {  	s25 =	simm.s32 @!p0 $0x2;
	[tilespmem:v26+s17+$0x0] =	vst.idx.msk $0xffff, v27  }
0x6e: {  	[spmem:s2] =	stream.indirect.scatter.add.f32 [tilespmem:s17], [sflag:$0x1], $0x10, s28, s19, $0xb8;
	[tilespmem:$0xB000] =	vst v63  }
0x6f: {  	_ =	swait.ge @!p0 [sflag:s25], $0x800  }
0x70: {  	[sflag:s25] =	ssyncset.done @!p0 $0x0  }
0x71: {  	[sflag:s25] =	ssyncadd.s32 @!p0 $0xFFFFF800  }
0x72: {  	v27 =	vld [tilespmem:s28+$0x2880];
	_ =	sdelay $0x4  }
0x73: {  	[tilespmem:v1+s18+$0x0] =	vst.idx.msk $0xffff, v27  }
0x74: {  	v27 =	vld [tilespmem:s28+$0x5080];
	_ =	sdelay $0x4  }
0x75: {  	[tilespmem:v12+s18+$0x0] =	vst.idx.msk $0xffff, v27  }
0x76: {  	v27 =	vld [tilespmem:s28+$0x2890];
	_ =	sdelay $0x4  }
0x77: {  	[tilespmem:v13+s18+$0x0] =	vst.idx.msk $0xffff, v27  }
0x78: {  	v27 =	vld [tilespmem:s28+$0x5090];
	_ =	sdelay $0x4  }
0x79: {  	[tilespmem:v14+s18+$0x0] =	vst.idx.msk $0xffff, v27  }
0x7a: {  	v27 =	vld [tilespmem:s28+$0x28A0];
	_ =	sdelay $0x4  }
0x7b: {  	[tilespmem:v15+s18+$0x0] =	vst.idx.msk $0xffff, v27  }
0x7c: {  	v27 =	vld [tilespmem:s28+$0x50A0];
	_ =	sdelay $0x4  }
0x7d: {  	[tilespmem:v16+s18+$0x0] =	vst.idx.msk $0xffff, v27  }
0x7e: {  	v27 =	vld [tilespmem:s28+$0x28B0];
	_ =	sdelay $0x4  }
0x7f: {  	[tilespmem:v17+s18+$0x0] =	vst.idx.msk $0xffff, v27  }
0x80: {  	v27 =	vld [tilespmem:s28+$0x50B0];
	_ =	sdelay $0x4  }
0x81: {  	[tilespmem:v18+s18+$0x0] =	vst.idx.msk $0xffff, v27  }
0x82: {  	v27 =	vld [tilespmem:s28+$0x28C0];
	_ =	sdelay $0x4  }
0x83: {  	[tilespmem:v19+s18+$0x0] =	vst.idx.msk $0xffff, v27  }
0x84: {  	v27 =	vld [tilespmem:s28+$0x50C0];
	_ =	sdelay $0x4  }
0x85: {  	[tilespmem:v20+s18+$0x0] =	vst.idx.msk $0xffff, v27  }
0x86: {  	v27 =	vld [tilespmem:s28+$0x28D0];
	_ =	sdelay $0x4  }
0x87: {  	[tilespmem:v21+s18+$0x0] =	vst.idx.msk $0xffff, v27  }
0x88: {  	v27 =	vld [tilespmem:s28+$0x50D0];
	_ =	sdelay $0x4  }
0x89: {  	[tilespmem:v22+s18+$0x0] =	vst.idx.msk $0xffff, v27  }
0x8a: {  	v27 =	vld [tilespmem:s28+$0x28E0];
	_ =	sdelay $0x4  }
0x8b: {  	[tilespmem:v23+s18+$0x0] =	vst.idx.msk $0xffff, v27  }
0x8c: {  	v27 =	vld [tilespmem:s28+$0x50E0];
	_ =	sdelay $0x4  }
0x8d: {  	[tilespmem:v24+s18+$0x0] =	vst.idx.msk $0xffff, v27  }
0x8e: {  	v27 =	vld [tilespmem:s28+$0x28F0];
	_ =	sdelay $0x4  }
0x8f: {  	[tilespmem:v25+s18+$0x0] =	vst.idx.msk $0xffff, v27  }
0x90: {  	v27 =	vld [tilespmem:s28+$0x50F0];
	_ =	sdelay $0x2  }
0x91: {  	s26 =	simm.s32 $0x800  }
0x92: {  	p1 =	por $0x0, $0x0;
	s25 =	simm.s32 $0x400;
	s28 =	simm.s32 $0x80  }
.LBB2_4:
0x93: {  	s29 =	simm.s32 @!p1 $0x1;
	[tilespmem:v26+s18+$0x0] =	vst.idx.msk $0xffff, v27;
	s30 =	smov.u32 s26;
	s26 =	sadd.s32 $0x400, s26  }
0x94: {  	[spmem:s2] =	stream.indirect.scatter.add.f32 [tilespmem:s18], [sflag:$0x2], $0x10, s28, s19, $0xb8;
	[tilespmem:$0xB000] =	vst v63  }
0x95: {  	p0 =	sne.s32 s26, $0xA000;
	_ =	swait.ge @!p1 [sflag:s29], $0x800  }
0x96: {  	[sflag:s29] =	ssyncset.done @!p1 $0x0  }
0x97: {  	s28 =	sshra.s32 s25, $0x2;
	s25 =	smov.u32 s30;
	[sflag:s29] =	ssyncadd.s32 @!p1 $0xFFFFF800  }
0x98: {  	v27 =	vld [tilespmem:s28+$0x2800];
	_ =	sdelay $0x4  }
0x99: {  	[tilespmem:v1+s17+$0x0] =	vst.idx.msk $0xffff, v27  }
0x9a: {  	v27 =	vld [tilespmem:s28+$0x5000];
	_ =	sdelay $0x4  }
0x9b: {  	[tilespmem:v12+s17+$0x0] =	vst.idx.msk $0xffff, v27  }
0x9c: {  	v27 =	vld [tilespmem:s28+$0x2810];
	_ =	sdelay $0x4  }
0x9d: {  	[tilespmem:v13+s17+$0x0] =	vst.idx.msk $0xffff, v27  }
0x9e: {  	v27 =	vld [tilespmem:s28+$0x5010];
	_ =	sdelay $0x4  }
0x9f: {  	[tilespmem:v14+s17+$0x0] =	vst.idx.msk $0xffff, v27  }
0xa0: {  	v27 =	vld [tilespmem:s28+$0x2820];
	_ =	sdelay $0x4  }
0xa1: {  	[tilespmem:v15+s17+$0x0] =	vst.idx.msk $0xffff, v27  }
0xa2: {  	v27 =	vld [tilespmem:s28+$0x5020];
	_ =	sdelay $0x4  }
0xa3: {  	[tilespmem:v16+s17+$0x0] =	vst.idx.msk $0xffff, v27  }
0xa4: {  	v27 =	vld [tilespmem:s28+$0x2830];
	_ =	sdelay $0x4  }
0xa5: {  	[tilespmem:v17+s17+$0x0] =	vst.idx.msk $0xffff, v27  }
0xa6: {  	v27 =	vld [tilespmem:s28+$0x5030];
	_ =	sdelay $0x4  }
0xa7: {  	[tilespmem:v18+s17+$0x0] =	vst.idx.msk $0xffff, v27  }
0xa8: {  	v27 =	vld [tilespmem:s28+$0x2840];
	_ =	sdelay $0x4  }
0xa9: {  	[tilespmem:v19+s17+$0x0] =	vst.idx.msk $0xffff, v27  }
0xaa: {  	v27 =	vld [tilespmem:s28+$0x5040];
	_ =	sdelay $0x4  }
0xab: {  	[tilespmem:v20+s17+$0x0] =	vst.idx.msk $0xffff, v27  }
0xac: {  	v27 =	vld [tilespmem:s28+$0x2850];
	_ =	sdelay $0x4  }
0xad: {  	[tilespmem:v21+s17+$0x0] =	vst.idx.msk $0xffff, v27  }
0xae: {  	v27 =	vld [tilespmem:s28+$0x5050];
	_ =	sdelay $0x4  }
0xaf: {  	[tilespmem:v22+s17+$0x0] =	vst.idx.msk $0xffff, v27  }
0xb0: {  	v27 =	vld [tilespmem:s28+$0x2860];
	_ =	sdelay $0x4  }
0xb1: {  	[tilespmem:v23+s17+$0x0] =	vst.idx.msk $0xffff, v27  }
0xb2: {  	v27 =	vld [tilespmem:s28+$0x5060];
	_ =	sdelay $0x4  }
0xb3: {  	[tilespmem:v24+s17+$0x0] =	vst.idx.msk $0xffff, v27  }
0xb4: {  	v27 =	vld [tilespmem:s28+$0x2870];
	_ =	sdelay $0x4  }
0xb5: {  	[tilespmem:v25+s17+$0x0] =	vst.idx.msk $0xffff, v27  }
0xb6: {  	v27 =	vld [tilespmem:s28+$0x5070];
	_ =	sdelay $0x4  }
0xb7: {  	s29 =	simm.s32 @!p1 $0x2;
	[tilespmem:v26+s17+$0x0] =	vst.idx.msk $0xffff, v27  }
0xb8: {  	[spmem:s2] =	stream.indirect.scatter.add.f32 [tilespmem:s17], [sflag:$0x1], $0x10, s28, s19, $0xb8;
	[tilespmem:$0xB000] =	vst v63  }
0xb9: {  	_ =	swait.ge @!p1 [sflag:s29], $0x800  }
0xba: {  	[sflag:s29] =	ssyncset.done @!p1 $0x0  }
0xbb: {  	[sflag:s29] =	ssyncadd.s32 @!p1 $0xFFFFF800  }
0xbc: {  	v27 =	vld [tilespmem:s28+$0x2880];
	_ =	sdelay $0x4  }
0xbd: {  	[tilespmem:v1+s18+$0x0] =	vst.idx.msk $0xffff, v27  }
0xbe: {  	v27 =	vld [tilespmem:s28+$0x5080];
	_ =	sdelay $0x4  }
0xbf: {  	[tilespmem:v12+s18+$0x0] =	vst.idx.msk $0xffff, v27  }
0xc0: {  	v27 =	vld [tilespmem:s28+$0x2890];
	_ =	sdelay $0x4  }
0xc1: {  	[tilespmem:v13+s18+$0x0] =	vst.idx.msk $0xffff, v27  }
0xc2: {  	v27 =	vld [tilespmem:s28+$0x5090];
	_ =	sdelay $0x4  }
0xc3: {  	[tilespmem:v14+s18+$0x0] =	vst.idx.msk $0xffff, v27  }
0xc4: {  	v27 =	vld [tilespmem:s28+$0x28A0];
	_ =	sdelay $0x4  }
0xc5: {  	[tilespmem:v15+s18+$0x0] =	vst.idx.msk $0xffff, v27  }
0xc6: {  	v27 =	vld [tilespmem:s28+$0x50A0];
	_ =	sdelay $0x4  }
0xc7: {  	[tilespmem:v16+s18+$0x0] =	vst.idx.msk $0xffff, v27  }
0xc8: {  	v27 =	vld [tilespmem:s28+$0x28B0];
	_ =	sdelay $0x4  }
0xc9: {  	[tilespmem:v17+s18+$0x0] =	vst.idx.msk $0xffff, v27  }
0xca: {  	v27 =	vld [tilespmem:s28+$0x50B0];
	_ =	sdelay $0x4  }
0xcb: {  	[tilespmem:v18+s18+$0x0] =	vst.idx.msk $0xffff, v27  }
0xcc: {  	v27 =	vld [tilespmem:s28+$0x28C0];
	_ =	sdelay $0x4  }
0xcd: {  	[tilespmem:v19+s18+$0x0] =	vst.idx.msk $0xffff, v27  }
0xce: {  	v27 =	vld [tilespmem:s28+$0x50C0];
	_ =	sdelay $0x4  }
0xcf: {  	[tilespmem:v20+s18+$0x0] =	vst.idx.msk $0xffff, v27  }
0xd0: {  	v27 =	vld [tilespmem:s28+$0x28D0];
	_ =	sdelay $0x4  }
0xd1: {  	[tilespmem:v21+s18+$0x0] =	vst.idx.msk $0xffff, v27  }
0xd2: {  	v27 =	vld [tilespmem:s28+$0x50D0];
	_ =	sdelay $0x4  }
0xd3: {  	[tilespmem:v22+s18+$0x0] =	vst.idx.msk $0xffff, v27  }
0xd4: {  	v27 =	vld [tilespmem:s28+$0x28E0];
	_ =	sdelay $0x4  }
0xd5: {  	[tilespmem:v23+s18+$0x0] =	vst.idx.msk $0xffff, v27  }
0xd6: {  	v27 =	vld [tilespmem:s28+$0x50E0];
	_ =	sdelay $0x4  }
0xd7: {  	[tilespmem:v24+s18+$0x0] =	vst.idx.msk $0xffff, v27  }
0xd8: {  	v27 =	vld [tilespmem:s28+$0x28F0];
	_ =	sdelay $0x4  }
0xd9: {  	[tilespmem:v25+s18+$0x0] =	vst.idx.msk $0xffff, v27  }
.Ltmp1:
0xda: {  	v27 =	vld [tilespmem:s28+$0x50F0];
	(pc) =	sbr.rel @p0 .LBB2_4-.Ltmp1, $2  }
0xdb: {  	_ =	sdelay $0x2  }
0xdc: {  	p1 =	seq.s32 s25, $0x0;
	s28 =	sadd.s32 $0x80, s28  }
0xdd: {  	_ =	sdelay $0x3  }
0xde: {  	s26 =	simm.s32 @!p1 $0x1;
	[tilespmem:v26+s18+$0x0] =	vst.idx.msk $0xffff, v27  }
0xdf: {  	[spmem:s2] =	stream.indirect.scatter.add.f32 [tilespmem:s18], [sflag:$0x2], $0x10, s28, s19, $0xb8;
	[tilespmem:$0xB000] =	vst v63  }
0xe0: {  	_ =	swait.ge @!p1 [sflag:s26], $0x800  }
0xe1: {  	[sflag:s26] =	ssyncset.done @!p1 $0x0  }
0xe2: {  	s25 =	sshra.s32 s25, $0x2;
	[sflag:s26] =	ssyncadd.s32 @!p1 $0xFFFFF800  }
0xe3: {  	v27 =	vld [tilespmem:s25+$0x2800];
	_ =	sdelay $0x4  }
0xe4: {  	[tilespmem:v1+s17+$0x0] =	vst.idx.msk $0xffff, v27  }
0xe5: {  	v27 =	vld [tilespmem:s25+$0x5000];
	_ =	sdelay $0x4  }
0xe6: {  	[tilespmem:v12+s17+$0x0] =	vst.idx.msk $0xffff, v27  }
0xe7: {  	v27 =	vld [tilespmem:s25+$0x2810];
	_ =	sdelay $0x4  }
0xe8: {  	[tilespmem:v13+s17+$0x0] =	vst.idx.msk $0xffff, v27  }
0xe9: {  	v27 =	vld [tilespmem:s25+$0x5010];
	_ =	sdelay $0x4  }
0xea: {  	[tilespmem:v14+s17+$0x0] =	vst.idx.msk $0xffff, v27  }
0xeb: {  	v27 =	vld [tilespmem:s25+$0x2820];
	_ =	sdelay $0x4  }
0xec: {  	[tilespmem:v15+s17+$0x0] =	vst.idx.msk $0xffff, v27  }
0xed: {  	v27 =	vld [tilespmem:s25+$0x5020];
	_ =	sdelay $0x4  }
0xee: {  	[tilespmem:v16+s17+$0x0] =	vst.idx.msk $0xffff, v27  }
0xef: {  	v27 =	vld [tilespmem:s25+$0x2830];
	_ =	sdelay $0x4  }
0xf0: {  	[tilespmem:v17+s17+$0x0] =	vst.idx.msk $0xffff, v27  }
0xf1: {  	v27 =	vld [tilespmem:s25+$0x5030];
	_ =	sdelay $0x4  }
0xf2: {  	[tilespmem:v18+s17+$0x0] =	vst.idx.msk $0xffff, v27  }
0xf3: {  	v27 =	vld [tilespmem:s25+$0x2840];
	_ =	sdelay $0x4  }
0xf4: {  	[tilespmem:v19+s17+$0x0] =	vst.idx.msk $0xffff, v27  }
0xf5: {  	v27 =	vld [tilespmem:s25+$0x5040];
	_ =	sdelay $0x4  }
0xf6: {  	[tilespmem:v20+s17+$0x0] =	vst.idx.msk $0xffff, v27  }
0xf7: {  	v27 =	vld [tilespmem:s25+$0x2850];
	_ =	sdelay $0x4  }
0xf8: {  	[tilespmem:v21+s17+$0x0] =	vst.idx.msk $0xffff, v27  }
0xf9: {  	v27 =	vld [tilespmem:s25+$0x5050];
	_ =	sdelay $0x4  }
0xfa: {  	[tilespmem:v22+s17+$0x0] =	vst.idx.msk $0xffff, v27  }
0xfb: {  	v27 =	vld [tilespmem:s25+$0x2860];
	_ =	sdelay $0x4  }
0xfc: {  	[tilespmem:v23+s17+$0x0] =	vst.idx.msk $0xffff, v27  }
0xfd: {  	v27 =	vld [tilespmem:s25+$0x5060];
	_ =	sdelay $0x4  }
0xfe: {  	[tilespmem:v24+s17+$0x0] =	vst.idx.msk $0xffff, v27  }
0xff: {  	v27 =	vld [tilespmem:s25+$0x2870];
	_ =	sdelay $0x4  }
0x100: {  	[tilespmem:v25+s17+$0x0] =	vst.idx.msk $0xffff, v27  }
0x101: {  	v27 =	vld [tilespmem:s25+$0x5070];
	_ =	sdelay $0x4  }
0x102: {  	s26 =	simm.s32 @!p1 $0x2;
	[tilespmem:v26+s17+$0x0] =	vst.idx.msk $0xffff, v27  }
0x103: {  	[spmem:s2] =	stream.indirect.scatter.add.f32 [tilespmem:s17], [sflag:$0x1], $0x10, s25, s19, $0xb8;
	[tilespmem:$0xB000] =	vst v63  }
0x104: {  	_ =	swait.ge @!p1 [sflag:s26], $0x800  }
0x105: {  	[sflag:s26] =	ssyncset.done @!p1 $0x0  }
0x106: {  	[sflag:s26] =	ssyncadd.s32 @!p1 $0xFFFFF800  }
0x107: {  	v27 =	vld [tilespmem:s25+$0x2880];
	_ =	sdelay $0x4  }
0x108: {  	[tilespmem:v1+s18+$0x0] =	vst.idx.msk $0xffff, v27  }
0x109: {  	v27 =	vld [tilespmem:s25+$0x5080];
	_ =	sdelay $0x4  }
0x10a: {  	[tilespmem:v12+s18+$0x0] =	vst.idx.msk $0xffff, v27  }
0x10b: {  	v27 =	vld [tilespmem:s25+$0x2890];
	_ =	sdelay $0x4  }
0x10c: {  	[tilespmem:v13+s18+$0x0] =	vst.idx.msk $0xffff, v27  }
0x10d: {  	v27 =	vld [tilespmem:s25+$0x5090];
	_ =	sdelay $0x4  }
0x10e: {  	[tilespmem:v14+s18+$0x0] =	vst.idx.msk $0xffff, v27  }
0x10f: {  	v27 =	vld [tilespmem:s25+$0x28A0];
	_ =	sdelay $0x4  }
0x110: {  	[tilespmem:v15+s18+$0x0] =	vst.idx.msk $0xffff, v27  }
0x111: {  	v27 =	vld [tilespmem:s25+$0x50A0];
	_ =	sdelay $0x4  }
0x112: {  	[tilespmem:v16+s18+$0x0] =	vst.idx.msk $0xffff, v27  }
0x113: {  	v27 =	vld [tilespmem:s25+$0x28B0];
	_ =	sdelay $0x4  }
0x114: {  	[tilespmem:v17+s18+$0x0] =	vst.idx.msk $0xffff, v27  }
0x115: {  	v27 =	vld [tilespmem:s25+$0x50B0];
	_ =	sdelay $0x4  }
0x116: {  	[tilespmem:v18+s18+$0x0] =	vst.idx.msk $0xffff, v27  }
0x117: {  	v27 =	vld [tilespmem:s25+$0x28C0];
	_ =	sdelay $0x4  }
0x118: {  	[tilespmem:v19+s18+$0x0] =	vst.idx.msk $0xffff, v27  }
0x119: {  	v27 =	vld [tilespmem:s25+$0x50C0];
	_ =	sdelay $0x4  }
0x11a: {  	[tilespmem:v20+s18+$0x0] =	vst.idx.msk $0xffff, v27  }
0x11b: {  	v27 =	vld [tilespmem:s25+$0x28D0];
	_ =	sdelay $0x4  }
0x11c: {  	[tilespmem:v21+s18+$0x0] =	vst.idx.msk $0xffff, v27  }
0x11d: {  	v27 =	vld [tilespmem:s25+$0x50D0];
	_ =	sdelay $0x4  }
0x11e: {  	[tilespmem:v22+s18+$0x0] =	vst.idx.msk $0xffff, v27  }
0x11f: {  	v27 =	vld [tilespmem:s25+$0x28E0];
	_ =	sdelay $0x4  }
0x120: {  	[tilespmem:v23+s18+$0x0] =	vst.idx.msk $0xffff, v27  }
0x121: {  	v27 =	vld [tilespmem:s25+$0x50E0];
	_ =	sdelay $0x4  }
0x122: {  	[tilespmem:v24+s18+$0x0] =	vst.idx.msk $0xffff, v27  }
0x123: {  	v27 =	vld [tilespmem:s25+$0x28F0];
	_ =	sdelay $0x4  }
0x124: {  	[tilespmem:v25+s18+$0x0] =	vst.idx.msk $0xffff, v27  }
0x125: {  	v27 =	vld [tilespmem:s25+$0x50F0];
	_ =	sdelay $0x4  }
0x126: {  	s25 =	sadd.s32 $0x80, s25;
	[tilespmem:v26+s18+$0x0] =	vst.idx.msk $0xffff, v27  }
0x127: {  	[spmem:s2] =	stream.indirect.scatter.add.f32 [tilespmem:s18], [sflag:$0x2], $0x10, s25, s19, $0xb8;
	[tilespmem:$0xB000] =	vst v63  }
0x128: {  	_ =	swait.ge [sflag:s20], $0x800  }
0x129: {  	[sflag:s20] =	ssyncset.done $0x0  }
0x12a: {  	[sflag:s20] =	ssyncadd.s32 $0xFFFFF800  }
0x12b: {  	_ =	swait.ge [sflag:s21], $0x800  }
0x12c: {  	s24 =	sadd.s32 $0x1, s24;
	[sflag:s21] =	ssyncset.done $0x0  }
0x12d: {  	p0 =	sne.s32 s24, s13;
	[sflag:s21] =	ssyncadd.s32 $0xFFFFF800  }
.Ltmp2:
0x12e: {  	[bflag:$0x0] =	sbarrier.arrive $0xFFFF;
	(pc) =	sbr.rel @p0 .LBB2_1-.Ltmp2, $4  }
0x12f: {  	[hbm:s12], [sflag:s22] =	dma.local [spmem:s23], $0x500  }
0x130: {  	_ =	swait.ge [sflag:s14], $0x500  }
0x131: {  	[sflag:s14] =	ssyncset.done $0x0  }
0x132: {  	[sflag:s14] =	ssyncadd.s32 $0xFFFFFB00  }
0x133: {  	_ =	sfence.sel $0x180000  }
0x134: {  	[bflag:$0x0] =	sbarrier.arrive $0xFFFF  }
0x135: {  	p0 =	sne.s32 s1, $0x0;
	_ =	strace $0x9000004A  }
0x136: {  	s0 =	sadd.s32 @!p0 $0x100000, s0;
	[bflag:$0x2] =	sbarrier.arrive $0xFFFF  }
0x137: {  	[sflag:s0] =	ssyncadd.tile.s32 @!p0 $0x1;
	_ =	shalt  }
.Lfunc_end2:
_tile_overlayer_lowered:
.L_overlay_start_2:
0x138: {  	(tag) =	ssettag $0x2  }
0x139: {  	s0 =	rddreg [dreg:$0x0];
	s2 =	stileid.u32  }
0x13a: {  	s1 =	rddreg [dreg:$0x1];
	p0 =	sne.s32 s2, $0x0  }
0x13b: {  	s3 =	rddreg [dreg:$0x2];
	[bflag:$0x3] =	sbarrier.arrive $0xFFFF;
	s2 =	simm.s32 @!p0 $0x1C03  }
0x13c: {  	[timem:s3], [sflag:s2] =	dma.local @!p0 [hbm:s0], s1  }
0x13d: {  	s0 =	simm.s32 @!p0 $0x3  }
0x13e: {  	_ =	swait.ge @!p0 [sflag:s0], s1  }
0x13f: {  	s1 =	ssub.s32 @!p0 $0x0, s1;
	[sflag:s0] =	ssyncset.done @!p0 $0x0  }
0x140: {  	[sflag:s0] =	ssyncadd.s32 @!p0 s1  }
0x141: {  	[bflag:$0x3] =	sbarrier.arrive $0xFFFF  }
0x142: {  	_ =	shalt  }

// kernel: kernel.13.cloned.1.call-start
scs
__scs_entry_jumppad:
0x0: {  	(pc) =	sbr.rel $0x88, $3  }
0x1: {  	(tag) =	ssettag $0x0;
	lr =	simm.s32 $0x1  }
0x2: {  	[smem:$0x3F98] =	sst lr;
	_ =	strace $0xD0000000  }
0x3: {  	_ = 	snop  }
0x4: {  	_ = 	snop  }
0x5: {  	_ = 	snop  }
0x6: {  	_ = 	snop  }
0x7: {  	_ = 	snop  }
__scs_overlays_trampoline_lowered:
0x8: {  	[smem:$0x3FA7] =	sst s0  }
0x9: {  	[smem:$0x3FA8] =	sst s1  }
0xa: {  	[smem:$0x3FA9] =	sst s2  }
0xb: {  	[smem:$0x3FAA] =	sst s3  }
0xc: {  	[smem:$0x3FAB] =	sst s4  }
0xd: {  	[smem:$0x3FAC] =	sst s5  }
0xe: {  	[smem:$0x3FAD] =	sst s6  }
0xf: {  	[smem:$0x3FAE] =	sst s7  }
0x10: {  	[smem:$0x3FAF] =	sst s8  }
0x11: {  	[smem:$0x3FB0] =	sst s9;
	s0 =	simm.s32 @!p0 $0x0  }
0x12: {  	s1 =	sld [smem:$0x3F96];
	s0 =	simm.s32 @p0 $0x1  }
0x13: {  	[smem:$0x3FB1] =	sst s0;
	s0 =	simm.s32 @!p1 $0x0  }
0x14: {  	s2 =	sld [smem:$0x3F95];
	s0 =	simm.s32 @p1 $0x1  }
0x15: {  	[smem:$0x3FB2] =	sst s0;
	s0 =	simm.s32 @!p2 $0x0  }
0x16: {  	s3 =	sld [smem:$0x3FDB];
	s0 =	simm.s32 @p2 $0x1  }
0x17: {  	s4 =	simm.s32 $0x1BF5;
	[smem:$0x3FB4] =	sst s0  }
0x18: {  	s0 =	sld [smem:$0x3F97];
	_ =	swait.ge [sflag:s4], $0x0  }
0x19: {  	s7 =	sld [smem:$0x3F98]  }
0x1a: {  	s8 =	sadd.s32 $0xFFFFE003, lr  }
0x1b: {  	s9 =	sadd.s32 $0xFFFFFEF7, lr;
	s5 =	simm.s32 $0xFFFFFFFF;
	p2 =	slt.u32 s8, $0xFFFFF086  }
0x1c: {  	p1 =	slt.u32 s9, $0xF7A;
	s5 =	simm.s32 @!p2 $0x0  }
0x1d: {  	s5 =	simm.s32 @p1 $0x1;
	p0 =	seq.s32 s7, s2  }
0x1e: {  	s7 =	smul.u32 @!p0 $0xF7A, s2;
	p2 =	seq.s32 @!p0 s5, $0x0  }
0x1f: {  	s9 =	smul.u32 $0xF7A, s1;
	s8 =	simm.s32 @!p0 $0x1BF5;
	p2 =	por !p2, p0  }
0x20: {  	[sflag:s8] =	ssyncset.s32 @!p0 $0xFFFFF086;
	s6 =	sadd.s32 @!p0 s3, s7;
	s7 =	simm.s32 @!p0 $0x108  }
0x21: {  	s3 =	sadd.s32 s3, s9;
	s6 =	sadd.s32 @!p0 $0x88, s6;
	s7 =	simm.s32 @p2 $0x1082  }
0x22: {  	[simem:s7], [sflag:s8] =	dma.local @!p0 [hbm:s6], $0xF7A  }
0x23: {  	s9 =	sor.u32 $0xD0000000, s2;
	s6 =	simm.s32 $0x108;
	_ =	swait.ge @!p0 [sflag:s8], $0x0  }
0x24: {  	s3 =	sadd.s32 $0x88, s3;
	s6 =	simm.s32 @!p1 $0x1082;
	[sflag:s4] =	ssyncset.s32 $0xFFFFF086  }
0x25: {  	[simem:s6], [sflag:s4] =	dma.local [hbm:s3], $0xF7A  }
0x26: {  	[smem:$0x3F98] =	sst s1;
	(tag) =	ssettag s2;
	_ =	strace s9  }
0x27: {  	s1 =	sld [smem:$0x3FA8]  }
0x28: {  	s2 =	sld [smem:$0x3FA9]  }
0x29: {  	s4 =	sld [smem:$0x3FAB]  }
0x2a: {  	p0 =	seq.s32 s5, $0x0;
	s5 =	sld [smem:$0x3FAC]  }
0x2b: {  	s6 =	sld [smem:$0x3FAD]  }
0x2c: {  	s7 =	sld [smem:$0x3FAE]  }
0x2d: {  	s3 =	simm.s32 $0x108;
	s8 =	sld [smem:$0x3FAF]  }
0x2e: {  	s3 =	simm.s32 @!p0 $0x1082;
	s9 =	sld [smem:$0x3FB0]  }
0x2f: {  	lr =	sadd.s32 s0, s3;
	s0 =	sld [smem:$0x3FA7]  }
0x30: {  	s3 =	sld [smem:$0x3FAA]  }
0x31: {  	[smem:$0x3FB3] =	sst s10  }
0x32: {  	s10 =	sld [smem:$0x3FB1];
	_ =	sdelay $0x3  }
0x33: {  	p0 =	seq.s32 s10, $0x1;
	s10 =	sld [smem:$0x3FB3];
	_ =	sdelay $0x3  }
0x34: {  	[smem:$0x3FB3] =	sst s10  }
0x35: {  	s10 =	sld [smem:$0x3FB2];
	_ =	sdelay $0x3  }
0x36: {  	p1 =	seq.s32 s10, $0x1;
	s10 =	sld [smem:$0x3FB3];
	_ =	sdelay $0x3  }
0x37: {  	[smem:$0x3FB3] =	sst s10  }
0x38: {  	s10 =	sld [smem:$0x3FB4]  }
0x39: {  	_ = 	snop;
	(pc) =	sbr.ind lr, $3  }
0x3a: {  	_ = 	snop  }
0x3b: {  	_ = 	snop  }
0x3c: {  	p2 =	seq.s32 s10, $0x1;
	s10 =	sld [smem:$0x3FB3]  }
0x3d: {  	_ =	shalt  }
0x3e: {  	_ =	shalt  }
0x3f: {  	_ =	shalt  }
0x40: {  	_ =	shalt  }
0x41: {  	_ =	shalt  }
0x42: {  	_ =	shalt  }
0x43: {  	_ =	shalt  }
0x44: {  	_ =	shalt  }
0x45: {  	_ =	shalt  }
0x46: {  	_ =	shalt  }
0x47: {  	_ =	shalt  }
0x48: {  	_ =	shalt  }
0x49: {  	_ =	shalt  }
0x4a: {  	_ =	shalt  }
0x4b: {  	_ =	shalt  }
0x4c: {  	_ =	shalt  }
0x4d: {  	_ =	shalt  }
0x4e: {  	_ =	shalt  }
0x4f: {  	_ =	shalt  }
0x50: {  	_ =	shalt  }
0x51: {  	_ =	shalt  }
0x52: {  	_ =	shalt  }
0x53: {  	_ =	shalt  }
0x54: {  	_ =	shalt  }
0x55: {  	_ =	shalt  }
0x56: {  	_ =	shalt  }
0x57: {  	_ =	shalt  }
0x58: {  	_ =	shalt  }
0x59: {  	_ =	shalt  }
0x5a: {  	_ =	shalt  }
0x5b: {  	_ =	shalt  }
0x5c: {  	_ =	shalt  }
0x5d: {  	_ =	shalt  }
0x5e: {  	_ =	shalt  }
0x5f: {  	_ =	shalt  }
0x60: {  	_ =	shalt  }
0x61: {  	_ =	shalt  }
0x62: {  	_ =	shalt  }
0x63: {  	_ =	shalt  }
0x64: {  	_ =	shalt  }
0x65: {  	_ =	shalt  }
0x66: {  	_ =	shalt  }
0x67: {  	_ =	shalt  }
0x68: {  	_ =	shalt  }
0x69: {  	_ =	shalt  }
0x6a: {  	_ =	shalt  }
0x6b: {  	_ =	shalt  }
0x6c: {  	_ =	shalt  }
0x6d: {  	_ =	shalt  }
0x6e: {  	_ =	shalt  }
0x6f: {  	_ =	shalt  }
0x70: {  	_ =	shalt  }
0x71: {  	_ =	shalt  }
0x72: {  	_ =	shalt  }
0x73: {  	_ =	shalt  }
0x74: {  	_ =	shalt  }
0x75: {  	_ =	shalt  }
0x76: {  	_ =	shalt  }
0x77: {  	_ =	shalt  }
0x78: {  	_ =	shalt  }
0x79: {  	_ =	shalt  }
0x7a: {  	_ =	shalt  }
0x7b: {  	_ =	shalt  }
0x7c: {  	_ =	shalt  }
0x7d: {  	_ =	shalt  }
0x7e: {  	_ =	shalt  }
0x7f: {  	_ =	shalt  }
0x80: {  	_ =	shalt  }
0x81: {  	_ =	shalt  }
0x82: {  	_ =	shalt  }
0x83: {  	_ =	shalt  }
0x84: {  	_ =	shalt  }
0x85: {  	_ =	shalt  }
0x86: {  	_ =	shalt  }
0x87: {  	_ =	shalt  }
.Lfunc_end0:
.L_simem_size_0:
called_computation.1_lowered:
.L_overlay_start_0:
0x88: {  	s2 =	sld [smem:$0x3FD9]  }
0x89: {  	s3 =	sld [smem:$0x3FFE];
	_ =	sdelay $0x1  }
0x8a: {  	s1 =	srdreg.scid  }
0x8b: {  	s0 =	sand.u32 $0x1, s1  }
0x8c: {  	s16 =	sshll.u32 s0, $0xA;
	s2 =	sadd.s32 s3, s2  }
0x8d: {  	s2 =	sadd.s32 s2, s16  }
0x8e: {  	[smem:$0x3FBF] =	sst s2  }
0x8f: {  	_ = 	snop  }
0x90: {  	(tm) =	ssettm $0x1  }
0x91: {  	s17 =	sld [smem:$0x3FFB];
	_ =	sdelay $0x3  }
0x92: {  	_ =	strace s17  }
0x93: {  	s2 =	sld [smem:$0x3FFC];
	_ =	sdelay $0x3  }
0x94: {  	_ =	strace s2  }
0x95: {  	s2 =	sld [smem:$0x3FFD];
	_ =	sdelay $0x3  }
0x96: {  	_ =	strace s2  }
0x97: {  	_ =	strace $0x8FFFFFFF  }
0x98: {  	s18 =	sld [smem:$0x3FDB];
	_ =	sdelay $0x1  }
0x99: {  	s19 =	simm.s32 $_scs_section_size  }
0x9a: {  	s4 =	simm.s32 $_size__tile_overlayer_lowered;
	s5 =	simm.s32 $_tile_overlayer_lowered  }
0x9b: {  	s22 =	simm.s32 $0x1BFF;
	s21 =	sshll.u32 s5, $0x1;
	s2 =	sadd.s32 s19, s18  }
0x9c: {  	s6 =	simm.s32 $0x0;
	s20 =	sshll.u32 s4, $0x1;
	s4 =	sadd.s32 s21, s2  }
0x9d: {  	[timem:s6], [sflag:s22] =	dma.local [hbm:s4], s20  }
0x9e: {  	_ =	swait.ge [sflag:s22], s20  }
0x9f: {  	s3 =	ssub.s32 $0x0, s20;
	[sflag:s22] =	ssyncset.done $0x0  }
0xa0: {  	[sflag:s22] =	ssyncadd.s32 s3;
	_ =	sdelay $0x1  }
0xa1: {  	s23 =	simm.s32 $0x1B8B  }
0xa2: {  	_ =	swait.ge [sflag:s23], $0x1  }
0xa3: {  	[sflag:s23] =	ssyncset.done $0x0  }
0xa4: {  	s25 =	simm.s32 $0x1B8E;
	s24 =	sld [smem:$0x3FFE];
	[sflag:s23] =	ssyncadd.s32 $0xFFFFFFFF  }
0xa5: {  	s26 =	simm.s32 $execute0_lowered;
	[smem:$0x3FD2] =	sst s25  }
0xa6: {  	s4 =	sshll.u32 s26, $0x1;
	_ =	strace $0x80000046;
	[dreg:$0x1] =	wrdreg $0xFFFFFFFF  }
0xa7: {  	s28 =	simm.s32 $_size_execute0_lowered;
	s2 =	sadd.s32 s2, s4;
	[dreg:$0x0] =	wrdreg $0x0  }
0xa8: {  	s4 =	sshll.u32 s28, $0x1;
	[dreg:$0x2] =	wrdreg s2  }
0xa9: {  	[dreg:$0x3] =	wrdreg s4  }
0xaa: {  	[dreg:$0x4] =	wrdreg $0xC0  }
0xab: {  	_ =	task [dreg:s6], $0x5FFFF  }
0xac: {  	[dreg:$0x1] =	wrdreg $0xFFFFFFFF  }
0xad: {  	[dreg:$0x0] =	wrdreg $0x60  }
0xae: {  	[dreg:$0x2] =	wrdreg s24  }
0xaf: {  	[dreg:$0x3] =	wrdreg $0x118000  }
0xb0: {  	[dreg:$0x4] =	wrdreg $0xA  }
0xb1: {  	_ =	task.clear_ibuf [dreg:s6], $0x5FFFF;
	_ =	strace $0x90000046  }
0xb2: {  	s29 =	simm.s32 $0xA;
	_ =	strace $0x80000048  }
0xb3: {  	_ =	swait.ge [sflag:s29], $0x1  }
0xb4: {  	[sflag:s29] =	ssyncadd.s32 $0xFFFFFFFF  }
0xb5: {  	_ =	strace $0x90000048  }
0xb6: {  	_ =	sfence  }
0xb7: {  	s30 =	sld [smem:$0x0];
	_ =	sdelay $0x2  }
0xb8: {  	s31 =	sshll.u32 s1, $0xD;
	s1 =	sshrl.u32 s1, $0x2  }
0xb9: {  	s3 =	sand.u32 $0x4000, s31;
	s1 =	sadd.s32 s1, s30  }
0xba: {  	s0 =	sor.u32 s3, s0;
	s1 =	sshll.u32 s1, $0x11  }
0xbb: {  	s0 =	sor.u32 s1, s0  }
0xbc: {  	s0 =	sadd.s32 $0x8F2B, s0  }
0xbd: {  	[sflag:s0] =	ssyncadd.remote.s32 $0x1  }
0xbe: {  	_ =	sfence.sel $0xFFFF  }
0xbf: {  	[dreg:$0x0] =	wrdreg $0xFFFFFFFF;
	(pc) =	sbr.abs _section_cstart, $3  }
0xc0: {  	[dreg:$0x1] =	wrdreg $0xFFFFFFFF  }
0xc1: {  	_ =	task.clear_ibuf [dreg:s6], $0x2FFFF;
	_ =	strace $0x9FFFFFFF  }
0xc2: {  	(tm) =	ssettm $0x7FFFFFFF  }
0xc3: {  	_ =	shalt  }
tec
execute0_lowered:
.L_overlay_start_1:
0x0: {  	(tag) =	ssettag $0x1  }
0x1: {  	s0 =	srdreg.scid;
	s5 =	rddreg [dreg:$0x0]  }
0x2: {  	s8 =	stileid.u32;
	s2 =	rddreg [dreg:$0x1];
	s3 =	simm.s32 $0x0  }
0x3: {  	s14 =	simm.s32 $0x5000;
	s15 =	simm.s32 $0xB;
	s16 =	simm.s32 $0x2800  }
0x4: {  	s17 =	simm.s32 $0x80;
	s19 =	simm.s32 $0x7800;
	s21 =	simm.s32 $0xA000  }
0x5: {  	s23 =	simm.s32 $0xC800;
	s28 =	simm.s32 $0x2;
	s29 =	simm.s32 $0x3  }
0x6: {  	s30 =	simm.s32 $0x4;
	s31 =	simm.s32 $0x5;
	s18 =	simm.s32 $0x8  }
0x7: {  	s20 =	simm.s32 $0x9;
	s22 =	simm.s32 $0xA;
	s0 =	sand.u32 $0x1, s0  }
0x8: {  	s1 =	sshll.u32 s8, $0x1;
	s6 =	smul.u32 $0xC800, s8;
	[smem:$0x7FF] =	sst s3  }
0x9: {  	s4 =	sadd.s32 $0x34A00, s5;
	s8 =	smul.u32 $0x32000, s8;
	s1 =	sor.u32 s0, s1  }
0xa: {  	s7 =	smul.u32 $0xC8000, s0;
	_ =	strace $0x80000047;
	s0 =	ssub.s32 $0x2, s0  }
0xb: {  	s1 =	smul.u32 $0x500, s1;
	s9 =	sshrl.u32 s0, $0x1;
	s8 =	sshrl.u32 s8, $0x2  }
0xc: {  	s7 =	sadd.s32 s6, s7;
	s0 =	ssub.s32 s0, s9;
	s24 =	sadd.s32 s8, s2  }
0xd: {  	s1 =	sadd.s32 s1, s5;
	s7 =	sshrl.u32 s7, $0x3;
	s25 =	sadd.s32 $0x2800, s24  }
0xe: {  	s26 =	sadd.s32 $0x5000, s24;
	s8 =	sadd.s32 $0x7800, s24;
	s9 =	sadd.s32 $0xA000, s24  }
0xf: {  	s13 =	smax.u32 s0, $0x1;
	s0 =	simm.s32 $0x7;
	[dreg:$0x3] =	wrdreg s25  }
0x10: {  	s12 =	sadd.s32 s7, s5;
	s5 =	sadd.s32 s6, s2;
	[dreg:$0x4] =	wrdreg s26  }
0x11: {  	s10 =	sadd.s32 $0x20A00, s1;
	s11 =	sadd.s32 $0x16A00, s1;
	s25 =	simm.s32 $0xF000  }
0x12: {  	v0 =	vimm.f32 $0.0e+00;
	s26 =	simm.s32 $0x1;
	s1 =	simm.s32 $0x6;
	s12 =	sadd.s32 $0x4DA00, s12  }
.LBB2_1:
0x13: {  	s24 =	simm.s32 $0x140;
	s6 =	simm.s32 $0x0  }
.LBB2_2:
0x14: {  	p0 =	sne.s32 s24, $0x9EC0;
	[tilespmem:s6+$0x5040] =	vst v0;
	s7 =	smov.u32 s24;
	s24 =	sadd.s32 $0x140, s24  }
.Ltmp0:
0x15: {  	[tilespmem:s6+$0x5030] =	vst v0;
	(pc) =	sbr.rel @p0 .LBB2_2-.Ltmp0, $4  }
0x16: {  	[tilespmem:s6+$0x5020] =	vst v0  }
0x17: {  	[tilespmem:s6+$0x5000] =	vst v0  }
0x18: {  	[tilespmem:s6+$0x5010] =	vst v0  }
0x19: {  	s6 =	sshra.s32 s7, $0x2  }
0x1a: {  	[tilespmem:s6+$0x5040] =	vst v0  }
0x1b: {  	[tilespmem:s6+$0x5030] =	vst v0  }
0x1c: {  	[tilespmem:s6+$0x5020] =	vst v0  }
0x1d: {  	[tilespmem:s6+$0x5000] =	vst v0  }
0x1e: {  	[tilespmem:s6+$0x5010] =	vst v0  }
0x1f: {  	[spmem:s5] =	stream.linear.scatter [tilespmem:s14], [sflag:$0xB], $0x2800, $0x38;
	[tilespmem:$0x1E000] =	vst v63  }
0x20: {  	_ =	swait.ge [sflag:s15], $0x2800  }
0x21: {  	[sflag:s15] =	ssyncset.done $0x0  }
0x22: {  	s7 =	rddreg [dreg:$0x3];
	[sflag:s15] =	ssyncadd.s32 $0xFFFFD800  }
0x23: {  	[spmem:s7] =	stream.linear.scatter [tilespmem:s14], [sflag:$0xB], $0x2800, $0x38;
	[tilespmem:$0x1E000] =	vst v63  }
0x24: {  	_ =	swait.ge [sflag:s15], $0x2800  }
0x25: {  	[sflag:s15] =	ssyncset.done $0x0  }
0x26: {  	s24 =	rddreg [dreg:$0x4];
	[sflag:s15] =	ssyncadd.s32 $0xFFFFD800  }
0x27: {  	[spmem:s24] =	stream.linear.scatter [tilespmem:s14], [sflag:$0xB], $0x2800, $0x38;
	[tilespmem:$0x1E000] =	vst v63  }
0x28: {  	_ =	swait.ge [sflag:s15], $0x2800  }
0x29: {  	[sflag:s15] =	ssyncset.done $0x0  }
0x2a: {  	[sflag:s15] =	ssyncadd.s32 $0xFFFFD800  }
0x2b: {  	[spmem:s8] =	stream.linear.scatter [tilespmem:s14], [sflag:$0xB], $0x2800, $0x38;
	[tilespmem:$0x1E000] =	vst v63  }
0x2c: {  	_ =	swait.ge [sflag:s15], $0x2800  }
0x2d: {  	[sflag:s15] =	ssyncset.done $0x0  }
0x2e: {  	[sflag:s15] =	ssyncadd.s32 $0xFFFFD800  }
0x2f: {  	[spmem:s9] =	stream.linear.scatter [tilespmem:s14], [sflag:$0xB], $0x2800, $0x38;
	[tilespmem:$0x1E000] =	vst v63  }
0x30: {  	_ =	swait.ge [sflag:s15], $0x2800  }
0x31: {  	[sflag:s15] =	ssyncset.done $0x0  }
0x32: {  	s7 =	simm.s32 $0x0;
	[sflag:s15] =	ssyncadd.s32 $0xFFFFD800  }
0x33: {  	[tilespmem:s7], [sflag:$0xB] =	stream.linear.gather [hbm4b:s10+s7], $0x2800, $0x38;
	[tilespmem:$0x1E000] =	vst v63  }
0x34: {  	_ =	swait.ge [sflag:s15], $0x2800  }
0x35: {  	[sflag:s15] =	ssyncset.done $0x0  }
0x36: {  	[sflag:s15] =	ssyncadd.s32 $0xFFFFD800  }
0x37: {  	[tilespmem:s16], [sflag:$0xB] =	stream.linear.gather [hbm4b:s11+s7], $0x2800, $0x38;
	[tilespmem:$0x1E000] =	vst v63  }
0x38: {  	_ =	swait.ge [sflag:s15], $0x2800  }
0x39: {  	[sflag:s15] =	ssyncset.done $0x0  }
0x3a: {  	[sflag:s15] =	ssyncadd.s32 $0xFFFFD800  }
0x3b: {  	[bflag:$0x0] =	sbarrier.arrive $0xFFFF  }
0x3c: {  	[tilespmem:s14], [sflag:$0x1] =	stream.indirect.gather [hbm4b:s4+s17], $0x50, s16, s17, $0xb8;
	[tilespmem:$0x1E000] =	vst v63  }
0x3d: {  	s24 =	simm.s32 $0x2880  }
0x3e: {  	[tilespmem:s19], [sflag:$0x2] =	stream.indirect.gather [hbm4b:s4+s17], $0x50, s24, s17, $0xb8;
	[tilespmem:$0x1E000] =	vst v63  }
0x3f: {  	s7 =	simm.s32 $0x2900  }
0x40: {  	[tilespmem:s21], [sflag:$0x3] =	stream.indirect.gather [hbm4b:s4+s17], $0x50, s7, s17, $0xb8;
	[tilespmem:$0x1E000] =	vst v63  }
0x41: {  	s24 =	simm.s32 $0x2980  }
0x42: {  	[tilespmem:s23], [sflag:$0x4] =	stream.indirect.gather [hbm4b:s4+s17], $0x50, s24, s17, $0xb8;
	[tilespmem:$0x1E000] =	vst v63  }
0x43: {  	s7 =	simm.s32 $0x2A00  }
0x44: {  	[tilespmem:s25], [sflag:$0x5] =	stream.indirect.gather [hbm4b:s4+s17], $0x50, s7, s17, $0xb8;
	[tilespmem:$0x1E000] =	vst v63  }
0x45: {  	_ =	swait.ge [sflag:s26], $0x2800  }
0x46: {  	[sflag:s26] =	ssyncset.done $0x0  }
0x47: {  	s24 =	simm.s32 $0x0;
	[sflag:s26] =	ssyncadd.s32 $0xFFFFD800  }
0x48: {  	[spmem:s2] =	stream.indirect.scatter.add.f32 [tilespmem:s14], [sflag:$0x6], $0x50, s24, s17, $0xb8;
	[tilespmem:$0x1E000] =	vst v63  }
0x49: {  	_ =	swait.ge [sflag:s28], $0x2800  }
0x4a: {  	[sflag:s28] =	ssyncset.done $0x0  }
0x4b: {  	s7 =	simm.s32 $0x80;
	[sflag:s28] =	ssyncadd.s32 $0xFFFFD800  }
0x4c: {  	[spmem:s2] =	stream.indirect.scatter.add.f32 [tilespmem:s19], [sflag:$0x7], $0x50, s7, s17, $0xb8;
	[tilespmem:$0x1E000] =	vst v63  }
0x4d: {  	_ =	swait.ge [sflag:s29], $0x2800  }
0x4e: {  	[sflag:s29] =	ssyncset.done $0x0  }
0x4f: {  	s24 =	simm.s32 $0x100;
	[sflag:s29] =	ssyncadd.s32 $0xFFFFD800  }
0x50: {  	[spmem:s2] =	stream.indirect.scatter.add.f32 [tilespmem:s21], [sflag:$0x8], $0x50, s24, s17, $0xb8;
	[tilespmem:$0x1E000] =	vst v63  }
0x51: {  	_ =	swait.ge [sflag:s30], $0x2800  }
0x52: {  	[sflag:s30] =	ssyncset.done $0x0  }
0x53: {  	s7 =	simm.s32 $0x180;
	[sflag:s30] =	ssyncadd.s32 $0xFFFFD800  }
0x54: {  	[spmem:s2] =	stream.indirect.scatter.add.f32 [tilespmem:s23], [sflag:$0x9], $0x50, s7, s17, $0xb8;
	[tilespmem:$0x1E000] =	vst v63  }
0x55: {  	_ =	swait.ge [sflag:s31], $0x2800  }
0x56: {  	[sflag:s31] =	ssyncset.done $0x0  }
0x57: {  	s24 =	simm.s32 $0x200;
	[sflag:s31] =	ssyncadd.s32 $0xFFFFD800  }
0x58: {  	[spmem:s2] =	stream.indirect.scatter.add.f32 [tilespmem:s25], [sflag:$0xA], $0x50, s24, s17, $0xb8;
	[tilespmem:$0x1E000] =	vst v63  }
0x59: {  	_ =	swait.ge [sflag:s1], $0x2800  }
0x5a: {  	[sflag:s1] =	ssyncset.done $0x0  }
0x5b: {  	s7 =	simm.s32 $0x2A80;
	[sflag:s1] =	ssyncadd.s32 $0xFFFFD800  }
0x5c: {  	[tilespmem:s14], [sflag:$0x1] =	stream.indirect.gather [hbm4b:s4+s17], $0x50, s7, s17, $0xb8;
	[tilespmem:$0x1E000] =	vst v63  }
0x5d: {  	_ =	swait.ge [sflag:s0], $0x2800  }
0x5e: {  	[sflag:s0] =	ssyncset.done $0x0  }
0x5f: {  	s24 =	simm.s32 $0x2B00;
	[sflag:s0] =	ssyncadd.s32 $0xFFFFD800  }
0x60: {  	[tilespmem:s19], [sflag:$0x2] =	stream.indirect.gather [hbm4b:s4+s17], $0x50, s24, s17, $0xb8;
	[tilespmem:$0x1E000] =	vst v63  }
0x61: {  	_ =	swait.ge [sflag:s18], $0x2800  }
0x62: {  	[sflag:s18] =	ssyncset.done $0x0  }
0x63: {  	s7 =	simm.s32 $0x2B80;
	[sflag:s18] =	ssyncadd.s32 $0xFFFFD800  }
0x64: {  	[tilespmem:s21], [sflag:$0x3] =	stream.indirect.gather [hbm4b:s4+s17], $0x50, s7, s17, $0xb8;
	[tilespmem:$0x1E000] =	vst v63  }
0x65: {  	_ =	swait.ge [sflag:s20], $0x2800  }
0x66: {  	[sflag:s20] =	ssyncset.done $0x0  }
0x67: {  	s24 =	simm.s32 $0x2C00;
	[sflag:s20] =	ssyncadd.s32 $0xFFFFD800  }
0x68: {  	[tilespmem:s23], [sflag:$0x4] =	stream.indirect.gather [hbm4b:s4+s17], $0x50, s24, s17, $0xb8;
	[tilespmem:$0x1E000] =	vst v63  }
0x69: {  	_ =	swait.ge [sflag:s22], $0x2800  }
0x6a: {  	[sflag:s22] =	ssyncset.done $0x0  }
0x6b: {  	s6 =	simm.s32 $0x2C80;
	s24 =	simm.s32 $0xA00;
	[sflag:s22] =	ssyncadd.s32 $0xFFFFD800  }
.LBB2_4:
0x6c: {  	[tilespmem:s25], [sflag:$0x5] =	stream.indirect.gather [hbm4b:s4+s17], $0x50, s6, s17, $0xb8;
	[tilespmem:$0x1E000] =	vst v63  }
0x6d: {  	s6 =	smov.u32 s24  }
0x6e: {  	p0 =	sne.s32 s24, $0x8C00;
	s24 =	sadd.s32 $0xA00, s24;
	_ =	swait.ge [sflag:s26], $0x2800  }
0x6f: {  	[sflag:s26] =	ssyncset.done $0x0  }
0x70: {  	s6 =	sshra.s32 s6, $0x2;
	[sflag:s26] =	ssyncadd.s32 $0xFFFFD800  }
0x71: {  	[spmem:s2] =	stream.indirect.scatter.add.f32 [tilespmem:s14], [sflag:$0x6], $0x50, s6, s17, $0xb8;
	[tilespmem:$0x1E000] =	vst v63  }
0x72: {  	_ =	swait.ge [sflag:s28], $0x2800  }
0x73: {  	[sflag:s28] =	ssyncset.done $0x0  }
0x74: {  	s7 =	sadd.s32 $0x80, s6;
	[sflag:s28] =	ssyncadd.s32 $0xFFFFD800  }
0x75: {  	[spmem:s2] =	stream.indirect.scatter.add.f32 [tilespmem:s19], [sflag:$0x7], $0x50, s7, s17, $0xb8;
	[tilespmem:$0x1E000] =	vst v63  }
0x76: {  	_ =	swait.ge [sflag:s29], $0x2800  }
0x77: {  	[sflag:s29] =	ssyncset.done $0x0  }
0x78: {  	s7 =	sadd.s32 $0x100, s6;
	[sflag:s29] =	ssyncadd.s32 $0xFFFFD800  }
0x79: {  	[spmem:s2] =	stream.indirect.scatter.add.f32 [tilespmem:s21], [sflag:$0x8], $0x50, s7, s17, $0xb8;
	[tilespmem:$0x1E000] =	vst v63  }
0x7a: {  	_ =	swait.ge [sflag:s30], $0x2800  }
0x7b: {  	[sflag:s30] =	ssyncset.done $0x0  }
0x7c: {  	s7 =	sadd.s32 $0x180, s6;
	[sflag:s30] =	ssyncadd.s32 $0xFFFFD800  }
0x7d: {  	[spmem:s2] =	stream.indirect.scatter.add.f32 [tilespmem:s23], [sflag:$0x9], $0x50, s7, s17, $0xb8;
	[tilespmem:$0x1E000] =	vst v63  }
0x7e: {  	_ =	swait.ge [sflag:s31], $0x2800  }
0x7f: {  	[sflag:s31] =	ssyncset.done $0x0  }
0x80: {  	s7 =	sadd.s32 $0x200, s6;
	[sflag:s31] =	ssyncadd.s32 $0xFFFFD800  }
0x81: {  	[spmem:s2] =	stream.indirect.scatter.add.f32 [tilespmem:s25], [sflag:$0xA], $0x50, s7, s17, $0xb8;
	[tilespmem:$0x1E000] =	vst v63  }
0x82: {  	_ =	swait.ge [sflag:s1], $0x2800  }
0x83: {  	[sflag:s1] =	ssyncset.done $0x0  }
0x84: {  	s7 =	sadd.s32 $0x2A80, s6;
	[sflag:s1] =	ssyncadd.s32 $0xFFFFD800  }
0x85: {  	[tilespmem:s14], [sflag:$0x1] =	stream.indirect.gather [hbm4b:s4+s17], $0x50, s7, s17, $0xb8;
	[tilespmem:$0x1E000] =	vst v63  }
0x86: {  	_ =	swait.ge [sflag:s0], $0x2800  }
0x87: {  	[sflag:s0] =	ssyncset.done $0x0  }
0x88: {  	s7 =	sadd.s32 $0x2B00, s6;
	[sflag:s0] =	ssyncadd.s32 $0xFFFFD800  }
0x89: {  	[tilespmem:s19], [sflag:$0x2] =	stream.indirect.gather [hbm4b:s4+s17], $0x50, s7, s17, $0xb8;
	[tilespmem:$0x1E000] =	vst v63  }
0x8a: {  	_ =	swait.ge [sflag:s18], $0x2800  }
0x8b: {  	[sflag:s18] =	ssyncset.done $0x0  }
0x8c: {  	s7 =	sadd.s32 $0x2B80, s6;
	[sflag:s18] =	ssyncadd.s32 $0xFFFFD800  }
0x8d: {  	[tilespmem:s21], [sflag:$0x3] =	stream.indirect.gather [hbm4b:s4+s17], $0x50, s7, s17, $0xb8;
	[tilespmem:$0x1E000] =	vst v63  }
0x8e: {  	_ =	swait.ge [sflag:s20], $0x2800  }
0x8f: {  	[sflag:s20] =	ssyncset.done $0x0  }
.Ltmp1:
0x90: {  	s7 =	sadd.s32 $0x2C00, s6;
	[sflag:s20] =	ssyncadd.s32 $0xFFFFD800;
	(pc) =	sbr.rel @p0 .LBB2_4-.Ltmp1, $4  }
0x91: {  	[tilespmem:s23], [sflag:$0x4] =	stream.indirect.gather [hbm4b:s4+s17], $0x50, s7, s17, $0xb8;
	[tilespmem:$0x1E000] =	vst v63  }
0x92: {  	_ =	swait.ge [sflag:s22], $0x2800  }
0x93: {  	[sflag:s22] =	ssyncset.done $0x0  }
0x94: {  	s6 =	sadd.s32 $0x2C80, s6;
	[sflag:s22] =	ssyncadd.s32 $0xFFFFD800  }
0x95: {  	[tilespmem:s25], [sflag:$0x5] =	stream.indirect.gather [hbm4b:s4+s17], $0x50, s6, s17, $0xb8;
	[tilespmem:$0x1E000] =	vst v63  }
0x96: {  	_ =	swait.ge [sflag:s26], $0x2800  }
0x97: {  	[sflag:s26] =	ssyncset.done $0x0  }
0x98: {  	s7 =	simm.s32 $0x2580;
	[sflag:s26] =	ssyncadd.s32 $0xFFFFD800  }
0x99: {  	[spmem:s2] =	stream.indirect.scatter.add.f32 [tilespmem:s14], [sflag:$0x6], $0x50, s7, s17, $0xb8;
	[tilespmem:$0x1E000] =	vst v63  }
0x9a: {  	_ =	swait.ge [sflag:s1], $0x2800  }
0x9b: {  	[sflag:s1] =	ssyncset.done $0x0  }
0x9c: {  	[sflag:s1] =	ssyncadd.s32 $0xFFFFD800  }
0x9d: {  	_ =	swait.ge [sflag:s28], $0x2800  }
0x9e: {  	[sflag:s28] =	ssyncset.done $0x0  }
0x9f: {  	s24 =	simm.s32 $0x2600;
	[sflag:s28] =	ssyncadd.s32 $0xFFFFD800  }
0xa0: {  	[spmem:s2] =	stream.indirect.scatter.add.f32 [tilespmem:s19], [sflag:$0x7], $0x50, s24, s17, $0xb8;
	[tilespmem:$0x1E000] =	vst v63  }
0xa1: {  	_ =	swait.ge [sflag:s0], $0x2800  }
0xa2: {  	[sflag:s0] =	ssyncset.done $0x0  }
0xa3: {  	[sflag:s0] =	ssyncadd.s32 $0xFFFFD800  }
0xa4: {  	_ =	swait.ge [sflag:s29], $0x2800  }
0xa5: {  	[sflag:s29] =	ssyncset.done $0x0  }
0xa6: {  	s7 =	simm.s32 $0x2680;
	[sflag:s29] =	ssyncadd.s32 $0xFFFFD800  }
0xa7: {  	[spmem:s2] =	stream.indirect.scatter.add.f32 [tilespmem:s21], [sflag:$0x8], $0x50, s7, s17, $0xb8;
	[tilespmem:$0x1E000] =	vst v63  }
0xa8: {  	_ =	swait.ge [sflag:s18], $0x2800  }
0xa9: {  	[sflag:s18] =	ssyncset.done $0x0  }
0xaa: {  	[sflag:s18] =	ssyncadd.s32 $0xFFFFD800  }
0xab: {  	_ =	swait.ge [sflag:s30], $0x2800  }
0xac: {  	[sflag:s30] =	ssyncset.done $0x0  }
0xad: {  	s24 =	simm.s32 $0x2700;
	[sflag:s30] =	ssyncadd.s32 $0xFFFFD800  }
0xae: {  	[spmem:s2] =	stream.indirect.scatter.add.f32 [tilespmem:s23], [sflag:$0x9], $0x50, s24, s17, $0xb8;
	[tilespmem:$0x1E000] =	vst v63  }
0xaf: {  	_ =	swait.ge [sflag:s20], $0x2800  }
0xb0: {  	[sflag:s20] =	ssyncset.done $0x0  }
0xb1: {  	[sflag:s20] =	ssyncadd.s32 $0xFFFFD800  }
0xb2: {  	_ =	swait.ge [sflag:s31], $0x2800  }
0xb3: {  	[sflag:s31] =	ssyncset.done $0x0  }
0xb4: {  	s7 =	simm.s32 $0x2780;
	[sflag:s31] =	ssyncadd.s32 $0xFFFFD800  }
0xb5: {  	[spmem:s2] =	stream.indirect.scatter.add.f32 [tilespmem:s25], [sflag:$0xA], $0x50, s7, s17, $0xb8;
	[tilespmem:$0x1E000] =	vst v63  }
0xb6: {  	s24 =	stileid.u32;
	_ =	swait.ge [sflag:s22], $0x2800  }
0xb7: {  	s3 =	sadd.s32 $0x1, s3;
	s6 =	sshll.u32 s24, $0x6;
	[sflag:s22] =	ssyncset.done $0x0  }
0xb8: {  	p0 =	sne.s32 s3, s13;
	s6 =	sor.u32 $0x1C0B, s6;
	[sflag:s22] =	ssyncadd.s32 $0xFFFFD800  }
.Ltmp2:
0xb9: {  	s7 =	sshrl.u32 s5, $0x3;
	[bflag:$0x0] =	sbarrier.arrive $0xFFFF;
	(pc) =	sbr.rel @p0 .LBB2_1-.Ltmp2, $4  }
0xba: {  	[hbm:s12], [sflag:s6] =	dma.local [spmem:s7], $0x1900  }
0xbb: {  	_ =	swait.ge [sflag:s15], $0x1900  }
0xbc: {  	[sflag:s15] =	ssyncset.done $0x0  }
0xbd: {  	[sflag:s15] =	ssyncadd.s32 $0xFFFFE700  }
0xbe: {  	_ =	sfence.sel $0x180000  }
0xbf: {  	[bflag:$0x0] =	sbarrier.arrive $0xFFFF  }
0xc0: {  	_ =	strace $0x90000047  }
0xc1: {  	s0 =	stileid.u32;
	[bflag:$0x2] =	sbarrier.arrive $0xFFFF  }
0xc2: {  	p0 =	sne.s32 s0, $0x0;
	s0 =	rddreg [dreg:$0x2]  }
0xc3: {  	s0 =	sadd.s32 @!p0 $0x100000, s0  }
0xc4: {  	[sflag:s0] =	ssyncadd.tile.s32 @!p0 $0x1;
	_ =	shalt  }
.Lfunc_end2:
_tile_overlayer_lowered:
.L_overlay_start_2:
0xc5: {  	(tag) =	ssettag $0x2  }
0xc6: {  	s0 =	rddreg [dreg:$0x0];
	s2 =	stileid.u32  }
0xc7: {  	s1 =	rddreg [dreg:$0x1];
	p0 =	sne.s32 s2, $0x0  }
0xc8: {  	s3 =	rddreg [dreg:$0x2];
	[bflag:$0x3] =	sbarrier.arrive $0xFFFF;
	s2 =	simm.s32 @!p0 $0x1C0B  }
0xc9: {  	[timem:s3], [sflag:s2] =	dma.local @!p0 [hbm:s0], s1  }
0xca: {  	s0 =	simm.s32 @!p0 $0xB  }
0xcb: {  	_ =	swait.ge @!p0 [sflag:s0], s1  }
0xcc: {  	s1 =	ssub.s32 @!p0 $0x0, s1;
	[sflag:s0] =	ssyncset.done @!p0 $0x0  }
0xcd: {  	[sflag:s0] =	ssyncadd.s32 @!p0 s1  }
0xce: {  	[bflag:$0x3] =	sbarrier.arrive $0xFFFF  }
0xcf: {  	_ =	shalt  }

// kernel: kernel.16.cloned.1.call-start
scs
__scs_entry_jumppad:
0x0: {  	(pc) =	sbr.rel $0x88, $3  }
0x1: {  	(tag) =	ssettag $0x0;
	lr =	simm.s32 $0x1  }
0x2: {  	[smem:$0x3F98] =	sst lr;
	_ =	strace $0xD0000000  }
0x3: {  	_ = 	snop  }
0x4: {  	_ = 	snop  }
0x5: {  	_ = 	snop  }
0x6: {  	_ = 	snop  }
0x7: {  	_ = 	snop  }
__scs_overlays_trampoline_lowered:
0x8: {  	[smem:$0x3FA7] =	sst s0  }
0x9: {  	[smem:$0x3FA8] =	sst s1  }
0xa: {  	[smem:$0x3FA9] =	sst s2  }
0xb: {  	[smem:$0x3FAA] =	sst s3  }
0xc: {  	[smem:$0x3FAB] =	sst s4  }
0xd: {  	[smem:$0x3FAC] =	sst s5  }
0xe: {  	[smem:$0x3FAD] =	sst s6  }
0xf: {  	[smem:$0x3FAE] =	sst s7  }
0x10: {  	[smem:$0x3FAF] =	sst s8  }
0x11: {  	[smem:$0x3FB0] =	sst s9;
	s0 =	simm.s32 @!p0 $0x0  }
0x12: {  	s1 =	sld [smem:$0x3F96];
	s0 =	simm.s32 @p0 $0x1  }
0x13: {  	[smem:$0x3FB1] =	sst s0;
	s0 =	simm.s32 @!p1 $0x0  }
0x14: {  	s2 =	sld [smem:$0x3F95];
	s0 =	simm.s32 @p1 $0x1  }
0x15: {  	[smem:$0x3FB2] =	sst s0;
	s0 =	simm.s32 @!p2 $0x0  }
0x16: {  	s3 =	sld [smem:$0x3FDB];
	s0 =	simm.s32 @p2 $0x1  }
0x17: {  	s4 =	simm.s32 $0x1BF5;
	[smem:$0x3FB4] =	sst s0  }
0x18: {  	s0 =	sld [smem:$0x3F97];
	_ =	swait.ge [sflag:s4], $0x0  }
0x19: {  	s7 =	sld [smem:$0x3F98]  }
0x1a: {  	s8 =	sadd.s32 $0xFFFFE003, lr  }
0x1b: {  	s9 =	sadd.s32 $0xFFFFFEF7, lr;
	s5 =	simm.s32 $0xFFFFFFFF;
	p2 =	slt.u32 s8, $0xFFFFF086  }
0x1c: {  	p1 =	slt.u32 s9, $0xF7A;
	s5 =	simm.s32 @!p2 $0x0  }
0x1d: {  	s5 =	simm.s32 @p1 $0x1;
	p0 =	seq.s32 s7, s2  }
0x1e: {  	s7 =	smul.u32 @!p0 $0xF7A, s2;
	p2 =	seq.s32 @!p0 s5, $0x0  }
0x1f: {  	s9 =	smul.u32 $0xF7A, s1;
	s8 =	simm.s32 @!p0 $0x1BF5;
	p2 =	por !p2, p0  }
0x20: {  	[sflag:s8] =	ssyncset.s32 @!p0 $0xFFFFF086;
	s6 =	sadd.s32 @!p0 s3, s7;
	s7 =	simm.s32 @!p0 $0x108  }
0x21: {  	s3 =	sadd.s32 s3, s9;
	s6 =	sadd.s32 @!p0 $0x88, s6;
	s7 =	simm.s32 @p2 $0x1082  }
0x22: {  	[simem:s7], [sflag:s8] =	dma.local @!p0 [hbm:s6], $0xF7A  }
0x23: {  	s9 =	sor.u32 $0xD0000000, s2;
	s6 =	simm.s32 $0x108;
	_ =	swait.ge @!p0 [sflag:s8], $0x0  }
0x24: {  	s3 =	sadd.s32 $0x88, s3;
	s6 =	simm.s32 @!p1 $0x1082;
	[sflag:s4] =	ssyncset.s32 $0xFFFFF086  }
0x25: {  	[simem:s6], [sflag:s4] =	dma.local [hbm:s3], $0xF7A  }
0x26: {  	[smem:$0x3F98] =	sst s1;
	(tag) =	ssettag s2;
	_ =	strace s9  }
0x27: {  	s1 =	sld [smem:$0x3FA8]  }
0x28: {  	s2 =	sld [smem:$0x3FA9]  }
0x29: {  	s4 =	sld [smem:$0x3FAB]  }
0x2a: {  	p0 =	seq.s32 s5, $0x0;
	s5 =	sld [smem:$0x3FAC]  }
0x2b: {  	s6 =	sld [smem:$0x3FAD]  }
0x2c: {  	s7 =	sld [smem:$0x3FAE]  }
0x2d: {  	s3 =	simm.s32 $0x108;
	s8 =	sld [smem:$0x3FAF]  }
0x2e: {  	s3 =	simm.s32 @!p0 $0x1082;
	s9 =	sld [smem:$0x3FB0]  }
0x2f: {  	lr =	sadd.s32 s0, s3;
	s0 =	sld [smem:$0x3FA7]  }
0x30: {  	s3 =	sld [smem:$0x3FAA]  }
0x31: {  	[smem:$0x3FB3] =	sst s10  }
0x32: {  	s10 =	sld [smem:$0x3FB1];
	_ =	sdelay $0x3  }
0x33: {  	p0 =	seq.s32 s10, $0x1;
	s10 =	sld [smem:$0x3FB3];
	_ =	sdelay $0x3  }
0x34: {  	[smem:$0x3FB3] =	sst s10  }
0x35: {  	s10 =	sld [smem:$0x3FB2];
	_ =	sdelay $0x3  }
0x36: {  	p1 =	seq.s32 s10, $0x1;
	s10 =	sld [smem:$0x3FB3];
	_ =	sdelay $0x3  }
0x37: {  	[smem:$0x3FB3] =	sst s10  }
0x38: {  	s10 =	sld [smem:$0x3FB4]  }
0x39: {  	_ = 	snop;
	(pc) =	sbr.ind lr, $3  }
0x3a: {  	_ = 	snop  }
0x3b: {  	_ = 	snop  }
0x3c: {  	p2 =	seq.s32 s10, $0x1;
	s10 =	sld [smem:$0x3FB3]  }
0x3d: {  	_ =	shalt  }
0x3e: {  	_ =	shalt  }
0x3f: {  	_ =	shalt  }
0x40: {  	_ =	shalt  }
0x41: {  	_ =	shalt  }
0x42: {  	_ =	shalt  }
0x43: {  	_ =	shalt  }
0x44: {  	_ =	shalt  }
0x45: {  	_ =	shalt  }
0x46: {  	_ =	shalt  }
0x47: {  	_ =	shalt  }
0x48: {  	_ =	shalt  }
0x49: {  	_ =	shalt  }
0x4a: {  	_ =	shalt  }
0x4b: {  	_ =	shalt  }
0x4c: {  	_ =	shalt  }
0x4d: {  	_ =	shalt  }
0x4e: {  	_ =	shalt  }
0x4f: {  	_ =	shalt  }
0x50: {  	_ =	shalt  }
0x51: {  	_ =	shalt  }
0x52: {  	_ =	shalt  }
0x53: {  	_ =	shalt  }
0x54: {  	_ =	shalt  }
0x55: {  	_ =	shalt  }
0x56: {  	_ =	shalt  }
0x57: {  	_ =	shalt  }
0x58: {  	_ =	shalt  }
0x59: {  	_ =	shalt  }
0x5a: {  	_ =	shalt  }
0x5b: {  	_ =	shalt  }
0x5c: {  	_ =	shalt  }
0x5d: {  	_ =	shalt  }
0x5e: {  	_ =	shalt  }
0x5f: {  	_ =	shalt  }
0x60: {  	_ =	shalt  }
0x61: {  	_ =	shalt  }
0x62: {  	_ =	shalt  }
0x63: {  	_ =	shalt  }
0x64: {  	_ =	shalt  }
0x65: {  	_ =	shalt  }
0x66: {  	_ =	shalt  }
0x67: {  	_ =	shalt  }
0x68: {  	_ =	shalt  }
0x69: {  	_ =	shalt  }
0x6a: {  	_ =	shalt  }
0x6b: {  	_ =	shalt  }
0x6c: {  	_ =	shalt  }
0x6d: {  	_ =	shalt  }
0x6e: {  	_ =	shalt  }
0x6f: {  	_ =	shalt  }
0x70: {  	_ =	shalt  }
0x71: {  	_ =	shalt  }
0x72: {  	_ =	shalt  }
0x73: {  	_ =	shalt  }
0x74: {  	_ =	shalt  }
0x75: {  	_ =	shalt  }
0x76: {  	_ =	shalt  }
0x77: {  	_ =	shalt  }
0x78: {  	_ =	shalt  }
0x79: {  	_ =	shalt  }
0x7a: {  	_ =	shalt  }
0x7b: {  	_ =	shalt  }
0x7c: {  	_ =	shalt  }
0x7d: {  	_ =	shalt  }
0x7e: {  	_ =	shalt  }
0x7f: {  	_ =	shalt  }
0x80: {  	_ =	shalt  }
0x81: {  	_ =	shalt  }
0x82: {  	_ =	shalt  }
0x83: {  	_ =	shalt  }
0x84: {  	_ =	shalt  }
0x85: {  	_ =	shalt  }
0x86: {  	_ =	shalt  }
0x87: {  	_ =	shalt  }
.Lfunc_end0:
.L_simem_size_0:
called_computation.2_lowered:
.L_overlay_start_0:
0x88: {  	s2 =	sld [smem:$0x3FD9]  }
0x89: {  	s3 =	sld [smem:$0x3FFE];
	_ =	sdelay $0x1  }
0x8a: {  	s1 =	srdreg.scid  }
0x8b: {  	s0 =	sand.u32 $0x1, s1  }
0x8c: {  	s16 =	sshll.u32 s0, $0xA;
	s2 =	sadd.s32 s3, s2  }
0x8d: {  	s2 =	sadd.s32 s2, s16  }
0x8e: {  	[smem:$0x3FBF] =	sst s2  }
0x8f: {  	_ = 	snop  }
0x90: {  	(tm) =	ssettm $0x1  }
0x91: {  	s17 =	sld [smem:$0x3FFB];
	_ =	sdelay $0x3  }
0x92: {  	_ =	strace s17  }
0x93: {  	s2 =	sld [smem:$0x3FFC];
	_ =	sdelay $0x3  }
0x94: {  	_ =	strace s2  }
0x95: {  	s2 =	sld [smem:$0x3FFD];
	_ =	sdelay $0x3  }
0x96: {  	_ =	strace s2  }
0x97: {  	_ =	strace $0x8FFFFFFF  }
0x98: {  	s18 =	sld [smem:$0x3FDB];
	_ =	sdelay $0x1  }
0x99: {  	s19 =	simm.s32 $_scs_section_size  }
0x9a: {  	s4 =	simm.s32 $_size__tile_overlayer_lowered;
	s5 =	simm.s32 $_tile_overlayer_lowered  }
0x9b: {  	s22 =	simm.s32 $0x1BFF;
	s21 =	sshll.u32 s5, $0x1;
	s2 =	sadd.s32 s19, s18  }
0x9c: {  	s6 =	simm.s32 $0x0;
	s20 =	sshll.u32 s4, $0x1;
	s4 =	sadd.s32 s21, s2  }
0x9d: {  	[timem:s6], [sflag:s22] =	dma.local [hbm:s4], s20  }
0x9e: {  	_ =	swait.ge [sflag:s22], s20  }
0x9f: {  	s3 =	ssub.s32 $0x0, s20;
	[sflag:s22] =	ssyncset.done $0x0  }
0xa0: {  	[sflag:s22] =	ssyncadd.s32 s3;
	_ =	sdelay $0x1  }
0xa1: {  	s23 =	simm.s32 $0x1B8B  }
0xa2: {  	_ =	swait.ge [sflag:s23], $0x1  }
0xa3: {  	[sflag:s23] =	ssyncset.done $0x0  }
0xa4: {  	s25 =	simm.s32 $0x1B8E;
	s24 =	sld [smem:$0x3FFE];
	[sflag:s23] =	ssyncadd.s32 $0xFFFFFFFF  }
0xa5: {  	s26 =	simm.s32 $execute0_lowered;
	[smem:$0x3FD2] =	sst s25  }
0xa6: {  	s4 =	sshll.u32 s26, $0x1;
	_ =	strace $0x8000004C;
	[dreg:$0x1] =	wrdreg $0xFFFFFFFF  }
0xa7: {  	s28 =	simm.s32 $_size_execute0_lowered;
	s2 =	sadd.s32 s2, s4;
	[dreg:$0x0] =	wrdreg $0x0  }
0xa8: {  	s4 =	sshll.u32 s28, $0x1;
	[dreg:$0x2] =	wrdreg s2  }
0xa9: {  	[dreg:$0x3] =	wrdreg s4  }
0xaa: {  	[dreg:$0x4] =	wrdreg $0xC0  }
0xab: {  	_ =	task [dreg:s6], $0x5FFFF  }
0xac: {  	[dreg:$0x1] =	wrdreg $0xFFFFFFFF  }
0xad: {  	[dreg:$0x0] =	wrdreg $0x60  }
0xae: {  	[dreg:$0x2] =	wrdreg s24  }
0xaf: {  	[dreg:$0x3] =	wrdreg $0x90000  }
0xb0: {  	[dreg:$0x4] =	wrdreg $0x9  }
0xb1: {  	_ =	task.clear_ibuf [dreg:s6], $0x5FFFF;
	_ =	strace $0x9000004C  }
0xb2: {  	s29 =	simm.s32 $0x9;
	_ =	strace $0x8000004E  }
0xb3: {  	_ =	swait.ge [sflag:s29], $0x1  }
0xb4: {  	[sflag:s29] =	ssyncadd.s32 $0xFFFFFFFF  }
0xb5: {  	_ =	strace $0x9000004E  }
0xb6: {  	_ =	sfence  }
0xb7: {  	s30 =	sld [smem:$0x0];
	_ =	sdelay $0x2  }
0xb8: {  	s31 =	sshll.u32 s1, $0xD;
	s1 =	sshrl.u32 s1, $0x2  }
0xb9: {  	s3 =	sand.u32 $0x4000, s31;
	s1 =	sadd.s32 s1, s30  }
0xba: {  	s0 =	sor.u32 s3, s0;
	s1 =	sshll.u32 s1, $0x11  }
0xbb: {  	s0 =	sor.u32 s1, s0  }
0xbc: {  	s0 =	sadd.s32 $0x8F2B, s0  }
0xbd: {  	[sflag:s0] =	ssyncadd.remote.s32 $0x1  }
0xbe: {  	_ =	sfence.sel $0xFFFF  }
0xbf: {  	[dreg:$0x0] =	wrdreg $0xFFFFFFFF;
	(pc) =	sbr.abs _section_cstart, $3  }
0xc0: {  	[dreg:$0x1] =	wrdreg $0xFFFFFFFF  }
0xc1: {  	_ =	task.clear_ibuf [dreg:s6], $0x2FFFF;
	_ =	strace $0x9FFFFFFF  }
0xc2: {  	(tm) =	ssettm $0x7FFFFFFF  }
0xc3: {  	_ =	shalt  }
tec
execute0_lowered:
.L_overlay_start_1:
0x0: {  	(tag) =	ssettag $0x1  }
0x1: {  	s0 =	srdreg.scid;
	s5 =	rddreg [dreg:$0x0]  }
0x2: {  	s3 =	stileid.u32;
	s2 =	rddreg [dreg:$0x1];
	s13 =	simm.s32 $0x0  }
0x3: {  	s14 =	simm.s32 $0x5000;
	s15 =	simm.s32 $0x11;
	s17 =	simm.s32 $0x80  }
0x4: {  	s28 =	simm.s32 $0x7800;
	s30 =	simm.s32 $0x8000;
	s18 =	simm.s32 $0x1  }
0x5: {  	s29 =	simm.s32 $0x7;
	s31 =	simm.s32 $0x8;
	s16 =	simm.s32 $0xD  }
0x6: {  	s10 =	simm.s32 $0xE;
	s11 =	simm.s32 $0xF;
	s12 =	simm.s32 $0x10  }
0x7: {  	s0 =	sand.u32 $0x1, s0;
	s1 =	sshll.u32 s3, $0x1;
	s6 =	smul.u32 $0x2800, s3  }
0x8: {  	[smem:$0x7FF] =	sst s13;
	s4 =	sadd.s32 $0x2A00, s5;
	s8 =	smul.u32 $0xA000, s3  }
0x9: {  	s1 =	sor.u32 s0, s1;
	s7 =	smul.u32 $0x28000, s0;
	s0 =	ssub.s32 $0x2, s0  }
0xa: {  	_ =	strace $0x8000004D;
	s1 =	smul.u32 $0x500, s1;
	s9 =	sshrl.u32 s0, $0x1  }
0xb: {  	s8 =	sshrl.u32 s8, $0x2;
	s20 =	sadd.s32 s6, s2;
	s7 =	sadd.s32 s6, s7  }
0xc: {  	s0 =	ssub.s32 s0, s9;
	s19 =	sadd.s32 s8, s2;
	[dreg:$0x4] =	wrdreg s20  }
0xd: {  	s20 =	simm.s32 $0x2;
	s6 =	simm.s32 $0x9;
	s8 =	simm.s32 $0xB  }
0xe: {  	s9 =	simm.s32 $0xC;
	s1 =	sadd.s32 s1, s5;
	s21 =	sadd.s32 $0x800, s19  }
0xf: {  	s7 =	sshrl.u32 s7, $0x3;
	s22 =	sadd.s32 $0x1000, s19;
	[dreg:$0x5] =	wrdreg s21  }
0x10: {  	s23 =	sadd.s32 $0x1800, s19;
	s24 =	sadd.s32 $0x2000, s19;
	[dreg:$0x6] =	wrdreg s22  }
0x11: {  	s0 =	smax.u32 s0, $0x1;
	s19 =	simm.s32 $0x5800;
	[dreg:$0x7] =	wrdreg s23  }
0x12: {  	s5 =	sadd.s32 s7, s5;
	[dreg:$0x8] =	wrdreg s24;
	s25 =	sadd.s32 $0x20A00, s1  }
0x13: {  	s1 =	sadd.s32 $0x16A00, s1;
	[dreg:$0xc] =	wrdreg s0;
	s21 =	simm.s32 $0x6000  }
0x14: {  	s23 =	simm.s32 $0x6800;
	s22 =	simm.s32 $0x3;
	s24 =	simm.s32 $0x4  }
0x15: {  	s0 =	simm.s32 $0x6;
	s7 =	simm.s32 $0xA;
	[dreg:$0x9] =	wrdreg s25  }
0x16: {  	[dreg:$0xa] =	wrdreg s1;
	s26 =	sadd.s32 $0x7A00, s5;
	s25 =	simm.s32 $0x7000  }
0x17: {  	v0 =	vimm.f32 $0.0e+00;
	s1 =	simm.s32 $0x8800;
	[dreg:$0xb] =	wrdreg s26;
	s26 =	simm.s32 $0x5  }
.LBB2_1:
0x18: {  	[dreg:$0x3] =	wrdreg s13;
	s5 =	simm.s32 $0x40;
	s13 =	simm.s32 $0x0  }
.LBB2_2:
0x19: {  	p0 =	sne.s32 s5, $0x1FC0;
	[tilespmem:s13+$0x5000] =	vst v0;
	s13 =	smov.u32 s5;
	s5 =	sadd.s32 $0x40, s5  }
.Ltmp0:
0x1a: {  	(pc) =	sbr.rel @p0 .LBB2_2-.Ltmp0, $2  }
0x1b: {  	_ =	sdelay $0x2  }
0x1c: {  	s13 =	sshra.s32 s13, $0x2  }
0x1d: {  	[tilespmem:s13+$0x5000] =	vst v0;
	s3 =	rddreg [dreg:$0x4]  }
0x1e: {  	[spmem:s3] =	stream.linear.scatter [tilespmem:s14], [sflag:$0x11], $0x800, $0x38;
	[tilespmem:$0xB800] =	vst v63  }
0x1f: {  	_ =	swait.ge [sflag:s15], $0x800  }
0x20: {  	[sflag:s15] =	ssyncset.done $0x0  }
0x21: {  	s13 =	rddreg [dreg:$0x5];
	[sflag:s15] =	ssyncadd.s32 $0xFFFFF800  }
0x22: {  	[spmem:s13] =	stream.linear.scatter [tilespmem:s14], [sflag:$0x11], $0x800, $0x38;
	[tilespmem:$0xB800] =	vst v63  }
0x23: {  	_ =	swait.ge [sflag:s15], $0x800  }
0x24: {  	[sflag:s15] =	ssyncset.done $0x0  }
0x25: {  	s5 =	rddreg [dreg:$0x6];
	[sflag:s15] =	ssyncadd.s32 $0xFFFFF800  }
0x26: {  	[spmem:s5] =	stream.linear.scatter [tilespmem:s14], [sflag:$0x11], $0x800, $0x38;
	[tilespmem:$0xB800] =	vst v63  }
0x27: {  	_ =	swait.ge [sflag:s15], $0x800  }
0x28: {  	[sflag:s15] =	ssyncset.done $0x0  }
0x29: {  	s13 =	rddreg [dreg:$0x7];
	[sflag:s15] =	ssyncadd.s32 $0xFFFFF800  }
0x2a: {  	[spmem:s13] =	stream.linear.scatter [tilespmem:s14], [sflag:$0x11], $0x800, $0x38;
	[tilespmem:$0xB800] =	vst v63  }
0x2b: {  	_ =	swait.ge [sflag:s15], $0x800  }
0x2c: {  	[sflag:s15] =	ssyncset.done $0x0  }
0x2d: {  	s5 =	rddreg [dreg:$0x8];
	[sflag:s15] =	ssyncadd.s32 $0xFFFFF800  }
0x2e: {  	[spmem:s5] =	stream.linear.scatter [tilespmem:s14], [sflag:$0x11], $0x800, $0x38;
	[tilespmem:$0xB800] =	vst v63  }
0x2f: {  	_ =	swait.ge [sflag:s15], $0x800  }
0x30: {  	[sflag:s15] =	ssyncset.done $0x0  }
0x31: {  	s5 =	simm.s32 $0x0;
	s13 =	rddreg [dreg:$0x9];
	[sflag:s15] =	ssyncadd.s32 $0xFFFFF800  }
0x32: {  	[tilespmem:s5], [sflag:$0x11] =	stream.linear.gather [hbm4b:s13+s5], $0x2800, $0x38;
	[tilespmem:$0xB800] =	vst v63  }
0x33: {  	_ =	swait.ge [sflag:s15], $0x2800  }
0x34: {  	[sflag:s15] =	ssyncset.done $0x0  }
0x35: {  	s13 =	simm.s32 $0x2800;
	s3 =	rddreg [dreg:$0xa];
	[sflag:s15] =	ssyncadd.s32 $0xFFFFD800  }
0x36: {  	[tilespmem:s13], [sflag:$0x11] =	stream.linear.gather [hbm4b:s3+s5], $0x2800, $0x38;
	[tilespmem:$0xB800] =	vst v63  }
0x37: {  	_ =	swait.ge [sflag:s15], $0x2800  }
0x38: {  	[sflag:s15] =	ssyncset.done $0x0  }
0x39: {  	[sflag:s15] =	ssyncadd.s32 $0xFFFFD800  }
0x3a: {  	[bflag:$0x0] =	sbarrier.arrive $0xFFFF  }
0x3b: {  	[tilespmem:s14], [sflag:$0x1] =	stream.indirect.gather [hbm4b:s4+s17], $0x10, s13, s17, $0xb8;
	[tilespmem:$0xB800] =	vst v63  }
0x3c: {  	s5 =	simm.s32 $0x2880  }
0x3d: {  	[tilespmem:s19], [sflag:$0x2] =	stream.indirect.gather [hbm4b:s4+s17], $0x10, s5, s17, $0xb8;
	[tilespmem:$0xB800] =	vst v63  }
0x3e: {  	s13 =	simm.s32 $0x2900  }
0x3f: {  	[tilespmem:s21], [sflag:$0x3] =	stream.indirect.gather [hbm4b:s4+s17], $0x10, s13, s17, $0xb8;
	[tilespmem:$0xB800] =	vst v63  }
0x40: {  	s5 =	simm.s32 $0x2980  }
0x41: {  	[tilespmem:s23], [sflag:$0x4] =	stream.indirect.gather [hbm4b:s4+s17], $0x10, s5, s17, $0xb8;
	[tilespmem:$0xB800] =	vst v63  }
0x42: {  	s13 =	simm.s32 $0x2A00  }
0x43: {  	[tilespmem:s25], [sflag:$0x5] =	stream.indirect.gather [hbm4b:s4+s17], $0x10, s13, s17, $0xb8;
	[tilespmem:$0xB800] =	vst v63  }
0x44: {  	s5 =	simm.s32 $0x2A80  }
0x45: {  	[tilespmem:s28], [sflag:$0x6] =	stream.indirect.gather [hbm4b:s4+s17], $0x10, s5, s17, $0xb8;
	[tilespmem:$0xB800] =	vst v63  }
0x46: {  	s13 =	simm.s32 $0x2B00  }
0x47: {  	[tilespmem:s30], [sflag:$0x7] =	stream.indirect.gather [hbm4b:s4+s17], $0x10, s13, s17, $0xb8;
	[tilespmem:$0xB800] =	vst v63  }
0x48: {  	s5 =	simm.s32 $0x2B80  }
0x49: {  	[tilespmem:s1], [sflag:$0x8] =	stream.indirect.gather [hbm4b:s4+s17], $0x10, s5, s17, $0xb8;
	[tilespmem:$0xB800] =	vst v63  }
0x4a: {  	_ =	swait.ge [sflag:s18], $0x800  }
0x4b: {  	[sflag:s18] =	ssyncset.done $0x0  }
0x4c: {  	s13 =	simm.s32 $0x0;
	[sflag:s18] =	ssyncadd.s32 $0xFFFFF800  }
0x4d: {  	[spmem:s2] =	stream.indirect.scatter.add.f32 [tilespmem:s14], [sflag:$0x9], $0x10, s13, s17, $0xb8;
	[tilespmem:$0xB800] =	vst v63  }
0x4e: {  	_ =	swait.ge [sflag:s20], $0x800  }
0x4f: {  	[sflag:s20] =	ssyncset.done $0x0  }
0x50: {  	s3 =	simm.s32 $0x80;
	[sflag:s20] =	ssyncadd.s32 $0xFFFFF800  }
0x51: {  	[spmem:s2] =	stream.indirect.scatter.add.f32 [tilespmem:s19], [sflag:$0xA], $0x10, s3, s17, $0xb8;
	[tilespmem:$0xB800] =	vst v63  }
0x52: {  	_ =	swait.ge [sflag:s22], $0x800  }
0x53: {  	[sflag:s22] =	ssyncset.done $0x0  }
0x54: {  	s13 =	simm.s32 $0x100;
	[sflag:s22] =	ssyncadd.s32 $0xFFFFF800  }
0x55: {  	[spmem:s2] =	stream.indirect.scatter.add.f32 [tilespmem:s21], [sflag:$0xB], $0x10, s13, s17, $0xb8;
	[tilespmem:$0xB800] =	vst v63  }
0x56: {  	_ =	swait.ge [sflag:s24], $0x800  }
0x57: {  	[sflag:s24] =	ssyncset.done $0x0  }
0x58: {  	s3 =	simm.s32 $0x180;
	[sflag:s24] =	ssyncadd.s32 $0xFFFFF800  }
0x59: {  	[spmem:s2] =	stream.indirect.scatter.add.f32 [tilespmem:s23], [sflag:$0xC], $0x10, s3, s17, $0xb8;
	[tilespmem:$0xB800] =	vst v63  }
0x5a: {  	_ =	swait.ge [sflag:s26], $0x800  }
0x5b: {  	[sflag:s26] =	ssyncset.done $0x0  }
0x5c: {  	s13 =	simm.s32 $0x200;
	[sflag:s26] =	ssyncadd.s32 $0xFFFFF800  }
0x5d: {  	[spmem:s2] =	stream.indirect.scatter.add.f32 [tilespmem:s25], [sflag:$0xD], $0x10, s13, s17, $0xb8;
	[tilespmem:$0xB800] =	vst v63  }
0x5e: {  	_ =	swait.ge [sflag:s0], $0x800  }
0x5f: {  	[sflag:s0] =	ssyncset.done $0x0  }
0x60: {  	s3 =	simm.s32 $0x280;
	[sflag:s0] =	ssyncadd.s32 $0xFFFFF800  }
0x61: {  	[spmem:s2] =	stream.indirect.scatter.add.f32 [tilespmem:s28], [sflag:$0xE], $0x10, s3, s17, $0xb8;
	[tilespmem:$0xB800] =	vst v63  }
0x62: {  	_ =	swait.ge [sflag:s29], $0x800  }
0x63: {  	[sflag:s29] =	ssyncset.done $0x0  }
0x64: {  	s13 =	simm.s32 $0x300;
	[sflag:s29] =	ssyncadd.s32 $0xFFFFF800  }
0x65: {  	[spmem:s2] =	stream.indirect.scatter.add.f32 [tilespmem:s30], [sflag:$0xF], $0x10, s13, s17, $0xb8;
	[tilespmem:$0xB800] =	vst v63  }
0x66: {  	_ =	swait.ge [sflag:s31], $0x800  }
0x67: {  	[sflag:s31] =	ssyncset.done $0x0  }
0x68: {  	s3 =	simm.s32 $0x380;
	[sflag:s31] =	ssyncadd.s32 $0xFFFFF800  }
0x69: {  	[spmem:s2] =	stream.indirect.scatter.add.f32 [tilespmem:s1], [sflag:$0x10], $0x10, s3, s17, $0xb8;
	[tilespmem:$0xB800] =	vst v63  }
0x6a: {  	_ =	swait.ge [sflag:s6], $0x800  }
0x6b: {  	[sflag:s6] =	ssyncset.done $0x0  }
0x6c: {  	s13 =	simm.s32 $0x2C00;
	[sflag:s6] =	ssyncadd.s32 $0xFFFFF800  }
0x6d: {  	[tilespmem:s14], [sflag:$0x1] =	stream.indirect.gather [hbm4b:s4+s17], $0x10, s13, s17, $0xb8;
	[tilespmem:$0xB800] =	vst v63  }
0x6e: {  	_ =	swait.ge [sflag:s7], $0x800  }
0x6f: {  	[sflag:s7] =	ssyncset.done $0x0  }
0x70: {  	s3 =	simm.s32 $0x2C80;
	[sflag:s7] =	ssyncadd.s32 $0xFFFFF800  }
0x71: {  	[tilespmem:s19], [sflag:$0x2] =	stream.indirect.gather [hbm4b:s4+s17], $0x10, s3, s17, $0xb8;
	[tilespmem:$0xB800] =	vst v63  }
0x72: {  	_ =	swait.ge [sflag:s8], $0x800  }
0x73: {  	[sflag:s8] =	ssyncset.done $0x0  }
0x74: {  	s13 =	simm.s32 $0x2D00;
	[sflag:s8] =	ssyncadd.s32 $0xFFFFF800  }
0x75: {  	[tilespmem:s21], [sflag:$0x3] =	stream.indirect.gather [hbm4b:s4+s17], $0x10, s13, s17, $0xb8;
	[tilespmem:$0xB800] =	vst v63  }
0x76: {  	_ =	swait.ge [sflag:s9], $0x800  }
0x77: {  	[sflag:s9] =	ssyncset.done $0x0  }
0x78: {  	s3 =	simm.s32 $0x2D80;
	[sflag:s9] =	ssyncadd.s32 $0xFFFFF800  }
0x79: {  	[tilespmem:s23], [sflag:$0x4] =	stream.indirect.gather [hbm4b:s4+s17], $0x10, s3, s17, $0xb8;
	[tilespmem:$0xB800] =	vst v63  }
0x7a: {  	_ =	swait.ge [sflag:s16], $0x800  }
0x7b: {  	[sflag:s16] =	ssyncset.done $0x0  }
0x7c: {  	s13 =	simm.s32 $0x2E00;
	[sflag:s16] =	ssyncadd.s32 $0xFFFFF800  }
0x7d: {  	[tilespmem:s25], [sflag:$0x5] =	stream.indirect.gather [hbm4b:s4+s17], $0x10, s13, s17, $0xb8;
	[tilespmem:$0xB800] =	vst v63  }
0x7e: {  	_ =	swait.ge [sflag:s10], $0x800  }
0x7f: {  	[sflag:s10] =	ssyncset.done $0x0  }
0x80: {  	s3 =	simm.s32 $0x2E80;
	[sflag:s10] =	ssyncadd.s32 $0xFFFFF800  }
0x81: {  	[tilespmem:s28], [sflag:$0x6] =	stream.indirect.gather [hbm4b:s4+s17], $0x10, s3, s17, $0xb8;
	[tilespmem:$0xB800] =	vst v63  }
0x82: {  	_ =	swait.ge [sflag:s11], $0x800  }
0x83: {  	[sflag:s11] =	ssyncset.done $0x0  }
0x84: {  	s13 =	simm.s32 $0x2F00;
	[sflag:s11] =	ssyncadd.s32 $0xFFFFF800  }
0x85: {  	[tilespmem:s30], [sflag:$0x7] =	stream.indirect.gather [hbm4b:s4+s17], $0x10, s13, s17, $0xb8;
	[tilespmem:$0xB800] =	vst v63  }
0x86: {  	_ =	swait.ge [sflag:s12], $0x800  }
0x87: {  	[sflag:s12] =	ssyncset.done $0x0  }
0x88: {  	s5 =	simm.s32 $0x2F80;
	s13 =	simm.s32 $0x1000;
	[sflag:s12] =	ssyncadd.s32 $0xFFFFF800  }
.LBB2_4:
0x89: {  	[tilespmem:s1], [sflag:$0x8] =	stream.indirect.gather [hbm4b:s4+s17], $0x10, s5, s17, $0xb8;
	[tilespmem:$0xB800] =	vst v63  }
0x8a: {  	s5 =	smov.u32 s13  }
0x8b: {  	p0 =	sne.s32 s13, $0x8000;
	s13 =	sadd.s32 $0x1000, s13;
	_ =	swait.ge [sflag:s18], $0x800  }
0x8c: {  	[sflag:s18] =	ssyncset.done $0x0  }
0x8d: {  	s5 =	sshra.s32 s5, $0x2;
	[sflag:s18] =	ssyncadd.s32 $0xFFFFF800  }
0x8e: {  	[spmem:s2] =	stream.indirect.scatter.add.f32 [tilespmem:s14], [sflag:$0x9], $0x10, s5, s17, $0xb8;
	[tilespmem:$0xB800] =	vst v63  }
0x8f: {  	_ =	swait.ge [sflag:s20], $0x800  }
0x90: {  	[sflag:s20] =	ssyncset.done $0x0  }
0x91: {  	s3 =	sadd.s32 $0x80, s5;
	[sflag:s20] =	ssyncadd.s32 $0xFFFFF800  }
0x92: {  	[spmem:s2] =	stream.indirect.scatter.add.f32 [tilespmem:s19], [sflag:$0xA], $0x10, s3, s17, $0xb8;
	[tilespmem:$0xB800] =	vst v63  }
0x93: {  	_ =	swait.ge [sflag:s22], $0x800  }
0x94: {  	[sflag:s22] =	ssyncset.done $0x0  }
0x95: {  	s3 =	sadd.s32 $0x100, s5;
	[sflag:s22] =	ssyncadd.s32 $0xFFFFF800  }
0x96: {  	[spmem:s2] =	stream.indirect.scatter.add.f32 [tilespmem:s21], [sflag:$0xB], $0x10, s3, s17, $0xb8;
	[tilespmem:$0xB800] =	vst v63  }
0x97: {  	_ =	swait.ge [sflag:s24], $0x800  }
0x98: {  	[sflag:s24] =	ssyncset.done $0x0  }
0x99: {  	s3 =	sadd.s32 $0x180, s5;
	[sflag:s24] =	ssyncadd.s32 $0xFFFFF800  }
0x9a: {  	[spmem:s2] =	stream.indirect.scatter.add.f32 [tilespmem:s23], [sflag:$0xC], $0x10, s3, s17, $0xb8;
	[tilespmem:$0xB800] =	vst v63  }
0x9b: {  	_ =	swait.ge [sflag:s26], $0x800  }
0x9c: {  	[sflag:s26] =	ssyncset.done $0x0  }
0x9d: {  	s3 =	sadd.s32 $0x200, s5;
	[sflag:s26] =	ssyncadd.s32 $0xFFFFF800  }
0x9e: {  	[spmem:s2] =	stream.indirect.scatter.add.f32 [tilespmem:s25], [sflag:$0xD], $0x10, s3, s17, $0xb8;
	[tilespmem:$0xB800] =	vst v63  }
0x9f: {  	_ =	swait.ge [sflag:s0], $0x800  }
0xa0: {  	[sflag:s0] =	ssyncset.done $0x0  }
0xa1: {  	s3 =	sadd.s32 $0x280, s5;
	[sflag:s0] =	ssyncadd.s32 $0xFFFFF800  }
0xa2: {  	[spmem:s2] =	stream.indirect.scatter.add.f32 [tilespmem:s28], [sflag:$0xE], $0x10, s3, s17, $0xb8;
	[tilespmem:$0xB800] =	vst v63  }
0xa3: {  	_ =	swait.ge [sflag:s29], $0x800  }
0xa4: {  	[sflag:s29] =	ssyncset.done $0x0  }
0xa5: {  	s3 =	sadd.s32 $0x300, s5;
	[sflag:s29] =	ssyncadd.s32 $0xFFFFF800  }
0xa6: {  	[spmem:s2] =	stream.indirect.scatter.add.f32 [tilespmem:s30], [sflag:$0xF], $0x10, s3, s17, $0xb8;
	[tilespmem:$0xB800] =	vst v63  }
0xa7: {  	_ =	swait.ge [sflag:s31], $0x800  }
0xa8: {  	[sflag:s31] =	ssyncset.done $0x0  }
0xa9: {  	s3 =	sadd.s32 $0x380, s5;
	[sflag:s31] =	ssyncadd.s32 $0xFFFFF800  }
0xaa: {  	[spmem:s2] =	stream.indirect.scatter.add.f32 [tilespmem:s1], [sflag:$0x10], $0x10, s3, s17, $0xb8;
	[tilespmem:$0xB800] =	vst v63  }
0xab: {  	_ =	swait.ge [sflag:s6], $0x800  }
0xac: {  	[sflag:s6] =	ssyncset.done $0x0  }
0xad: {  	s3 =	sadd.s32 $0x2C00, s5;
	[sflag:s6] =	ssyncadd.s32 $0xFFFFF800  }
0xae: {  	[tilespmem:s14], [sflag:$0x1] =	stream.indirect.gather [hbm4b:s4+s17], $0x10, s3, s17, $0xb8;
	[tilespmem:$0xB800] =	vst v63  }
0xaf: {  	_ =	swait.ge [sflag:s7], $0x800  }
0xb0: {  	[sflag:s7] =	ssyncset.done $0x0  }
0xb1: {  	s3 =	sadd.s32 $0x2C80, s5;
	[sflag:s7] =	ssyncadd.s32 $0xFFFFF800  }
0xb2: {  	[tilespmem:s19], [sflag:$0x2] =	stream.indirect.gather [hbm4b:s4+s17], $0x10, s3, s17, $0xb8;
	[tilespmem:$0xB800] =	vst v63  }
0xb3: {  	_ =	swait.ge [sflag:s8], $0x800  }
0xb4: {  	[sflag:s8] =	ssyncset.done $0x0  }
0xb5: {  	s3 =	sadd.s32 $0x2D00, s5;
	[sflag:s8] =	ssyncadd.s32 $0xFFFFF800  }
0xb6: {  	[tilespmem:s21], [sflag:$0x3] =	stream.indirect.gather [hbm4b:s4+s17], $0x10, s3, s17, $0xb8;
	[tilespmem:$0xB800] =	vst v63  }
0xb7: {  	_ =	swait.ge [sflag:s9], $0x800  }
0xb8: {  	[sflag:s9] =	ssyncset.done $0x0  }
0xb9: {  	s3 =	sadd.s32 $0x2D80, s5;
	[sflag:s9] =	ssyncadd.s32 $0xFFFFF800  }
0xba: {  	[tilespmem:s23], [sflag:$0x4] =	stream.indirect.gather [hbm4b:s4+s17], $0x10, s3, s17, $0xb8;
	[tilespmem:$0xB800] =	vst v63  }
0xbb: {  	_ =	swait.ge [sflag:s16], $0x800  }
0xbc: {  	[sflag:s16] =	ssyncset.done $0x0  }
0xbd: {  	s3 =	sadd.s32 $0x2E00, s5;
	[sflag:s16] =	ssyncadd.s32 $0xFFFFF800  }
0xbe: {  	[tilespmem:s25], [sflag:$0x5] =	stream.indirect.gather [hbm4b:s4+s17], $0x10, s3, s17, $0xb8;
	[tilespmem:$0xB800] =	vst v63  }
0xbf: {  	_ =	swait.ge [sflag:s10], $0x800  }
0xc0: {  	[sflag:s10] =	ssyncset.done $0x0  }
0xc1: {  	s3 =	sadd.s32 $0x2E80, s5;
	[sflag:s10] =	ssyncadd.s32 $0xFFFFF800  }
0xc2: {  	[tilespmem:s28], [sflag:$0x6] =	stream.indirect.gather [hbm4b:s4+s17], $0x10, s3, s17, $0xb8;
	[tilespmem:$0xB800] =	vst v63  }
0xc3: {  	_ =	swait.ge [sflag:s11], $0x800  }
0xc4: {  	[sflag:s11] =	ssyncset.done $0x0  }
.Ltmp1:
0xc5: {  	s3 =	sadd.s32 $0x2F00, s5;
	[sflag:s11] =	ssyncadd.s32 $0xFFFFF800;
	(pc) =	sbr.rel @p0 .LBB2_4-.Ltmp1, $4  }
0xc6: {  	[tilespmem:s30], [sflag:$0x7] =	stream.indirect.gather [hbm4b:s4+s17], $0x10, s3, s17, $0xb8;
	[tilespmem:$0xB800] =	vst v63  }
0xc7: {  	_ =	swait.ge [sflag:s12], $0x800  }
0xc8: {  	[sflag:s12] =	ssyncset.done $0x0  }
0xc9: {  	s5 =	sadd.s32 $0x2F80, s5;
	[sflag:s12] =	ssyncadd.s32 $0xFFFFF800  }
0xca: {  	[tilespmem:s1], [sflag:$0x8] =	stream.indirect.gather [hbm4b:s4+s17], $0x10, s5, s17, $0xb8;
	[tilespmem:$0xB800] =	vst v63  }
0xcb: {  	_ =	swait.ge [sflag:s18], $0x800  }
0xcc: {  	[sflag:s18] =	ssyncset.done $0x0  }
0xcd: {  	s3 =	simm.s32 $0x2400;
	[sflag:s18] =	ssyncadd.s32 $0xFFFFF800  }
0xce: {  	[spmem:s2] =	stream.indirect.scatter.add.f32 [tilespmem:s14], [sflag:$0x9], $0x10, s3, s17, $0xb8;
	[tilespmem:$0xB800] =	vst v63  }
0xcf: {  	_ =	swait.ge [sflag:s6], $0x800  }
0xd0: {  	[sflag:s6] =	ssyncset.done $0x0  }
0xd1: {  	[sflag:s6] =	ssyncadd.s32 $0xFFFFF800  }
0xd2: {  	_ =	swait.ge [sflag:s20], $0x800  }
0xd3: {  	[sflag:s20] =	ssyncset.done $0x0  }
0xd4: {  	s13 =	simm.s32 $0x2480;
	[sflag:s20] =	ssyncadd.s32 $0xFFFFF800  }
0xd5: {  	[spmem:s2] =	stream.indirect.scatter.add.f32 [tilespmem:s19], [sflag:$0xA], $0x10, s13, s17, $0xb8;
	[tilespmem:$0xB800] =	vst v63  }
0xd6: {  	_ =	swait.ge [sflag:s7], $0x800  }
0xd7: {  	[sflag:s7] =	ssyncset.done $0x0  }
0xd8: {  	[sflag:s7] =	ssyncadd.s32 $0xFFFFF800  }
0xd9: {  	_ =	swait.ge [sflag:s22], $0x800  }
0xda: {  	[sflag:s22] =	ssyncset.done $0x0  }
0xdb: {  	s5 =	simm.s32 $0x2500;
	[sflag:s22] =	ssyncadd.s32 $0xFFFFF800  }
0xdc: {  	[spmem:s2] =	stream.indirect.scatter.add.f32 [tilespmem:s21], [sflag:$0xB], $0x10, s5, s17, $0xb8;
	[tilespmem:$0xB800] =	vst v63  }
0xdd: {  	_ =	swait.ge [sflag:s8], $0x800  }
0xde: {  	[sflag:s8] =	ssyncset.done $0x0  }
0xdf: {  	[sflag:s8] =	ssyncadd.s32 $0xFFFFF800  }
0xe0: {  	_ =	swait.ge [sflag:s24], $0x800  }
0xe1: {  	[sflag:s24] =	ssyncset.done $0x0  }
0xe2: {  	s13 =	simm.s32 $0x2580;
	[sflag:s24] =	ssyncadd.s32 $0xFFFFF800  }
0xe3: {  	[spmem:s2] =	stream.indirect.scatter.add.f32 [tilespmem:s23], [sflag:$0xC], $0x10, s13, s17, $0xb8;
	[tilespmem:$0xB800] =	vst v63  }
0xe4: {  	_ =	swait.ge [sflag:s9], $0x800  }
0xe5: {  	[sflag:s9] =	ssyncset.done $0x0  }
0xe6: {  	[sflag:s9] =	ssyncadd.s32 $0xFFFFF800  }
0xe7: {  	_ =	swait.ge [sflag:s26], $0x800  }
0xe8: {  	[sflag:s26] =	ssyncset.done $0x0  }
0xe9: {  	s5 =	simm.s32 $0x2600;
	[sflag:s26] =	ssyncadd.s32 $0xFFFFF800  }
0xea: {  	[spmem:s2] =	stream.indirect.scatter.add.f32 [tilespmem:s25], [sflag:$0xD], $0x10, s5, s17, $0xb8;
	[tilespmem:$0xB800] =	vst v63  }
0xeb: {  	_ =	swait.ge [sflag:s16], $0x800  }
0xec: {  	[sflag:s16] =	ssyncset.done $0x0  }
0xed: {  	[sflag:s16] =	ssyncadd.s32 $0xFFFFF800  }
0xee: {  	_ =	swait.ge [sflag:s0], $0x800  }
0xef: {  	[sflag:s0] =	ssyncset.done $0x0  }
0xf0: {  	s13 =	simm.s32 $0x2680;
	[sflag:s0] =	ssyncadd.s32 $0xFFFFF800  }
0xf1: {  	[spmem:s2] =	stream.indirect.scatter.add.f32 [tilespmem:s28], [sflag:$0xE], $0x10, s13, s17, $0xb8;
	[tilespmem:$0xB800] =	vst v63  }
0xf2: {  	_ =	swait.ge [sflag:s10], $0x800  }
0xf3: {  	[sflag:s10] =	ssyncset.done $0x0  }
0xf4: {  	[sflag:s10] =	ssyncadd.s32 $0xFFFFF800  }
0xf5: {  	_ =	swait.ge [sflag:s29], $0x800  }
0xf6: {  	[sflag:s29] =	ssyncset.done $0x0  }
0xf7: {  	s5 =	simm.s32 $0x2700;
	[sflag:s29] =	ssyncadd.s32 $0xFFFFF800  }
0xf8: {  	[spmem:s2] =	stream.indirect.scatter.add.f32 [tilespmem:s30], [sflag:$0xF], $0x10, s5, s17, $0xb8;
	[tilespmem:$0xB800] =	vst v63  }
0xf9: {  	_ =	swait.ge [sflag:s11], $0x800  }
0xfa: {  	[sflag:s11] =	ssyncset.done $0x0  }
0xfb: {  	[sflag:s11] =	ssyncadd.s32 $0xFFFFF800  }
0xfc: {  	_ =	swait.ge [sflag:s31], $0x800  }
0xfd: {  	[sflag:s31] =	ssyncset.done $0x0  }
0xfe: {  	s13 =	simm.s32 $0x2780;
	[sflag:s31] =	ssyncadd.s32 $0xFFFFF800  }
0xff: {  	[spmem:s2] =	stream.indirect.scatter.add.f32 [tilespmem:s1], [sflag:$0x10], $0x10, s13, s17, $0xb8;
	[tilespmem:$0xB800] =	vst v63  }
0x100: {  	_ =	swait.ge [sflag:s12], $0x800  }
0x101: {  	[sflag:s12] =	ssyncset.done $0x0  }
0x102: {  	[sflag:s12] =	ssyncadd.s32 $0xFFFFF800  }
0x103: {  	s5 =	stileid.u32;
	[bflag:$0x0] =	sbarrier.arrive $0xFFFF  }
0x104: {  	s3 =	sshll.u32 s5, $0x6;
	s13 =	rddreg [dreg:$0x4]  }
0x105: {  	s3 =	sor.u32 $0x1C11, s3;
	s5 =	sshrl.u32 s13, $0x3;
	s13 =	rddreg [dreg:$0xb]  }
0x106: {  	[hbm:s13], [sflag:s3] =	dma.local [spmem:s5], $0x500  }
0x107: {  	_ =	swait.ge [sflag:s15], $0x500  }
0x108: {  	s3 =	rddreg [dreg:$0x3]  }
0x109: {  	s5 =	rddreg [dreg:$0xc];
	s13 =	sadd.s32 $0x1, s3  }
0x10a: {  	p0 =	sne.s32 s13, s5  }
.Ltmp2:
0x10b: {  	_ = 	snop;
	(pc) =	sbr.rel @p0 .LBB2_1-.Ltmp2, $3  }
0x10c: {  	_ =	sdelay $0x1  }
0x10d: {  	[sflag:s15] =	ssyncset.done $0x0  }
0x10e: {  	[sflag:s15] =	ssyncadd.s32 $0xFFFFFB00  }
0x10f: {  	_ =	sfence.sel $0x180000  }
0x110: {  	[bflag:$0x0] =	sbarrier.arrive $0xFFFF  }
0x111: {  	_ =	strace $0x9000004D  }
0x112: {  	s0 =	stileid.u32;
	[bflag:$0x2] =	sbarrier.arrive $0xFFFF  }
0x113: {  	p0 =	sne.s32 s0, $0x0;
	s0 =	rddreg [dreg:$0x2]  }
0x114: {  	s0 =	sadd.s32 @!p0 $0x100000, s0  }
0x115: {  	[sflag:s0] =	ssyncadd.tile.s32 @!p0 $0x1;
	_ =	shalt  }
.Lfunc_end2:
_tile_overlayer_lowered:
.L_overlay_start_2:
0x116: {  	(tag) =	ssettag $0x2  }
0x117: {  	s0 =	rddreg [dreg:$0x0];
	s2 =	stileid.u32  }
0x118: {  	s1 =	rddreg [dreg:$0x1];
	p0 =	sne.s32 s2, $0x0  }
0x119: {  	s3 =	rddreg [dreg:$0x2];
	[bflag:$0x3] =	sbarrier.arrive $0xFFFF;
	s2 =	simm.s32 @!p0 $0x1C11  }
0x11a: {  	[timem:s3], [sflag:s2] =	dma.local @!p0 [hbm:s0], s1  }
0x11b: {  	s0 =	simm.s32 @!p0 $0x11  }
0x11c: {  	_ =	swait.ge @!p0 [sflag:s0], s1  }
0x11d: {  	s1 =	ssub.s32 @!p0 $0x0, s1;
	[sflag:s0] =	ssyncset.done @!p0 $0x0  }
0x11e: {  	[sflag:s0] =	ssyncadd.s32 @!p0 s1  }
0x11f: {  	[bflag:$0x3] =	sbarrier.arrive $0xFFFF  }
0x120: {  	_ =	shalt  }

</sc_bundles>
